<compile_context>
chip_gen: v7x
topology: tpu7x:2x2x1
jax: 0.10.2.dev20260603
libtpu: 0.0.44.dev20260713+nightly
codegen_flags: <defaults>
</compile_context>

<pallas_src>
import functools

import jax
import jax.numpy as jnp
from jax import lax
from jax.experimental import pallas as pl
from jax.experimental.pallas import tpu as pltpu
from jax.experimental.pallas import tpu_sc as plsc

NE = 100000
NR = 500
SD = 96
TD = 32
RD = SD + TD
B = 4096

NC = 2
NS = 16
NW = NC * NS

NROW = 2 * SD + 18 * TD
NGRP = NROW // 8
LCH = 2048
NCH = NE // LCH
NTAIL = 99968
TBASE = NTAIL - LCH
NVEC = B // 16

_OUT_TYPE = [jax.ShapeDtypeStruct((NROW, B), jnp.float32)] * 2


@functools.cache
def _build_sc_extract():
  mesh = plsc.VectorSubcoreMesh(core_axis_name="c", subcore_axis_name="s")
  return functools.partial(
      pl.kernel,
      out_type=_OUT_TYPE,
      mesh=mesh,
      compiler_params=pltpu.CompilerParams(use_tc_tiling_on_sc=True,
                                           needs_layout_passes=False),
      scratch_types=[
        pltpu.VMEM((B,), jnp.int32),
        pltpu.VMEM((B,), jnp.int32),
        pltpu.VMEM((B + 16,), jnp.int32),
        pltpu.VMEM((B + 16,), jnp.int32),
        pltpu.VMEM((B + 16,), jnp.int32),
        pltpu.VMEM((B + 16,), jnp.int32),
        pltpu.VMEM((8, LCH), jnp.float32),
        pltpu.VMEM((8, LCH), jnp.float32),
        pltpu.VMEM((8, B), jnp.float32),
        pltpu.VMEM((8, B), jnp.float32),
        pltpu.SMEM((2 * (NCH + 2),), jnp.int32),
        pltpu.SMEM((32,), jnp.int32),
        pltpu.SemaphoreType.DMA,
        pltpu.SemaphoreType.DMA,
        pltpu.SemaphoreType.DMA,
        pltpu.SemaphoreType.DMA,
      ],
  )(_sc_extract_body)


def _sc_extract_body(s_hbm, o_hbm, *rest):
    tabs = rest[:20]
    out_s, out_o = rest[20:22]
    (i_s, i_o, cb_s, cb_o, bkt_s, bkt_o, sl0, sl1, ob_s, ob_o, starts,
     cstarts, g0, g1, w0, w1) = rest[22:]

    wid = lax.axis_index("s") * NC + lax.axis_index("c")

    pltpu.sync_copy(s_hbm, i_s)
    pltpu.sync_copy(o_hbm, i_o)

    lane16 = lax.broadcasted_iota(jnp.int32, (16,), 0)

    def bucketize(idx_ref, cb_ref, bkt_ref, col):
        cstarts[col] = 0

        def per_cc(cc, off):
            def per_vec(j, off):
                pos = j * 16 + lane16
                ev = plsc.load_gather(idx_ref, [pos])
                m = ((ev >> 13) == cc) & (ev < NTAIL)
                q = (ev << 12) | pos
                dst = off + plsc.cumsum(m.astype(jnp.int32)) - 1
                plsc.store_scatter(cb_ref, [dst], q, mask=m)
                return off + jnp.sum(m.astype(jnp.int32))
            off = lax.fori_loop(0, NVEC, per_vec, off)
            cstarts[2 * (cc + 1) + col] = off
            return off
        lax.fori_loop(0, 13, per_cc, 0)

        starts[col] = 0

        def per_chunk(c, off):
            cp = c >> 2
            cst = cstarts[2 * cp + col]
            cen = cstarts[2 * (cp + 1) + col]
            nv = lax.div(cen - cst + 15, 16)

            def per_vec(j, off):
                o2 = cst + j * 16
                qv = plsc.load_gather(cb_ref, [o2 + lane16])
                m = (((qv >> 23) == c) & ((o2 + lane16) < cen))
                dst = off + plsc.cumsum(m.astype(jnp.int32)) - 1
                plsc.store_scatter(bkt_ref, [dst], qv, mask=m)
                return off + jnp.sum(m.astype(jnp.int32))
            off = lax.fori_loop(0, nv, per_vec, off)
            starts[2 * (c + 1) + col] = off
            return off
        lax.fori_loop(0, NCH + 1, per_chunk, 0)

    bucketize(i_s, cb_s, bkt_s, 0)
    bucketize(i_o, cb_o, bkt_o, 1)

    slabs = (sl0, sl1)
    gsems = (g0, g1)

    def lane_base(c):
        return pl.multiple_of(jnp.where(c == NCH, TBASE, c * LCH), 128)

    def issue(tsel, b8, c, p):
        lb = lane_base(c)
        for ti in range(20):
            @pl.when(tsel == ti)
            def _():
                pltpu.async_copy(
                    tabs[ti].at[pl.ds(b8, 8), pl.ds(lb, LCH)],
                    slabs[p], gsems[p])

    def drain(p):
        pltpu.make_async_copy(
            tabs[0].at[pl.ds(0, 8), pl.ds(0, LCH)], slabs[p],
            gsems[p]).wait()

    def run_slot(q, _):
        gid = 3 * wid + q
        is_es = gid < 12
        is_eo = (gid >= 12) & (gid < 24)
        kk = (gid - 24) >> 2
        tsel = jnp.where(is_es, 0, jnp.where(is_eo, 1, 2 + kk))
        b8 = jnp.where(is_es, gid * 8,
                       jnp.where(is_eo, (gid - 12) * 8,
                                 ((gid - 24) & 3) * 8))
        b8 = pl.multiple_of(b8, 8)

        def extract(c, p, bkt_ref, col, ob):
            st = starts[2 * c + col]
            en = starts[2 * (c + 1) + col]
            nvec = lax.div(en - st + 15, 16)
            lb = lane_base(c)

            def per_vec(j, _):
                off = st + j * 16
                qv = plsc.load_gather(bkt_ref, [off + lane16])
                m = (off + lane16) < en
                val = qv >> 12
                pos = qv & (B - 1)
                local = jnp.clip(val - lb, 0, LCH - 1)
                for f in range(8):
                    fv = jnp.full((16,), f, jnp.int32)
                    v = plsc.load_gather(slabs[p], [fv, local])
                    plsc.store_scatter(ob, [fv, pos], v, mask=m)
                return 0
            lax.fori_loop(0, nvec, per_vec, 0)

        def process(c, p):
            drain(p)
            extract(c, p, bkt_s, 0, ob_s)
            extract(c, p, bkt_o, 1, ob_o)

        issue(tsel, b8, 0, 0)

        def body(i, _):
            c = i * 2

            @pl.when(c + 1 <= NCH)
            def _():
                issue(tsel, b8, c + 1, 1)
            process(c, 0)

            @pl.when(c + 2 <= NCH)
            def _():
                issue(tsel, b8, c + 2, 0)

            @pl.when(c + 1 <= NCH)
            def _():
                process(c + 1, 1)
            return 0
        lax.fori_loop(0, NCH // 2, body, 0)
        process(NCH, 0)

        r8 = pl.multiple_of(gid * 8, 8)
        ws = pltpu.async_copy(ob_s, out_s.at[pl.ds(r8, 8)], w0)
        wo = pltpu.async_copy(ob_o, out_o.at[pl.ds(r8, 8)], w1)
        ws.wait()
        wo.wait()
        return 0

    lax.fori_loop(0, 3, run_slot, 0)



_TB = 512


def _tc_body(*refs):
    (y_ref, m_ref, d_ref, r_ref, s_ref, o_ref,
     rf_ref, ri_ref, gs_ref, go_ref) = refs[:10]
    tails = refs[10:30]
    out_ref = refs[30]

    yv = y_ref[...]
    mv = m_ref[...]
    dv = d_ref[...]

    rv = r_ref[...]
    oh = (lax.broadcasted_iota(jnp.int32, (NR, _TB), 0)
          == rv).astype(jnp.float32)
    dn = (((0,), (0,)), ((), ()))
    rf = lax.dot_general(rf_ref[...], oh, dn,
                         preferred_element_type=jnp.float32)
    ri = lax.dot_general(ri_ref[...], oh, dn,
                         preferred_element_type=jnp.float32)

    lane_ok = lax.broadcasted_iota(jnp.int32, (1, 128), 1) < (NE - NTAIL)
    tail_stack = jnp.concatenate(
        [jnp.where(lane_ok, t[...], 0.0) for t in tails], axis=0)
    dn2 = (((1,), (0,)), ((), ()))

    def patched(g_ref, ev):
        msk = ev >= NTAIL
        ohe = ((lax.broadcasted_iota(jnp.int32, (128, _TB), 0)
                == (ev - NTAIL)) & msk).astype(jnp.float32)
        pat = lax.dot_general(tail_stack, ohe, dn2,
                              preferred_element_type=jnp.float32)
        return jnp.where(msk, pat, g_ref[...])

    gs = patched(gs_ref, s_ref[...])
    go = patched(go_ref, o_ref[...])

    def psin(x):
        x2 = x * x
        return x * (1.0 + x2 * (-1.0 / 6.0 + x2 * (1.0 / 120.0
                                                   + x2 * (-1.0 / 5040.0))))

    def temb(g, k0):
        def t(k):
            return g[2 * SD + TD * k: 2 * SD + TD * (k + 1), :]
        yf, yp, ya, mf, mp, ma, df, dp, da = [t(k0 + j) for j in range(9)]
        return (ya * psin(yf * yv + yp)
                + ma * psin(mf * mv + mp)
                + da * psin(df * dv + dp))

    t_ss = temb(gs, 0)
    t_so = temb(gs, 9)
    t_os = temb(go, 0)
    t_oo = temb(go, 9)

    e1 = gs[0:SD, :]
    e3 = go[0:SD, :]
    e4 = gs[SD:2 * SD, :]
    e2 = go[SD:2 * SD, :]

    ent = e1 * rf[:SD, :] * e2 + e3 * ri[:SD, :] * e4
    tmp = t_ss * rf[SD:, :] * t_oo + t_os * ri[SD:, :] * t_so
    out_ref[...] = 0.5 * (jnp.sum(ent, axis=0) + jnp.sum(tmp, axis=0))


def _tc_compute(y, m, d, r, s, o, rel_f, rel_i, gs, go, tabs):
    grid = (B // _TB,)
    im = lambda i: (0, i)
    tail_blk = NE // 128
    imtail = lambda i: (0, tail_blk)
    in_specs = ([pl.BlockSpec((1, _TB), im)] * 6
                + [pl.BlockSpec((NR, RD), lambda i: (0, 0))] * 2
                + [pl.BlockSpec((NROW, _TB), im)] * 2
                + [pl.BlockSpec((SD, 128), imtail)] * 2
                + [pl.BlockSpec((TD, 128), imtail)] * 18)
    return pl.pallas_call(
        _tc_body,
        grid=grid,
        in_specs=in_specs,
        out_specs=pl.BlockSpec((_TB,), lambda i: (i,)),
        out_shape=jax.ShapeDtypeStruct((B,), jnp.float32),
    )(y.reshape(1, B), m.reshape(1, B), d.reshape(1, B),
      r.reshape(1, B), s.reshape(1, B), o.reshape(1, B),
      rel_f, rel_i, gs, go, *tabs)


def kernel(s, r, o, y, m, d, s_t, s_e, o_t, o_e, e_emb_s, e_emb_o,
           r_emb_f, r_emb_i,
           y_frq_s, y_phi_s, y_amp_s, m_frq_s, m_phi_s, m_amp_s,
           d_frq_s, d_phi_s, d_amp_s,
           y_frq_o, y_phi_o, y_amp_o, m_frq_o, m_phi_o, m_amp_o,
           d_frq_o, d_phi_o, d_amp_o):
    temps = (y_frq_s, y_phi_s, y_amp_s, m_frq_s, m_phi_s, m_amp_s,
             d_frq_s, d_phi_s, d_amp_s,
             y_frq_o, y_phi_o, y_amp_o, m_frq_o, m_phi_o, m_amp_o,
             d_frq_o, d_phi_o, d_amp_o)
    s32 = s.astype(jnp.int32)
    o32 = o.astype(jnp.int32)
    r32 = r.astype(jnp.int32)
    tabs = (e_emb_s.T, e_emb_o.T) + tuple(tt.T for tt in temps)
    gs, go = _build_sc_extract()(s32, o32, *tabs)
    return _tc_compute(y, m, d, r32, s32, o32, r_emb_f, r_emb_i, gs, go,
                       tabs)

# --- scband reference (transcript-rebuilt; emitter-appended) ---
"""Pipeline reference for scband-desimpl-e-70411693851128 (READ-ONLY COPY).

The authoritative reference and input builder live on the scoring server;
editing this copy changes nothing except your own understanding.
"""

import jax, jax.numpy as jnp
import numpy as np

NE = 100000
NR = 500
SD = 96
TD = 32
B = 4096

TEMP = ["y_frq_s", "y_phi_s", "y_amp_s", "m_frq_s", "m_phi_s", "m_amp_s", "d_frq_s", "d_phi_s", "d_amp_s", "y_frq_o", "y_phi_o", "y_amp_o", "m_frq_o", "m_phi_o", "m_amp_o", "d_frq_o", "d_phi_o", "d_amp_o"]


def setup_inputs(seed: int = 0):
    key = jax.random.key(seed)
    inp = {}
    inp["s"] = jax.random.randint(jax.random.fold_in(key, 1), (B,), 0, NE)
    inp["r"] = jax.random.randint(jax.random.fold_in(key, 2), (B,), 0, NR)
    inp["o"] = jax.random.randint(jax.random.fold_in(key, 3), (B,), 0, NE)
    inp["y"] = jax.random.uniform(jax.random.fold_in(key, 4), (B,), dtype=jnp.float32)
    inp["m"] = jax.random.uniform(jax.random.fold_in(key, 5), (B,), dtype=jnp.float32)
    inp["d"] = jax.random.uniform(jax.random.fold_in(key, 6), (B,), dtype=jnp.float32)
    inp["s_t"] = jax.random.randint(jax.random.fold_in(key, 7), (B, 1), 0, NR)
    inp["s_e"] = jax.random.randint(jax.random.fold_in(key, 8), (B, 1), 0, NR)
    inp["o_t"] = jax.random.randint(jax.random.fold_in(key, 9), (B, 1), 0, NR)
    inp["o_e"] = jax.random.randint(jax.random.fold_in(key, 10), (B, 1), 0, NR)
    inp["e_emb_s"] = 0.05 * jax.random.normal(jax.random.fold_in(key, 20), (NE, SD), dtype=jnp.float32)
    inp["e_emb_o"] = 0.05 * jax.random.normal(jax.random.fold_in(key, 21), (NE, SD), dtype=jnp.float32)
    inp["r_emb_f"] = 0.05 * jax.random.normal(jax.random.fold_in(key, 22), (NR, SD + TD), dtype=jnp.float32)
    inp["r_emb_i"] = 0.05 * jax.random.normal(jax.random.fold_in(key, 23), (NR, SD + TD), dtype=jnp.float32)
    for i, name in enumerate(TEMP):
        inp[name] = 0.05 * jax.random.normal(jax.random.fold_in(key, 100 + i), (NE, TD), dtype=jnp.float32)
    return inp


def _temb(e, yv, mv, dv, p, sfx):
    return (p["y_amp_" + sfx][e] * jnp.sin(p["y_frq_" + sfx][e] * yv + p["y_phi_" + sfx][e])
            + p["m_amp_" + sfx][e] * jnp.sin(p["m_frq_" + sfx][e] * mv + p["m_phi_" + sfx][e])
            + p["d_amp_" + sfx][e] * jnp.sin(p["d_frq_" + sfx][e] * dv + p["d_phi_" + sfx][e]))


def reference(s, r, o, y, m, d, s_t, s_e, o_t, o_e, e_emb_s, e_emb_o, r_emb_f, r_emb_i,
              y_frq_s, y_phi_s, y_amp_s, m_frq_s, m_phi_s, m_amp_s, d_frq_s, d_phi_s, d_amp_s,
              y_frq_o, y_phi_o, y_amp_o, m_frq_o, m_phi_o, m_amp_o, d_frq_o, d_phi_o, d_amp_o):
    kw = dict(locals())
    s, r, o = kw["s"], kw["r"], kw["o"]
    yv = kw["y"][:, None]
    mv = kw["m"][:, None]
    dv = kw["d"][:, None]
    s_emb_s = jnp.concatenate([kw["e_emb_s"][s], _temb(s, yv, mv, dv, kw, "s")], axis=1)
    o_emb_o = jnp.concatenate([kw["e_emb_o"][o], _temb(o, yv, mv, dv, kw, "o")], axis=1)
    o_emb_s = jnp.concatenate([kw["e_emb_s"][o], _temb(o, yv, mv, dv, kw, "s")], axis=1)
    s_emb_o = jnp.concatenate([kw["e_emb_o"][s], _temb(s, yv, mv, dv, kw, "o")], axis=1)
    rf = kw["r_emb_f"][r]
    ri = kw["r_emb_i"][r]
    a = ((s_emb_s * rf * o_emb_o + o_emb_s * ri * s_emb_o) / 2.0).sum(axis=1)
    return a

if __name__ == "__main__":
    import jax
    _d = setup_inputs()
    print(jax.jit(kernel)(*tuple(_d.values())))

</pallas_src>

<mosaic_0001>
#map = affine_map<(d0, d1) -> (0)>
#map1 = affine_map<(d0, d1) -> (0, 0)>
module attributes {stable_mosaic.version = 14 : i64} {
  func.func @_sc_extract_body(%arg0: i32, %arg1: i32, %arg2: memref<4096xi32, #tpu.memory_space<hbm>>, %arg3: memref<4096xi32, #tpu.memory_space<hbm>>, %arg4: memref<96x100000xf32, #tpu.memory_space<hbm>>, %arg5: memref<96x100000xf32, #tpu.memory_space<hbm>>, %arg6: memref<32x100000xf32, #tpu.memory_space<hbm>>, %arg7: memref<32x100000xf32, #tpu.memory_space<hbm>>, %arg8: memref<32x100000xf32, #tpu.memory_space<hbm>>, %arg9: memref<32x100000xf32, #tpu.memory_space<hbm>>, %arg10: memref<32x100000xf32, #tpu.memory_space<hbm>>, %arg11: memref<32x100000xf32, #tpu.memory_space<hbm>>, %arg12: memref<32x100000xf32, #tpu.memory_space<hbm>>, %arg13: memref<32x100000xf32, #tpu.memory_space<hbm>>, %arg14: memref<32x100000xf32, #tpu.memory_space<hbm>>, %arg15: memref<32x100000xf32, #tpu.memory_space<hbm>>, %arg16: memref<32x100000xf32, #tpu.memory_space<hbm>>, %arg17: memref<32x100000xf32, #tpu.memory_space<hbm>>, %arg18: memref<32x100000xf32, #tpu.memory_space<hbm>>, %arg19: memref<32x100000xf32, #tpu.memory_space<hbm>>, %arg20: memref<32x100000xf32, #tpu.memory_space<hbm>>, %arg21: memref<32x100000xf32, #tpu.memory_space<hbm>>, %arg22: memref<32x100000xf32, #tpu.memory_space<hbm>>, %arg23: memref<32x100000xf32, #tpu.memory_space<hbm>>, %arg24: memref<768x4096xf32, #tpu.memory_space<hbm>>, %arg25: memref<768x4096xf32, #tpu.memory_space<hbm>>, %arg26: memref<4096xi32, #tpu.memory_space<vmem>>, %arg27: memref<4096xi32, #tpu.memory_space<vmem>>, %arg28: memref<4112xi32, #tpu.memory_space<vmem>>, %arg29: memref<4112xi32, #tpu.memory_space<vmem>>, %arg30: memref<4112xi32, #tpu.memory_space<vmem>>, %arg31: memref<4112xi32, #tpu.memory_space<vmem>>, %arg32: memref<8x2048xf32, #tpu.memory_space<vmem>>, %arg33: memref<8x2048xf32, #tpu.memory_space<vmem>>, %arg34: memref<8x4096xf32, #tpu.memory_space<vmem>>, %arg35: memref<8x4096xf32, #tpu.memory_space<vmem>>, %arg36: memref<100xi32, #tpu.memory_space<smem>>, %arg37: memref<32xi32, #tpu.memory_space<smem>>, %arg38: memref<!tpu.dma_semaphore, #tpu.memory_space<semaphore_mem>>, %arg39: memref<!tpu.dma_semaphore, #tpu.memory_space<semaphore_mem>>, %arg40: memref<!tpu.dma_semaphore, #tpu.memory_space<semaphore_mem>>, %arg41: memref<!tpu.dma_semaphore, #tpu.memory_space<semaphore_mem>>) attributes {dimension_semantics = [#tpu.dimension_semantics<core_parallel>, #tpu.dimension_semantics<subcore_parallel>], iteration_bounds = array<i64: 2, 16>, scalar_prefetch = 0 : i64, scratch_operands = 16 : i64, tpu.core_type = #tpu.core_type<sc_vector_subcore>, window_params = [{transform_indices = #map}, {transform_indices = #map}, {transform_indices = #map1}, {transform_indices = #map1}, {transform_indices = #map1}, {transform_indices = #map1}, {transform_indices = #map1}, {transform_indices = #map1}, {transform_indices = #map1}, {transform_indices = #map1}, {transform_indices = #map1}, {transform_indices = #map1}, {transform_indices = #map1}, {transform_indices = #map1}, {transform_indices = #map1}, {transform_indices = #map1}, {transform_indices = #map1}, {transform_indices = #map1}, {transform_indices = #map1}, {transform_indices = #map1}, {transform_indices = #map1}, {transform_indices = #map1}, {transform_indices = #map1}, {transform_indices = #map1}]} {
    %mul3A = arith.constant 2 : i32
    %mul3A_0 = arith.muli %arg1, %mul3A : i32
    %add3A = arith.addi %mul3A_0, %arg0 : i32
    "tpu.region"() ({
      %run_scoped3A = tpu.sem_alloc : memref<!tpu.dma_semaphore, #tpu.memory_space<semaphore_mem>>
      tpu.enqueue_dma source(%arg2 : memref<4096xi32, #tpu.memory_space<hbm>>) target(%arg26 : memref<4096xi32, #tpu.memory_space<vmem>>) target_semaphore(%run_scoped3A : memref<!tpu.dma_semaphore, #tpu.memory_space<semaphore_mem>>)
      tpu.wait_dma2 semaphore(%run_scoped3A : memref<!tpu.dma_semaphore, #tpu.memory_space<semaphore_mem>>) src(%arg2 : memref<4096xi32, #tpu.memory_space<hbm>>) dst(%arg26 : memref<4096xi32, #tpu.memory_space<vmem>>)
      tpu.yield
    }) : () -> ()
    "tpu.region"() ({
      %run_scoped3A = tpu.sem_alloc : memref<!tpu.dma_semaphore, #tpu.memory_space<semaphore_mem>>
      tpu.enqueue_dma source(%arg3 : memref<4096xi32, #tpu.memory_space<hbm>>) target(%arg27 : memref<4096xi32, #tpu.memory_space<vmem>>) target_semaphore(%run_scoped3A : memref<!tpu.dma_semaphore, #tpu.memory_space<semaphore_mem>>)
      tpu.wait_dma2 semaphore(%run_scoped3A : memref<!tpu.dma_semaphore, #tpu.memory_space<semaphore_mem>>) src(%arg3 : memref<4096xi32, #tpu.memory_space<hbm>>) dst(%arg27 : memref<4096xi32, #tpu.memory_space<vmem>>)
      tpu.yield
    }) : () -> ()
    %iota3A = tpu.iota {dimensions = array<i32: 0>} : vector<16xi32>
    %swap3A = arith.constant 0 : i32
    %swap3A_1 = arith.constant 0 : i32
    %swap3A_2 = arith.index_cast %swap3A_1 : i32 to index
    %swap3A_3 = memref.load %arg37[%swap3A_2] : memref<32xi32, #tpu.memory_space<smem>>
    memref.store %swap3A, %arg37[%swap3A_2] : memref<32xi32, #tpu.memory_space<smem>>
    %scan3A = arith.constant 0 : i32
    %scan3A_4 = arith.constant 0 : i32
    %scan3A_5 = arith.constant 13 : i32
    %scan3A_6 = arith.addi %scan3A_4, %scan3A_5 : i32
    %scan3A_7 = arith.constant 1 : i32
    %scan3A_8 = scf.for %scan3A_50 = %scan3A_4 to %scan3A_6 step %scan3A_7 iter_args(%scan3A_51 = %scan3A) -> (i32)  : i32 {
      %scan3A_52 = arith.constant 0 : i32
      %scan3A_53 = arith.constant 256 : i32
      %scan3A_54 = arith.addi %scan3A_52, %scan3A_53 : i32
      %scan3A_55 = arith.constant 1 : i32
      %scan3A_56 = scf.for %scan3A_66 = %scan3A_52 to %scan3A_54 step %scan3A_55 iter_args(%scan3A_67 = %scan3A_51) -> (i32)  : i32 {
        %mul3A_68 = arith.constant 16 : i32
        %mul3A_69 = arith.muli %scan3A_66, %mul3A_68 : i32
        %add3A_70 = vector.broadcast %mul3A_69 : i32 to vector<16xi32>
        %add3A_71 = arith.addi %add3A_70, %iota3A : vector<16xi32>
        %gather3A = tpu.vector_load_idx %arg26[%add3A_71] : memref<4096xi32, #tpu.memory_space<vmem>>[vector<16xi32>], vector<16xi32>,
        %shift_right_arithmetic3A = arith.constant 13 : i32
        %shift_right_arithmetic3A_72 = vector.broadcast %shift_right_arithmetic3A : i32 to vector<16xi32>
        %shift_right_arithmetic3A_73 = arith.shrsi %gather3A, %shift_right_arithmetic3A_72 : vector<16xi32>
        %eq3A = vector.broadcast %scan3A_50 : i32 to vector<16xi32>
        %eq3A_74 = arith.cmpi eq, %shift_right_arithmetic3A_73, %eq3A : vector<16xi32>
        %lt3A = arith.constant 99968 : i32
        %lt3A_75 = vector.broadcast %lt3A : i32 to vector<16xi32>
        %lt3A_76 = arith.cmpi slt, %gather3A, %lt3A_75 : vector<16xi32>
        %and3A = arith.andi %eq3A_74, %lt3A_76 : vector<16xi1>
        %shift_left3A = arith.constant 12 : i32
        %shift_left3A_77 = vector.broadcast %shift_left3A : i32 to vector<16xi32>
        %shift_left3A_78 = arith.shli %gather3A, %shift_left3A_77 : vector<16xi32>
        %or3A = arith.ori %shift_left3A_78, %add3A_71 : vector<16xi32>
        %convert_element_type3A = arith.extui %and3A : vector<16xi1> to vector<16xi32>
        %broadcast_in_dim3A = arith.constant true
        %broadcast_in_dim3A_79 = vector.broadcast %broadcast_in_dim3A : i1 to vector<16xi1>
        %masked_cumsum3A = tpu.scan <sum>, %convert_element_type3A masked %broadcast_in_dim3A_79 : vector<16xi32>, vector<16xi1> -> vector<16xi32>
        %add3A_80 = vector.broadcast %scan3A_67 : i32 to vector<16xi32>
        %add3A_81 = arith.addi %add3A_80, %masked_cumsum3A : vector<16xi32>
        %sub3A = arith.constant 1 : i32
        %sub3A_82 = vector.broadcast %sub3A : i32 to vector<16xi32>
        %sub3A_83 = arith.subi %add3A_81, %sub3A_82 : vector<16xi32>
        tpu.vector_store_idx %arg28[%sub3A_83], %or3A masked %and3A : memref<4112xi32, #tpu.memory_space<vmem>>[vector<16xi32>], vector<16xi32>, vector<16xi1>
        %convert_element_type3A_84 = arith.extui %and3A : vector<16xi1> to vector<16xi32>
        %reduce_sum3A = arith.constant true
        %reduce_sum3A_85 = vector.broadcast %reduce_sum3A : i1 to vector<16xi1>
        %reduce_sum3A_86 = tpu.scan <sum>, %convert_element_type3A_84 masked %reduce_sum3A_85 : vector<16xi32>, vector<16xi1> -> vector<16xi32>
        %reduce_sum3A_87 = vector.extract %reduce_sum3A_86[15] : i32 from vector<16xi32>
        %add3A_88 = arith.addi %scan3A_67, %reduce_sum3A_87 : i32
        scf.yield %add3A_88 : i32
      }
      %scan3A_57 = arith.constant 256 : i32
      %add3A_58 = arith.constant 1 : i32
      %add3A_59 = arith.addi %scan3A_50, %add3A_58 : i32
      %mul3A_60 = arith.constant 2 : i32
      %mul3A_61 = arith.muli %mul3A_60, %add3A_59 : i32
      %add3A_62 = arith.constant 0 : i32
      %add3A_63 = arith.addi %mul3A_61, %add3A_62 : i32
      %swap3A_64 = arith.index_cast %add3A_63 : i32 to index
      %swap3A_65 = memref.load %arg37[%swap3A_64] : memref<32xi32, #tpu.memory_space<smem>>
      memref.store %scan3A_56, %arg37[%swap3A_64] : memref<32xi32, #tpu.memory_space<smem>>
      scf.yield %scan3A_56 : i32
    }
    %scan3A_9 = arith.constant 13 : i32
    %swap3A_10 = arith.constant 0 : i32
    %swap3A_11 = arith.constant 0 : i32
    %swap3A_12 = arith.index_cast %swap3A_11 : i32 to index
    %swap3A_13 = memref.load %arg36[%swap3A_12] : memref<100xi32, #tpu.memory_space<smem>>
    memref.store %swap3A_10, %arg36[%swap3A_12] : memref<100xi32, #tpu.memory_space<smem>>
    %scan3A_14 = arith.constant 0 : i32
    %scan3A_15 = arith.constant 0 : i32
    %scan3A_16 = arith.constant 49 : i32
    %scan3A_17 = arith.addi %scan3A_15, %scan3A_16 : i32
    %scan3A_18 = arith.constant 1 : i32
    %scan3A_19 = scf.for %scan3A_50 = %scan3A_15 to %scan3A_17 step %scan3A_18 iter_args(%scan3A_51 = %scan3A_14) -> (i32)  : i32 {
      %shift_right_arithmetic3A = arith.constant 2 : i32
      %shift_right_arithmetic3A_52 = arith.shrsi %scan3A_50, %shift_right_arithmetic3A : i32
      %mul3A_53 = arith.constant 2 : i32
      %mul3A_54 = arith.muli %mul3A_53, %shift_right_arithmetic3A_52 : i32
      %add3A_55 = arith.constant 0 : i32
      %add3A_56 = arith.addi %mul3A_54, %add3A_55 : i32
      %get3A = arith.index_cast %add3A_56 : i32 to index
      %get3A_57 = memref.load %arg37[%get3A] : memref<32xi32, #tpu.memory_space<smem>>
      %add3A_58 = arith.constant 1 : i32
      %add3A_59 = arith.addi %shift_right_arithmetic3A_52, %add3A_58 : i32
      %mul3A_60 = arith.constant 2 : i32
      %mul3A_61 = arith.muli %mul3A_60, %add3A_59 : i32
      %add3A_62 = arith.constant 0 : i32
      %add3A_63 = arith.addi %mul3A_61, %add3A_62 : i32
      %get3A_64 = arith.index_cast %add3A_63 : i32 to index
      %get3A_65 = memref.load %arg37[%get3A_64] : memref<32xi32, #tpu.memory_space<smem>>
      %sub3A = arith.subi %get3A_65, %get3A_57 : i32
      %add3A_66 = arith.constant 15 : i32
      %add3A_67 = arith.addi %sub3A, %add3A_66 : i32
      %div3A = arith.constant 16 : i32
      %div3A_68 = arith.divsi %add3A_67, %div3A : i32
      %while3A = arith.constant 0 : i32
      %while3A_69 = arith.subi %div3A_68, %while3A : i32
      %while3A_70 = arith.addi %while3A, %while3A_69 : i32
      %while3A_71 = arith.constant 1 : i32
      %while3A_72 = arith.divsi %while3A_69, %while3A_71 : i32
      %while3A_73 = arith.muli %while3A_72, %while3A_71 : i32
      %while3A_74 = arith.addi %while3A, %while3A_73 : i32
      %while3A_75 = arith.constant 1 : i32
      %while3A_76 = scf.for %while3A_87 = %while3A to %while3A_74 step %while3A_75 iter_args(%while3A_88 = %scan3A_51) -> (i32)  : i32 {
        %mul3A_89 = arith.constant 16 : i32
        %mul3A_90 = arith.muli %while3A_87, %mul3A_89 : i32
        %add3A_91 = arith.addi %get3A_57, %mul3A_90 : i32
        %add3A_92 = vector.broadcast %add3A_91 : i32 to vector<16xi32>
        %add3A_93 = arith.addi %add3A_92, %iota3A : vector<16xi32>
        %gather3A = tpu.vector_load_idx %arg28[%add3A_93] : memref<4112xi32, #tpu.memory_space<vmem>>[vector<16xi32>], vector<16xi32>,
        %shift_right_arithmetic3A_94 = arith.constant 23 : i32
        %shift_right_arithmetic3A_95 = vector.broadcast %shift_right_arithmetic3A_94 : i32 to vector<16xi32>
        %shift_right_arithmetic3A_96 = arith.shrsi %gather3A, %shift_right_arithmetic3A_95 : vector<16xi32>
        %eq3A = vector.broadcast %scan3A_50 : i32 to vector<16xi32>
        %eq3A_97 = arith.cmpi eq, %shift_right_arithmetic3A_96, %eq3A : vector<16xi32>
        %add3A_98 = vector.broadcast %add3A_91 : i32 to vector<16xi32>
        %add3A_99 = arith.addi %add3A_98, %iota3A : vector<16xi32>
        %lt3A = vector.broadcast %get3A_65 : i32 to vector<16xi32>
        %lt3A_100 = arith.cmpi slt, %add3A_99, %lt3A : vector<16xi32>
        %and3A = arith.andi %eq3A_97, %lt3A_100 : vector<16xi1>
        %convert_element_type3A = arith.extui %and3A : vector<16xi1> to vector<16xi32>
        %broadcast_in_dim3A = arith.constant true
        %broadcast_in_dim3A_101 = vector.broadcast %broadcast_in_dim3A : i1 to vector<16xi1>
        %masked_cumsum3A = tpu.scan <sum>, %convert_element_type3A masked %broadcast_in_dim3A_101 : vector<16xi32>, vector<16xi1> -> vector<16xi32>
        %add3A_102 = vector.broadcast %while3A_88 : i32 to vector<16xi32>
        %add3A_103 = arith.addi %add3A_102, %masked_cumsum3A : vector<16xi32>
        %sub3A_104 = arith.constant 1 : i32
        %sub3A_105 = vector.broadcast %sub3A_104 : i32 to vector<16xi32>
        %sub3A_106 = arith.subi %add3A_103, %sub3A_105 : vector<16xi32>
        tpu.vector_store_idx %arg30[%sub3A_106], %gather3A masked %and3A : memref<4112xi32, #tpu.memory_space<vmem>>[vector<16xi32>], vector<16xi32>, vector<16xi1>
        %convert_element_type3A_107 = arith.extui %and3A : vector<16xi1> to vector<16xi32>
        %reduce_sum3A = arith.constant true
        %reduce_sum3A_108 = vector.broadcast %reduce_sum3A : i1 to vector<16xi1>
        %reduce_sum3A_109 = tpu.scan <sum>, %convert_element_type3A_107 masked %reduce_sum3A_108 : vector<16xi32>, vector<16xi1> -> vector<16xi32>
        %reduce_sum3A_110 = vector.extract %reduce_sum3A_109[15] : i32 from vector<16xi32>
        %add3A_111 = arith.addi %while3A_88, %reduce_sum3A_110 : i32
        scf.yield %add3A_111 : i32
      }
      %while3A_77 = arith.constant 1 : i32
      %while3A_78 = scf.for %while3A_87 = %while3A_74 to %while3A_70 step %while3A_77 iter_args(%while3A_88 = %while3A_76) -> (i32)  : i32 {
        %mul3A_89 = arith.constant 16 : i32
        %mul3A_90 = arith.muli %while3A_87, %mul3A_89 : i32
        %add3A_91 = arith.addi %get3A_57, %mul3A_90 : i32
        %add3A_92 = vector.broadcast %add3A_91 : i32 to vector<16xi32>
        %add3A_93 = arith.addi %add3A_92, %iota3A : vector<16xi32>
        %gather3A = tpu.vector_load_idx %arg28[%add3A_93] : memref<4112xi32, #tpu.memory_space<vmem>>[vector<16xi32>], vector<16xi32>,
        %shift_right_arithmetic3A_94 = arith.constant 23 : i32
        %shift_right_arithmetic3A_95 = vector.broadcast %shift_right_arithmetic3A_94 : i32 to vector<16xi32>
        %shift_right_arithmetic3A_96 = arith.shrsi %gather3A, %shift_right_arithmetic3A_95 : vector<16xi32>
        %eq3A = vector.broadcast %scan3A_50 : i32 to vector<16xi32>
        %eq3A_97 = arith.cmpi eq, %shift_right_arithmetic3A_96, %eq3A : vector<16xi32>
        %add3A_98 = vector.broadcast %add3A_91 : i32 to vector<16xi32>
        %add3A_99 = arith.addi %add3A_98, %iota3A : vector<16xi32>
        %lt3A = vector.broadcast %get3A_65 : i32 to vector<16xi32>
        %lt3A_100 = arith.cmpi slt, %add3A_99, %lt3A : vector<16xi32>
        %and3A = arith.andi %eq3A_97, %lt3A_100 : vector<16xi1>
        %convert_element_type3A = arith.extui %and3A : vector<16xi1> to vector<16xi32>
        %broadcast_in_dim3A = arith.constant true
        %broadcast_in_dim3A_101 = vector.broadcast %broadcast_in_dim3A : i1 to vector<16xi1>
        %masked_cumsum3A = tpu.scan <sum>, %convert_element_type3A masked %broadcast_in_dim3A_101 : vector<16xi32>, vector<16xi1> -> vector<16xi32>
        %add3A_102 = vector.broadcast %while3A_88 : i32 to vector<16xi32>
        %add3A_103 = arith.addi %add3A_102, %masked_cumsum3A : vector<16xi32>
        %sub3A_104 = arith.constant 1 : i32
        %sub3A_105 = vector.broadcast %sub3A_104 : i32 to vector<16xi32>
        %sub3A_106 = arith.subi %add3A_103, %sub3A_105 : vector<16xi32>
        tpu.vector_store_idx %arg30[%sub3A_106], %gather3A masked %and3A : memref<4112xi32, #tpu.memory_space<vmem>>[vector<16xi32>], vector<16xi32>, vector<16xi1>
        %convert_element_type3A_107 = arith.extui %and3A : vector<16xi1> to vector<16xi32>
        %reduce_sum3A = arith.constant true
        %reduce_sum3A_108 = vector.broadcast %reduce_sum3A : i1 to vector<16xi1>
        %reduce_sum3A_109 = tpu.scan <sum>, %convert_element_type3A_107 masked %reduce_sum3A_108 : vector<16xi32>, vector<16xi1> -> vector<16xi32>
        %reduce_sum3A_110 = vector.extract %reduce_sum3A_109[15] : i32 from vector<16xi32>
        %add3A_111 = arith.addi %while3A_88, %reduce_sum3A_110 : i32
        scf.yield %add3A_111 : i32
      }
      %add3A_79 = arith.constant 1 : i32
      %add3A_80 = arith.addi %scan3A_50, %add3A_79 : i32
      %mul3A_81 = arith.constant 2 : i32
      %mul3A_82 = arith.muli %mul3A_81, %add3A_80 : i32
      %add3A_83 = arith.constant 0 : i32
      %add3A_84 = arith.addi %mul3A_82, %add3A_83 : i32
      %swap3A_85 = arith.index_cast %add3A_84 : i32 to index
      %swap3A_86 = memref.load %arg36[%swap3A_85] : memref<100xi32, #tpu.memory_space<smem>>
      memref.store %while3A_78, %arg36[%swap3A_85] : memref<100xi32, #tpu.memory_space<smem>>
      scf.yield %while3A_78 : i32
    }
    %scan3A_20 = arith.constant 49 : i32
    %swap3A_21 = arith.constant 0 : i32
    %swap3A_22 = arith.constant 1 : i32
    %swap3A_23 = arith.index_cast %swap3A_22 : i32 to index
    %swap3A_24 = memref.load %arg37[%swap3A_23] : memref<32xi32, #tpu.memory_space<smem>>
    memref.store %swap3A_21, %arg37[%swap3A_23] : memref<32xi32, #tpu.memory_space<smem>>
    %scan3A_25 = arith.constant 0 : i32
    %scan3A_26 = arith.constant 0 : i32
    %scan3A_27 = arith.constant 13 : i32
    %scan3A_28 = arith.addi %scan3A_26, %scan3A_27 : i32
    %scan3A_29 = arith.constant 1 : i32
    %scan3A_30 = scf.for %scan3A_50 = %scan3A_26 to %scan3A_28 step %scan3A_29 iter_args(%scan3A_51 = %scan3A_25) -> (i32)  : i32 {
      %scan3A_52 = arith.constant 0 : i32
      %scan3A_53 = arith.constant 256 : i32
      %scan3A_54 = arith.addi %scan3A_52, %scan3A_53 : i32
      %scan3A_55 = arith.constant 1 : i32
      %scan3A_56 = scf.for %scan3A_66 = %scan3A_52 to %scan3A_54 step %scan3A_55 iter_args(%scan3A_67 = %scan3A_51) -> (i32)  : i32 {
        %mul3A_68 = arith.constant 16 : i32
        %mul3A_69 = arith.muli %scan3A_66, %mul3A_68 : i32
        %add3A_70 = vector.broadcast %mul3A_69 : i32 to vector<16xi32>
        %add3A_71 = arith.addi %add3A_70, %iota3A : vector<16xi32>
        %gather3A = tpu.vector_load_idx %arg27[%add3A_71] : memref<4096xi32, #tpu.memory_space<vmem>>[vector<16xi32>], vector<16xi32>,
        %shift_right_arithmetic3A = arith.constant 13 : i32
        %shift_right_arithmetic3A_72 = vector.broadcast %shift_right_arithmetic3A : i32 to vector<16xi32>
        %shift_right_arithmetic3A_73 = arith.shrsi %gather3A, %shift_right_arithmetic3A_72 : vector<16xi32>
        %eq3A = vector.broadcast %scan3A_50 : i32 to vector<16xi32>
        %eq3A_74 = arith.cmpi eq, %shift_right_arithmetic3A_73, %eq3A : vector<16xi32>
        %lt3A = arith.constant 99968 : i32
        %lt3A_75 = vector.broadcast %lt3A : i32 to vector<16xi32>
        %lt3A_76 = arith.cmpi slt, %gather3A, %lt3A_75 : vector<16xi32>
        %and3A = arith.andi %eq3A_74, %lt3A_76 : vector<16xi1>
        %shift_left3A = arith.constant 12 : i32
        %shift_left3A_77 = vector.broadcast %shift_left3A : i32 to vector<16xi32>
        %shift_left3A_78 = arith.shli %gather3A, %shift_left3A_77 : vector<16xi32>
        %or3A = arith.ori %shift_left3A_78, %add3A_71 : vector<16xi32>
        %convert_element_type3A = arith.extui %and3A : vector<16xi1> to vector<16xi32>
        %broadcast_in_dim3A = arith.constant true
        %broadcast_in_dim3A_79 = vector.broadcast %broadcast_in_dim3A : i1 to vector<16xi1>
        %masked_cumsum3A = tpu.scan <sum>, %convert_element_type3A masked %broadcast_in_dim3A_79 : vector<16xi32>, vector<16xi1> -> vector<16xi32>
        %add3A_80 = vector.broadcast %scan3A_67 : i32 to vector<16xi32>
        %add3A_81 = arith.addi %add3A_80, %masked_cumsum3A : vector<16xi32>
        %sub3A = arith.constant 1 : i32
        %sub3A_82 = vector.broadcast %sub3A : i32 to vector<16xi32>
        %sub3A_83 = arith.subi %add3A_81, %sub3A_82 : vector<16xi32>
        tpu.vector_store_idx %arg29[%sub3A_83], %or3A masked %and3A : memref<4112xi32, #tpu.memory_space<vmem>>[vector<16xi32>], vector<16xi32>, vector<16xi1>
        %convert_element_type3A_84 = arith.extui %and3A : vector<16xi1> to vector<16xi32>
        %reduce_sum3A = arith.constant true
        %reduce_sum3A_85 = vector.broadcast %reduce_sum3A : i1 to vector<16xi1>
        %reduce_sum3A_86 = tpu.scan <sum>, %convert_element_type3A_84 masked %reduce_sum3A_85 : vector<16xi32>, vector<16xi1> -> vector<16xi32>
        %reduce_sum3A_87 = vector.extract %reduce_sum3A_86[15] : i32 from vector<16xi32>
        %add3A_88 = arith.addi %scan3A_67, %reduce_sum3A_87 : i32
        scf.yield %add3A_88 : i32
      }
      %scan3A_57 = arith.constant 256 : i32
      %add3A_58 = arith.constant 1 : i32
      %add3A_59 = arith.addi %scan3A_50, %add3A_58 : i32
      %mul3A_60 = arith.constant 2 : i32
      %mul3A_61 = arith.muli %mul3A_60, %add3A_59 : i32
      %add3A_62 = arith.constant 1 : i32
      %add3A_63 = arith.addi %mul3A_61, %add3A_62 : i32
      %swap3A_64 = arith.index_cast %add3A_63 : i32 to index
      %swap3A_65 = memref.load %arg37[%swap3A_64] : memref<32xi32, #tpu.memory_space<smem>>
      memref.store %scan3A_56, %arg37[%swap3A_64] : memref<32xi32, #tpu.memory_space<smem>>
      scf.yield %scan3A_56 : i32
    }
    %scan3A_31 = arith.constant 13 : i32
    %swap3A_32 = arith.constant 0 : i32
    %swap3A_33 = arith.constant 1 : i32
    %swap3A_34 = arith.index_cast %swap3A_33 : i32 to index
    %swap3A_35 = memref.load %arg36[%swap3A_34] : memref<100xi32, #tpu.memory_space<smem>>
    memref.store %swap3A_32, %arg36[%swap3A_34] : memref<100xi32, #tpu.memory_space<smem>>
    %scan3A_36 = arith.constant 0 : i32
    %scan3A_37 = arith.constant 0 : i32
    %scan3A_38 = arith.constant 49 : i32
    %scan3A_39 = arith.addi %scan3A_37, %scan3A_38 : i32
    %scan3A_40 = arith.constant 1 : i32
    %scan3A_41 = scf.for %scan3A_50 = %scan3A_37 to %scan3A_39 step %scan3A_40 iter_args(%scan3A_51 = %scan3A_36) -> (i32)  : i32 {
      %shift_right_arithmetic3A = arith.constant 2 : i32
      %shift_right_arithmetic3A_52 = arith.shrsi %scan3A_50, %shift_right_arithmetic3A : i32
      %mul3A_53 = arith.constant 2 : i32
      %mul3A_54 = arith.muli %mul3A_53, %shift_right_arithmetic3A_52 : i32
      %add3A_55 = arith.constant 1 : i32
      %add3A_56 = arith.addi %mul3A_54, %add3A_55 : i32
      %get3A = arith.index_cast %add3A_56 : i32 to index
      %get3A_57 = memref.load %arg37[%get3A] : memref<32xi32, #tpu.memory_space<smem>>
      %add3A_58 = arith.constant 1 : i32
      %add3A_59 = arith.addi %shift_right_arithmetic3A_52, %add3A_58 : i32
      %mul3A_60 = arith.constant 2 : i32
      %mul3A_61 = arith.muli %mul3A_60, %add3A_59 : i32
      %add3A_62 = arith.constant 1 : i32
      %add3A_63 = arith.addi %mul3A_61, %add3A_62 : i32
      %get3A_64 = arith.index_cast %add3A_63 : i32 to index
      %get3A_65 = memref.load %arg37[%get3A_64] : memref<32xi32, #tpu.memory_space<smem>>
      %sub3A = arith.subi %get3A_65, %get3A_57 : i32
      %add3A_66 = arith.constant 15 : i32
      %add3A_67 = arith.addi %sub3A, %add3A_66 : i32
      %div3A = arith.constant 16 : i32
      %div3A_68 = arith.divsi %add3A_67, %div3A : i32
      %while3A = arith.constant 0 : i32
      %while3A_69 = arith.subi %div3A_68, %while3A : i32
      %while3A_70 = arith.addi %while3A, %while3A_69 : i32
      %while3A_71 = arith.constant 1 : i32
      %while3A_72 = arith.divsi %while3A_69, %while3A_71 : i32
      %while3A_73 = arith.muli %while3A_72, %while3A_71 : i32
      %while3A_74 = arith.addi %while3A, %while3A_73 : i32
      %while3A_75 = arith.constant 1 : i32
      %while3A_76 = scf.for %while3A_87 = %while3A to %while3A_74 step %while3A_75 iter_args(%while3A_88 = %scan3A_51) -> (i32)  : i32 {
        %mul3A_89 = arith.constant 16 : i32
        %mul3A_90 = arith.muli %while3A_87, %mul3A_89 : i32
        %add3A_91 = arith.addi %get3A_57, %mul3A_90 : i32
        %add3A_92 = vector.broadcast %add3A_91 : i32 to vector<16xi32>
        %add3A_93 = arith.addi %add3A_92, %iota3A : vector<16xi32>
        %gather3A = tpu.vector_load_idx %arg29[%add3A_93] : memref<4112xi32, #tpu.memory_space<vmem>>[vector<16xi32>], vector<16xi32>,
        %shift_right_arithmetic3A_94 = arith.constant 23 : i32
        %shift_right_arithmetic3A_95 = vector.broadcast %shift_right_arithmetic3A_94 : i32 to vector<16xi32>
        %shift_right_arithmetic3A_96 = arith.shrsi %gather3A, %shift_right_arithmetic3A_95 : vector<16xi32>
        %eq3A = vector.broadcast %scan3A_50 : i32 to vector<16xi32>
        %eq3A_97 = arith.cmpi eq, %shift_right_arithmetic3A_96, %eq3A : vector<16xi32>
        %add3A_98 = vector.broadcast %add3A_91 : i32 to vector<16xi32>
        %add3A_99 = arith.addi %add3A_98, %iota3A : vector<16xi32>
        %lt3A = vector.broadcast %get3A_65 : i32 to vector<16xi32>
        %lt3A_100 = arith.cmpi slt, %add3A_99, %lt3A : vector<16xi32>
        %and3A = arith.andi %eq3A_97, %lt3A_100 : vector<16xi1>
        %convert_element_type3A = arith.extui %and3A : vector<16xi1> to vector<16xi32>
        %broadcast_in_dim3A = arith.constant true
        %broadcast_in_dim3A_101 = vector.broadcast %broadcast_in_dim3A : i1 to vector<16xi1>
        %masked_cumsum3A = tpu.scan <sum>, %convert_element_type3A masked %broadcast_in_dim3A_101 : vector<16xi32>, vector<16xi1> -> vector<16xi32>
        %add3A_102 = vector.broadcast %while3A_88 : i32 to vector<16xi32>
        %add3A_103 = arith.addi %add3A_102, %masked_cumsum3A : vector<16xi32>
        %sub3A_104 = arith.constant 1 : i32
        %sub3A_105 = vector.broadcast %sub3A_104 : i32 to vector<16xi32>
        %sub3A_106 = arith.subi %add3A_103, %sub3A_105 : vector<16xi32>
        tpu.vector_store_idx %arg31[%sub3A_106], %gather3A masked %and3A : memref<4112xi32, #tpu.memory_space<vmem>>[vector<16xi32>], vector<16xi32>, vector<16xi1>
        %convert_element_type3A_107 = arith.extui %and3A : vector<16xi1> to vector<16xi32>
        %reduce_sum3A = arith.constant true
        %reduce_sum3A_108 = vector.broadcast %reduce_sum3A : i1 to vector<16xi1>
        %reduce_sum3A_109 = tpu.scan <sum>, %convert_element_type3A_107 masked %reduce_sum3A_108 : vector<16xi32>, vector<16xi1> -> vector<16xi32>
        %reduce_sum3A_110 = vector.extract %reduce_sum3A_109[15] : i32 from vector<16xi32>
        %add3A_111 = arith.addi %while3A_88, %reduce_sum3A_110 : i32
        scf.yield %add3A_111 : i32
      }
      %while3A_77 = arith.constant 1 : i32
      %while3A_78 = scf.for %while3A_87 = %while3A_74 to %while3A_70 step %while3A_77 iter_args(%while3A_88 = %while3A_76) -> (i32)  : i32 {
        %mul3A_89 = arith.constant 16 : i32
        %mul3A_90 = arith.muli %while3A_87, %mul3A_89 : i32
        %add3A_91 = arith.addi %get3A_57, %mul3A_90 : i32
        %add3A_92 = vector.broadcast %add3A_91 : i32 to vector<16xi32>
        %add3A_93 = arith.addi %add3A_92, %iota3A : vector<16xi32>
        %gather3A = tpu.vector_load_idx %arg29[%add3A_93] : memref<4112xi32, #tpu.memory_space<vmem>>[vector<16xi32>], vector<16xi32>,
        %shift_right_arithmetic3A_94 = arith.constant 23 : i32
        %shift_right_arithmetic3A_95 = vector.broadcast %shift_right_arithmetic3A_94 : i32 to vector<16xi32>
        %shift_right_arithmetic3A_96 = arith.shrsi %gather3A, %shift_right_arithmetic3A_95 : vector<16xi32>
        %eq3A = vector.broadcast %scan3A_50 : i32 to vector<16xi32>
        %eq3A_97 = arith.cmpi eq, %shift_right_arithmetic3A_96, %eq3A : vector<16xi32>
        %add3A_98 = vector.broadcast %add3A_91 : i32 to vector<16xi32>
        %add3A_99 = arith.addi %add3A_98, %iota3A : vector<16xi32>
        %lt3A = vector.broadcast %get3A_65 : i32 to vector<16xi32>
        %lt3A_100 = arith.cmpi slt, %add3A_99, %lt3A : vector<16xi32>
        %and3A = arith.andi %eq3A_97, %lt3A_100 : vector<16xi1>
        %convert_element_type3A = arith.extui %and3A : vector<16xi1> to vector<16xi32>
        %broadcast_in_dim3A = arith.constant true
        %broadcast_in_dim3A_101 = vector.broadcast %broadcast_in_dim3A : i1 to vector<16xi1>
        %masked_cumsum3A = tpu.scan <sum>, %convert_element_type3A masked %broadcast_in_dim3A_101 : vector<16xi32>, vector<16xi1> -> vector<16xi32>
        %add3A_102 = vector.broadcast %while3A_88 : i32 to vector<16xi32>
        %add3A_103 = arith.addi %add3A_102, %masked_cumsum3A : vector<16xi32>
        %sub3A_104 = arith.constant 1 : i32
        %sub3A_105 = vector.broadcast %sub3A_104 : i32 to vector<16xi32>
        %sub3A_106 = arith.subi %add3A_103, %sub3A_105 : vector<16xi32>
        tpu.vector_store_idx %arg31[%sub3A_106], %gather3A masked %and3A : memref<4112xi32, #tpu.memory_space<vmem>>[vector<16xi32>], vector<16xi32>, vector<16xi1>
        %convert_element_type3A_107 = arith.extui %and3A : vector<16xi1> to vector<16xi32>
        %reduce_sum3A = arith.constant true
        %reduce_sum3A_108 = vector.broadcast %reduce_sum3A : i1 to vector<16xi1>
        %reduce_sum3A_109 = tpu.scan <sum>, %convert_element_type3A_107 masked %reduce_sum3A_108 : vector<16xi32>, vector<16xi1> -> vector<16xi32>
        %reduce_sum3A_110 = vector.extract %reduce_sum3A_109[15] : i32 from vector<16xi32>
        %add3A_111 = arith.addi %while3A_88, %reduce_sum3A_110 : i32
        scf.yield %add3A_111 : i32
      }
      %add3A_79 = arith.constant 1 : i32
      %add3A_80 = arith.addi %scan3A_50, %add3A_79 : i32
      %mul3A_81 = arith.constant 2 : i32
      %mul3A_82 = arith.muli %mul3A_81, %add3A_80 : i32
      %add3A_83 = arith.constant 1 : i32
      %add3A_84 = arith.addi %mul3A_82, %add3A_83 : i32
      %swap3A_85 = arith.index_cast %add3A_84 : i32 to index
      %swap3A_86 = memref.load %arg36[%swap3A_85] : memref<100xi32, #tpu.memory_space<smem>>
      memref.store %while3A_78, %arg36[%swap3A_85] : memref<100xi32, #tpu.memory_space<smem>>
      scf.yield %while3A_78 : i32
    }
    %scan3A_42 = arith.constant 49 : i32
    %scan3A_43 = arith.constant 0 : i32
    %scan3A_44 = arith.constant 0 : i32
    %scan3A_45 = arith.constant 3 : i32
    %scan3A_46 = arith.addi %scan3A_44, %scan3A_45 : i32
    %scan3A_47 = arith.constant 1 : i32
    %scan3A_48 = scf.for %scan3A_50 = %scan3A_44 to %scan3A_46 step %scan3A_47 iter_args(%scan3A_51 = %scan3A_43) -> (i32)  : i32 {
      %mul3A_52 = arith.constant 3 : i32
      %mul3A_53 = arith.muli %mul3A_52, %add3A : i32
      %add3A_54 = arith.addi %mul3A_53, %scan3A_50 : i32
      %lt3A = arith.constant 12 : i32
      %lt3A_55 = arith.cmpi slt, %add3A_54, %lt3A : i32
      %ge3A = arith.constant 12 : i32
      %ge3A_56 = arith.cmpi sge, %add3A_54, %ge3A : i32
      %lt3A_57 = arith.constant 24 : i32
      %lt3A_58 = arith.cmpi slt, %add3A_54, %lt3A_57 : i32
      %and3A = arith.andi %ge3A_56, %lt3A_58 : i1
      %sub3A = arith.constant 24 : i32
      %sub3A_59 = arith.subi %add3A_54, %sub3A : i32
      %shift_right_arithmetic3A = arith.constant 2 : i32
      %shift_right_arithmetic3A_60 = arith.shrsi %sub3A_59, %shift_right_arithmetic3A : i32
      %add3A_61 = arith.constant 2 : i32
      %add3A_62 = arith.addi %add3A_61, %shift_right_arithmetic3A_60 : i32
      %jit3A = arith.constant 1 : i32
      %select_n3A = arith.select %and3A, %jit3A, %add3A_62 : i32
      %jit3A_63 = arith.constant 0 : i32
      %select_n3A_64 = arith.select %lt3A_55, %jit3A_63, %select_n3A : i32
      %mul3A_65 = arith.constant 8 : i32
      %mul3A_66 = arith.muli %add3A_54, %mul3A_65 : i32
      %sub3A_67 = arith.constant 12 : i32
      %sub3A_68 = arith.subi %add3A_54, %sub3A_67 : i32
      %mul3A_69 = arith.constant 8 : i32
      %mul3A_70 = arith.muli %sub3A_68, %mul3A_69 : i32
      %sub3A_71 = arith.constant 24 : i32
      %sub3A_72 = arith.subi %add3A_54, %sub3A_71 : i32
      %and3A_73 = arith.constant 3 : i32
      %and3A_74 = arith.andi %sub3A_72, %and3A_73 : i32
      %mul3A_75 = arith.constant 8 : i32
      %mul3A_76 = arith.muli %and3A_74, %mul3A_75 : i32
      %select_n3A_77 = arith.select %and3A, %mul3A_70, %mul3A_76 : i32
      %select_n3A_78 = arith.select %lt3A_55, %mul3A_66, %select_n3A_77 : i32
      %multiple_of3A = tpu.assume_multiple %select_n3A_78, 8 : i32
      %jit3A_79 = arith.constant false
      %jit3A_80 = arith.constant 97920 : i32
      %jit3A_81 = arith.constant 0 : i32
      %select_n3A_82 = arith.select %jit3A_79, %jit3A_80, %jit3A_81 : i32
      %multiple_of3A_83 = tpu.assume_multiple %select_n3A_82, 128 : i32
      %eq3A = arith.constant 0 : i32
      %eq3A_84 = arith.cmpi eq, %select_n3A_64, %eq3A : i32
      %convert_element_type3A = arith.extui %eq3A_84 : i1 to i32
      %cond3A = arith.constant 0 : i32
      %cond3A_85 = arith.cmpi ne, %convert_element_type3A, %cond3A : i32
      scf.if %cond3A_85 {
        %dma_start3A_265 = tpu.memref_slice %arg4[%multiple_of3A, %multiple_of3A_83] : memref<96x100000xf32, #tpu.memory_space<hbm>> -> memref<8x2048xf32, #tpu.memory_space<hbm>>
        %dma_start3A_266 = tpu.memref_slice %arg4[%multiple_of3A, %multiple_of3A_83] : memref<96x100000xf32, #tpu.memory_space<hbm>> -> memref<8x2048xf32, #tpu.memory_space<hbm>>
        tpu.enqueue_dma source(%dma_start3A_266 : memref<8x2048xf32, #tpu.memory_space<hbm>>) target(%arg32 : memref<8x2048xf32, #tpu.memory_space<vmem>>) target_semaphore(%arg38 : memref<!tpu.dma_semaphore, #tpu.memory_space<semaphore_mem>>)
      } else {
      }
      %eq3A_86 = arith.constant 1 : i32
      %eq3A_87 = arith.cmpi eq, %select_n3A_64, %eq3A_86 : i32
      %convert_element_type3A_88 = arith.extui %eq3A_87 : i1 to i32
      %cond3A_89 = arith.constant 0 : i32
      %cond3A_90 = arith.cmpi ne, %convert_element_type3A_88, %cond3A_89 : i32
      scf.if %cond3A_90 {
        %dma_start3A_265 = tpu.memref_slice %arg5[%multiple_of3A, %multiple_of3A_83] : memref<96x100000xf32, #tpu.memory_space<hbm>> -> memref<8x2048xf32, #tpu.memory_space<hbm>>
        %dma_start3A_266 = tpu.memref_slice %arg5[%multiple_of3A, %multiple_of3A_83] : memref<96x100000xf32, #tpu.memory_space<hbm>> -> memref<8x2048xf32, #tpu.memory_space<hbm>>
        tpu.enqueue_dma source(%dma_start3A_266 : memref<8x2048xf32, #tpu.memory_space<hbm>>) target(%arg32 : memref<8x2048xf32, #tpu.memory_space<vmem>>) target_semaphore(%arg38 : memref<!tpu.dma_semaphore, #tpu.memory_space<semaphore_mem>>)
      } else {
      }
      %eq3A_91 = arith.constant 2 : i32
      %eq3A_92 = arith.cmpi eq, %select_n3A_64, %eq3A_91 : i32
      %convert_element_type3A_93 = arith.extui %eq3A_92 : i1 to i32
      %cond3A_94 = arith.constant 0 : i32
      %cond3A_95 = arith.cmpi ne, %convert_element_type3A_93, %cond3A_94 : i32
      scf.if %cond3A_95 {
        %dma_start3A_265 = tpu.memref_slice %arg6[%multiple_of3A, %multiple_of3A_83] : memref<32x100000xf32, #tpu.memory_space<hbm>> -> memref<8x2048xf32, #tpu.memory_space<hbm>>
        %dma_start3A_266 = tpu.memref_slice %arg6[%multiple_of3A, %multiple_of3A_83] : memref<32x100000xf32, #tpu.memory_space<hbm>> -> memref<8x2048xf32, #tpu.memory_space<hbm>>
        tpu.enqueue_dma source(%dma_start3A_266 : memref<8x2048xf32, #tpu.memory_space<hbm>>) target(%arg32 : memref<8x2048xf32, #tpu.memory_space<vmem>>) target_semaphore(%arg38 : memref<!tpu.dma_semaphore, #tpu.memory_space<semaphore_mem>>)
      } else {
      }
      %eq3A_96 = arith.constant 3 : i32
      %eq3A_97 = arith.cmpi eq, %select_n3A_64, %eq3A_96 : i32
      %convert_element_type3A_98 = arith.extui %eq3A_97 : i1 to i32
      %cond3A_99 = arith.constant 0 : i32
      %cond3A_100 = arith.cmpi ne, %convert_element_type3A_98, %cond3A_99 : i32
      scf.if %cond3A_100 {
        %dma_start3A_265 = tpu.memref_slice %arg7[%multiple_of3A, %multiple_of3A_83] : memref<32x100000xf32, #tpu.memory_space<hbm>> -> memref<8x2048xf32, #tpu.memory_space<hbm>>
        %dma_start3A_266 = tpu.memref_slice %arg7[%multiple_of3A, %multiple_of3A_83] : memref<32x100000xf32, #tpu.memory_space<hbm>> -> memref<8x2048xf32, #tpu.memory_space<hbm>>
        tpu.enqueue_dma source(%dma_start3A_266 : memref<8x2048xf32, #tpu.memory_space<hbm>>) target(%arg32 : memref<8x2048xf32, #tpu.memory_space<vmem>>) target_semaphore(%arg38 : memref<!tpu.dma_semaphore, #tpu.memory_space<semaphore_mem>>)
      } else {
      }
      %eq3A_101 = arith.constant 4 : i32
      %eq3A_102 = arith.cmpi eq, %select_n3A_64, %eq3A_101 : i32
      %convert_element_type3A_103 = arith.extui %eq3A_102 : i1 to i32
      %cond3A_104 = arith.constant 0 : i32
      %cond3A_105 = arith.cmpi ne, %convert_element_type3A_103, %cond3A_104 : i32
      scf.if %cond3A_105 {
        %dma_start3A_265 = tpu.memref_slice %arg8[%multiple_of3A, %multiple_of3A_83] : memref<32x100000xf32, #tpu.memory_space<hbm>> -> memref<8x2048xf32, #tpu.memory_space<hbm>>
        %dma_start3A_266 = tpu.memref_slice %arg8[%multiple_of3A, %multiple_of3A_83] : memref<32x100000xf32, #tpu.memory_space<hbm>> -> memref<8x2048xf32, #tpu.memory_space<hbm>>
        tpu.enqueue_dma source(%dma_start3A_266 : memref<8x2048xf32, #tpu.memory_space<hbm>>) target(%arg32 : memref<8x2048xf32, #tpu.memory_space<vmem>>) target_semaphore(%arg38 : memref<!tpu.dma_semaphore, #tpu.memory_space<semaphore_mem>>)
      } else {
      }
      %eq3A_106 = arith.constant 5 : i32
      %eq3A_107 = arith.cmpi eq, %select_n3A_64, %eq3A_106 : i32
      %convert_element_type3A_108 = arith.extui %eq3A_107 : i1 to i32
      %cond3A_109 = arith.constant 0 : i32
      %cond3A_110 = arith.cmpi ne, %convert_element_type3A_108, %cond3A_109 : i32
      scf.if %cond3A_110 {
        %dma_start3A_265 = tpu.memref_slice %arg9[%multiple_of3A, %multiple_of3A_83] : memref<32x100000xf32, #tpu.memory_space<hbm>> -> memref<8x2048xf32, #tpu.memory_space<hbm>>
        %dma_start3A_266 = tpu.memref_slice %arg9[%multiple_of3A, %multiple_of3A_83] : memref<32x100000xf32, #tpu.memory_space<hbm>> -> memref<8x2048xf32, #tpu.memory_space<hbm>>
        tpu.enqueue_dma source(%dma_start3A_266 : memref<8x2048xf32, #tpu.memory_space<hbm>>) target(%arg32 : memref<8x2048xf32, #tpu.memory_space<vmem>>) target_semaphore(%arg38 : memref<!tpu.dma_semaphore, #tpu.memory_space<semaphore_mem>>)
      } else {
      }
      %eq3A_111 = arith.constant 6 : i32
      %eq3A_112 = arith.cmpi eq, %select_n3A_64, %eq3A_111 : i32
      %convert_element_type3A_113 = arith.extui %eq3A_112 : i1 to i32
      %cond3A_114 = arith.constant 0 : i32
      %cond3A_115 = arith.cmpi ne, %convert_element_type3A_113, %cond3A_114 : i32
      scf.if %cond3A_115 {
        %dma_start3A_265 = tpu.memref_slice %arg10[%multiple_of3A, %multiple_of3A_83] : memref<32x100000xf32, #tpu.memory_space<hbm>> -> memref<8x2048xf32, #tpu.memory_space<hbm>>
        %dma_start3A_266 = tpu.memref_slice %arg10[%multiple_of3A, %multiple_of3A_83] : memref<32x100000xf32, #tpu.memory_space<hbm>> -> memref<8x2048xf32, #tpu.memory_space<hbm>>
        tpu.enqueue_dma source(%dma_start3A_266 : memref<8x2048xf32, #tpu.memory_space<hbm>>) target(%arg32 : memref<8x2048xf32, #tpu.memory_space<vmem>>) target_semaphore(%arg38 : memref<!tpu.dma_semaphore, #tpu.memory_space<semaphore_mem>>)
      } else {
      }
      %eq3A_116 = arith.constant 7 : i32
      %eq3A_117 = arith.cmpi eq, %select_n3A_64, %eq3A_116 : i32
      %convert_element_type3A_118 = arith.extui %eq3A_117 : i1 to i32
      %cond3A_119 = arith.constant 0 : i32
      %cond3A_120 = arith.cmpi ne, %convert_element_type3A_118, %cond3A_119 : i32
      scf.if %cond3A_120 {
        %dma_start3A_265 = tpu.memref_slice %arg11[%multiple_of3A, %multiple_of3A_83] : memref<32x100000xf32, #tpu.memory_space<hbm>> -> memref<8x2048xf32, #tpu.memory_space<hbm>>
        %dma_start3A_266 = tpu.memref_slice %arg11[%multiple_of3A, %multiple_of3A_83] : memref<32x100000xf32, #tpu.memory_space<hbm>> -> memref<8x2048xf32, #tpu.memory_space<hbm>>
        tpu.enqueue_dma source(%dma_start3A_266 : memref<8x2048xf32, #tpu.memory_space<hbm>>) target(%arg32 : memref<8x2048xf32, #tpu.memory_space<vmem>>) target_semaphore(%arg38 : memref<!tpu.dma_semaphore, #tpu.memory_space<semaphore_mem>>)
      } else {
      }
      %eq3A_121 = arith.constant 8 : i32
      %eq3A_122 = arith.cmpi eq, %select_n3A_64, %eq3A_121 : i32
      %convert_element_type3A_123 = arith.extui %eq3A_122 : i1 to i32
      %cond3A_124 = arith.constant 0 : i32
      %cond3A_125 = arith.cmpi ne, %convert_element_type3A_123, %cond3A_124 : i32
      scf.if %cond3A_125 {
        %dma_start3A_265 = tpu.memref_slice %arg12[%multiple_of3A, %multiple_of3A_83] : memref<32x100000xf32, #tpu.memory_space<hbm>> -> memref<8x2048xf32, #tpu.memory_space<hbm>>
        %dma_start3A_266 = tpu.memref_slice %arg12[%multiple_of3A, %multiple_of3A_83] : memref<32x100000xf32, #tpu.memory_space<hbm>> -> memref<8x2048xf32, #tpu.memory_space<hbm>>
        tpu.enqueue_dma source(%dma_start3A_266 : memref<8x2048xf32, #tpu.memory_space<hbm>>) target(%arg32 : memref<8x2048xf32, #tpu.memory_space<vmem>>) target_semaphore(%arg38 : memref<!tpu.dma_semaphore, #tpu.memory_space<semaphore_mem>>)
      } else {
      }
      %eq3A_126 = arith.constant 9 : i32
      %eq3A_127 = arith.cmpi eq, %select_n3A_64, %eq3A_126 : i32
      %convert_element_type3A_128 = arith.extui %eq3A_127 : i1 to i32
      %cond3A_129 = arith.constant 0 : i32
      %cond3A_130 = arith.cmpi ne, %convert_element_type3A_128, %cond3A_129 : i32
      scf.if %cond3A_130 {
        %dma_start3A_265 = tpu.memref_slice %arg13[%multiple_of3A, %multiple_of3A_83] : memref<32x100000xf32, #tpu.memory_space<hbm>> -> memref<8x2048xf32, #tpu.memory_space<hbm>>
        %dma_start3A_266 = tpu.memref_slice %arg13[%multiple_of3A, %multiple_of3A_83] : memref<32x100000xf32, #tpu.memory_space<hbm>> -> memref<8x2048xf32, #tpu.memory_space<hbm>>
        tpu.enqueue_dma source(%dma_start3A_266 : memref<8x2048xf32, #tpu.memory_space<hbm>>) target(%arg32 : memref<8x2048xf32, #tpu.memory_space<vmem>>) target_semaphore(%arg38 : memref<!tpu.dma_semaphore, #tpu.memory_space<semaphore_mem>>)
      } else {
      }
      %eq3A_131 = arith.constant 10 : i32
      %eq3A_132 = arith.cmpi eq, %select_n3A_64, %eq3A_131 : i32
      %convert_element_type3A_133 = arith.extui %eq3A_132 : i1 to i32
      %cond3A_134 = arith.constant 0 : i32
      %cond3A_135 = arith.cmpi ne, %convert_element_type3A_133, %cond3A_134 : i32
      scf.if %cond3A_135 {
        %dma_start3A_265 = tpu.memref_slice %arg14[%multiple_of3A, %multiple_of3A_83] : memref<32x100000xf32, #tpu.memory_space<hbm>> -> memref<8x2048xf32, #tpu.memory_space<hbm>>
        %dma_start3A_266 = tpu.memref_slice %arg14[%multiple_of3A, %multiple_of3A_83] : memref<32x100000xf32, #tpu.memory_space<hbm>> -> memref<8x2048xf32, #tpu.memory_space<hbm>>
        tpu.enqueue_dma source(%dma_start3A_266 : memref<8x2048xf32, #tpu.memory_space<hbm>>) target(%arg32 : memref<8x2048xf32, #tpu.memory_space<vmem>>) target_semaphore(%arg38 : memref<!tpu.dma_semaphore, #tpu.memory_space<semaphore_mem>>)
      } else {
      }
      %eq3A_136 = arith.constant 11 : i32
      %eq3A_137 = arith.cmpi eq, %select_n3A_64, %eq3A_136 : i32
      %convert_element_type3A_138 = arith.extui %eq3A_137 : i1 to i32
      %cond3A_139 = arith.constant 0 : i32
      %cond3A_140 = arith.cmpi ne, %convert_element_type3A_138, %cond3A_139 : i32
      scf.if %cond3A_140 {
        %dma_start3A_265 = tpu.memref_slice %arg15[%multiple_of3A, %multiple_of3A_83] : memref<32x100000xf32, #tpu.memory_space<hbm>> -> memref<8x2048xf32, #tpu.memory_space<hbm>>
        %dma_start3A_266 = tpu.memref_slice %arg15[%multiple_of3A, %multiple_of3A_83] : memref<32x100000xf32, #tpu.memory_space<hbm>> -> memref<8x2048xf32, #tpu.memory_space<hbm>>
        tpu.enqueue_dma source(%dma_start3A_266 : memref<8x2048xf32, #tpu.memory_space<hbm>>) target(%arg32 : memref<8x2048xf32, #tpu.memory_space<vmem>>) target_semaphore(%arg38 : memref<!tpu.dma_semaphore, #tpu.memory_space<semaphore_mem>>)
      } else {
      }
      %eq3A_141 = arith.constant 12 : i32
      %eq3A_142 = arith.cmpi eq, %select_n3A_64, %eq3A_141 : i32
      %convert_element_type3A_143 = arith.extui %eq3A_142 : i1 to i32
      %cond3A_144 = arith.constant 0 : i32
      %cond3A_145 = arith.cmpi ne, %convert_element_type3A_143, %cond3A_144 : i32
      scf.if %cond3A_145 {
        %dma_start3A_265 = tpu.memref_slice %arg16[%multiple_of3A, %multiple_of3A_83] : memref<32x100000xf32, #tpu.memory_space<hbm>> -> memref<8x2048xf32, #tpu.memory_space<hbm>>
        %dma_start3A_266 = tpu.memref_slice %arg16[%multiple_of3A, %multiple_of3A_83] : memref<32x100000xf32, #tpu.memory_space<hbm>> -> memref<8x2048xf32, #tpu.memory_space<hbm>>
        tpu.enqueue_dma source(%dma_start3A_266 : memref<8x2048xf32, #tpu.memory_space<hbm>>) target(%arg32 : memref<8x2048xf32, #tpu.memory_space<vmem>>) target_semaphore(%arg38 : memref<!tpu.dma_semaphore, #tpu.memory_space<semaphore_mem>>)
      } else {
      }
      %eq3A_146 = arith.constant 13 : i32
      %eq3A_147 = arith.cmpi eq, %select_n3A_64, %eq3A_146 : i32
      %convert_element_type3A_148 = arith.extui %eq3A_147 : i1 to i32
      %cond3A_149 = arith.constant 0 : i32
      %cond3A_150 = arith.cmpi ne, %convert_element_type3A_148, %cond3A_149 : i32
      scf.if %cond3A_150 {
        %dma_start3A_265 = tpu.memref_slice %arg17[%multiple_of3A, %multiple_of3A_83] : memref<32x100000xf32, #tpu.memory_space<hbm>> -> memref<8x2048xf32, #tpu.memory_space<hbm>>
        %dma_start3A_266 = tpu.memref_slice %arg17[%multiple_of3A, %multiple_of3A_83] : memref<32x100000xf32, #tpu.memory_space<hbm>> -> memref<8x2048xf32, #tpu.memory_space<hbm>>
        tpu.enqueue_dma source(%dma_start3A_266 : memref<8x2048xf32, #tpu.memory_space<hbm>>) target(%arg32 : memref<8x2048xf32, #tpu.memory_space<vmem>>) target_semaphore(%arg38 : memref<!tpu.dma_semaphore, #tpu.memory_space<semaphore_mem>>)
      } else {
      }
      %eq3A_151 = arith.constant 14 : i32
      %eq3A_152 = arith.cmpi eq, %select_n3A_64, %eq3A_151 : i32
      %convert_element_type3A_153 = arith.extui %eq3A_152 : i1 to i32
      %cond3A_154 = arith.constant 0 : i32
      %cond3A_155 = arith.cmpi ne, %convert_element_type3A_153, %cond3A_154 : i32
      scf.if %cond3A_155 {
        %dma_start3A_265 = tpu.memref_slice %arg18[%multiple_of3A, %multiple_of3A_83] : memref<32x100000xf32, #tpu.memory_space<hbm>> -> memref<8x2048xf32, #tpu.memory_space<hbm>>
        %dma_start3A_266 = tpu.memref_slice %arg18[%multiple_of3A, %multiple_of3A_83] : memref<32x100000xf32, #tpu.memory_space<hbm>> -> memref<8x2048xf32, #tpu.memory_space<hbm>>
        tpu.enqueue_dma source(%dma_start3A_266 : memref<8x2048xf32, #tpu.memory_space<hbm>>) target(%arg32 : memref<8x2048xf32, #tpu.memory_space<vmem>>) target_semaphore(%arg38 : memref<!tpu.dma_semaphore, #tpu.memory_space<semaphore_mem>>)
      } else {
      }
      %eq3A_156 = arith.constant 15 : i32
      %eq3A_157 = arith.cmpi eq, %select_n3A_64, %eq3A_156 : i32
      %convert_element_type3A_158 = arith.extui %eq3A_157 : i1 to i32
      %cond3A_159 = arith.constant 0 : i32
      %cond3A_160 = arith.cmpi ne, %convert_element_type3A_158, %cond3A_159 : i32
      scf.if %cond3A_160 {
        %dma_start3A_265 = tpu.memref_slice %arg19[%multiple_of3A, %multiple_of3A_83] : memref<32x100000xf32, #tpu.memory_space<hbm>> -> memref<8x2048xf32, #tpu.memory_space<hbm>>
        %dma_start3A_266 = tpu.memref_slice %arg19[%multiple_of3A, %multiple_of3A_83] : memref<32x100000xf32, #tpu.memory_space<hbm>> -> memref<8x2048xf32, #tpu.memory_space<hbm>>
        tpu.enqueue_dma source(%dma_start3A_266 : memref<8x2048xf32, #tpu.memory_space<hbm>>) target(%arg32 : memref<8x2048xf32, #tpu.memory_space<vmem>>) target_semaphore(%arg38 : memref<!tpu.dma_semaphore, #tpu.memory_space<semaphore_mem>>)
      } else {
      }
      %eq3A_161 = arith.constant 16 : i32
      %eq3A_162 = arith.cmpi eq, %select_n3A_64, %eq3A_161 : i32
      %convert_element_type3A_163 = arith.extui %eq3A_162 : i1 to i32
      %cond3A_164 = arith.constant 0 : i32
      %cond3A_165 = arith.cmpi ne, %convert_element_type3A_163, %cond3A_164 : i32
      scf.if %cond3A_165 {
        %dma_start3A_265 = tpu.memref_slice %arg20[%multiple_of3A, %multiple_of3A_83] : memref<32x100000xf32, #tpu.memory_space<hbm>> -> memref<8x2048xf32, #tpu.memory_space<hbm>>
        %dma_start3A_266 = tpu.memref_slice %arg20[%multiple_of3A, %multiple_of3A_83] : memref<32x100000xf32, #tpu.memory_space<hbm>> -> memref<8x2048xf32, #tpu.memory_space<hbm>>
        tpu.enqueue_dma source(%dma_start3A_266 : memref<8x2048xf32, #tpu.memory_space<hbm>>) target(%arg32 : memref<8x2048xf32, #tpu.memory_space<vmem>>) target_semaphore(%arg38 : memref<!tpu.dma_semaphore, #tpu.memory_space<semaphore_mem>>)
      } else {
      }
      %eq3A_166 = arith.constant 17 : i32
      %eq3A_167 = arith.cmpi eq, %select_n3A_64, %eq3A_166 : i32
      %convert_element_type3A_168 = arith.extui %eq3A_167 : i1 to i32
      %cond3A_169 = arith.constant 0 : i32
      %cond3A_170 = arith.cmpi ne, %convert_element_type3A_168, %cond3A_169 : i32
      scf.if %cond3A_170 {
        %dma_start3A_265 = tpu.memref_slice %arg21[%multiple_of3A, %multiple_of3A_83] : memref<32x100000xf32, #tpu.memory_space<hbm>> -> memref<8x2048xf32, #tpu.memory_space<hbm>>
        %dma_start3A_266 = tpu.memref_slice %arg21[%multiple_of3A, %multiple_of3A_83] : memref<32x100000xf32, #tpu.memory_space<hbm>> -> memref<8x2048xf32, #tpu.memory_space<hbm>>
        tpu.enqueue_dma source(%dma_start3A_266 : memref<8x2048xf32, #tpu.memory_space<hbm>>) target(%arg32 : memref<8x2048xf32, #tpu.memory_space<vmem>>) target_semaphore(%arg38 : memref<!tpu.dma_semaphore, #tpu.memory_space<semaphore_mem>>)
      } else {
      }
      %eq3A_171 = arith.constant 18 : i32
      %eq3A_172 = arith.cmpi eq, %select_n3A_64, %eq3A_171 : i32
      %convert_element_type3A_173 = arith.extui %eq3A_172 : i1 to i32
      %cond3A_174 = arith.constant 0 : i32
      %cond3A_175 = arith.cmpi ne, %convert_element_type3A_173, %cond3A_174 : i32
      scf.if %cond3A_175 {
        %dma_start3A_265 = tpu.memref_slice %arg22[%multiple_of3A, %multiple_of3A_83] : memref<32x100000xf32, #tpu.memory_space<hbm>> -> memref<8x2048xf32, #tpu.memory_space<hbm>>
        %dma_start3A_266 = tpu.memref_slice %arg22[%multiple_of3A, %multiple_of3A_83] : memref<32x100000xf32, #tpu.memory_space<hbm>> -> memref<8x2048xf32, #tpu.memory_space<hbm>>
        tpu.enqueue_dma source(%dma_start3A_266 : memref<8x2048xf32, #tpu.memory_space<hbm>>) target(%arg32 : memref<8x2048xf32, #tpu.memory_space<vmem>>) target_semaphore(%arg38 : memref<!tpu.dma_semaphore, #tpu.memory_space<semaphore_mem>>)
      } else {
      }
      %eq3A_176 = arith.constant 19 : i32
      %eq3A_177 = arith.cmpi eq, %select_n3A_64, %eq3A_176 : i32
      %convert_element_type3A_178 = arith.extui %eq3A_177 : i1 to i32
      %cond3A_179 = arith.constant 0 : i32
      %cond3A_180 = arith.cmpi ne, %convert_element_type3A_178, %cond3A_179 : i32
      scf.if %cond3A_180 {
        %dma_start3A_265 = tpu.memref_slice %arg23[%multiple_of3A, %multiple_of3A_83] : memref<32x100000xf32, #tpu.memory_space<hbm>> -> memref<8x2048xf32, #tpu.memory_space<hbm>>
        %dma_start3A_266 = tpu.memref_slice %arg23[%multiple_of3A, %multiple_of3A_83] : memref<32x100000xf32, #tpu.memory_space<hbm>> -> memref<8x2048xf32, #tpu.memory_space<hbm>>
        tpu.enqueue_dma source(%dma_start3A_266 : memref<8x2048xf32, #tpu.memory_space<hbm>>) target(%arg32 : memref<8x2048xf32, #tpu.memory_space<vmem>>) target_semaphore(%arg38 : memref<!tpu.dma_semaphore, #tpu.memory_space<semaphore_mem>>)
      } else {
      }
      %scan3A_181 = arith.constant 0 : i32
      %scan3A_182 = arith.constant 0 : i32
      %scan3A_183 = arith.constant 24 : i32
      %scan3A_184 = arith.addi %scan3A_182, %scan3A_183 : i32
      %scan3A_185 = arith.constant 1 : i32
      %scan3A_186 = scf.for %scan3A_265 = %scan3A_182 to %scan3A_184 step %scan3A_185 iter_args(%scan3A_266 = %scan3A_181) -> (i32)  : i32 {
        %mul3A_267 = arith.constant 2 : i32
        %mul3A_268 = arith.muli %scan3A_265, %mul3A_267 : i32
        %add3A_269 = arith.constant 1 : i32
        %add3A_270 = arith.addi %mul3A_268, %add3A_269 : i32
        %le3A = arith.constant 48 : i32
        %le3A_271 = arith.cmpi sle, %add3A_270, %le3A : i32
        %convert_element_type3A_272 = arith.extui %le3A_271 : i1 to i32
        %cond3A_273 = arith.constant 0 : i32
        %cond3A_274 = arith.cmpi ne, %convert_element_type3A_272, %cond3A_273 : i32
        scf.if %cond3A_274 {
          %add3A_372 = arith.constant 1 : i32
          %add3A_373 = arith.addi %mul3A_268, %add3A_372 : i32
          %eq3A_374 = arith.constant 48 : i32
          %eq3A_375 = arith.cmpi eq, %add3A_373, %eq3A_374 : i32
          %mul3A_376 = arith.constant 2048 : i32
          %mul3A_377 = arith.muli %add3A_373, %mul3A_376 : i32
          %jit3A_378 = arith.constant 97920 : i32
          %select_n3A_379 = arith.select %eq3A_375, %jit3A_378, %mul3A_377 : i32
          %multiple_of3A_380 = tpu.assume_multiple %select_n3A_379, 128 : i32
          %eq3A_381 = arith.constant 0 : i32
          %eq3A_382 = arith.cmpi eq, %select_n3A_64, %eq3A_381 : i32
          %convert_element_type3A_383 = arith.extui %eq3A_382 : i1 to i32
          %cond3A_384 = arith.constant 0 : i32
          %cond3A_385 = arith.cmpi ne, %convert_element_type3A_383, %cond3A_384 : i32
          scf.if %cond3A_385 {
            %dma_start3A_481 = tpu.memref_slice %arg4[%multiple_of3A, %multiple_of3A_380] : memref<96x100000xf32, #tpu.memory_space<hbm>> -> memref<8x2048xf32, #tpu.memory_space<hbm>>
            %dma_start3A_482 = tpu.memref_slice %arg4[%multiple_of3A, %multiple_of3A_380] : memref<96x100000xf32, #tpu.memory_space<hbm>> -> memref<8x2048xf32, #tpu.memory_space<hbm>>
            tpu.enqueue_dma source(%dma_start3A_482 : memref<8x2048xf32, #tpu.memory_space<hbm>>) target(%arg33 : memref<8x2048xf32, #tpu.memory_space<vmem>>) target_semaphore(%arg39 : memref<!tpu.dma_semaphore, #tpu.memory_space<semaphore_mem>>)
          } else {
          }
          %eq3A_386 = arith.constant 1 : i32
          %eq3A_387 = arith.cmpi eq, %select_n3A_64, %eq3A_386 : i32
          %convert_element_type3A_388 = arith.extui %eq3A_387 : i1 to i32
          %cond3A_389 = arith.constant 0 : i32
          %cond3A_390 = arith.cmpi ne, %convert_element_type3A_388, %cond3A_389 : i32
          scf.if %cond3A_390 {
            %dma_start3A_481 = tpu.memref_slice %arg5[%multiple_of3A, %multiple_of3A_380] : memref<96x100000xf32, #tpu.memory_space<hbm>> -> memref<8x2048xf32, #tpu.memory_space<hbm>>
            %dma_start3A_482 = tpu.memref_slice %arg5[%multiple_of3A, %multiple_of3A_380] : memref<96x100000xf32, #tpu.memory_space<hbm>> -> memref<8x2048xf32, #tpu.memory_space<hbm>>
            tpu.enqueue_dma source(%dma_start3A_482 : memref<8x2048xf32, #tpu.memory_space<hbm>>) target(%arg33 : memref<8x2048xf32, #tpu.memory_space<vmem>>) target_semaphore(%arg39 : memref<!tpu.dma_semaphore, #tpu.memory_space<semaphore_mem>>)
          } else {
          }
          %eq3A_391 = arith.constant 2 : i32
          %eq3A_392 = arith.cmpi eq, %select_n3A_64, %eq3A_391 : i32
          %convert_element_type3A_393 = arith.extui %eq3A_392 : i1 to i32
          %cond3A_394 = arith.constant 0 : i32
          %cond3A_395 = arith.cmpi ne, %convert_element_type3A_393, %cond3A_394 : i32
          scf.if %cond3A_395 {
            %dma_start3A_481 = tpu.memref_slice %arg6[%multiple_of3A, %multiple_of3A_380] : memref<32x100000xf32, #tpu.memory_space<hbm>> -> memref<8x2048xf32, #tpu.memory_space<hbm>>
            %dma_start3A_482 = tpu.memref_slice %arg6[%multiple_of3A, %multiple_of3A_380] : memref<32x100000xf32, #tpu.memory_space<hbm>> -> memref<8x2048xf32, #tpu.memory_space<hbm>>
            tpu.enqueue_dma source(%dma_start3A_482 : memref<8x2048xf32, #tpu.memory_space<hbm>>) target(%arg33 : memref<8x2048xf32, #tpu.memory_space<vmem>>) target_semaphore(%arg39 : memref<!tpu.dma_semaphore, #tpu.memory_space<semaphore_mem>>)
          } else {
          }
          %eq3A_396 = arith.constant 3 : i32
          %eq3A_397 = arith.cmpi eq, %select_n3A_64, %eq3A_396 : i32
          %convert_element_type3A_398 = arith.extui %eq3A_397 : i1 to i32
          %cond3A_399 = arith.constant 0 : i32
          %cond3A_400 = arith.cmpi ne, %convert_element_type3A_398, %cond3A_399 : i32
          scf.if %cond3A_400 {
            %dma_start3A_481 = tpu.memref_slice %arg7[%multiple_of3A, %multiple_of3A_380] : memref<32x100000xf32, #tpu.memory_space<hbm>> -> memref<8x2048xf32, #tpu.memory_space<hbm>>
            %dma_start3A_482 = tpu.memref_slice %arg7[%multiple_of3A, %multiple_of3A_380] : memref<32x100000xf32, #tpu.memory_space<hbm>> -> memref<8x2048xf32, #tpu.memory_space<hbm>>
            tpu.enqueue_dma source(%dma_start3A_482 : memref<8x2048xf32, #tpu.memory_space<hbm>>) target(%arg33 : memref<8x2048xf32, #tpu.memory_space<vmem>>) target_semaphore(%arg39 : memref<!tpu.dma_semaphore, #tpu.memory_space<semaphore_mem>>)
          } else {
          }
          %eq3A_401 = arith.constant 4 : i32
          %eq3A_402 = arith.cmpi eq, %select_n3A_64, %eq3A_401 : i32
          %convert_element_type3A_403 = arith.extui %eq3A_402 : i1 to i32
          %cond3A_404 = arith.constant 0 : i32
          %cond3A_405 = arith.cmpi ne, %convert_element_type3A_403, %cond3A_404 : i32
          scf.if %cond3A_405 {
            %dma_start3A_481 = tpu.memref_slice %arg8[%multiple_of3A, %multiple_of3A_380] : memref<32x100000xf32, #tpu.memory_space<hbm>> -> memref<8x2048xf32, #tpu.memory_space<hbm>>
            %dma_start3A_482 = tpu.memref_slice %arg8[%multiple_of3A, %multiple_of3A_380] : memref<32x100000xf32, #tpu.memory_space<hbm>> -> memref<8x2048xf32, #tpu.memory_space<hbm>>
            tpu.enqueue_dma source(%dma_start3A_482 : memref<8x2048xf32, #tpu.memory_space<hbm>>) target(%arg33 : memref<8x2048xf32, #tpu.memory_space<vmem>>) target_semaphore(%arg39 : memref<!tpu.dma_semaphore, #tpu.memory_space<semaphore_mem>>)
          } else {
          }
          %eq3A_406 = arith.constant 5 : i32
          %eq3A_407 = arith.cmpi eq, %select_n3A_64, %eq3A_406 : i32
          %convert_element_type3A_408 = arith.extui %eq3A_407 : i1 to i32
          %cond3A_409 = arith.constant 0 : i32
          %cond3A_410 = arith.cmpi ne, %convert_element_type3A_408, %cond3A_409 : i32
          scf.if %cond3A_410 {
            %dma_start3A_481 = tpu.memref_slice %arg9[%multiple_of3A, %multiple_of3A_380] : memref<32x100000xf32, #tpu.memory_space<hbm>> -> memref<8x2048xf32, #tpu.memory_space<hbm>>
            %dma_start3A_482 = tpu.memref_slice %arg9[%multiple_of3A, %multiple_of3A_380] : memref<32x100000xf32, #tpu.memory_space<hbm>> -> memref<8x2048xf32, #tpu.memory_space<hbm>>
            tpu.enqueue_dma source(%dma_start3A_482 : memref<8x2048xf32, #tpu.memory_space<hbm>>) target(%arg33 : memref<8x2048xf32, #tpu.memory_space<vmem>>) target_semaphore(%arg39 : memref<!tpu.dma_semaphore, #tpu.memory_space<semaphore_mem>>)
          } else {
          }
          %eq3A_411 = arith.constant 6 : i32
          %eq3A_412 = arith.cmpi eq, %select_n3A_64, %eq3A_411 : i32
          %convert_element_type3A_413 = arith.extui %eq3A_412 : i1 to i32
          %cond3A_414 = arith.constant 0 : i32
          %cond3A_415 = arith.cmpi ne, %convert_element_type3A_413, %cond3A_414 : i32
          scf.if %cond3A_415 {
            %dma_start3A_481 = tpu.memref_slice %arg10[%multiple_of3A, %multiple_of3A_380] : memref<32x100000xf32, #tpu.memory_space<hbm>> -> memref<8x2048xf32, #tpu.memory_space<hbm>>
            %dma_start3A_482 = tpu.memref_slice %arg10[%multiple_of3A, %multiple_of3A_380] : memref<32x100000xf32, #tpu.memory_space<hbm>> -> memref<8x2048xf32, #tpu.memory_space<hbm>>
            tpu.enqueue_dma source(%dma_start3A_482 : memref<8x2048xf32, #tpu.memory_space<hbm>>) target(%arg33 : memref<8x2048xf32, #tpu.memory_space<vmem>>) target_semaphore(%arg39 : memref<!tpu.dma_semaphore, #tpu.memory_space<semaphore_mem>>)
          } else {
          }
          %eq3A_416 = arith.constant 7 : i32
          %eq3A_417 = arith.cmpi eq, %select_n3A_64, %eq3A_416 : i32
          %convert_element_type3A_418 = arith.extui %eq3A_417 : i1 to i32
          %cond3A_419 = arith.constant 0 : i32
          %cond3A_420 = arith.cmpi ne, %convert_element_type3A_418, %cond3A_419 : i32
          scf.if %cond3A_420 {
            %dma_start3A_481 = tpu.memref_slice %arg11[%multiple_of3A, %multiple_of3A_380] : memref<32x100000xf32, #tpu.memory_space<hbm>> -> memref<8x2048xf32, #tpu.memory_space<hbm>>
            %dma_start3A_482 = tpu.memref_slice %arg11[%multiple_of3A, %multiple_of3A_380] : memref<32x100000xf32, #tpu.memory_space<hbm>> -> memref<8x2048xf32, #tpu.memory_space<hbm>>
            tpu.enqueue_dma source(%dma_start3A_482 : memref<8x2048xf32, #tpu.memory_space<hbm>>) target(%arg33 : memref<8x2048xf32, #tpu.memory_space<vmem>>) target_semaphore(%arg39 : memref<!tpu.dma_semaphore, #tpu.memory_space<semaphore_mem>>)
          } else {
          }
          %eq3A_421 = arith.constant 8 : i32
          %eq3A_422 = arith.cmpi eq, %select_n3A_64, %eq3A_421 : i32
          %convert_element_type3A_423 = arith.extui %eq3A_422 : i1 to i32
          %cond3A_424 = arith.constant 0 : i32
          %cond3A_425 = arith.cmpi ne, %convert_element_type3A_423, %cond3A_424 : i32
          scf.if %cond3A_425 {
            %dma_start3A_481 = tpu.memref_slice %arg12[%multiple_of3A, %multiple_of3A_380] : memref<32x100000xf32, #tpu.memory_space<hbm>> -> memref<8x2048xf32, #tpu.memory_space<hbm>>
            %dma_start3A_482 = tpu.memref_slice %arg12[%multiple_of3A, %multiple_of3A_380] : memref<32x100000xf32, #tpu.memory_space<hbm>> -> memref<8x2048xf32, #tpu.memory_space<hbm>>
            tpu.enqueue_dma source(%dma_start3A_482 : memref<8x2048xf32, #tpu.memory_space<hbm>>) target(%arg33 : memref<8x2048xf32, #tpu.memory_space<vmem>>) target_semaphore(%arg39 : memref<!tpu.dma_semaphore, #tpu.memory_space<semaphore_mem>>)
          } else {
          }
          %eq3A_426 = arith.constant 9 : i32
          %eq3A_427 = arith.cmpi eq, %select_n3A_64, %eq3A_426 : i32
          %convert_element_type3A_428 = arith.extui %eq3A_427 : i1 to i32
          %cond3A_429 = arith.constant 0 : i32
          %cond3A_430 = arith.cmpi ne, %convert_element_type3A_428, %cond3A_429 : i32
          scf.if %cond3A_430 {
            %dma_start3A_481 = tpu.memref_slice %arg13[%multiple_of3A, %multiple_of3A_380] : memref<32x100000xf32, #tpu.memory_space<hbm>> -> memref<8x2048xf32, #tpu.memory_space<hbm>>
            %dma_start3A_482 = tpu.memref_slice %arg13[%multiple_of3A, %multiple_of3A_380] : memref<32x100000xf32, #tpu.memory_space<hbm>> -> memref<8x2048xf32, #tpu.memory_space<hbm>>
            tpu.enqueue_dma source(%dma_start3A_482 : memref<8x2048xf32, #tpu.memory_space<hbm>>) target(%arg33 : memref<8x2048xf32, #tpu.memory_space<vmem>>) target_semaphore(%arg39 : memref<!tpu.dma_semaphore, #tpu.memory_space<semaphore_mem>>)
          } else {
          }
          %eq3A_431 = arith.constant 10 : i32
          %eq3A_432 = arith.cmpi eq, %select_n3A_64, %eq3A_431 : i32
          %convert_element_type3A_433 = arith.extui %eq3A_432 : i1 to i32
          %cond3A_434 = arith.constant 0 : i32
          %cond3A_435 = arith.cmpi ne, %convert_element_type3A_433, %cond3A_434 : i32
          scf.if %cond3A_435 {
            %dma_start3A_481 = tpu.memref_slice %arg14[%multiple_of3A, %multiple_of3A_380] : memref<32x100000xf32, #tpu.memory_space<hbm>> -> memref<8x2048xf32, #tpu.memory_space<hbm>>
            %dma_start3A_482 = tpu.memref_slice %arg14[%multiple_of3A, %multiple_of3A_380] : memref<32x100000xf32, #tpu.memory_space<hbm>> -> memref<8x2048xf32, #tpu.memory_space<hbm>>
            tpu.enqueue_dma source(%dma_start3A_482 : memref<8x2048xf32, #tpu.memory_space<hbm>>) target(%arg33 : memref<8x2048xf32, #tpu.memory_space<vmem>>) target_semaphore(%arg39 : memref<!tpu.dma_semaphore, #tpu.memory_space<semaphore_mem>>)
          } else {
          }
          %eq3A_436 = arith.constant 11 : i32
          %eq3A_437 = arith.cmpi eq, %select_n3A_64, %eq3A_436 : i32
          %convert_element_type3A_438 = arith.extui %eq3A_437 : i1 to i32
          %cond3A_439 = arith.constant 0 : i32
          %cond3A_440 = arith.cmpi ne, %convert_element_type3A_438, %cond3A_439 : i32
          scf.if %cond3A_440 {
            %dma_start3A_481 = tpu.memref_slice %arg15[%multiple_of3A, %multiple_of3A_380] : memref<32x100000xf32, #tpu.memory_space<hbm>> -> memref<8x2048xf32, #tpu.memory_space<hbm>>
            %dma_start3A_482 = tpu.memref_slice %arg15[%multiple_of3A, %multiple_of3A_380] : memref<32x100000xf32, #tpu.memory_space<hbm>> -> memref<8x2048xf32, #tpu.memory_space<hbm>>
            tpu.enqueue_dma source(%dma_start3A_482 : memref<8x2048xf32, #tpu.memory_space<hbm>>) target(%arg33 : memref<8x2048xf32, #tpu.memory_space<vmem>>) target_semaphore(%arg39 : memref<!tpu.dma_semaphore, #tpu.memory_space<semaphore_mem>>)
          } else {
          }
          %eq3A_441 = arith.constant 12 : i32
          %eq3A_442 = arith.cmpi eq, %select_n3A_64, %eq3A_441 : i32
          %convert_element_type3A_443 = arith.extui %eq3A_442 : i1 to i32
          %cond3A_444 = arith.constant 0 : i32
          %cond3A_445 = arith.cmpi ne, %convert_element_type3A_443, %cond3A_444 : i32
          scf.if %cond3A_445 {
            %dma_start3A_481 = tpu.memref_slice %arg16[%multiple_of3A, %multiple_of3A_380] : memref<32x100000xf32, #tpu.memory_space<hbm>> -> memref<8x2048xf32, #tpu.memory_space<hbm>>
            %dma_start3A_482 = tpu.memref_slice %arg16[%multiple_of3A, %multiple_of3A_380] : memref<32x100000xf32, #tpu.memory_space<hbm>> -> memref<8x2048xf32, #tpu.memory_space<hbm>>
            tpu.enqueue_dma source(%dma_start3A_482 : memref<8x2048xf32, #tpu.memory_space<hbm>>) target(%arg33 : memref<8x2048xf32, #tpu.memory_space<vmem>>) target_semaphore(%arg39 : memref<!tpu.dma_semaphore, #tpu.memory_space<semaphore_mem>>)
          } else {
          }
          %eq3A_446 = arith.constant 13 : i32
          %eq3A_447 = arith.cmpi eq, %select_n3A_64, %eq3A_446 : i32
          %convert_element_type3A_448 = arith.extui %eq3A_447 : i1 to i32
          %cond3A_449 = arith.constant 0 : i32
          %cond3A_450 = arith.cmpi ne, %convert_element_type3A_448, %cond3A_449 : i32
          scf.if %cond3A_450 {
            %dma_start3A_481 = tpu.memref_slice %arg17[%multiple_of3A, %multiple_of3A_380] : memref<32x100000xf32, #tpu.memory_space<hbm>> -> memref<8x2048xf32, #tpu.memory_space<hbm>>
            %dma_start3A_482 = tpu.memref_slice %arg17[%multiple_of3A, %multiple_of3A_380] : memref<32x100000xf32, #tpu.memory_space<hbm>> -> memref<8x2048xf32, #tpu.memory_space<hbm>>
            tpu.enqueue_dma source(%dma_start3A_482 : memref<8x2048xf32, #tpu.memory_space<hbm>>) target(%arg33 : memref<8x2048xf32, #tpu.memory_space<vmem>>) target_semaphore(%arg39 : memref<!tpu.dma_semaphore, #tpu.memory_space<semaphore_mem>>)
          } else {
          }
          %eq3A_451 = arith.constant 14 : i32
          %eq3A_452 = arith.cmpi eq, %select_n3A_64, %eq3A_451 : i32
          %convert_element_type3A_453 = arith.extui %eq3A_452 : i1 to i32
          %cond3A_454 = arith.constant 0 : i32
          %cond3A_455 = arith.cmpi ne, %convert_element_type3A_453, %cond3A_454 : i32
          scf.if %cond3A_455 {
            %dma_start3A_481 = tpu.memref_slice %arg18[%multiple_of3A, %multiple_of3A_380] : memref<32x100000xf32, #tpu.memory_space<hbm>> -> memref<8x2048xf32, #tpu.memory_space<hbm>>
            %dma_start3A_482 = tpu.memref_slice %arg18[%multiple_of3A, %multiple_of3A_380] : memref<32x100000xf32, #tpu.memory_space<hbm>> -> memref<8x2048xf32, #tpu.memory_space<hbm>>
            tpu.enqueue_dma source(%dma_start3A_482 : memref<8x2048xf32, #tpu.memory_space<hbm>>) target(%arg33 : memref<8x2048xf32, #tpu.memory_space<vmem>>) target_semaphore(%arg39 : memref<!tpu.dma_semaphore, #tpu.memory_space<semaphore_mem>>)
          } else {
          }
          %eq3A_456 = arith.constant 15 : i32
          %eq3A_457 = arith.cmpi eq, %select_n3A_64, %eq3A_456 : i32
          %convert_element_type3A_458 = arith.extui %eq3A_457 : i1 to i32
          %cond3A_459 = arith.constant 0 : i32
          %cond3A_460 = arith.cmpi ne, %convert_element_type3A_458, %cond3A_459 : i32
          scf.if %cond3A_460 {
            %dma_start3A_481 = tpu.memref_slice %arg19[%multiple_of3A, %multiple_of3A_380] : memref<32x100000xf32, #tpu.memory_space<hbm>> -> memref<8x2048xf32, #tpu.memory_space<hbm>>
            %dma_start3A_482 = tpu.memref_slice %arg19[%multiple_of3A, %multiple_of3A_380] : memref<32x100000xf32, #tpu.memory_space<hbm>> -> memref<8x2048xf32, #tpu.memory_space<hbm>>
            tpu.enqueue_dma source(%dma_start3A_482 : memref<8x2048xf32, #tpu.memory_space<hbm>>) target(%arg33 : memref<8x2048xf32, #tpu.memory_space<vmem>>) target_semaphore(%arg39 : memref<!tpu.dma_semaphore, #tpu.memory_space<semaphore_mem>>)
          } else {
          }
          %eq3A_461 = arith.constant 16 : i32
          %eq3A_462 = arith.cmpi eq, %select_n3A_64, %eq3A_461 : i32
          %convert_element_type3A_463 = arith.extui %eq3A_462 : i1 to i32
          %cond3A_464 = arith.constant 0 : i32
          %cond3A_465 = arith.cmpi ne, %convert_element_type3A_463, %cond3A_464 : i32
          scf.if %cond3A_465 {
            %dma_start3A_481 = tpu.memref_slice %arg20[%multiple_of3A, %multiple_of3A_380] : memref<32x100000xf32, #tpu.memory_space<hbm>> -> memref<8x2048xf32, #tpu.memory_space<hbm>>
            %dma_start3A_482 = tpu.memref_slice %arg20[%multiple_of3A, %multiple_of3A_380] : memref<32x100000xf32, #tpu.memory_space<hbm>> -> memref<8x2048xf32, #tpu.memory_space<hbm>>
            tpu.enqueue_dma source(%dma_start3A_482 : memref<8x2048xf32, #tpu.memory_space<hbm>>) target(%arg33 : memref<8x2048xf32, #tpu.memory_space<vmem>>) target_semaphore(%arg39 : memref<!tpu.dma_semaphore, #tpu.memory_space<semaphore_mem>>)
          } else {
          }
          %eq3A_466 = arith.constant 17 : i32
          %eq3A_467 = arith.cmpi eq, %select_n3A_64, %eq3A_466 : i32
          %convert_element_type3A_468 = arith.extui %eq3A_467 : i1 to i32
          %cond3A_469 = arith.constant 0 : i32
          %cond3A_470 = arith.cmpi ne, %convert_element_type3A_468, %cond3A_469 : i32
          scf.if %cond3A_470 {
            %dma_start3A_481 = tpu.memref_slice %arg21[%multiple_of3A, %multiple_of3A_380] : memref<32x100000xf32, #tpu.memory_space<hbm>> -> memref<8x2048xf32, #tpu.memory_space<hbm>>
            %dma_start3A_482 = tpu.memref_slice %arg21[%multiple_of3A, %multiple_of3A_380] : memref<32x100000xf32, #tpu.memory_space<hbm>> -> memref<8x2048xf32, #tpu.memory_space<hbm>>
            tpu.enqueue_dma source(%dma_start3A_482 : memref<8x2048xf32, #tpu.memory_space<hbm>>) target(%arg33 : memref<8x2048xf32, #tpu.memory_space<vmem>>) target_semaphore(%arg39 : memref<!tpu.dma_semaphore, #tpu.memory_space<semaphore_mem>>)
          } else {
          }
          %eq3A_471 = arith.constant 18 : i32
          %eq3A_472 = arith.cmpi eq, %select_n3A_64, %eq3A_471 : i32
          %convert_element_type3A_473 = arith.extui %eq3A_472 : i1 to i32
          %cond3A_474 = arith.constant 0 : i32
          %cond3A_475 = arith.cmpi ne, %convert_element_type3A_473, %cond3A_474 : i32
          scf.if %cond3A_475 {
            %dma_start3A_481 = tpu.memref_slice %arg22[%multiple_of3A, %multiple_of3A_380] : memref<32x100000xf32, #tpu.memory_space<hbm>> -> memref<8x2048xf32, #tpu.memory_space<hbm>>
            %dma_start3A_482 = tpu.memref_slice %arg22[%multiple_of3A, %multiple_of3A_380] : memref<32x100000xf32, #tpu.memory_space<hbm>> -> memref<8x2048xf32, #tpu.memory_space<hbm>>
            tpu.enqueue_dma source(%dma_start3A_482 : memref<8x2048xf32, #tpu.memory_space<hbm>>) target(%arg33 : memref<8x2048xf32, #tpu.memory_space<vmem>>) target_semaphore(%arg39 : memref<!tpu.dma_semaphore, #tpu.memory_space<semaphore_mem>>)
          } else {
          }
          %eq3A_476 = arith.constant 19 : i32
          %eq3A_477 = arith.cmpi eq, %select_n3A_64, %eq3A_476 : i32
          %convert_element_type3A_478 = arith.extui %eq3A_477 : i1 to i32
          %cond3A_479 = arith.constant 0 : i32
          %cond3A_480 = arith.cmpi ne, %convert_element_type3A_478, %cond3A_479 : i32
          scf.if %cond3A_480 {
            %dma_start3A_481 = tpu.memref_slice %arg23[%multiple_of3A, %multiple_of3A_380] : memref<32x100000xf32, #tpu.memory_space<hbm>> -> memref<8x2048xf32, #tpu.memory_space<hbm>>
            %dma_start3A_482 = tpu.memref_slice %arg23[%multiple_of3A, %multiple_of3A_380] : memref<32x100000xf32, #tpu.memory_space<hbm>> -> memref<8x2048xf32, #tpu.memory_space<hbm>>
            tpu.enqueue_dma source(%dma_start3A_482 : memref<8x2048xf32, #tpu.memory_space<hbm>>) target(%arg33 : memref<8x2048xf32, #tpu.memory_space<vmem>>) target_semaphore(%arg39 : memref<!tpu.dma_semaphore, #tpu.memory_space<semaphore_mem>>)
          } else {
          }
        } else {
        }
        %dma_wait3A_275 = arith.constant 0 : i32
        %dma_wait3A_276 = arith.constant 0 : i32
        %dma_wait3A_277 = tpu.memref_slice %arg4[%dma_wait3A_275, %dma_wait3A_276] : memref<96x100000xf32, #tpu.memory_space<hbm>> -> memref<8x2048xf32, #tpu.memory_space<hbm>>
        %dma_wait3A_278 = arith.constant 0 : i32
        %dma_wait3A_279 = arith.constant 0 : i32
        %dma_wait3A_280 = tpu.memref_slice %arg4[%dma_wait3A_278, %dma_wait3A_279] : memref<96x100000xf32, #tpu.memory_space<hbm>> -> memref<8x2048xf32, #tpu.memory_space<hbm>>
        tpu.wait_dma2 semaphore(%arg38 : memref<!tpu.dma_semaphore, #tpu.memory_space<semaphore_mem>>) src(%dma_wait3A_280 : memref<8x2048xf32, #tpu.memory_space<hbm>>) dst(%arg32 : memref<8x2048xf32, #tpu.memory_space<vmem>>)
        %mul3A_281 = arith.constant 2 : i32
        %mul3A_282 = arith.muli %mul3A_281, %mul3A_268 : i32
        %add3A_283 = arith.constant 0 : i32
        %add3A_284 = arith.addi %mul3A_282, %add3A_283 : i32
        %get3A_285 = arith.index_cast %add3A_284 : i32 to index
        %get3A_286 = memref.load %arg36[%get3A_285] : memref<100xi32, #tpu.memory_space<smem>>
        %add3A_287 = arith.constant 1 : i32
        %add3A_288 = arith.addi %mul3A_268, %add3A_287 : i32
        %mul3A_289 = arith.constant 2 : i32
        %mul3A_290 = arith.muli %mul3A_289, %add3A_288 : i32
        %add3A_291 = arith.constant 0 : i32
        %add3A_292 = arith.addi %mul3A_290, %add3A_291 : i32
        %get3A_293 = arith.index_cast %add3A_292 : i32 to index
        %get3A_294 = memref.load %arg36[%get3A_293] : memref<100xi32, #tpu.memory_space<smem>>
        %sub3A_295 = arith.subi %get3A_294, %get3A_286 : i32
        %add3A_296 = arith.constant 15 : i32
        %add3A_297 = arith.addi %sub3A_295, %add3A_296 : i32
        %div3A_298 = arith.constant 16 : i32
        %div3A_299 = arith.divsi %add3A_297, %div3A_298 : i32
        %eq3A_300 = arith.constant 48 : i32
        %eq3A_301 = arith.cmpi eq, %mul3A_268, %eq3A_300 : i32
        %mul3A_302 = arith.constant 2048 : i32
        %mul3A_303 = arith.muli %mul3A_268, %mul3A_302 : i32
        %jit3A_304 = arith.constant 97920 : i32
        %select_n3A_305 = arith.select %eq3A_301, %jit3A_304, %mul3A_303 : i32
        %multiple_of3A_306 = tpu.assume_multiple %select_n3A_305, 128 : i32
        %while3A_307 = arith.constant 0 : i32
        %while3A_308 = arith.constant 0 : i32
        %while3A_309 = arith.subi %div3A_299, %while3A_307 : i32
        %while3A_310 = arith.addi %while3A_307, %while3A_309 : i32
        %while3A_311 = arith.constant 1 : i32
        %while3A_312 = arith.divsi %while3A_309, %while3A_311 : i32
        %while3A_313 = arith.muli %while3A_312, %while3A_311 : i32
        %while3A_314 = arith.addi %while3A_307, %while3A_313 : i32
        %while3A_315 = arith.constant 1 : i32
        %while3A_316 = scf.for %while3A_372 = %while3A_307 to %while3A_314 step %while3A_315 iter_args(%while3A_373 = %while3A_308) -> (i32)  : i32 {
          %mul3A_374 = arith.constant 16 : i32
          %mul3A_375 = arith.muli %while3A_372, %mul3A_374 : i32
          %add3A_376 = arith.addi %get3A_286, %mul3A_375 : i32
          %add3A_377 = vector.broadcast %add3A_376 : i32 to vector<16xi32>
          %add3A_378 = arith.addi %add3A_377, %iota3A : vector<16xi32>
          %gather3A = tpu.vector_load_idx %arg30[%add3A_378] : memref<4112xi32, #tpu.memory_space<vmem>>[vector<16xi32>], vector<16xi32>,
          %add3A_379 = vector.broadcast %add3A_376 : i32 to vector<16xi32>
          %add3A_380 = arith.addi %add3A_379, %iota3A : vector<16xi32>
          %lt3A_381 = vector.broadcast %get3A_294 : i32 to vector<16xi32>
          %lt3A_382 = arith.cmpi slt, %add3A_380, %lt3A_381 : vector<16xi32>
          %shift_right_arithmetic3A_383 = arith.constant 12 : i32
          %shift_right_arithmetic3A_384 = vector.broadcast %shift_right_arithmetic3A_383 : i32 to vector<16xi32>
          %shift_right_arithmetic3A_385 = arith.shrsi %gather3A, %shift_right_arithmetic3A_384 : vector<16xi32>
          %and3A_386 = arith.constant 4095 : i32
          %and3A_387 = vector.broadcast %and3A_386 : i32 to vector<16xi32>
          %and3A_388 = arith.andi %gather3A, %and3A_387 : vector<16xi32>
          %sub3A_389 = vector.broadcast %multiple_of3A_306 : i32 to vector<16xi32>
          %sub3A_390 = arith.subi %shift_right_arithmetic3A_385, %sub3A_389 : vector<16xi32>
          %jit3A_391 = arith.constant 0 : i32
          %jit3A_392 = arith.constant 2047 : i32
          %max3A = vector.broadcast %jit3A_391 : i32 to vector<16xi32>
          %max3A_393 = arith.maxsi %max3A, %sub3A_390 : vector<16xi32>
          %min3A = vector.broadcast %jit3A_392 : i32 to vector<16xi32>
          %min3A_394 = arith.minsi %min3A, %max3A_393 : vector<16xi32>
          %broadcast_in_dim3A = arith.constant 0 : i32
          %broadcast_in_dim3A_395 = vector.broadcast %broadcast_in_dim3A : i32 to vector<16xi32>
          %gather3A_396 = tpu.vector_load_idx %arg32[%broadcast_in_dim3A_395, %min3A_394] : memref<8x2048xf32, #tpu.memory_space<vmem>>[vector<16xi32>, vector<16xi32>], vector<16xf32>,
          tpu.vector_store_idx %arg34[%broadcast_in_dim3A_395, %and3A_388], %gather3A_396 masked %lt3A_382 : memref<8x4096xf32, #tpu.memory_space<vmem>>[vector<16xi32>, vector<16xi32>], vector<16xf32>, vector<16xi1>
          %broadcast_in_dim3A_397 = arith.constant 1 : i32
          %broadcast_in_dim3A_398 = vector.broadcast %broadcast_in_dim3A_397 : i32 to vector<16xi32>
          %gather3A_399 = tpu.vector_load_idx %arg32[%broadcast_in_dim3A_398, %min3A_394] : memref<8x2048xf32, #tpu.memory_space<vmem>>[vector<16xi32>, vector<16xi32>], vector<16xf32>,
          tpu.vector_store_idx %arg34[%broadcast_in_dim3A_398, %and3A_388], %gather3A_399 masked %lt3A_382 : memref<8x4096xf32, #tpu.memory_space<vmem>>[vector<16xi32>, vector<16xi32>], vector<16xf32>, vector<16xi1>
          %broadcast_in_dim3A_400 = arith.constant 2 : i32
          %broadcast_in_dim3A_401 = vector.broadcast %broadcast_in_dim3A_400 : i32 to vector<16xi32>
          %gather3A_402 = tpu.vector_load_idx %arg32[%broadcast_in_dim3A_401, %min3A_394] : memref<8x2048xf32, #tpu.memory_space<vmem>>[vector<16xi32>, vector<16xi32>], vector<16xf32>,
          tpu.vector_store_idx %arg34[%broadcast_in_dim3A_401, %and3A_388], %gather3A_402 masked %lt3A_382 : memref<8x4096xf32, #tpu.memory_space<vmem>>[vector<16xi32>, vector<16xi32>], vector<16xf32>, vector<16xi1>
          %broadcast_in_dim3A_403 = arith.constant 3 : i32
          %broadcast_in_dim3A_404 = vector.broadcast %broadcast_in_dim3A_403 : i32 to vector<16xi32>
          %gather3A_405 = tpu.vector_load_idx %arg32[%broadcast_in_dim3A_404, %min3A_394] : memref<8x2048xf32, #tpu.memory_space<vmem>>[vector<16xi32>, vector<16xi32>], vector<16xf32>,
          tpu.vector_store_idx %arg34[%broadcast_in_dim3A_404, %and3A_388], %gather3A_405 masked %lt3A_382 : memref<8x4096xf32, #tpu.memory_space<vmem>>[vector<16xi32>, vector<16xi32>], vector<16xf32>, vector<16xi1>
          %broadcast_in_dim3A_406 = arith.constant 4 : i32
          %broadcast_in_dim3A_407 = vector.broadcast %broadcast_in_dim3A_406 : i32 to vector<16xi32>
          %gather3A_408 = tpu.vector_load_idx %arg32[%broadcast_in_dim3A_407, %min3A_394] : memref<8x2048xf32, #tpu.memory_space<vmem>>[vector<16xi32>, vector<16xi32>], vector<16xf32>,
          tpu.vector_store_idx %arg34[%broadcast_in_dim3A_407, %and3A_388], %gather3A_408 masked %lt3A_382 : memref<8x4096xf32, #tpu.memory_space<vmem>>[vector<16xi32>, vector<16xi32>], vector<16xf32>, vector<16xi1>
          %broadcast_in_dim3A_409 = arith.constant 5 : i32
          %broadcast_in_dim3A_410 = vector.broadcast %broadcast_in_dim3A_409 : i32 to vector<16xi32>
          %gather3A_411 = tpu.vector_load_idx %arg32[%broadcast_in_dim3A_410, %min3A_394] : memref<8x2048xf32, #tpu.memory_space<vmem>>[vector<16xi32>, vector<16xi32>], vector<16xf32>,
          tpu.vector_store_idx %arg34[%broadcast_in_dim3A_410, %and3A_388], %gather3A_411 masked %lt3A_382 : memref<8x4096xf32, #tpu.memory_space<vmem>>[vector<16xi32>, vector<16xi32>], vector<16xf32>, vector<16xi1>
          %broadcast_in_dim3A_412 = arith.constant 6 : i32
          %broadcast_in_dim3A_413 = vector.broadcast %broadcast_in_dim3A_412 : i32 to vector<16xi32>
          %gather3A_414 = tpu.vector_load_idx %arg32[%broadcast_in_dim3A_413, %min3A_394] : memref<8x2048xf32, #tpu.memory_space<vmem>>[vector<16xi32>, vector<16xi32>], vector<16xf32>,
          tpu.vector_store_idx %arg34[%broadcast_in_dim3A_413, %and3A_388], %gather3A_414 masked %lt3A_382 : memref<8x4096xf32, #tpu.memory_space<vmem>>[vector<16xi32>, vector<16xi32>], vector<16xf32>, vector<16xi1>
          %broadcast_in_dim3A_415 = arith.constant 7 : i32
          %broadcast_in_dim3A_416 = vector.broadcast %broadcast_in_dim3A_415 : i32 to vector<16xi32>
          %gather3A_417 = tpu.vector_load_idx %arg32[%broadcast_in_dim3A_416, %min3A_394] : memref<8x2048xf32, #tpu.memory_space<vmem>>[vector<16xi32>, vector<16xi32>], vector<16xf32>,
          tpu.vector_store_idx %arg34[%broadcast_in_dim3A_416, %and3A_388], %gather3A_417 masked %lt3A_382 : memref<8x4096xf32, #tpu.memory_space<vmem>>[vector<16xi32>, vector<16xi32>], vector<16xf32>, vector<16xi1>
          %while3A_418 = arith.constant 0 : i32
          scf.yield %while3A_418 : i32
        }
        %while3A_317 = arith.constant 1 : i32
        %while3A_318 = scf.for %while3A_372 = %while3A_314 to %while3A_310 step %while3A_317 iter_args(%while3A_373 = %while3A_316) -> (i32)  : i32 {
          %mul3A_374 = arith.constant 16 : i32
          %mul3A_375 = arith.muli %while3A_372, %mul3A_374 : i32
          %add3A_376 = arith.addi %get3A_286, %mul3A_375 : i32
          %add3A_377 = vector.broadcast %add3A_376 : i32 to vector<16xi32>
          %add3A_378 = arith.addi %add3A_377, %iota3A : vector<16xi32>
          %gather3A = tpu.vector_load_idx %arg30[%add3A_378] : memref<4112xi32, #tpu.memory_space<vmem>>[vector<16xi32>], vector<16xi32>,
          %add3A_379 = vector.broadcast %add3A_376 : i32 to vector<16xi32>
          %add3A_380 = arith.addi %add3A_379, %iota3A : vector<16xi32>
          %lt3A_381 = vector.broadcast %get3A_294 : i32 to vector<16xi32>
          %lt3A_382 = arith.cmpi slt, %add3A_380, %lt3A_381 : vector<16xi32>
          %shift_right_arithmetic3A_383 = arith.constant 12 : i32
          %shift_right_arithmetic3A_384 = vector.broadcast %shift_right_arithmetic3A_383 : i32 to vector<16xi32>
          %shift_right_arithmetic3A_385 = arith.shrsi %gather3A, %shift_right_arithmetic3A_384 : vector<16xi32>
          %and3A_386 = arith.constant 4095 : i32
          %and3A_387 = vector.broadcast %and3A_386 : i32 to vector<16xi32>
          %and3A_388 = arith.andi %gather3A, %and3A_387 : vector<16xi32>
          %sub3A_389 = vector.broadcast %multiple_of3A_306 : i32 to vector<16xi32>
          %sub3A_390 = arith.subi %shift_right_arithmetic3A_385, %sub3A_389 : vector<16xi32>
          %jit3A_391 = arith.constant 0 : i32
          %jit3A_392 = arith.constant 2047 : i32
          %max3A = vector.broadcast %jit3A_391 : i32 to vector<16xi32>
          %max3A_393 = arith.maxsi %max3A, %sub3A_390 : vector<16xi32>
          %min3A = vector.broadcast %jit3A_392 : i32 to vector<16xi32>
          %min3A_394 = arith.minsi %min3A, %max3A_393 : vector<16xi32>
          %broadcast_in_dim3A = arith.constant 0 : i32
          %broadcast_in_dim3A_395 = vector.broadcast %broadcast_in_dim3A : i32 to vector<16xi32>
          %gather3A_396 = tpu.vector_load_idx %arg32[%broadcast_in_dim3A_395, %min3A_394] : memref<8x2048xf32, #tpu.memory_space<vmem>>[vector<16xi32>, vector<16xi32>], vector<16xf32>,
          tpu.vector_store_idx %arg34[%broadcast_in_dim3A_395, %and3A_388], %gather3A_396 masked %lt3A_382 : memref<8x4096xf32, #tpu.memory_space<vmem>>[vector<16xi32>, vector<16xi32>], vector<16xf32>, vector<16xi1>
          %broadcast_in_dim3A_397 = arith.constant 1 : i32
          %broadcast_in_dim3A_398 = vector.broadcast %broadcast_in_dim3A_397 : i32 to vector<16xi32>
          %gather3A_399 = tpu.vector_load_idx %arg32[%broadcast_in_dim3A_398, %min3A_394] : memref<8x2048xf32, #tpu.memory_space<vmem>>[vector<16xi32>, vector<16xi32>], vector<16xf32>,
          tpu.vector_store_idx %arg34[%broadcast_in_dim3A_398, %and3A_388], %gather3A_399 masked %lt3A_382 : memref<8x4096xf32, #tpu.memory_space<vmem>>[vector<16xi32>, vector<16xi32>], vector<16xf32>, vector<16xi1>
          %broadcast_in_dim3A_400 = arith.constant 2 : i32
          %broadcast_in_dim3A_401 = vector.broadcast %broadcast_in_dim3A_400 : i32 to vector<16xi32>
          %gather3A_402 = tpu.vector_load_idx %arg32[%broadcast_in_dim3A_401, %min3A_394] : memref<8x2048xf32, #tpu.memory_space<vmem>>[vector<16xi32>, vector<16xi32>], vector<16xf32>,
          tpu.vector_store_idx %arg34[%broadcast_in_dim3A_401, %and3A_388], %gather3A_402 masked %lt3A_382 : memref<8x4096xf32, #tpu.memory_space<vmem>>[vector<16xi32>, vector<16xi32>], vector<16xf32>, vector<16xi1>
          %broadcast_in_dim3A_403 = arith.constant 3 : i32
          %broadcast_in_dim3A_404 = vector.broadcast %broadcast_in_dim3A_403 : i32 to vector<16xi32>
          %gather3A_405 = tpu.vector_load_idx %arg32[%broadcast_in_dim3A_404, %min3A_394] : memref<8x2048xf32, #tpu.memory_space<vmem>>[vector<16xi32>, vector<16xi32>], vector<16xf32>,
          tpu.vector_store_idx %arg34[%broadcast_in_dim3A_404, %and3A_388], %gather3A_405 masked %lt3A_382 : memref<8x4096xf32, #tpu.memory_space<vmem>>[vector<16xi32>, vector<16xi32>], vector<16xf32>, vector<16xi1>
          %broadcast_in_dim3A_406 = arith.constant 4 : i32
          %broadcast_in_dim3A_407 = vector.broadcast %broadcast_in_dim3A_406 : i32 to vector<16xi32>
          %gather3A_408 = tpu.vector_load_idx %arg32[%broadcast_in_dim3A_407, %min3A_394] : memref<8x2048xf32, #tpu.memory_space<vmem>>[vector<16xi32>, vector<16xi32>], vector<16xf32>,
          tpu.vector_store_idx %arg34[%broadcast_in_dim3A_407, %and3A_388], %gather3A_408 masked %lt3A_382 : memref<8x4096xf32, #tpu.memory_space<vmem>>[vector<16xi32>, vector<16xi32>], vector<16xf32>, vector<16xi1>
          %broadcast_in_dim3A_409 = arith.constant 5 : i32
          %broadcast_in_dim3A_410 = vector.broadcast %broadcast_in_dim3A_409 : i32 to vector<16xi32>
          %gather3A_411 = tpu.vector_load_idx %arg32[%broadcast_in_dim3A_410, %min3A_394] : memref<8x2048xf32, #tpu.memory_space<vmem>>[vector<16xi32>, vector<16xi32>], vector<16xf32>,
          tpu.vector_store_idx %arg34[%broadcast_in_dim3A_410, %and3A_388], %gather3A_411 masked %lt3A_382 : memref<8x4096xf32, #tpu.memory_space<vmem>>[vector<16xi32>, vector<16xi32>], vector<16xf32>, vector<16xi1>
          %broadcast_in_dim3A_412 = arith.constant 6 : i32
          %broadcast_in_dim3A_413 = vector.broadcast %broadcast_in_dim3A_412 : i32 to vector<16xi32>
          %gather3A_414 = tpu.vector_load_idx %arg32[%broadcast_in_dim3A_413, %min3A_394] : memref<8x2048xf32, #tpu.memory_space<vmem>>[vector<16xi32>, vector<16xi32>], vector<16xf32>,
          tpu.vector_store_idx %arg34[%broadcast_in_dim3A_413, %and3A_388], %gather3A_414 masked %lt3A_382 : memref<8x4096xf32, #tpu.memory_space<vmem>>[vector<16xi32>, vector<16xi32>], vector<16xf32>, vector<16xi1>
          %broadcast_in_dim3A_415 = arith.constant 7 : i32
          %broadcast_in_dim3A_416 = vector.broadcast %broadcast_in_dim3A_415 : i32 to vector<16xi32>
          %gather3A_417 = tpu.vector_load_idx %arg32[%broadcast_in_dim3A_416, %min3A_394] : memref<8x2048xf32, #tpu.memory_space<vmem>>[vector<16xi32>, vector<16xi32>], vector<16xf32>,
          tpu.vector_store_idx %arg34[%broadcast_in_dim3A_416, %and3A_388], %gather3A_417 masked %lt3A_382 : memref<8x4096xf32, #tpu.memory_space<vmem>>[vector<16xi32>, vector<16xi32>], vector<16xf32>, vector<16xi1>
          %while3A_418 = arith.constant 0 : i32
          scf.yield %while3A_418 : i32
        }
        %mul3A_319 = arith.constant 2 : i32
        %mul3A_320 = arith.muli %mul3A_319, %mul3A_268 : i32
        %add3A_321 = arith.constant 1 : i32
        %add3A_322 = arith.addi %mul3A_320, %add3A_321 : i32
        %get3A_323 = arith.index_cast %add3A_322 : i32 to index
        %get3A_324 = memref.load %arg36[%get3A_323] : memref<100xi32, #tpu.memory_space<smem>>
        %add3A_325 = arith.constant 1 : i32
        %add3A_326 = arith.addi %mul3A_268, %add3A_325 : i32
        %mul3A_327 = arith.constant 2 : i32
        %mul3A_328 = arith.muli %mul3A_327, %add3A_326 : i32
        %add3A_329 = arith.constant 1 : i32
        %add3A_330 = arith.addi %mul3A_328, %add3A_329 : i32
        %get3A_331 = arith.index_cast %add3A_330 : i32 to index
        %get3A_332 = memref.load %arg36[%get3A_331] : memref<100xi32, #tpu.memory_space<smem>>
        %sub3A_333 = arith.subi %get3A_332, %get3A_324 : i32
        %add3A_334 = arith.constant 15 : i32
        %add3A_335 = arith.addi %sub3A_333, %add3A_334 : i32
        %div3A_336 = arith.constant 16 : i32
        %div3A_337 = arith.divsi %add3A_335, %div3A_336 : i32
        %eq3A_338 = arith.constant 48 : i32
        %eq3A_339 = arith.cmpi eq, %mul3A_268, %eq3A_338 : i32
        %mul3A_340 = arith.constant 2048 : i32
        %mul3A_341 = arith.muli %mul3A_268, %mul3A_340 : i32
        %jit3A_342 = arith.constant 97920 : i32
        %select_n3A_343 = arith.select %eq3A_339, %jit3A_342, %mul3A_341 : i32
        %multiple_of3A_344 = tpu.assume_multiple %select_n3A_343, 128 : i32
        %while3A_345 = arith.constant 0 : i32
        %while3A_346 = arith.constant 0 : i32
        %while3A_347 = arith.subi %div3A_337, %while3A_345 : i32
        %while3A_348 = arith.addi %while3A_345, %while3A_347 : i32
        %while3A_349 = arith.constant 1 : i32
        %while3A_350 = arith.divsi %while3A_347, %while3A_349 : i32
        %while3A_351 = arith.muli %while3A_350, %while3A_349 : i32
        %while3A_352 = arith.addi %while3A_345, %while3A_351 : i32
        %while3A_353 = arith.constant 1 : i32
        %while3A_354 = scf.for %while3A_372 = %while3A_345 to %while3A_352 step %while3A_353 iter_args(%while3A_373 = %while3A_346) -> (i32)  : i32 {
          %mul3A_374 = arith.constant 16 : i32
          %mul3A_375 = arith.muli %while3A_372, %mul3A_374 : i32
          %add3A_376 = arith.addi %get3A_324, %mul3A_375 : i32
          %add3A_377 = vector.broadcast %add3A_376 : i32 to vector<16xi32>
          %add3A_378 = arith.addi %add3A_377, %iota3A : vector<16xi32>
          %gather3A = tpu.vector_load_idx %arg31[%add3A_378] : memref<4112xi32, #tpu.memory_space<vmem>>[vector<16xi32>], vector<16xi32>,
          %add3A_379 = vector.broadcast %add3A_376 : i32 to vector<16xi32>
          %add3A_380 = arith.addi %add3A_379, %iota3A : vector<16xi32>
          %lt3A_381 = vector.broadcast %get3A_332 : i32 to vector<16xi32>
          %lt3A_382 = arith.cmpi slt, %add3A_380, %lt3A_381 : vector<16xi32>
          %shift_right_arithmetic3A_383 = arith.constant 12 : i32
          %shift_right_arithmetic3A_384 = vector.broadcast %shift_right_arithmetic3A_383 : i32 to vector<16xi32>
          %shift_right_arithmetic3A_385 = arith.shrsi %gather3A, %shift_right_arithmetic3A_384 : vector<16xi32>
          %and3A_386 = arith.constant 4095 : i32
          %and3A_387 = vector.broadcast %and3A_386 : i32 to vector<16xi32>
          %and3A_388 = arith.andi %gather3A, %and3A_387 : vector<16xi32>
          %sub3A_389 = vector.broadcast %multiple_of3A_344 : i32 to vector<16xi32>
          %sub3A_390 = arith.subi %shift_right_arithmetic3A_385, %sub3A_389 : vector<16xi32>
          %jit3A_391 = arith.constant 0 : i32
          %jit3A_392 = arith.constant 2047 : i32
          %max3A = vector.broadcast %jit3A_391 : i32 to vector<16xi32>
          %max3A_393 = arith.maxsi %max3A, %sub3A_390 : vector<16xi32>
          %min3A = vector.broadcast %jit3A_392 : i32 to vector<16xi32>
          %min3A_394 = arith.minsi %min3A, %max3A_393 : vector<16xi32>
          %broadcast_in_dim3A = arith.constant 0 : i32
          %broadcast_in_dim3A_395 = vector.broadcast %broadcast_in_dim3A : i32 to vector<16xi32>
          %gather3A_396 = tpu.vector_load_idx %arg32[%broadcast_in_dim3A_395, %min3A_394] : memref<8x2048xf32, #tpu.memory_space<vmem>>[vector<16xi32>, vector<16xi32>], vector<16xf32>,
          tpu.vector_store_idx %arg35[%broadcast_in_dim3A_395, %and3A_388], %gather3A_396 masked %lt3A_382 : memref<8x4096xf32, #tpu.memory_space<vmem>>[vector<16xi32>, vector<16xi32>], vector<16xf32>, vector<16xi1>
          %broadcast_in_dim3A_397 = arith.constant 1 : i32
          %broadcast_in_dim3A_398 = vector.broadcast %broadcast_in_dim3A_397 : i32 to vector<16xi32>
          %gather3A_399 = tpu.vector_load_idx %arg32[%broadcast_in_dim3A_398, %min3A_394] : memref<8x2048xf32, #tpu.memory_space<vmem>>[vector<16xi32>, vector<16xi32>], vector<16xf32>,
          tpu.vector_store_idx %arg35[%broadcast_in_dim3A_398, %and3A_388], %gather3A_399 masked %lt3A_382 : memref<8x4096xf32, #tpu.memory_space<vmem>>[vector<16xi32>, vector<16xi32>], vector<16xf32>, vector<16xi1>
          %broadcast_in_dim3A_400 = arith.constant 2 : i32
          %broadcast_in_dim3A_401 = vector.broadcast %broadcast_in_dim3A_400 : i32 to vector<16xi32>
          %gather3A_402 = tpu.vector_load_idx %arg32[%broadcast_in_dim3A_401, %min3A_394] : memref<8x2048xf32, #tpu.memory_space<vmem>>[vector<16xi32>, vector<16xi32>], vector<16xf32>,
          tpu.vector_store_idx %arg35[%broadcast_in_dim3A_401, %and3A_388], %gather3A_402 masked %lt3A_382 : memref<8x4096xf32, #tpu.memory_space<vmem>>[vector<16xi32>, vector<16xi32>], vector<16xf32>, vector<16xi1>
          %broadcast_in_dim3A_403 = arith.constant 3 : i32
          %broadcast_in_dim3A_404 = vector.broadcast %broadcast_in_dim3A_403 : i32 to vector<16xi32>
          %gather3A_405 = tpu.vector_load_idx %arg32[%broadcast_in_dim3A_404, %min3A_394] : memref<8x2048xf32, #tpu.memory_space<vmem>>[vector<16xi32>, vector<16xi32>], vector<16xf32>,
          tpu.vector_store_idx %arg35[%broadcast_in_dim3A_404, %and3A_388], %gather3A_405 masked %lt3A_382 : memref<8x4096xf32, #tpu.memory_space<vmem>>[vector<16xi32>, vector<16xi32>], vector<16xf32>, vector<16xi1>
          %broadcast_in_dim3A_406 = arith.constant 4 : i32
          %broadcast_in_dim3A_407 = vector.broadcast %broadcast_in_dim3A_406 : i32 to vector<16xi32>
          %gather3A_408 = tpu.vector_load_idx %arg32[%broadcast_in_dim3A_407, %min3A_394] : memref<8x2048xf32, #tpu.memory_space<vmem>>[vector<16xi32>, vector<16xi32>], vector<16xf32>,
          tpu.vector_store_idx %arg35[%broadcast_in_dim3A_407, %and3A_388], %gather3A_408 masked %lt3A_382 : memref<8x4096xf32, #tpu.memory_space<vmem>>[vector<16xi32>, vector<16xi32>], vector<16xf32>, vector<16xi1>
          %broadcast_in_dim3A_409 = arith.constant 5 : i32
          %broadcast_in_dim3A_410 = vector.broadcast %broadcast_in_dim3A_409 : i32 to vector<16xi32>
          %gather3A_411 = tpu.vector_load_idx %arg32[%broadcast_in_dim3A_410, %min3A_394] : memref<8x2048xf32, #tpu.memory_space<vmem>>[vector<16xi32>, vector<16xi32>], vector<16xf32>,
          tpu.vector_store_idx %arg35[%broadcast_in_dim3A_410, %and3A_388], %gather3A_411 masked %lt3A_382 : memref<8x4096xf32, #tpu.memory_space<vmem>>[vector<16xi32>, vector<16xi32>], vector<16xf32>, vector<16xi1>
          %broadcast_in_dim3A_412 = arith.constant 6 : i32
          %broadcast_in_dim3A_413 = vector.broadcast %broadcast_in_dim3A_412 : i32 to vector<16xi32>
          %gather3A_414 = tpu.vector_load_idx %arg32[%broadcast_in_dim3A_413, %min3A_394] : memref<8x2048xf32, #tpu.memory_space<vmem>>[vector<16xi32>, vector<16xi32>], vector<16xf32>,
          tpu.vector_store_idx %arg35[%broadcast_in_dim3A_413, %and3A_388], %gather3A_414 masked %lt3A_382 : memref<8x4096xf32, #tpu.memory_space<vmem>>[vector<16xi32>, vector<16xi32>], vector<16xf32>, vector<16xi1>
          %broadcast_in_dim3A_415 = arith.constant 7 : i32
          %broadcast_in_dim3A_416 = vector.broadcast %broadcast_in_dim3A_415 : i32 to vector<16xi32>
          %gather3A_417 = tpu.vector_load_idx %arg32[%broadcast_in_dim3A_416, %min3A_394] : memref<8x2048xf32, #tpu.memory_space<vmem>>[vector<16xi32>, vector<16xi32>], vector<16xf32>,
          tpu.vector_store_idx %arg35[%broadcast_in_dim3A_416, %and3A_388], %gather3A_417 masked %lt3A_382 : memref<8x4096xf32, #tpu.memory_space<vmem>>[vector<16xi32>, vector<16xi32>], vector<16xf32>, vector<16xi1>
          %while3A_418 = arith.constant 0 : i32
          scf.yield %while3A_418 : i32
        }
        %while3A_355 = arith.constant 1 : i32
        %while3A_356 = scf.for %while3A_372 = %while3A_352 to %while3A_348 step %while3A_355 iter_args(%while3A_373 = %while3A_354) -> (i32)  : i32 {
          %mul3A_374 = arith.constant 16 : i32
          %mul3A_375 = arith.muli %while3A_372, %mul3A_374 : i32
          %add3A_376 = arith.addi %get3A_324, %mul3A_375 : i32
          %add3A_377 = vector.broadcast %add3A_376 : i32 to vector<16xi32>
          %add3A_378 = arith.addi %add3A_377, %iota3A : vector<16xi32>
          %gather3A = tpu.vector_load_idx %arg31[%add3A_378] : memref<4112xi32, #tpu.memory_space<vmem>>[vector<16xi32>], vector<16xi32>,
          %add3A_379 = vector.broadcast %add3A_376 : i32 to vector<16xi32>
          %add3A_380 = arith.addi %add3A_379, %iota3A : vector<16xi32>
          %lt3A_381 = vector.broadcast %get3A_332 : i32 to vector<16xi32>
          %lt3A_382 = arith.cmpi slt, %add3A_380, %lt3A_381 : vector<16xi32>
          %shift_right_arithmetic3A_383 = arith.constant 12 : i32
          %shift_right_arithmetic3A_384 = vector.broadcast %shift_right_arithmetic3A_383 : i32 to vector<16xi32>
          %shift_right_arithmetic3A_385 = arith.shrsi %gather3A, %shift_right_arithmetic3A_384 : vector<16xi32>
          %and3A_386 = arith.constant 4095 : i32
          %and3A_387 = vector.broadcast %and3A_386 : i32 to vector<16xi32>
          %and3A_388 = arith.andi %gather3A, %and3A_387 : vector<16xi32>
          %sub3A_389 = vector.broadcast %multiple_of3A_344 : i32 to vector<16xi32>
          %sub3A_390 = arith.subi %shift_right_arithmetic3A_385, %sub3A_389 : vector<16xi32>
          %jit3A_391 = arith.constant 0 : i32
          %jit3A_392 = arith.constant 2047 : i32
          %max3A = vector.broadcast %jit3A_391 : i32 to vector<16xi32>
          %max3A_393 = arith.maxsi %max3A, %sub3A_390 : vector<16xi32>
          %min3A = vector.broadcast %jit3A_392 : i32 to vector<16xi32>
          %min3A_394 = arith.minsi %min3A, %max3A_393 : vector<16xi32>
          %broadcast_in_dim3A = arith.constant 0 : i32
          %broadcast_in_dim3A_395 = vector.broadcast %broadcast_in_dim3A : i32 to vector<16xi32>
          %gather3A_396 = tpu.vector_load_idx %arg32[%broadcast_in_dim3A_395, %min3A_394] : memref<8x2048xf32, #tpu.memory_space<vmem>>[vector<16xi32>, vector<16xi32>], vector<16xf32>,
          tpu.vector_store_idx %arg35[%broadcast_in_dim3A_395, %and3A_388], %gather3A_396 masked %lt3A_382 : memref<8x4096xf32, #tpu.memory_space<vmem>>[vector<16xi32>, vector<16xi32>], vector<16xf32>, vector<16xi1>
          %broadcast_in_dim3A_397 = arith.constant 1 : i32
          %broadcast_in_dim3A_398 = vector.broadcast %broadcast_in_dim3A_397 : i32 to vector<16xi32>
          %gather3A_399 = tpu.vector_load_idx %arg32[%broadcast_in_dim3A_398, %min3A_394] : memref<8x2048xf32, #tpu.memory_space<vmem>>[vector<16xi32>, vector<16xi32>], vector<16xf32>,
          tpu.vector_store_idx %arg35[%broadcast_in_dim3A_398, %and3A_388], %gather3A_399 masked %lt3A_382 : memref<8x4096xf32, #tpu.memory_space<vmem>>[vector<16xi32>, vector<16xi32>], vector<16xf32>, vector<16xi1>
          %broadcast_in_dim3A_400 = arith.constant 2 : i32
          %broadcast_in_dim3A_401 = vector.broadcast %broadcast_in_dim3A_400 : i32 to vector<16xi32>
          %gather3A_402 = tpu.vector_load_idx %arg32[%broadcast_in_dim3A_401, %min3A_394] : memref<8x2048xf32, #tpu.memory_space<vmem>>[vector<16xi32>, vector<16xi32>], vector<16xf32>,
          tpu.vector_store_idx %arg35[%broadcast_in_dim3A_401, %and3A_388], %gather3A_402 masked %lt3A_382 : memref<8x4096xf32, #tpu.memory_space<vmem>>[vector<16xi32>, vector<16xi32>], vector<16xf32>, vector<16xi1>
          %broadcast_in_dim3A_403 = arith.constant 3 : i32
          %broadcast_in_dim3A_404 = vector.broadcast %broadcast_in_dim3A_403 : i32 to vector<16xi32>
          %gather3A_405 = tpu.vector_load_idx %arg32[%broadcast_in_dim3A_404, %min3A_394] : memref<8x2048xf32, #tpu.memory_space<vmem>>[vector<16xi32>, vector<16xi32>], vector<16xf32>,
          tpu.vector_store_idx %arg35[%broadcast_in_dim3A_404, %and3A_388], %gather3A_405 masked %lt3A_382 : memref<8x4096xf32, #tpu.memory_space<vmem>>[vector<16xi32>, vector<16xi32>], vector<16xf32>, vector<16xi1>
          %broadcast_in_dim3A_406 = arith.constant 4 : i32
          %broadcast_in_dim3A_407 = vector.broadcast %broadcast_in_dim3A_406 : i32 to vector<16xi32>
          %gather3A_408 = tpu.vector_load_idx %arg32[%broadcast_in_dim3A_407, %min3A_394] : memref<8x2048xf32, #tpu.memory_space<vmem>>[vector<16xi32>, vector<16xi32>], vector<16xf32>,
          tpu.vector_store_idx %arg35[%broadcast_in_dim3A_407, %and3A_388], %gather3A_408 masked %lt3A_382 : memref<8x4096xf32, #tpu.memory_space<vmem>>[vector<16xi32>, vector<16xi32>], vector<16xf32>, vector<16xi1>
          %broadcast_in_dim3A_409 = arith.constant 5 : i32
          %broadcast_in_dim3A_410 = vector.broadcast %broadcast_in_dim3A_409 : i32 to vector<16xi32>
          %gather3A_411 = tpu.vector_load_idx %arg32[%broadcast_in_dim3A_410, %min3A_394] : memref<8x2048xf32, #tpu.memory_space<vmem>>[vector<16xi32>, vector<16xi32>], vector<16xf32>,
          tpu.vector_store_idx %arg35[%broadcast_in_dim3A_410, %and3A_388], %gather3A_411 masked %lt3A_382 : memref<8x4096xf32, #tpu.memory_space<vmem>>[vector<16xi32>, vector<16xi32>], vector<16xf32>, vector<16xi1>
          %broadcast_in_dim3A_412 = arith.constant 6 : i32
          %broadcast_in_dim3A_413 = vector.broadcast %broadcast_in_dim3A_412 : i32 to vector<16xi32>
          %gather3A_414 = tpu.vector_load_idx %arg32[%broadcast_in_dim3A_413, %min3A_394] : memref<8x2048xf32, #tpu.memory_space<vmem>>[vector<16xi32>, vector<16xi32>], vector<16xf32>,
          tpu.vector_store_idx %arg35[%broadcast_in_dim3A_413, %and3A_388], %gather3A_414 masked %lt3A_382 : memref<8x4096xf32, #tpu.memory_space<vmem>>[vector<16xi32>, vector<16xi32>], vector<16xf32>, vector<16xi1>
          %broadcast_in_dim3A_415 = arith.constant 7 : i32
          %broadcast_in_dim3A_416 = vector.broadcast %broadcast_in_dim3A_415 : i32 to vector<16xi32>
          %gather3A_417 = tpu.vector_load_idx %arg32[%broadcast_in_dim3A_416, %min3A_394] : memref<8x2048xf32, #tpu.memory_space<vmem>>[vector<16xi32>, vector<16xi32>], vector<16xf32>,
          tpu.vector_store_idx %arg35[%broadcast_in_dim3A_416, %and3A_388], %gather3A_417 masked %lt3A_382 : memref<8x4096xf32, #tpu.memory_space<vmem>>[vector<16xi32>, vector<16xi32>], vector<16xf32>, vector<16xi1>
          %while3A_418 = arith.constant 0 : i32
          scf.yield %while3A_418 : i32
        }
        %add3A_357 = arith.constant 2 : i32
        %add3A_358 = arith.addi %mul3A_268, %add3A_357 : i32
        %le3A_359 = arith.constant 48 : i32
        %le3A_360 = arith.cmpi sle, %add3A_358, %le3A_359 : i32
        %convert_element_type3A_361 = arith.extui %le3A_360 : i1 to i32
        %cond3A_362 = arith.constant 0 : i32
        %cond3A_363 = arith.cmpi ne, %convert_element_type3A_361, %cond3A_362 : i32
        scf.if %cond3A_363 {
          %add3A_372 = arith.constant 2 : i32
          %add3A_373 = arith.addi %mul3A_268, %add3A_372 : i32
          %eq3A_374 = arith.constant 48 : i32
          %eq3A_375 = arith.cmpi eq, %add3A_373, %eq3A_374 : i32
          %mul3A_376 = arith.constant 2048 : i32
          %mul3A_377 = arith.muli %add3A_373, %mul3A_376 : i32
          %jit3A_378 = arith.constant 97920 : i32
          %select_n3A_379 = arith.select %eq3A_375, %jit3A_378, %mul3A_377 : i32
          %multiple_of3A_380 = tpu.assume_multiple %select_n3A_379, 128 : i32
          %eq3A_381 = arith.constant 0 : i32
          %eq3A_382 = arith.cmpi eq, %select_n3A_64, %eq3A_381 : i32
          %convert_element_type3A_383 = arith.extui %eq3A_382 : i1 to i32
          %cond3A_384 = arith.constant 0 : i32
          %cond3A_385 = arith.cmpi ne, %convert_element_type3A_383, %cond3A_384 : i32
          scf.if %cond3A_385 {
            %dma_start3A_481 = tpu.memref_slice %arg4[%multiple_of3A, %multiple_of3A_380] : memref<96x100000xf32, #tpu.memory_space<hbm>> -> memref<8x2048xf32, #tpu.memory_space<hbm>>
            %dma_start3A_482 = tpu.memref_slice %arg4[%multiple_of3A, %multiple_of3A_380] : memref<96x100000xf32, #tpu.memory_space<hbm>> -> memref<8x2048xf32, #tpu.memory_space<hbm>>
            tpu.enqueue_dma source(%dma_start3A_482 : memref<8x2048xf32, #tpu.memory_space<hbm>>) target(%arg32 : memref<8x2048xf32, #tpu.memory_space<vmem>>) target_semaphore(%arg38 : memref<!tpu.dma_semaphore, #tpu.memory_space<semaphore_mem>>)
          } else {
          }
          %eq3A_386 = arith.constant 1 : i32
          %eq3A_387 = arith.cmpi eq, %select_n3A_64, %eq3A_386 : i32
          %convert_element_type3A_388 = arith.extui %eq3A_387 : i1 to i32
          %cond3A_389 = arith.constant 0 : i32
          %cond3A_390 = arith.cmpi ne, %convert_element_type3A_388, %cond3A_389 : i32
          scf.if %cond3A_390 {
            %dma_start3A_481 = tpu.memref_slice %arg5[%multiple_of3A, %multiple_of3A_380] : memref<96x100000xf32, #tpu.memory_space<hbm>> -> memref<8x2048xf32, #tpu.memory_space<hbm>>
            %dma_start3A_482 = tpu.memref_slice %arg5[%multiple_of3A, %multiple_of3A_380] : memref<96x100000xf32, #tpu.memory_space<hbm>> -> memref<8x2048xf32, #tpu.memory_space<hbm>>
            tpu.enqueue_dma source(%dma_start3A_482 : memref<8x2048xf32, #tpu.memory_space<hbm>>) target(%arg32 : memref<8x2048xf32, #tpu.memory_space<vmem>>) target_semaphore(%arg38 : memref<!tpu.dma_semaphore, #tpu.memory_space<semaphore_mem>>)
          } else {
          }
          %eq3A_391 = arith.constant 2 : i32
          %eq3A_392 = arith.cmpi eq, %select_n3A_64, %eq3A_391 : i32
          %convert_element_type3A_393 = arith.extui %eq3A_392 : i1 to i32
          %cond3A_394 = arith.constant 0 : i32
          %cond3A_395 = arith.cmpi ne, %convert_element_type3A_393, %cond3A_394 : i32
          scf.if %cond3A_395 {
            %dma_start3A_481 = tpu.memref_slice %arg6[%multiple_of3A, %multiple_of3A_380] : memref<32x100000xf32, #tpu.memory_space<hbm>> -> memref<8x2048xf32, #tpu.memory_space<hbm>>
            %dma_start3A_482 = tpu.memref_slice %arg6[%multiple_of3A, %multiple_of3A_380] : memref<32x100000xf32, #tpu.memory_space<hbm>> -> memref<8x2048xf32, #tpu.memory_space<hbm>>
            tpu.enqueue_dma source(%dma_start3A_482 : memref<8x2048xf32, #tpu.memory_space<hbm>>) target(%arg32 : memref<8x2048xf32, #tpu.memory_space<vmem>>) target_semaphore(%arg38 : memref<!tpu.dma_semaphore, #tpu.memory_space<semaphore_mem>>)
          } else {
          }
          %eq3A_396 = arith.constant 3 : i32
          %eq3A_397 = arith.cmpi eq, %select_n3A_64, %eq3A_396 : i32
          %convert_element_type3A_398 = arith.extui %eq3A_397 : i1 to i32
          %cond3A_399 = arith.constant 0 : i32
          %cond3A_400 = arith.cmpi ne, %convert_element_type3A_398, %cond3A_399 : i32
          scf.if %cond3A_400 {
            %dma_start3A_481 = tpu.memref_slice %arg7[%multiple_of3A, %multiple_of3A_380] : memref<32x100000xf32, #tpu.memory_space<hbm>> -> memref<8x2048xf32, #tpu.memory_space<hbm>>
            %dma_start3A_482 = tpu.memref_slice %arg7[%multiple_of3A, %multiple_of3A_380] : memref<32x100000xf32, #tpu.memory_space<hbm>> -> memref<8x2048xf32, #tpu.memory_space<hbm>>
            tpu.enqueue_dma source(%dma_start3A_482 : memref<8x2048xf32, #tpu.memory_space<hbm>>) target(%arg32 : memref<8x2048xf32, #tpu.memory_space<vmem>>) target_semaphore(%arg38 : memref<!tpu.dma_semaphore, #tpu.memory_space<semaphore_mem>>)
          } else {
          }
          %eq3A_401 = arith.constant 4 : i32
          %eq3A_402 = arith.cmpi eq, %select_n3A_64, %eq3A_401 : i32
          %convert_element_type3A_403 = arith.extui %eq3A_402 : i1 to i32
          %cond3A_404 = arith.constant 0 : i32
          %cond3A_405 = arith.cmpi ne, %convert_element_type3A_403, %cond3A_404 : i32
          scf.if %cond3A_405 {
            %dma_start3A_481 = tpu.memref_slice %arg8[%multiple_of3A, %multiple_of3A_380] : memref<32x100000xf32, #tpu.memory_space<hbm>> -> memref<8x2048xf32, #tpu.memory_space<hbm>>
            %dma_start3A_482 = tpu.memref_slice %arg8[%multiple_of3A, %multiple_of3A_380] : memref<32x100000xf32, #tpu.memory_space<hbm>> -> memref<8x2048xf32, #tpu.memory_space<hbm>>
            tpu.enqueue_dma source(%dma_start3A_482 : memref<8x2048xf32, #tpu.memory_space<hbm>>) target(%arg32 : memref<8x2048xf32, #tpu.memory_space<vmem>>) target_semaphore(%arg38 : memref<!tpu.dma_semaphore, #tpu.memory_space<semaphore_mem>>)
          } else {
          }
          %eq3A_406 = arith.constant 5 : i32
          %eq3A_407 = arith.cmpi eq, %select_n3A_64, %eq3A_406 : i32
          %convert_element_type3A_408 = arith.extui %eq3A_407 : i1 to i32
          %cond3A_409 = arith.constant 0 : i32
          %cond3A_410 = arith.cmpi ne, %convert_element_type3A_408, %cond3A_409 : i32
          scf.if %cond3A_410 {
            %dma_start3A_481 = tpu.memref_slice %arg9[%multiple_of3A, %multiple_of3A_380] : memref<32x100000xf32, #tpu.memory_space<hbm>> -> memref<8x2048xf32, #tpu.memory_space<hbm>>
            %dma_start3A_482 = tpu.memref_slice %arg9[%multiple_of3A, %multiple_of3A_380] : memref<32x100000xf32, #tpu.memory_space<hbm>> -> memref<8x2048xf32, #tpu.memory_space<hbm>>
            tpu.enqueue_dma source(%dma_start3A_482 : memref<8x2048xf32, #tpu.memory_space<hbm>>) target(%arg32 : memref<8x2048xf32, #tpu.memory_space<vmem>>) target_semaphore(%arg38 : memref<!tpu.dma_semaphore, #tpu.memory_space<semaphore_mem>>)
          } else {
          }
          %eq3A_411 = arith.constant 6 : i32
          %eq3A_412 = arith.cmpi eq, %select_n3A_64, %eq3A_411 : i32
          %convert_element_type3A_413 = arith.extui %eq3A_412 : i1 to i32
          %cond3A_414 = arith.constant 0 : i32
          %cond3A_415 = arith.cmpi ne, %convert_element_type3A_413, %cond3A_414 : i32
          scf.if %cond3A_415 {
            %dma_start3A_481 = tpu.memref_slice %arg10[%multiple_of3A, %multiple_of3A_380] : memref<32x100000xf32, #tpu.memory_space<hbm>> -> memref<8x2048xf32, #tpu.memory_space<hbm>>
            %dma_start3A_482 = tpu.memref_slice %arg10[%multiple_of3A, %multiple_of3A_380] : memref<32x100000xf32, #tpu.memory_space<hbm>> -> memref<8x2048xf32, #tpu.memory_space<hbm>>
            tpu.enqueue_dma source(%dma_start3A_482 : memref<8x2048xf32, #tpu.memory_space<hbm>>) target(%arg32 : memref<8x2048xf32, #tpu.memory_space<vmem>>) target_semaphore(%arg38 : memref<!tpu.dma_semaphore, #tpu.memory_space<semaphore_mem>>)
          } else {
          }
          %eq3A_416 = arith.constant 7 : i32
          %eq3A_417 = arith.cmpi eq, %select_n3A_64, %eq3A_416 : i32
          %convert_element_type3A_418 = arith.extui %eq3A_417 : i1 to i32
          %cond3A_419 = arith.constant 0 : i32
          %cond3A_420 = arith.cmpi ne, %convert_element_type3A_418, %cond3A_419 : i32
          scf.if %cond3A_420 {
            %dma_start3A_481 = tpu.memref_slice %arg11[%multiple_of3A, %multiple_of3A_380] : memref<32x100000xf32, #tpu.memory_space<hbm>> -> memref<8x2048xf32, #tpu.memory_space<hbm>>
            %dma_start3A_482 = tpu.memref_slice %arg11[%multiple_of3A, %multiple_of3A_380] : memref<32x100000xf32, #tpu.memory_space<hbm>> -> memref<8x2048xf32, #tpu.memory_space<hbm>>
            tpu.enqueue_dma source(%dma_start3A_482 : memref<8x2048xf32, #tpu.memory_space<hbm>>) target(%arg32 : memref<8x2048xf32, #tpu.memory_space<vmem>>) target_semaphore(%arg38 : memref<!tpu.dma_semaphore, #tpu.memory_space<semaphore_mem>>)
          } else {
          }
          %eq3A_421 = arith.constant 8 : i32
          %eq3A_422 = arith.cmpi eq, %select_n3A_64, %eq3A_421 : i32
          %convert_element_type3A_423 = arith.extui %eq3A_422 : i1 to i32
          %cond3A_424 = arith.constant 0 : i32
          %cond3A_425 = arith.cmpi ne, %convert_element_type3A_423, %cond3A_424 : i32
          scf.if %cond3A_425 {
            %dma_start3A_481 = tpu.memref_slice %arg12[%multiple_of3A, %multiple_of3A_380] : memref<32x100000xf32, #tpu.memory_space<hbm>> -> memref<8x2048xf32, #tpu.memory_space<hbm>>
            %dma_start3A_482 = tpu.memref_slice %arg12[%multiple_of3A, %multiple_of3A_380] : memref<32x100000xf32, #tpu.memory_space<hbm>> -> memref<8x2048xf32, #tpu.memory_space<hbm>>
            tpu.enqueue_dma source(%dma_start3A_482 : memref<8x2048xf32, #tpu.memory_space<hbm>>) target(%arg32 : memref<8x2048xf32, #tpu.memory_space<vmem>>) target_semaphore(%arg38 : memref<!tpu.dma_semaphore, #tpu.memory_space<semaphore_mem>>)
          } else {
          }
          %eq3A_426 = arith.constant 9 : i32
          %eq3A_427 = arith.cmpi eq, %select_n3A_64, %eq3A_426 : i32
          %convert_element_type3A_428 = arith.extui %eq3A_427 : i1 to i32
          %cond3A_429 = arith.constant 0 : i32
          %cond3A_430 = arith.cmpi ne, %convert_element_type3A_428, %cond3A_429 : i32
          scf.if %cond3A_430 {
            %dma_start3A_481 = tpu.memref_slice %arg13[%multiple_of3A, %multiple_of3A_380] : memref<32x100000xf32, #tpu.memory_space<hbm>> -> memref<8x2048xf32, #tpu.memory_space<hbm>>
            %dma_start3A_482 = tpu.memref_slice %arg13[%multiple_of3A, %multiple_of3A_380] : memref<32x100000xf32, #tpu.memory_space<hbm>> -> memref<8x2048xf32, #tpu.memory_space<hbm>>
            tpu.enqueue_dma source(%dma_start3A_482 : memref<8x2048xf32, #tpu.memory_space<hbm>>) target(%arg32 : memref<8x2048xf32, #tpu.memory_space<vmem>>) target_semaphore(%arg38 : memref<!tpu.dma_semaphore, #tpu.memory_space<semaphore_mem>>)
          } else {
          }
          %eq3A_431 = arith.constant 10 : i32
          %eq3A_432 = arith.cmpi eq, %select_n3A_64, %eq3A_431 : i32
          %convert_element_type3A_433 = arith.extui %eq3A_432 : i1 to i32
          %cond3A_434 = arith.constant 0 : i32
          %cond3A_435 = arith.cmpi ne, %convert_element_type3A_433, %cond3A_434 : i32
          scf.if %cond3A_435 {
            %dma_start3A_481 = tpu.memref_slice %arg14[%multiple_of3A, %multiple_of3A_380] : memref<32x100000xf32, #tpu.memory_space<hbm>> -> memref<8x2048xf32, #tpu.memory_space<hbm>>
            %dma_start3A_482 = tpu.memref_slice %arg14[%multiple_of3A, %multiple_of3A_380] : memref<32x100000xf32, #tpu.memory_space<hbm>> -> memref<8x2048xf32, #tpu.memory_space<hbm>>
            tpu.enqueue_dma source(%dma_start3A_482 : memref<8x2048xf32, #tpu.memory_space<hbm>>) target(%arg32 : memref<8x2048xf32, #tpu.memory_space<vmem>>) target_semaphore(%arg38 : memref<!tpu.dma_semaphore, #tpu.memory_space<semaphore_mem>>)
          } else {
          }
          %eq3A_436 = arith.constant 11 : i32
          %eq3A_437 = arith.cmpi eq, %select_n3A_64, %eq3A_436 : i32
          %convert_element_type3A_438 = arith.extui %eq3A_437 : i1 to i32
          %cond3A_439 = arith.constant 0 : i32
          %cond3A_440 = arith.cmpi ne, %convert_element_type3A_438, %cond3A_439 : i32
          scf.if %cond3A_440 {
            %dma_start3A_481 = tpu.memref_slice %arg15[%multiple_of3A, %multiple_of3A_380] : memref<32x100000xf32, #tpu.memory_space<hbm>> -> memref<8x2048xf32, #tpu.memory_space<hbm>>
            %dma_start3A_482 = tpu.memref_slice %arg15[%multiple_of3A, %multiple_of3A_380] : memref<32x100000xf32, #tpu.memory_space<hbm>> -> memref<8x2048xf32, #tpu.memory_space<hbm>>
            tpu.enqueue_dma source(%dma_start3A_482 : memref<8x2048xf32, #tpu.memory_space<hbm>>) target(%arg32 : memref<8x2048xf32, #tpu.memory_space<vmem>>) target_semaphore(%arg38 : memref<!tpu.dma_semaphore, #tpu.memory_space<semaphore_mem>>)
          } else {
          }
          %eq3A_441 = arith.constant 12 : i32
          %eq3A_442 = arith.cmpi eq, %select_n3A_64, %eq3A_441 : i32
          %convert_element_type3A_443 = arith.extui %eq3A_442 : i1 to i32
          %cond3A_444 = arith.constant 0 : i32
          %cond3A_445 = arith.cmpi ne, %convert_element_type3A_443, %cond3A_444 : i32
          scf.if %cond3A_445 {
            %dma_start3A_481 = tpu.memref_slice %arg16[%multiple_of3A, %multiple_of3A_380] : memref<32x100000xf32, #tpu.memory_space<hbm>> -> memref<8x2048xf32, #tpu.memory_space<hbm>>
            %dma_start3A_482 = tpu.memref_slice %arg16[%multiple_of3A, %multiple_of3A_380] : memref<32x100000xf32, #tpu.memory_space<hbm>> -> memref<8x2048xf32, #tpu.memory_space<hbm>>
            tpu.enqueue_dma source(%dma_start3A_482 : memref<8x2048xf32, #tpu.memory_space<hbm>>) target(%arg32 : memref<8x2048xf32, #tpu.memory_space<vmem>>) target_semaphore(%arg38 : memref<!tpu.dma_semaphore, #tpu.memory_space<semaphore_mem>>)
          } else {
          }
          %eq3A_446 = arith.constant 13 : i32
          %eq3A_447 = arith.cmpi eq, %select_n3A_64, %eq3A_446 : i32
          %convert_element_type3A_448 = arith.extui %eq3A_447 : i1 to i32
          %cond3A_449 = arith.constant 0 : i32
          %cond3A_450 = arith.cmpi ne, %convert_element_type3A_448, %cond3A_449 : i32
          scf.if %cond3A_450 {
            %dma_start3A_481 = tpu.memref_slice %arg17[%multiple_of3A, %multiple_of3A_380] : memref<32x100000xf32, #tpu.memory_space<hbm>> -> memref<8x2048xf32, #tpu.memory_space<hbm>>
            %dma_start3A_482 = tpu.memref_slice %arg17[%multiple_of3A, %multiple_of3A_380] : memref<32x100000xf32, #tpu.memory_space<hbm>> -> memref<8x2048xf32, #tpu.memory_space<hbm>>
            tpu.enqueue_dma source(%dma_start3A_482 : memref<8x2048xf32, #tpu.memory_space<hbm>>) target(%arg32 : memref<8x2048xf32, #tpu.memory_space<vmem>>) target_semaphore(%arg38 : memref<!tpu.dma_semaphore, #tpu.memory_space<semaphore_mem>>)
          } else {
          }
          %eq3A_451 = arith.constant 14 : i32
          %eq3A_452 = arith.cmpi eq, %select_n3A_64, %eq3A_451 : i32
          %convert_element_type3A_453 = arith.extui %eq3A_452 : i1 to i32
          %cond3A_454 = arith.constant 0 : i32
          %cond3A_455 = arith.cmpi ne, %convert_element_type3A_453, %cond3A_454 : i32
          scf.if %cond3A_455 {
            %dma_start3A_481 = tpu.memref_slice %arg18[%multiple_of3A, %multiple_of3A_380] : memref<32x100000xf32, #tpu.memory_space<hbm>> -> memref<8x2048xf32, #tpu.memory_space<hbm>>
            %dma_start3A_482 = tpu.memref_slice %arg18[%multiple_of3A, %multiple_of3A_380] : memref<32x100000xf32, #tpu.memory_space<hbm>> -> memref<8x2048xf32, #tpu.memory_space<hbm>>
            tpu.enqueue_dma source(%dma_start3A_482 : memref<8x2048xf32, #tpu.memory_space<hbm>>) target(%arg32 : memref<8x2048xf32, #tpu.memory_space<vmem>>) target_semaphore(%arg38 : memref<!tpu.dma_semaphore, #tpu.memory_space<semaphore_mem>>)
          } else {
          }
          %eq3A_456 = arith.constant 15 : i32
          %eq3A_457 = arith.cmpi eq, %select_n3A_64, %eq3A_456 : i32
          %convert_element_type3A_458 = arith.extui %eq3A_457 : i1 to i32
          %cond3A_459 = arith.constant 0 : i32
          %cond3A_460 = arith.cmpi ne, %convert_element_type3A_458, %cond3A_459 : i32
          scf.if %cond3A_460 {
            %dma_start3A_481 = tpu.memref_slice %arg19[%multiple_of3A, %multiple_of3A_380] : memref<32x100000xf32, #tpu.memory_space<hbm>> -> memref<8x2048xf32, #tpu.memory_space<hbm>>
            %dma_start3A_482 = tpu.memref_slice %arg19[%multiple_of3A, %multiple_of3A_380] : memref<32x100000xf32, #tpu.memory_space<hbm>> -> memref<8x2048xf32, #tpu.memory_space<hbm>>
            tpu.enqueue_dma source(%dma_start3A_482 : memref<8x2048xf32, #tpu.memory_space<hbm>>) target(%arg32 : memref<8x2048xf32, #tpu.memory_space<vmem>>) target_semaphore(%arg38 : memref<!tpu.dma_semaphore, #tpu.memory_space<semaphore_mem>>)
          } else {
          }
          %eq3A_461 = arith.constant 16 : i32
          %eq3A_462 = arith.cmpi eq, %select_n3A_64, %eq3A_461 : i32
          %convert_element_type3A_463 = arith.extui %eq3A_462 : i1 to i32
          %cond3A_464 = arith.constant 0 : i32
          %cond3A_465 = arith.cmpi ne, %convert_element_type3A_463, %cond3A_464 : i32
          scf.if %cond3A_465 {
            %dma_start3A_481 = tpu.memref_slice %arg20[%multiple_of3A, %multiple_of3A_380] : memref<32x100000xf32, #tpu.memory_space<hbm>> -> memref<8x2048xf32, #tpu.memory_space<hbm>>
            %dma_start3A_482 = tpu.memref_slice %arg20[%multiple_of3A, %multiple_of3A_380] : memref<32x100000xf32, #tpu.memory_space<hbm>> -> memref<8x2048xf32, #tpu.memory_space<hbm>>
            tpu.enqueue_dma source(%dma_start3A_482 : memref<8x2048xf32, #tpu.memory_space<hbm>>) target(%arg32 : memref<8x2048xf32, #tpu.memory_space<vmem>>) target_semaphore(%arg38 : memref<!tpu.dma_semaphore, #tpu.memory_space<semaphore_mem>>)
          } else {
          }
          %eq3A_466 = arith.constant 17 : i32
          %eq3A_467 = arith.cmpi eq, %select_n3A_64, %eq3A_466 : i32
          %convert_element_type3A_468 = arith.extui %eq3A_467 : i1 to i32
          %cond3A_469 = arith.constant 0 : i32
          %cond3A_470 = arith.cmpi ne, %convert_element_type3A_468, %cond3A_469 : i32
          scf.if %cond3A_470 {
            %dma_start3A_481 = tpu.memref_slice %arg21[%multiple_of3A, %multiple_of3A_380] : memref<32x100000xf32, #tpu.memory_space<hbm>> -> memref<8x2048xf32, #tpu.memory_space<hbm>>
            %dma_start3A_482 = tpu.memref_slice %arg21[%multiple_of3A, %multiple_of3A_380] : memref<32x100000xf32, #tpu.memory_space<hbm>> -> memref<8x2048xf32, #tpu.memory_space<hbm>>
            tpu.enqueue_dma source(%dma_start3A_482 : memref<8x2048xf32, #tpu.memory_space<hbm>>) target(%arg32 : memref<8x2048xf32, #tpu.memory_space<vmem>>) target_semaphore(%arg38 : memref<!tpu.dma_semaphore, #tpu.memory_space<semaphore_mem>>)
          } else {
          }
          %eq3A_471 = arith.constant 18 : i32
          %eq3A_472 = arith.cmpi eq, %select_n3A_64, %eq3A_471 : i32
          %convert_element_type3A_473 = arith.extui %eq3A_472 : i1 to i32
          %cond3A_474 = arith.constant 0 : i32
          %cond3A_475 = arith.cmpi ne, %convert_element_type3A_473, %cond3A_474 : i32
          scf.if %cond3A_475 {
            %dma_start3A_481 = tpu.memref_slice %arg22[%multiple_of3A, %multiple_of3A_380] : memref<32x100000xf32, #tpu.memory_space<hbm>> -> memref<8x2048xf32, #tpu.memory_space<hbm>>
            %dma_start3A_482 = tpu.memref_slice %arg22[%multiple_of3A, %multiple_of3A_380] : memref<32x100000xf32, #tpu.memory_space<hbm>> -> memref<8x2048xf32, #tpu.memory_space<hbm>>
            tpu.enqueue_dma source(%dma_start3A_482 : memref<8x2048xf32, #tpu.memory_space<hbm>>) target(%arg32 : memref<8x2048xf32, #tpu.memory_space<vmem>>) target_semaphore(%arg38 : memref<!tpu.dma_semaphore, #tpu.memory_space<semaphore_mem>>)
          } else {
          }
          %eq3A_476 = arith.constant 19 : i32
          %eq3A_477 = arith.cmpi eq, %select_n3A_64, %eq3A_476 : i32
          %convert_element_type3A_478 = arith.extui %eq3A_477 : i1 to i32
          %cond3A_479 = arith.constant 0 : i32
          %cond3A_480 = arith.cmpi ne, %convert_element_type3A_478, %cond3A_479 : i32
          scf.if %cond3A_480 {
            %dma_start3A_481 = tpu.memref_slice %arg23[%multiple_of3A, %multiple_of3A_380] : memref<32x100000xf32, #tpu.memory_space<hbm>> -> memref<8x2048xf32, #tpu.memory_space<hbm>>
            %dma_start3A_482 = tpu.memref_slice %arg23[%multiple_of3A, %multiple_of3A_380] : memref<32x100000xf32, #tpu.memory_space<hbm>> -> memref<8x2048xf32, #tpu.memory_space<hbm>>
            tpu.enqueue_dma source(%dma_start3A_482 : memref<8x2048xf32, #tpu.memory_space<hbm>>) target(%arg32 : memref<8x2048xf32, #tpu.memory_space<vmem>>) target_semaphore(%arg38 : memref<!tpu.dma_semaphore, #tpu.memory_space<semaphore_mem>>)
          } else {
          }
        } else {
        }
        %add3A_364 = arith.constant 1 : i32
        %add3A_365 = arith.addi %mul3A_268, %add3A_364 : i32
        %le3A_366 = arith.constant 48 : i32
        %le3A_367 = arith.cmpi sle, %add3A_365, %le3A_366 : i32
        %convert_element_type3A_368 = arith.extui %le3A_367 : i1 to i32
        %cond3A_369 = arith.constant 0 : i32
        %cond3A_370 = arith.cmpi ne, %convert_element_type3A_368, %cond3A_369 : i32
        scf.if %cond3A_370 {
          %add3A_372 = arith.constant 1 : i32
          %add3A_373 = arith.addi %mul3A_268, %add3A_372 : i32
          %dma_wait3A_374 = arith.constant 0 : i32
          %dma_wait3A_375 = arith.constant 0 : i32
          %dma_wait3A_376 = tpu.memref_slice %arg4[%dma_wait3A_374, %dma_wait3A_375] : memref<96x100000xf32, #tpu.memory_space<hbm>> -> memref<8x2048xf32, #tpu.memory_space<hbm>>
          %dma_wait3A_377 = arith.constant 0 : i32
          %dma_wait3A_378 = arith.constant 0 : i32
          %dma_wait3A_379 = tpu.memref_slice %arg4[%dma_wait3A_377, %dma_wait3A_378] : memref<96x100000xf32, #tpu.memory_space<hbm>> -> memref<8x2048xf32, #tpu.memory_space<hbm>>
          tpu.wait_dma2 semaphore(%arg39 : memref<!tpu.dma_semaphore, #tpu.memory_space<semaphore_mem>>) src(%dma_wait3A_379 : memref<8x2048xf32, #tpu.memory_space<hbm>>) dst(%arg33 : memref<8x2048xf32, #tpu.memory_space<vmem>>)
          %mul3A_380 = arith.constant 2 : i32
          %mul3A_381 = arith.muli %mul3A_380, %add3A_373 : i32
          %add3A_382 = arith.constant 0 : i32
          %add3A_383 = arith.addi %mul3A_381, %add3A_382 : i32
          %get3A_384 = arith.index_cast %add3A_383 : i32 to index
          %get3A_385 = memref.load %arg36[%get3A_384] : memref<100xi32, #tpu.memory_space<smem>>
          %add3A_386 = arith.constant 1 : i32
          %add3A_387 = arith.addi %add3A_373, %add3A_386 : i32
          %mul3A_388 = arith.constant 2 : i32
          %mul3A_389 = arith.muli %mul3A_388, %add3A_387 : i32
          %add3A_390 = arith.constant 0 : i32
          %add3A_391 = arith.addi %mul3A_389, %add3A_390 : i32
          %get3A_392 = arith.index_cast %add3A_391 : i32 to index
          %get3A_393 = memref.load %arg36[%get3A_392] : memref<100xi32, #tpu.memory_space<smem>>
          %sub3A_394 = arith.subi %get3A_393, %get3A_385 : i32
          %add3A_395 = arith.constant 15 : i32
          %add3A_396 = arith.addi %sub3A_394, %add3A_395 : i32
          %div3A_397 = arith.constant 16 : i32
          %div3A_398 = arith.divsi %add3A_396, %div3A_397 : i32
          %eq3A_399 = arith.constant 48 : i32
          %eq3A_400 = arith.cmpi eq, %add3A_373, %eq3A_399 : i32
          %mul3A_401 = arith.constant 2048 : i32
          %mul3A_402 = arith.muli %add3A_373, %mul3A_401 : i32
          %jit3A_403 = arith.constant 97920 : i32
          %select_n3A_404 = arith.select %eq3A_400, %jit3A_403, %mul3A_402 : i32
          %multiple_of3A_405 = tpu.assume_multiple %select_n3A_404, 128 : i32
          %while3A_406 = arith.constant 0 : i32
          %while3A_407 = arith.constant 0 : i32
          %while3A_408 = arith.subi %div3A_398, %while3A_406 : i32
          %while3A_409 = arith.addi %while3A_406, %while3A_408 : i32
          %while3A_410 = arith.constant 1 : i32
          %while3A_411 = arith.divsi %while3A_408, %while3A_410 : i32
          %while3A_412 = arith.muli %while3A_411, %while3A_410 : i32
          %while3A_413 = arith.addi %while3A_406, %while3A_412 : i32
          %while3A_414 = arith.constant 1 : i32
          %while3A_415 = scf.for %while3A_456 = %while3A_406 to %while3A_413 step %while3A_414 iter_args(%while3A_457 = %while3A_407) -> (i32)  : i32 {
            %mul3A_458 = arith.constant 16 : i32
            %mul3A_459 = arith.muli %while3A_456, %mul3A_458 : i32
            %add3A_460 = arith.addi %get3A_385, %mul3A_459 : i32
            %add3A_461 = vector.broadcast %add3A_460 : i32 to vector<16xi32>
            %add3A_462 = arith.addi %add3A_461, %iota3A : vector<16xi32>
            %gather3A = tpu.vector_load_idx %arg30[%add3A_462] : memref<4112xi32, #tpu.memory_space<vmem>>[vector<16xi32>], vector<16xi32>,
            %add3A_463 = vector.broadcast %add3A_460 : i32 to vector<16xi32>
            %add3A_464 = arith.addi %add3A_463, %iota3A : vector<16xi32>
            %lt3A_465 = vector.broadcast %get3A_393 : i32 to vector<16xi32>
            %lt3A_466 = arith.cmpi slt, %add3A_464, %lt3A_465 : vector<16xi32>
            %shift_right_arithmetic3A_467 = arith.constant 12 : i32
            %shift_right_arithmetic3A_468 = vector.broadcast %shift_right_arithmetic3A_467 : i32 to vector<16xi32>
            %shift_right_arithmetic3A_469 = arith.shrsi %gather3A, %shift_right_arithmetic3A_468 : vector<16xi32>
            %and3A_470 = arith.constant 4095 : i32
            %and3A_471 = vector.broadcast %and3A_470 : i32 to vector<16xi32>
            %and3A_472 = arith.andi %gather3A, %and3A_471 : vector<16xi32>
            %sub3A_473 = vector.broadcast %multiple_of3A_405 : i32 to vector<16xi32>
            %sub3A_474 = arith.subi %shift_right_arithmetic3A_469, %sub3A_473 : vector<16xi32>
            %jit3A_475 = arith.constant 0 : i32
            %jit3A_476 = arith.constant 2047 : i32
            %max3A = vector.broadcast %jit3A_475 : i32 to vector<16xi32>
            %max3A_477 = arith.maxsi %max3A, %sub3A_474 : vector<16xi32>
            %min3A = vector.broadcast %jit3A_476 : i32 to vector<16xi32>
            %min3A_478 = arith.minsi %min3A, %max3A_477 : vector<16xi32>
            %broadcast_in_dim3A = arith.constant 0 : i32
            %broadcast_in_dim3A_479 = vector.broadcast %broadcast_in_dim3A : i32 to vector<16xi32>
            %gather3A_480 = tpu.vector_load_idx %arg33[%broadcast_in_dim3A_479, %min3A_478] : memref<8x2048xf32, #tpu.memory_space<vmem>>[vector<16xi32>, vector<16xi32>], vector<16xf32>,
            tpu.vector_store_idx %arg34[%broadcast_in_dim3A_479, %and3A_472], %gather3A_480 masked %lt3A_466 : memref<8x4096xf32, #tpu.memory_space<vmem>>[vector<16xi32>, vector<16xi32>], vector<16xf32>, vector<16xi1>
            %broadcast_in_dim3A_481 = arith.constant 1 : i32
            %broadcast_in_dim3A_482 = vector.broadcast %broadcast_in_dim3A_481 : i32 to vector<16xi32>
            %gather3A_483 = tpu.vector_load_idx %arg33[%broadcast_in_dim3A_482, %min3A_478] : memref<8x2048xf32, #tpu.memory_space<vmem>>[vector<16xi32>, vector<16xi32>], vector<16xf32>,
            tpu.vector_store_idx %arg34[%broadcast_in_dim3A_482, %and3A_472], %gather3A_483 masked %lt3A_466 : memref<8x4096xf32, #tpu.memory_space<vmem>>[vector<16xi32>, vector<16xi32>], vector<16xf32>, vector<16xi1>
            %broadcast_in_dim3A_484 = arith.constant 2 : i32
            %broadcast_in_dim3A_485 = vector.broadcast %broadcast_in_dim3A_484 : i32 to vector<16xi32>
            %gather3A_486 = tpu.vector_load_idx %arg33[%broadcast_in_dim3A_485, %min3A_478] : memref<8x2048xf32, #tpu.memory_space<vmem>>[vector<16xi32>, vector<16xi32>], vector<16xf32>,
            tpu.vector_store_idx %arg34[%broadcast_in_dim3A_485, %and3A_472], %gather3A_486 masked %lt3A_466 : memref<8x4096xf32, #tpu.memory_space<vmem>>[vector<16xi32>, vector<16xi32>], vector<16xf32>, vector<16xi1>
            %broadcast_in_dim3A_487 = arith.constant 3 : i32
            %broadcast_in_dim3A_488 = vector.broadcast %broadcast_in_dim3A_487 : i32 to vector<16xi32>
            %gather3A_489 = tpu.vector_load_idx %arg33[%broadcast_in_dim3A_488, %min3A_478] : memref<8x2048xf32, #tpu.memory_space<vmem>>[vector<16xi32>, vector<16xi32>], vector<16xf32>,
            tpu.vector_store_idx %arg34[%broadcast_in_dim3A_488, %and3A_472], %gather3A_489 masked %lt3A_466 : memref<8x4096xf32, #tpu.memory_space<vmem>>[vector<16xi32>, vector<16xi32>], vector<16xf32>, vector<16xi1>
            %broadcast_in_dim3A_490 = arith.constant 4 : i32
            %broadcast_in_dim3A_491 = vector.broadcast %broadcast_in_dim3A_490 : i32 to vector<16xi32>
            %gather3A_492 = tpu.vector_load_idx %arg33[%broadcast_in_dim3A_491, %min3A_478] : memref<8x2048xf32, #tpu.memory_space<vmem>>[vector<16xi32>, vector<16xi32>], vector<16xf32>,
            tpu.vector_store_idx %arg34[%broadcast_in_dim3A_491, %and3A_472], %gather3A_492 masked %lt3A_466 : memref<8x4096xf32, #tpu.memory_space<vmem>>[vector<16xi32>, vector<16xi32>], vector<16xf32>, vector<16xi1>
            %broadcast_in_dim3A_493 = arith.constant 5 : i32
            %broadcast_in_dim3A_494 = vector.broadcast %broadcast_in_dim3A_493 : i32 to vector<16xi32>
            %gather3A_495 = tpu.vector_load_idx %arg33[%broadcast_in_dim3A_494, %min3A_478] : memref<8x2048xf32, #tpu.memory_space<vmem>>[vector<16xi32>, vector<16xi32>], vector<16xf32>,
            tpu.vector_store_idx %arg34[%broadcast_in_dim3A_494, %and3A_472], %gather3A_495 masked %lt3A_466 : memref<8x4096xf32, #tpu.memory_space<vmem>>[vector<16xi32>, vector<16xi32>], vector<16xf32>, vector<16xi1>
            %broadcast_in_dim3A_496 = arith.constant 6 : i32
            %broadcast_in_dim3A_497 = vector.broadcast %broadcast_in_dim3A_496 : i32 to vector<16xi32>
            %gather3A_498 = tpu.vector_load_idx %arg33[%broadcast_in_dim3A_497, %min3A_478] : memref<8x2048xf32, #tpu.memory_space<vmem>>[vector<16xi32>, vector<16xi32>], vector<16xf32>,
            tpu.vector_store_idx %arg34[%broadcast_in_dim3A_497, %and3A_472], %gather3A_498 masked %lt3A_466 : memref<8x4096xf32, #tpu.memory_space<vmem>>[vector<16xi32>, vector<16xi32>], vector<16xf32>, vector<16xi1>
            %broadcast_in_dim3A_499 = arith.constant 7 : i32
            %broadcast_in_dim3A_500 = vector.broadcast %broadcast_in_dim3A_499 : i32 to vector<16xi32>
            %gather3A_501 = tpu.vector_load_idx %arg33[%broadcast_in_dim3A_500, %min3A_478] : memref<8x2048xf32, #tpu.memory_space<vmem>>[vector<16xi32>, vector<16xi32>], vector<16xf32>,
            tpu.vector_store_idx %arg34[%broadcast_in_dim3A_500, %and3A_472], %gather3A_501 masked %lt3A_466 : memref<8x4096xf32, #tpu.memory_space<vmem>>[vector<16xi32>, vector<16xi32>], vector<16xf32>, vector<16xi1>
            %while3A_502 = arith.constant 0 : i32
            scf.yield %while3A_502 : i32
          }
          %while3A_416 = arith.constant 1 : i32
          %while3A_417 = scf.for %while3A_456 = %while3A_413 to %while3A_409 step %while3A_416 iter_args(%while3A_457 = %while3A_415) -> (i32)  : i32 {
            %mul3A_458 = arith.constant 16 : i32
            %mul3A_459 = arith.muli %while3A_456, %mul3A_458 : i32
            %add3A_460 = arith.addi %get3A_385, %mul3A_459 : i32
            %add3A_461 = vector.broadcast %add3A_460 : i32 to vector<16xi32>
            %add3A_462 = arith.addi %add3A_461, %iota3A : vector<16xi32>
            %gather3A = tpu.vector_load_idx %arg30[%add3A_462] : memref<4112xi32, #tpu.memory_space<vmem>>[vector<16xi32>], vector<16xi32>,
            %add3A_463 = vector.broadcast %add3A_460 : i32 to vector<16xi32>
            %add3A_464 = arith.addi %add3A_463, %iota3A : vector<16xi32>
            %lt3A_465 = vector.broadcast %get3A_393 : i32 to vector<16xi32>
            %lt3A_466 = arith.cmpi slt, %add3A_464, %lt3A_465 : vector<16xi32>
            %shift_right_arithmetic3A_467 = arith.constant 12 : i32
            %shift_right_arithmetic3A_468 = vector.broadcast %shift_right_arithmetic3A_467 : i32 to vector<16xi32>
            %shift_right_arithmetic3A_469 = arith.shrsi %gather3A, %shift_right_arithmetic3A_468 : vector<16xi32>
            %and3A_470 = arith.constant 4095 : i32
            %and3A_471 = vector.broadcast %and3A_470 : i32 to vector<16xi32>
            %and3A_472 = arith.andi %gather3A, %and3A_471 : vector<16xi32>
            %sub3A_473 = vector.broadcast %multiple_of3A_405 : i32 to vector<16xi32>
            %sub3A_474 = arith.subi %shift_right_arithmetic3A_469, %sub3A_473 : vector<16xi32>
            %jit3A_475 = arith.constant 0 : i32
            %jit3A_476 = arith.constant 2047 : i32
            %max3A = vector.broadcast %jit3A_475 : i32 to vector<16xi32>
            %max3A_477 = arith.maxsi %max3A, %sub3A_474 : vector<16xi32>
            %min3A = vector.broadcast %jit3A_476 : i32 to vector<16xi32>
            %min3A_478 = arith.minsi %min3A, %max3A_477 : vector<16xi32>
            %broadcast_in_dim3A = arith.constant 0 : i32
            %broadcast_in_dim3A_479 = vector.broadcast %broadcast_in_dim3A : i32 to vector<16xi32>
            %gather3A_480 = tpu.vector_load_idx %arg33[%broadcast_in_dim3A_479, %min3A_478] : memref<8x2048xf32, #tpu.memory_space<vmem>>[vector<16xi32>, vector<16xi32>], vector<16xf32>,
            tpu.vector_store_idx %arg34[%broadcast_in_dim3A_479, %and3A_472], %gather3A_480 masked %lt3A_466 : memref<8x4096xf32, #tpu.memory_space<vmem>>[vector<16xi32>, vector<16xi32>], vector<16xf32>, vector<16xi1>
            %broadcast_in_dim3A_481 = arith.constant 1 : i32
            %broadcast_in_dim3A_482 = vector.broadcast %broadcast_in_dim3A_481 : i32 to vector<16xi32>
            %gather3A_483 = tpu.vector_load_idx %arg33[%broadcast_in_dim3A_482, %min3A_478] : memref<8x2048xf32, #tpu.memory_space<vmem>>[vector<16xi32>, vector<16xi32>], vector<16xf32>,
            tpu.vector_store_idx %arg34[%broadcast_in_dim3A_482, %and3A_472], %gather3A_483 masked %lt3A_466 : memref<8x4096xf32, #tpu.memory_space<vmem>>[vector<16xi32>, vector<16xi32>], vector<16xf32>, vector<16xi1>
            %broadcast_in_dim3A_484 = arith.constant 2 : i32
            %broadcast_in_dim3A_485 = vector.broadcast %broadcast_in_dim3A_484 : i32 to vector<16xi32>
            %gather3A_486 = tpu.vector_load_idx %arg33[%broadcast_in_dim3A_485, %min3A_478] : memref<8x2048xf32, #tpu.memory_space<vmem>>[vector<16xi32>, vector<16xi32>], vector<16xf32>,
            tpu.vector_store_idx %arg34[%broadcast_in_dim3A_485, %and3A_472], %gather3A_486 masked %lt3A_466 : memref<8x4096xf32, #tpu.memory_space<vmem>>[vector<16xi32>, vector<16xi32>], vector<16xf32>, vector<16xi1>
            %broadcast_in_dim3A_487 = arith.constant 3 : i32
            %broadcast_in_dim3A_488 = vector.broadcast %broadcast_in_dim3A_487 : i32 to vector<16xi32>
            %gather3A_489 = tpu.vector_load_idx %arg33[%broadcast_in_dim3A_488, %min3A_478] : memref<8x2048xf32, #tpu.memory_space<vmem>>[vector<16xi32>, vector<16xi32>], vector<16xf32>,
            tpu.vector_store_idx %arg34[%broadcast_in_dim3A_488, %and3A_472], %gather3A_489 masked %lt3A_466 : memref<8x4096xf32, #tpu.memory_space<vmem>>[vector<16xi32>, vector<16xi32>], vector<16xf32>, vector<16xi1>
            %broadcast_in_dim3A_490 = arith.constant 4 : i32
            %broadcast_in_dim3A_491 = vector.broadcast %broadcast_in_dim3A_490 : i32 to vector<16xi32>
            %gather3A_492 = tpu.vector_load_idx %arg33[%broadcast_in_dim3A_491, %min3A_478] : memref<8x2048xf32, #tpu.memory_space<vmem>>[vector<16xi32>, vector<16xi32>], vector<16xf32>,
            tpu.vector_store_idx %arg34[%broadcast_in_dim3A_491, %and3A_472], %gather3A_492 masked %lt3A_466 : memref<8x4096xf32, #tpu.memory_space<vmem>>[vector<16xi32>, vector<16xi32>], vector<16xf32>, vector<16xi1>
            %broadcast_in_dim3A_493 = arith.constant 5 : i32
            %broadcast_in_dim3A_494 = vector.broadcast %broadcast_in_dim3A_493 : i32 to vector<16xi32>
            %gather3A_495 = tpu.vector_load_idx %arg33[%broadcast_in_dim3A_494, %min3A_478] : memref<8x2048xf32, #tpu.memory_space<vmem>>[vector<16xi32>, vector<16xi32>], vector<16xf32>,
            tpu.vector_store_idx %arg34[%broadcast_in_dim3A_494, %and3A_472], %gather3A_495 masked %lt3A_466 : memref<8x4096xf32, #tpu.memory_space<vmem>>[vector<16xi32>, vector<16xi32>], vector<16xf32>, vector<16xi1>
            %broadcast_in_dim3A_496 = arith.constant 6 : i32
            %broadcast_in_dim3A_497 = vector.broadcast %broadcast_in_dim3A_496 : i32 to vector<16xi32>
            %gather3A_498 = tpu.vector_load_idx %arg33[%broadcast_in_dim3A_497, %min3A_478] : memref<8x2048xf32, #tpu.memory_space<vmem>>[vector<16xi32>, vector<16xi32>], vector<16xf32>,
            tpu.vector_store_idx %arg34[%broadcast_in_dim3A_497, %and3A_472], %gather3A_498 masked %lt3A_466 : memref<8x4096xf32, #tpu.memory_space<vmem>>[vector<16xi32>, vector<16xi32>], vector<16xf32>, vector<16xi1>
            %broadcast_in_dim3A_499 = arith.constant 7 : i32
            %broadcast_in_dim3A_500 = vector.broadcast %broadcast_in_dim3A_499 : i32 to vector<16xi32>
            %gather3A_501 = tpu.vector_load_idx %arg33[%broadcast_in_dim3A_500, %min3A_478] : memref<8x2048xf32, #tpu.memory_space<vmem>>[vector<16xi32>, vector<16xi32>], vector<16xf32>,
            tpu.vector_store_idx %arg34[%broadcast_in_dim3A_500, %and3A_472], %gather3A_501 masked %lt3A_466 : memref<8x4096xf32, #tpu.memory_space<vmem>>[vector<16xi32>, vector<16xi32>], vector<16xf32>, vector<16xi1>
            %while3A_502 = arith.constant 0 : i32
            scf.yield %while3A_502 : i32
          }
          %mul3A_418 = arith.constant 2 : i32
          %mul3A_419 = arith.muli %mul3A_418, %add3A_373 : i32
          %add3A_420 = arith.constant 1 : i32
          %add3A_421 = arith.addi %mul3A_419, %add3A_420 : i32
          %get3A_422 = arith.index_cast %add3A_421 : i32 to index
          %get3A_423 = memref.load %arg36[%get3A_422] : memref<100xi32, #tpu.memory_space<smem>>
          %add3A_424 = arith.constant 1 : i32
          %add3A_425 = arith.addi %add3A_373, %add3A_424 : i32
          %mul3A_426 = arith.constant 2 : i32
          %mul3A_427 = arith.muli %mul3A_426, %add3A_425 : i32
          %add3A_428 = arith.constant 1 : i32
          %add3A_429 = arith.addi %mul3A_427, %add3A_428 : i32
          %get3A_430 = arith.index_cast %add3A_429 : i32 to index
          %get3A_431 = memref.load %arg36[%get3A_430] : memref<100xi32, #tpu.memory_space<smem>>
          %sub3A_432 = arith.subi %get3A_431, %get3A_423 : i32
          %add3A_433 = arith.constant 15 : i32
          %add3A_434 = arith.addi %sub3A_432, %add3A_433 : i32
          %div3A_435 = arith.constant 16 : i32
          %div3A_436 = arith.divsi %add3A_434, %div3A_435 : i32
          %eq3A_437 = arith.constant 48 : i32
          %eq3A_438 = arith.cmpi eq, %add3A_373, %eq3A_437 : i32
          %mul3A_439 = arith.constant 2048 : i32
          %mul3A_440 = arith.muli %add3A_373, %mul3A_439 : i32
          %jit3A_441 = arith.constant 97920 : i32
          %select_n3A_442 = arith.select %eq3A_438, %jit3A_441, %mul3A_440 : i32
          %multiple_of3A_443 = tpu.assume_multiple %select_n3A_442, 128 : i32
          %while3A_444 = arith.constant 0 : i32
          %while3A_445 = arith.constant 0 : i32
          %while3A_446 = arith.subi %div3A_436, %while3A_444 : i32
          %while3A_447 = arith.addi %while3A_444, %while3A_446 : i32
          %while3A_448 = arith.constant 1 : i32
          %while3A_449 = arith.divsi %while3A_446, %while3A_448 : i32
          %while3A_450 = arith.muli %while3A_449, %while3A_448 : i32
          %while3A_451 = arith.addi %while3A_444, %while3A_450 : i32
          %while3A_452 = arith.constant 1 : i32
          %while3A_453 = scf.for %while3A_456 = %while3A_444 to %while3A_451 step %while3A_452 iter_args(%while3A_457 = %while3A_445) -> (i32)  : i32 {
            %mul3A_458 = arith.constant 16 : i32
            %mul3A_459 = arith.muli %while3A_456, %mul3A_458 : i32
            %add3A_460 = arith.addi %get3A_423, %mul3A_459 : i32
            %add3A_461 = vector.broadcast %add3A_460 : i32 to vector<16xi32>
            %add3A_462 = arith.addi %add3A_461, %iota3A : vector<16xi32>
            %gather3A = tpu.vector_load_idx %arg31[%add3A_462] : memref<4112xi32, #tpu.memory_space<vmem>>[vector<16xi32>], vector<16xi32>,
            %add3A_463 = vector.broadcast %add3A_460 : i32 to vector<16xi32>
            %add3A_464 = arith.addi %add3A_463, %iota3A : vector<16xi32>
            %lt3A_465 = vector.broadcast %get3A_431 : i32 to vector<16xi32>
            %lt3A_466 = arith.cmpi slt, %add3A_464, %lt3A_465 : vector<16xi32>
            %shift_right_arithmetic3A_467 = arith.constant 12 : i32
            %shift_right_arithmetic3A_468 = vector.broadcast %shift_right_arithmetic3A_467 : i32 to vector<16xi32>
            %shift_right_arithmetic3A_469 = arith.shrsi %gather3A, %shift_right_arithmetic3A_468 : vector<16xi32>
            %and3A_470 = arith.constant 4095 : i32
            %and3A_471 = vector.broadcast %and3A_470 : i32 to vector<16xi32>
            %and3A_472 = arith.andi %gather3A, %and3A_471 : vector<16xi32>
            %sub3A_473 = vector.broadcast %multiple_of3A_443 : i32 to vector<16xi32>
            %sub3A_474 = arith.subi %shift_right_arithmetic3A_469, %sub3A_473 : vector<16xi32>
            %jit3A_475 = arith.constant 0 : i32
            %jit3A_476 = arith.constant 2047 : i32
            %max3A = vector.broadcast %jit3A_475 : i32 to vector<16xi32>
            %max3A_477 = arith.maxsi %max3A, %sub3A_474 : vector<16xi32>
            %min3A = vector.broadcast %jit3A_476 : i32 to vector<16xi32>
            %min3A_478 = arith.minsi %min3A, %max3A_477 : vector<16xi32>
            %broadcast_in_dim3A = arith.constant 0 : i32
            %broadcast_in_dim3A_479 = vector.broadcast %broadcast_in_dim3A : i32 to vector<16xi32>
            %gather3A_480 = tpu.vector_load_idx %arg33[%broadcast_in_dim3A_479, %min3A_478] : memref<8x2048xf32, #tpu.memory_space<vmem>>[vector<16xi32>, vector<16xi32>], vector<16xf32>,
            tpu.vector_store_idx %arg35[%broadcast_in_dim3A_479, %and3A_472], %gather3A_480 masked %lt3A_466 : memref<8x4096xf32, #tpu.memory_space<vmem>>[vector<16xi32>, vector<16xi32>], vector<16xf32>, vector<16xi1>
            %broadcast_in_dim3A_481 = arith.constant 1 : i32
            %broadcast_in_dim3A_482 = vector.broadcast %broadcast_in_dim3A_481 : i32 to vector<16xi32>
            %gather3A_483 = tpu.vector_load_idx %arg33[%broadcast_in_dim3A_482, %min3A_478] : memref<8x2048xf32, #tpu.memory_space<vmem>>[vector<16xi32>, vector<16xi32>], vector<16xf32>,
            tpu.vector_store_idx %arg35[%broadcast_in_dim3A_482, %and3A_472], %gather3A_483 masked %lt3A_466 : memref<8x4096xf32, #tpu.memory_space<vmem>>[vector<16xi32>, vector<16xi32>], vector<16xf32>, vector<16xi1>
            %broadcast_in_dim3A_484 = arith.constant 2 : i32
            %broadcast_in_dim3A_485 = vector.broadcast %broadcast_in_dim3A_484 : i32 to vector<16xi32>
            %gather3A_486 = tpu.vector_load_idx %arg33[%broadcast_in_dim3A_485, %min3A_478] : memref<8x2048xf32, #tpu.memory_space<vmem>>[vector<16xi32>, vector<16xi32>], vector<16xf32>,
            tpu.vector_store_idx %arg35[%broadcast_in_dim3A_485, %and3A_472], %gather3A_486 masked %lt3A_466 : memref<8x4096xf32, #tpu.memory_space<vmem>>[vector<16xi32>, vector<16xi32>], vector<16xf32>, vector<16xi1>
            %broadcast_in_dim3A_487 = arith.constant 3 : i32
            %broadcast_in_dim3A_488 = vector.broadcast %broadcast_in_dim3A_487 : i32 to vector<16xi32>
            %gather3A_489 = tpu.vector_load_idx %arg33[%broadcast_in_dim3A_488, %min3A_478] : memref<8x2048xf32, #tpu.memory_space<vmem>>[vector<16xi32>, vector<16xi32>], vector<16xf32>,
            tpu.vector_store_idx %arg35[%broadcast_in_dim3A_488, %and3A_472], %gather3A_489 masked %lt3A_466 : memref<8x4096xf32, #tpu.memory_space<vmem>>[vector<16xi32>, vector<16xi32>], vector<16xf32>, vector<16xi1>
            %broadcast_in_dim3A_490 = arith.constant 4 : i32
            %broadcast_in_dim3A_491 = vector.broadcast %broadcast_in_dim3A_490 : i32 to vector<16xi32>
            %gather3A_492 = tpu.vector_load_idx %arg33[%broadcast_in_dim3A_491, %min3A_478] : memref<8x2048xf32, #tpu.memory_space<vmem>>[vector<16xi32>, vector<16xi32>], vector<16xf32>,
            tpu.vector_store_idx %arg35[%broadcast_in_dim3A_491, %and3A_472], %gather3A_492 masked %lt3A_466 : memref<8x4096xf32, #tpu.memory_space<vmem>>[vector<16xi32>, vector<16xi32>], vector<16xf32>, vector<16xi1>
            %broadcast_in_dim3A_493 = arith.constant 5 : i32
            %broadcast_in_dim3A_494 = vector.broadcast %broadcast_in_dim3A_493 : i32 to vector<16xi32>
            %gather3A_495 = tpu.vector_load_idx %arg33[%broadcast_in_dim3A_494, %min3A_478] : memref<8x2048xf32, #tpu.memory_space<vmem>>[vector<16xi32>, vector<16xi32>], vector<16xf32>,
            tpu.vector_store_idx %arg35[%broadcast_in_dim3A_494, %and3A_472], %gather3A_495 masked %lt3A_466 : memref<8x4096xf32, #tpu.memory_space<vmem>>[vector<16xi32>, vector<16xi32>], vector<16xf32>, vector<16xi1>
            %broadcast_in_dim3A_496 = arith.constant 6 : i32
            %broadcast_in_dim3A_497 = vector.broadcast %broadcast_in_dim3A_496 : i32 to vector<16xi32>
            %gather3A_498 = tpu.vector_load_idx %arg33[%broadcast_in_dim3A_497, %min3A_478] : memref<8x2048xf32, #tpu.memory_space<vmem>>[vector<16xi32>, vector<16xi32>], vector<16xf32>,
            tpu.vector_store_idx %arg35[%broadcast_in_dim3A_497, %and3A_472], %gather3A_498 masked %lt3A_466 : memref<8x4096xf32, #tpu.memory_space<vmem>>[vector<16xi32>, vector<16xi32>], vector<16xf32>, vector<16xi1>
            %broadcast_in_dim3A_499 = arith.constant 7 : i32
            %broadcast_in_dim3A_500 = vector.broadcast %broadcast_in_dim3A_499 : i32 to vector<16xi32>
            %gather3A_501 = tpu.vector_load_idx %arg33[%broadcast_in_dim3A_500, %min3A_478] : memref<8x2048xf32, #tpu.memory_space<vmem>>[vector<16xi32>, vector<16xi32>], vector<16xf32>,
            tpu.vector_store_idx %arg35[%broadcast_in_dim3A_500, %and3A_472], %gather3A_501 masked %lt3A_466 : memref<8x4096xf32, #tpu.memory_space<vmem>>[vector<16xi32>, vector<16xi32>], vector<16xf32>, vector<16xi1>
            %while3A_502 = arith.constant 0 : i32
            scf.yield %while3A_502 : i32
          }
          %while3A_454 = arith.constant 1 : i32
          %while3A_455 = scf.for %while3A_456 = %while3A_451 to %while3A_447 step %while3A_454 iter_args(%while3A_457 = %while3A_453) -> (i32)  : i32 {
            %mul3A_458 = arith.constant 16 : i32
            %mul3A_459 = arith.muli %while3A_456, %mul3A_458 : i32
            %add3A_460 = arith.addi %get3A_423, %mul3A_459 : i32
            %add3A_461 = vector.broadcast %add3A_460 : i32 to vector<16xi32>
            %add3A_462 = arith.addi %add3A_461, %iota3A : vector<16xi32>
            %gather3A = tpu.vector_load_idx %arg31[%add3A_462] : memref<4112xi32, #tpu.memory_space<vmem>>[vector<16xi32>], vector<16xi32>,
            %add3A_463 = vector.broadcast %add3A_460 : i32 to vector<16xi32>
            %add3A_464 = arith.addi %add3A_463, %iota3A : vector<16xi32>
            %lt3A_465 = vector.broadcast %get3A_431 : i32 to vector<16xi32>
            %lt3A_466 = arith.cmpi slt, %add3A_464, %lt3A_465 : vector<16xi32>
            %shift_right_arithmetic3A_467 = arith.constant 12 : i32
            %shift_right_arithmetic3A_468 = vector.broadcast %shift_right_arithmetic3A_467 : i32 to vector<16xi32>
            %shift_right_arithmetic3A_469 = arith.shrsi %gather3A, %shift_right_arithmetic3A_468 : vector<16xi32>
            %and3A_470 = arith.constant 4095 : i32
            %and3A_471 = vector.broadcast %and3A_470 : i32 to vector<16xi32>
            %and3A_472 = arith.andi %gather3A, %and3A_471 : vector<16xi32>
            %sub3A_473 = vector.broadcast %multiple_of3A_443 : i32 to vector<16xi32>
            %sub3A_474 = arith.subi %shift_right_arithmetic3A_469, %sub3A_473 : vector<16xi32>
            %jit3A_475 = arith.constant 0 : i32
            %jit3A_476 = arith.constant 2047 : i32
            %max3A = vector.broadcast %jit3A_475 : i32 to vector<16xi32>
            %max3A_477 = arith.maxsi %max3A, %sub3A_474 : vector<16xi32>
            %min3A = vector.broadcast %jit3A_476 : i32 to vector<16xi32>
            %min3A_478 = arith.minsi %min3A, %max3A_477 : vector<16xi32>
            %broadcast_in_dim3A = arith.constant 0 : i32
            %broadcast_in_dim3A_479 = vector.broadcast %broadcast_in_dim3A : i32 to vector<16xi32>
            %gather3A_480 = tpu.vector_load_idx %arg33[%broadcast_in_dim3A_479, %min3A_478] : memref<8x2048xf32, #tpu.memory_space<vmem>>[vector<16xi32>, vector<16xi32>], vector<16xf32>,
            tpu.vector_store_idx %arg35[%broadcast_in_dim3A_479, %and3A_472], %gather3A_480 masked %lt3A_466 : memref<8x4096xf32, #tpu.memory_space<vmem>>[vector<16xi32>, vector<16xi32>], vector<16xf32>, vector<16xi1>
            %broadcast_in_dim3A_481 = arith.constant 1 : i32
            %broadcast_in_dim3A_482 = vector.broadcast %broadcast_in_dim3A_481 : i32 to vector<16xi32>
            %gather3A_483 = tpu.vector_load_idx %arg33[%broadcast_in_dim3A_482, %min3A_478] : memref<8x2048xf32, #tpu.memory_space<vmem>>[vector<16xi32>, vector<16xi32>], vector<16xf32>,
            tpu.vector_store_idx %arg35[%broadcast_in_dim3A_482, %and3A_472], %gather3A_483 masked %lt3A_466 : memref<8x4096xf32, #tpu.memory_space<vmem>>[vector<16xi32>, vector<16xi32>], vector<16xf32>, vector<16xi1>
            %broadcast_in_dim3A_484 = arith.constant 2 : i32
            %broadcast_in_dim3A_485 = vector.broadcast %broadcast_in_dim3A_484 : i32 to vector<16xi32>
            %gather3A_486 = tpu.vector_load_idx %arg33[%broadcast_in_dim3A_485, %min3A_478] : memref<8x2048xf32, #tpu.memory_space<vmem>>[vector<16xi32>, vector<16xi32>], vector<16xf32>,
            tpu.vector_store_idx %arg35[%broadcast_in_dim3A_485, %and3A_472], %gather3A_486 masked %lt3A_466 : memref<8x4096xf32, #tpu.memory_space<vmem>>[vector<16xi32>, vector<16xi32>], vector<16xf32>, vector<16xi1>
            %broadcast_in_dim3A_487 = arith.constant 3 : i32
            %broadcast_in_dim3A_488 = vector.broadcast %broadcast_in_dim3A_487 : i32 to vector<16xi32>
            %gather3A_489 = tpu.vector_load_idx %arg33[%broadcast_in_dim3A_488, %min3A_478] : memref<8x2048xf32, #tpu.memory_space<vmem>>[vector<16xi32>, vector<16xi32>], vector<16xf32>,
            tpu.vector_store_idx %arg35[%broadcast_in_dim3A_488, %and3A_472], %gather3A_489 masked %lt3A_466 : memref<8x4096xf32, #tpu.memory_space<vmem>>[vector<16xi32>, vector<16xi32>], vector<16xf32>, vector<16xi1>
            %broadcast_in_dim3A_490 = arith.constant 4 : i32
            %broadcast_in_dim3A_491 = vector.broadcast %broadcast_in_dim3A_490 : i32 to vector<16xi32>
            %gather3A_492 = tpu.vector_load_idx %arg33[%broadcast_in_dim3A_491, %min3A_478] : memref<8x2048xf32, #tpu.memory_space<vmem>>[vector<16xi32>, vector<16xi32>], vector<16xf32>,
            tpu.vector_store_idx %arg35[%broadcast_in_dim3A_491, %and3A_472], %gather3A_492 masked %lt3A_466 : memref<8x4096xf32, #tpu.memory_space<vmem>>[vector<16xi32>, vector<16xi32>], vector<16xf32>, vector<16xi1>
            %broadcast_in_dim3A_493 = arith.constant 5 : i32
            %broadcast_in_dim3A_494 = vector.broadcast %broadcast_in_dim3A_493 : i32 to vector<16xi32>
            %gather3A_495 = tpu.vector_load_idx %arg33[%broadcast_in_dim3A_494, %min3A_478] : memref<8x2048xf32, #tpu.memory_space<vmem>>[vector<16xi32>, vector<16xi32>], vector<16xf32>,
            tpu.vector_store_idx %arg35[%broadcast_in_dim3A_494, %and3A_472], %gather3A_495 masked %lt3A_466 : memref<8x4096xf32, #tpu.memory_space<vmem>>[vector<16xi32>, vector<16xi32>], vector<16xf32>, vector<16xi1>
            %broadcast_in_dim3A_496 = arith.constant 6 : i32
            %broadcast_in_dim3A_497 = vector.broadcast %broadcast_in_dim3A_496 : i32 to vector<16xi32>
            %gather3A_498 = tpu.vector_load_idx %arg33[%broadcast_in_dim3A_497, %min3A_478] : memref<8x2048xf32, #tpu.memory_space<vmem>>[vector<16xi32>, vector<16xi32>], vector<16xf32>,
            tpu.vector_store_idx %arg35[%broadcast_in_dim3A_497, %and3A_472], %gather3A_498 masked %lt3A_466 : memref<8x4096xf32, #tpu.memory_space<vmem>>[vector<16xi32>, vector<16xi32>], vector<16xf32>, vector<16xi1>
            %broadcast_in_dim3A_499 = arith.constant 7 : i32
            %broadcast_in_dim3A_500 = vector.broadcast %broadcast_in_dim3A_499 : i32 to vector<16xi32>
            %gather3A_501 = tpu.vector_load_idx %arg33[%broadcast_in_dim3A_500, %min3A_478] : memref<8x2048xf32, #tpu.memory_space<vmem>>[vector<16xi32>, vector<16xi32>], vector<16xf32>,
            tpu.vector_store_idx %arg35[%broadcast_in_dim3A_500, %and3A_472], %gather3A_501 masked %lt3A_466 : memref<8x4096xf32, #tpu.memory_space<vmem>>[vector<16xi32>, vector<16xi32>], vector<16xf32>, vector<16xi1>
            %while3A_502 = arith.constant 0 : i32
            scf.yield %while3A_502 : i32
          }
        } else {
        }
        %scan3A_371 = arith.constant 0 : i32
        scf.yield %scan3A_371 : i32
      }
      %scan3A_187 = arith.constant 24 : i32
      %dma_wait3A = arith.constant 0 : i32
      %dma_wait3A_188 = arith.constant 0 : i32
      %dma_wait3A_189 = tpu.memref_slice %arg4[%dma_wait3A, %dma_wait3A_188] : memref<96x100000xf32, #tpu.memory_space<hbm>> -> memref<8x2048xf32, #tpu.memory_space<hbm>>
      %dma_wait3A_190 = arith.constant 0 : i32
      %dma_wait3A_191 = arith.constant 0 : i32
      %dma_wait3A_192 = tpu.memref_slice %arg4[%dma_wait3A_190, %dma_wait3A_191] : memref<96x100000xf32, #tpu.memory_space<hbm>> -> memref<8x2048xf32, #tpu.memory_space<hbm>>
      tpu.wait_dma2 semaphore(%arg38 : memref<!tpu.dma_semaphore, #tpu.memory_space<semaphore_mem>>) src(%dma_wait3A_192 : memref<8x2048xf32, #tpu.memory_space<hbm>>) dst(%arg32 : memref<8x2048xf32, #tpu.memory_space<vmem>>)
      %get3A = arith.constant 96 : i32
      %get3A_193 = arith.index_cast %get3A : i32 to index
      %get3A_194 = memref.load %arg36[%get3A_193] : memref<100xi32, #tpu.memory_space<smem>>
      %get3A_195 = arith.constant 98 : i32
      %get3A_196 = arith.index_cast %get3A_195 : i32 to index
      %get3A_197 = memref.load %arg36[%get3A_196] : memref<100xi32, #tpu.memory_space<smem>>
      %sub3A_198 = arith.subi %get3A_197, %get3A_194 : i32
      %add3A_199 = arith.constant 15 : i32
      %add3A_200 = arith.addi %sub3A_198, %add3A_199 : i32
      %div3A = arith.constant 16 : i32
      %div3A_201 = arith.divsi %add3A_200, %div3A : i32
      %jit3A_202 = arith.constant true
      %jit3A_203 = arith.constant 97920 : i32
      %jit3A_204 = arith.constant 98304 : i32
      %select_n3A_205 = arith.select %jit3A_202, %jit3A_203, %jit3A_204 : i32
      %multiple_of3A_206 = tpu.assume_multiple %select_n3A_205, 128 : i32
      %while3A = arith.constant 0 : i32
      %while3A_207 = arith.constant 0 : i32
      %while3A_208 = arith.subi %div3A_201, %while3A : i32
      %while3A_209 = arith.addi %while3A, %while3A_208 : i32
      %while3A_210 = arith.constant 1 : i32
      %while3A_211 = arith.divsi %while3A_208, %while3A_210 : i32
      %while3A_212 = arith.muli %while3A_211, %while3A_210 : i32
      %while3A_213 = arith.addi %while3A, %while3A_212 : i32
      %while3A_214 = arith.constant 1 : i32
      %while3A_215 = scf.for %while3A_265 = %while3A to %while3A_213 step %while3A_214 iter_args(%while3A_266 = %while3A_207) -> (i32)  : i32 {
        %mul3A_267 = arith.constant 16 : i32
        %mul3A_268 = arith.muli %while3A_265, %mul3A_267 : i32
        %add3A_269 = arith.addi %get3A_194, %mul3A_268 : i32
        %add3A_270 = vector.broadcast %add3A_269 : i32 to vector<16xi32>
        %add3A_271 = arith.addi %add3A_270, %iota3A : vector<16xi32>
        %gather3A = tpu.vector_load_idx %arg30[%add3A_271] : memref<4112xi32, #tpu.memory_space<vmem>>[vector<16xi32>], vector<16xi32>,
        %add3A_272 = vector.broadcast %add3A_269 : i32 to vector<16xi32>
        %add3A_273 = arith.addi %add3A_272, %iota3A : vector<16xi32>
        %lt3A_274 = vector.broadcast %get3A_197 : i32 to vector<16xi32>
        %lt3A_275 = arith.cmpi slt, %add3A_273, %lt3A_274 : vector<16xi32>
        %shift_right_arithmetic3A_276 = arith.constant 12 : i32
        %shift_right_arithmetic3A_277 = vector.broadcast %shift_right_arithmetic3A_276 : i32 to vector<16xi32>
        %shift_right_arithmetic3A_278 = arith.shrsi %gather3A, %shift_right_arithmetic3A_277 : vector<16xi32>
        %and3A_279 = arith.constant 4095 : i32
        %and3A_280 = vector.broadcast %and3A_279 : i32 to vector<16xi32>
        %and3A_281 = arith.andi %gather3A, %and3A_280 : vector<16xi32>
        %sub3A_282 = vector.broadcast %multiple_of3A_206 : i32 to vector<16xi32>
        %sub3A_283 = arith.subi %shift_right_arithmetic3A_278, %sub3A_282 : vector<16xi32>
        %jit3A_284 = arith.constant 0 : i32
        %jit3A_285 = arith.constant 2047 : i32
        %max3A = vector.broadcast %jit3A_284 : i32 to vector<16xi32>
        %max3A_286 = arith.maxsi %max3A, %sub3A_283 : vector<16xi32>
        %min3A = vector.broadcast %jit3A_285 : i32 to vector<16xi32>
        %min3A_287 = arith.minsi %min3A, %max3A_286 : vector<16xi32>
        %broadcast_in_dim3A = arith.constant 0 : i32
        %broadcast_in_dim3A_288 = vector.broadcast %broadcast_in_dim3A : i32 to vector<16xi32>
        %gather3A_289 = tpu.vector_load_idx %arg32[%broadcast_in_dim3A_288, %min3A_287] : memref<8x2048xf32, #tpu.memory_space<vmem>>[vector<16xi32>, vector<16xi32>], vector<16xf32>,
        tpu.vector_store_idx %arg34[%broadcast_in_dim3A_288, %and3A_281], %gather3A_289 masked %lt3A_275 : memref<8x4096xf32, #tpu.memory_space<vmem>>[vector<16xi32>, vector<16xi32>], vector<16xf32>, vector<16xi1>
        %broadcast_in_dim3A_290 = arith.constant 1 : i32
        %broadcast_in_dim3A_291 = vector.broadcast %broadcast_in_dim3A_290 : i32 to vector<16xi32>
        %gather3A_292 = tpu.vector_load_idx %arg32[%broadcast_in_dim3A_291, %min3A_287] : memref<8x2048xf32, #tpu.memory_space<vmem>>[vector<16xi32>, vector<16xi32>], vector<16xf32>,
        tpu.vector_store_idx %arg34[%broadcast_in_dim3A_291, %and3A_281], %gather3A_292 masked %lt3A_275 : memref<8x4096xf32, #tpu.memory_space<vmem>>[vector<16xi32>, vector<16xi32>], vector<16xf32>, vector<16xi1>
        %broadcast_in_dim3A_293 = arith.constant 2 : i32
        %broadcast_in_dim3A_294 = vector.broadcast %broadcast_in_dim3A_293 : i32 to vector<16xi32>
        %gather3A_295 = tpu.vector_load_idx %arg32[%broadcast_in_dim3A_294, %min3A_287] : memref<8x2048xf32, #tpu.memory_space<vmem>>[vector<16xi32>, vector<16xi32>], vector<16xf32>,
        tpu.vector_store_idx %arg34[%broadcast_in_dim3A_294, %and3A_281], %gather3A_295 masked %lt3A_275 : memref<8x4096xf32, #tpu.memory_space<vmem>>[vector<16xi32>, vector<16xi32>], vector<16xf32>, vector<16xi1>
        %broadcast_in_dim3A_296 = arith.constant 3 : i32
        %broadcast_in_dim3A_297 = vector.broadcast %broadcast_in_dim3A_296 : i32 to vector<16xi32>
        %gather3A_298 = tpu.vector_load_idx %arg32[%broadcast_in_dim3A_297, %min3A_287] : memref<8x2048xf32, #tpu.memory_space<vmem>>[vector<16xi32>, vector<16xi32>], vector<16xf32>,
        tpu.vector_store_idx %arg34[%broadcast_in_dim3A_297, %and3A_281], %gather3A_298 masked %lt3A_275 : memref<8x4096xf32, #tpu.memory_space<vmem>>[vector<16xi32>, vector<16xi32>], vector<16xf32>, vector<16xi1>
        %broadcast_in_dim3A_299 = arith.constant 4 : i32
        %broadcast_in_dim3A_300 = vector.broadcast %broadcast_in_dim3A_299 : i32 to vector<16xi32>
        %gather3A_301 = tpu.vector_load_idx %arg32[%broadcast_in_dim3A_300, %min3A_287] : memref<8x2048xf32, #tpu.memory_space<vmem>>[vector<16xi32>, vector<16xi32>], vector<16xf32>,
        tpu.vector_store_idx %arg34[%broadcast_in_dim3A_300, %and3A_281], %gather3A_301 masked %lt3A_275 : memref<8x4096xf32, #tpu.memory_space<vmem>>[vector<16xi32>, vector<16xi32>], vector<16xf32>, vector<16xi1>
        %broadcast_in_dim3A_302 = arith.constant 5 : i32
        %broadcast_in_dim3A_303 = vector.broadcast %broadcast_in_dim3A_302 : i32 to vector<16xi32>
        %gather3A_304 = tpu.vector_load_idx %arg32[%broadcast_in_dim3A_303, %min3A_287] : memref<8x2048xf32, #tpu.memory_space<vmem>>[vector<16xi32>, vector<16xi32>], vector<16xf32>,
        tpu.vector_store_idx %arg34[%broadcast_in_dim3A_303, %and3A_281], %gather3A_304 masked %lt3A_275 : memref<8x4096xf32, #tpu.memory_space<vmem>>[vector<16xi32>, vector<16xi32>], vector<16xf32>, vector<16xi1>
        %broadcast_in_dim3A_305 = arith.constant 6 : i32
        %broadcast_in_dim3A_306 = vector.broadcast %broadcast_in_dim3A_305 : i32 to vector<16xi32>
        %gather3A_307 = tpu.vector_load_idx %arg32[%broadcast_in_dim3A_306, %min3A_287] : memref<8x2048xf32, #tpu.memory_space<vmem>>[vector<16xi32>, vector<16xi32>], vector<16xf32>,
        tpu.vector_store_idx %arg34[%broadcast_in_dim3A_306, %and3A_281], %gather3A_307 masked %lt3A_275 : memref<8x4096xf32, #tpu.memory_space<vmem>>[vector<16xi32>, vector<16xi32>], vector<16xf32>, vector<16xi1>
        %broadcast_in_dim3A_308 = arith.constant 7 : i32
        %broadcast_in_dim3A_309 = vector.broadcast %broadcast_in_dim3A_308 : i32 to vector<16xi32>
        %gather3A_310 = tpu.vector_load_idx %arg32[%broadcast_in_dim3A_309, %min3A_287] : memref<8x2048xf32, #tpu.memory_space<vmem>>[vector<16xi32>, vector<16xi32>], vector<16xf32>,
        tpu.vector_store_idx %arg34[%broadcast_in_dim3A_309, %and3A_281], %gather3A_310 masked %lt3A_275 : memref<8x4096xf32, #tpu.memory_space<vmem>>[vector<16xi32>, vector<16xi32>], vector<16xf32>, vector<16xi1>
        %while3A_311 = arith.constant 0 : i32
        scf.yield %while3A_311 : i32
      }
      %while3A_216 = arith.constant 1 : i32
      %while3A_217 = scf.for %while3A_265 = %while3A_213 to %while3A_209 step %while3A_216 iter_args(%while3A_266 = %while3A_215) -> (i32)  : i32 {
        %mul3A_267 = arith.constant 16 : i32
        %mul3A_268 = arith.muli %while3A_265, %mul3A_267 : i32
        %add3A_269 = arith.addi %get3A_194, %mul3A_268 : i32
        %add3A_270 = vector.broadcast %add3A_269 : i32 to vector<16xi32>
        %add3A_271 = arith.addi %add3A_270, %iota3A : vector<16xi32>
        %gather3A = tpu.vector_load_idx %arg30[%add3A_271] : memref<4112xi32, #tpu.memory_space<vmem>>[vector<16xi32>], vector<16xi32>,
        %add3A_272 = vector.broadcast %add3A_269 : i32 to vector<16xi32>
        %add3A_273 = arith.addi %add3A_272, %iota3A : vector<16xi32>
        %lt3A_274 = vector.broadcast %get3A_197 : i32 to vector<16xi32>
        %lt3A_275 = arith.cmpi slt, %add3A_273, %lt3A_274 : vector<16xi32>
        %shift_right_arithmetic3A_276 = arith.constant 12 : i32
        %shift_right_arithmetic3A_277 = vector.broadcast %shift_right_arithmetic3A_276 : i32 to vector<16xi32>
        %shift_right_arithmetic3A_278 = arith.shrsi %gather3A, %shift_right_arithmetic3A_277 : vector<16xi32>
        %and3A_279 = arith.constant 4095 : i32
        %and3A_280 = vector.broadcast %and3A_279 : i32 to vector<16xi32>
        %and3A_281 = arith.andi %gather3A, %and3A_280 : vector<16xi32>
        %sub3A_282 = vector.broadcast %multiple_of3A_206 : i32 to vector<16xi32>
        %sub3A_283 = arith.subi %shift_right_arithmetic3A_278, %sub3A_282 : vector<16xi32>
        %jit3A_284 = arith.constant 0 : i32
        %jit3A_285 = arith.constant 2047 : i32
        %max3A = vector.broadcast %jit3A_284 : i32 to vector<16xi32>
        %max3A_286 = arith.maxsi %max3A, %sub3A_283 : vector<16xi32>
        %min3A = vector.broadcast %jit3A_285 : i32 to vector<16xi32>
        %min3A_287 = arith.minsi %min3A, %max3A_286 : vector<16xi32>
        %broadcast_in_dim3A = arith.constant 0 : i32
        %broadcast_in_dim3A_288 = vector.broadcast %broadcast_in_dim3A : i32 to vector<16xi32>
        %gather3A_289 = tpu.vector_load_idx %arg32[%broadcast_in_dim3A_288, %min3A_287] : memref<8x2048xf32, #tpu.memory_space<vmem>>[vector<16xi32>, vector<16xi32>], vector<16xf32>,
        tpu.vector_store_idx %arg34[%broadcast_in_dim3A_288, %and3A_281], %gather3A_289 masked %lt3A_275 : memref<8x4096xf32, #tpu.memory_space<vmem>>[vector<16xi32>, vector<16xi32>], vector<16xf32>, vector<16xi1>
        %broadcast_in_dim3A_290 = arith.constant 1 : i32
        %broadcast_in_dim3A_291 = vector.broadcast %broadcast_in_dim3A_290 : i32 to vector<16xi32>
        %gather3A_292 = tpu.vector_load_idx %arg32[%broadcast_in_dim3A_291, %min3A_287] : memref<8x2048xf32, #tpu.memory_space<vmem>>[vector<16xi32>, vector<16xi32>], vector<16xf32>,
        tpu.vector_store_idx %arg34[%broadcast_in_dim3A_291, %and3A_281], %gather3A_292 masked %lt3A_275 : memref<8x4096xf32, #tpu.memory_space<vmem>>[vector<16xi32>, vector<16xi32>], vector<16xf32>, vector<16xi1>
        %broadcast_in_dim3A_293 = arith.constant 2 : i32
        %broadcast_in_dim3A_294 = vector.broadcast %broadcast_in_dim3A_293 : i32 to vector<16xi32>
        %gather3A_295 = tpu.vector_load_idx %arg32[%broadcast_in_dim3A_294, %min3A_287] : memref<8x2048xf32, #tpu.memory_space<vmem>>[vector<16xi32>, vector<16xi32>], vector<16xf32>,
        tpu.vector_store_idx %arg34[%broadcast_in_dim3A_294, %and3A_281], %gather3A_295 masked %lt3A_275 : memref<8x4096xf32, #tpu.memory_space<vmem>>[vector<16xi32>, vector<16xi32>], vector<16xf32>, vector<16xi1>
        %broadcast_in_dim3A_296 = arith.constant 3 : i32
        %broadcast_in_dim3A_297 = vector.broadcast %broadcast_in_dim3A_296 : i32 to vector<16xi32>
        %gather3A_298 = tpu.vector_load_idx %arg32[%broadcast_in_dim3A_297, %min3A_287] : memref<8x2048xf32, #tpu.memory_space<vmem>>[vector<16xi32>, vector<16xi32>], vector<16xf32>,
        tpu.vector_store_idx %arg34[%broadcast_in_dim3A_297, %and3A_281], %gather3A_298 masked %lt3A_275 : memref<8x4096xf32, #tpu.memory_space<vmem>>[vector<16xi32>, vector<16xi32>], vector<16xf32>, vector<16xi1>
        %broadcast_in_dim3A_299 = arith.constant 4 : i32
        %broadcast_in_dim3A_300 = vector.broadcast %broadcast_in_dim3A_299 : i32 to vector<16xi32>
        %gather3A_301 = tpu.vector_load_idx %arg32[%broadcast_in_dim3A_300, %min3A_287] : memref<8x2048xf32, #tpu.memory_space<vmem>>[vector<16xi32>, vector<16xi32>], vector<16xf32>,
        tpu.vector_store_idx %arg34[%broadcast_in_dim3A_300, %and3A_281], %gather3A_301 masked %lt3A_275 : memref<8x4096xf32, #tpu.memory_space<vmem>>[vector<16xi32>, vector<16xi32>], vector<16xf32>, vector<16xi1>
        %broadcast_in_dim3A_302 = arith.constant 5 : i32
        %broadcast_in_dim3A_303 = vector.broadcast %broadcast_in_dim3A_302 : i32 to vector<16xi32>
        %gather3A_304 = tpu.vector_load_idx %arg32[%broadcast_in_dim3A_303, %min3A_287] : memref<8x2048xf32, #tpu.memory_space<vmem>>[vector<16xi32>, vector<16xi32>], vector<16xf32>,
        tpu.vector_store_idx %arg34[%broadcast_in_dim3A_303, %and3A_281], %gather3A_304 masked %lt3A_275 : memref<8x4096xf32, #tpu.memory_space<vmem>>[vector<16xi32>, vector<16xi32>], vector<16xf32>, vector<16xi1>
        %broadcast_in_dim3A_305 = arith.constant 6 : i32
        %broadcast_in_dim3A_306 = vector.broadcast %broadcast_in_dim3A_305 : i32 to vector<16xi32>
        %gather3A_307 = tpu.vector_load_idx %arg32[%broadcast_in_dim3A_306, %min3A_287] : memref<8x2048xf32, #tpu.memory_space<vmem>>[vector<16xi32>, vector<16xi32>], vector<16xf32>,
        tpu.vector_store_idx %arg34[%broadcast_in_dim3A_306, %and3A_281], %gather3A_307 masked %lt3A_275 : memref<8x4096xf32, #tpu.memory_space<vmem>>[vector<16xi32>, vector<16xi32>], vector<16xf32>, vector<16xi1>
        %broadcast_in_dim3A_308 = arith.constant 7 : i32
        %broadcast_in_dim3A_309 = vector.broadcast %broadcast_in_dim3A_308 : i32 to vector<16xi32>
        %gather3A_310 = tpu.vector_load_idx %arg32[%broadcast_in_dim3A_309, %min3A_287] : memref<8x2048xf32, #tpu.memory_space<vmem>>[vector<16xi32>, vector<16xi32>], vector<16xf32>,
        tpu.vector_store_idx %arg34[%broadcast_in_dim3A_309, %and3A_281], %gather3A_310 masked %lt3A_275 : memref<8x4096xf32, #tpu.memory_space<vmem>>[vector<16xi32>, vector<16xi32>], vector<16xf32>, vector<16xi1>
        %while3A_311 = arith.constant 0 : i32
        scf.yield %while3A_311 : i32
      }
      %get3A_218 = arith.constant 97 : i32
      %get3A_219 = arith.index_cast %get3A_218 : i32 to index
      %get3A_220 = memref.load %arg36[%get3A_219] : memref<100xi32, #tpu.memory_space<smem>>
      %get3A_221 = arith.constant 99 : i32
      %get3A_222 = arith.index_cast %get3A_221 : i32 to index
      %get3A_223 = memref.load %arg36[%get3A_222] : memref<100xi32, #tpu.memory_space<smem>>
      %sub3A_224 = arith.subi %get3A_223, %get3A_220 : i32
      %add3A_225 = arith.constant 15 : i32
      %add3A_226 = arith.addi %sub3A_224, %add3A_225 : i32
      %div3A_227 = arith.constant 16 : i32
      %div3A_228 = arith.divsi %add3A_226, %div3A_227 : i32
      %jit3A_229 = arith.constant true
      %jit3A_230 = arith.constant 97920 : i32
      %jit3A_231 = arith.constant 98304 : i32
      %select_n3A_232 = arith.select %jit3A_229, %jit3A_230, %jit3A_231 : i32
      %multiple_of3A_233 = tpu.assume_multiple %select_n3A_232, 128 : i32
      %while3A_234 = arith.constant 0 : i32
      %while3A_235 = arith.constant 0 : i32
      %while3A_236 = arith.subi %div3A_228, %while3A_234 : i32
      %while3A_237 = arith.addi %while3A_234, %while3A_236 : i32
      %while3A_238 = arith.constant 1 : i32
      %while3A_239 = arith.divsi %while3A_236, %while3A_238 : i32
      %while3A_240 = arith.muli %while3A_239, %while3A_238 : i32
      %while3A_241 = arith.addi %while3A_234, %while3A_240 : i32
      %while3A_242 = arith.constant 1 : i32
      %while3A_243 = scf.for %while3A_265 = %while3A_234 to %while3A_241 step %while3A_242 iter_args(%while3A_266 = %while3A_235) -> (i32)  : i32 {
        %mul3A_267 = arith.constant 16 : i32
        %mul3A_268 = arith.muli %while3A_265, %mul3A_267 : i32
        %add3A_269 = arith.addi %get3A_220, %mul3A_268 : i32
        %add3A_270 = vector.broadcast %add3A_269 : i32 to vector<16xi32>
        %add3A_271 = arith.addi %add3A_270, %iota3A : vector<16xi32>
        %gather3A = tpu.vector_load_idx %arg31[%add3A_271] : memref<4112xi32, #tpu.memory_space<vmem>>[vector<16xi32>], vector<16xi32>,
        %add3A_272 = vector.broadcast %add3A_269 : i32 to vector<16xi32>
        %add3A_273 = arith.addi %add3A_272, %iota3A : vector<16xi32>
        %lt3A_274 = vector.broadcast %get3A_223 : i32 to vector<16xi32>
        %lt3A_275 = arith.cmpi slt, %add3A_273, %lt3A_274 : vector<16xi32>
        %shift_right_arithmetic3A_276 = arith.constant 12 : i32
        %shift_right_arithmetic3A_277 = vector.broadcast %shift_right_arithmetic3A_276 : i32 to vector<16xi32>
        %shift_right_arithmetic3A_278 = arith.shrsi %gather3A, %shift_right_arithmetic3A_277 : vector<16xi32>
        %and3A_279 = arith.constant 4095 : i32
        %and3A_280 = vector.broadcast %and3A_279 : i32 to vector<16xi32>
        %and3A_281 = arith.andi %gather3A, %and3A_280 : vector<16xi32>
        %sub3A_282 = vector.broadcast %multiple_of3A_233 : i32 to vector<16xi32>
        %sub3A_283 = arith.subi %shift_right_arithmetic3A_278, %sub3A_282 : vector<16xi32>
        %jit3A_284 = arith.constant 0 : i32
        %jit3A_285 = arith.constant 2047 : i32
        %max3A = vector.broadcast %jit3A_284 : i32 to vector<16xi32>
        %max3A_286 = arith.maxsi %max3A, %sub3A_283 : vector<16xi32>
        %min3A = vector.broadcast %jit3A_285 : i32 to vector<16xi32>
        %min3A_287 = arith.minsi %min3A, %max3A_286 : vector<16xi32>
        %broadcast_in_dim3A = arith.constant 0 : i32
        %broadcast_in_dim3A_288 = vector.broadcast %broadcast_in_dim3A : i32 to vector<16xi32>
        %gather3A_289 = tpu.vector_load_idx %arg32[%broadcast_in_dim3A_288, %min3A_287] : memref<8x2048xf32, #tpu.memory_space<vmem>>[vector<16xi32>, vector<16xi32>], vector<16xf32>,
        tpu.vector_store_idx %arg35[%broadcast_in_dim3A_288, %and3A_281], %gather3A_289 masked %lt3A_275 : memref<8x4096xf32, #tpu.memory_space<vmem>>[vector<16xi32>, vector<16xi32>], vector<16xf32>, vector<16xi1>
        %broadcast_in_dim3A_290 = arith.constant 1 : i32
        %broadcast_in_dim3A_291 = vector.broadcast %broadcast_in_dim3A_290 : i32 to vector<16xi32>
        %gather3A_292 = tpu.vector_load_idx %arg32[%broadcast_in_dim3A_291, %min3A_287] : memref<8x2048xf32, #tpu.memory_space<vmem>>[vector<16xi32>, vector<16xi32>], vector<16xf32>,
        tpu.vector_store_idx %arg35[%broadcast_in_dim3A_291, %and3A_281], %gather3A_292 masked %lt3A_275 : memref<8x4096xf32, #tpu.memory_space<vmem>>[vector<16xi32>, vector<16xi32>], vector<16xf32>, vector<16xi1>
        %broadcast_in_dim3A_293 = arith.constant 2 : i32
        %broadcast_in_dim3A_294 = vector.broadcast %broadcast_in_dim3A_293 : i32 to vector<16xi32>
        %gather3A_295 = tpu.vector_load_idx %arg32[%broadcast_in_dim3A_294, %min3A_287] : memref<8x2048xf32, #tpu.memory_space<vmem>>[vector<16xi32>, vector<16xi32>], vector<16xf32>,
        tpu.vector_store_idx %arg35[%broadcast_in_dim3A_294, %and3A_281], %gather3A_295 masked %lt3A_275 : memref<8x4096xf32, #tpu.memory_space<vmem>>[vector<16xi32>, vector<16xi32>], vector<16xf32>, vector<16xi1>
        %broadcast_in_dim3A_296 = arith.constant 3 : i32
        %broadcast_in_dim3A_297 = vector.broadcast %broadcast_in_dim3A_296 : i32 to vector<16xi32>
        %gather3A_298 = tpu.vector_load_idx %arg32[%broadcast_in_dim3A_297, %min3A_287] : memref<8x2048xf32, #tpu.memory_space<vmem>>[vector<16xi32>, vector<16xi32>], vector<16xf32>,
        tpu.vector_store_idx %arg35[%broadcast_in_dim3A_297, %and3A_281], %gather3A_298 masked %lt3A_275 : memref<8x4096xf32, #tpu.memory_space<vmem>>[vector<16xi32>, vector<16xi32>], vector<16xf32>, vector<16xi1>
        %broadcast_in_dim3A_299 = arith.constant 4 : i32
        %broadcast_in_dim3A_300 = vector.broadcast %broadcast_in_dim3A_299 : i32 to vector<16xi32>
        %gather3A_301 = tpu.vector_load_idx %arg32[%broadcast_in_dim3A_300, %min3A_287] : memref<8x2048xf32, #tpu.memory_space<vmem>>[vector<16xi32>, vector<16xi32>], vector<16xf32>,
        tpu.vector_store_idx %arg35[%broadcast_in_dim3A_300, %and3A_281], %gather3A_301 masked %lt3A_275 : memref<8x4096xf32, #tpu.memory_space<vmem>>[vector<16xi32>, vector<16xi32>], vector<16xf32>, vector<16xi1>
        %broadcast_in_dim3A_302 = arith.constant 5 : i32
        %broadcast_in_dim3A_303 = vector.broadcast %broadcast_in_dim3A_302 : i32 to vector<16xi32>
        %gather3A_304 = tpu.vector_load_idx %arg32[%broadcast_in_dim3A_303, %min3A_287] : memref<8x2048xf32, #tpu.memory_space<vmem>>[vector<16xi32>, vector<16xi32>], vector<16xf32>,
        tpu.vector_store_idx %arg35[%broadcast_in_dim3A_303, %and3A_281], %gather3A_304 masked %lt3A_275 : memref<8x4096xf32, #tpu.memory_space<vmem>>[vector<16xi32>, vector<16xi32>], vector<16xf32>, vector<16xi1>
        %broadcast_in_dim3A_305 = arith.constant 6 : i32
        %broadcast_in_dim3A_306 = vector.broadcast %broadcast_in_dim3A_305 : i32 to vector<16xi32>
        %gather3A_307 = tpu.vector_load_idx %arg32[%broadcast_in_dim3A_306, %min3A_287] : memref<8x2048xf32, #tpu.memory_space<vmem>>[vector<16xi32>, vector<16xi32>], vector<16xf32>,
        tpu.vector_store_idx %arg35[%broadcast_in_dim3A_306, %and3A_281], %gather3A_307 masked %lt3A_275 : memref<8x4096xf32, #tpu.memory_space<vmem>>[vector<16xi32>, vector<16xi32>], vector<16xf32>, vector<16xi1>
        %broadcast_in_dim3A_308 = arith.constant 7 : i32
        %broadcast_in_dim3A_309 = vector.broadcast %broadcast_in_dim3A_308 : i32 to vector<16xi32>
        %gather3A_310 = tpu.vector_load_idx %arg32[%broadcast_in_dim3A_309, %min3A_287] : memref<8x2048xf32, #tpu.memory_space<vmem>>[vector<16xi32>, vector<16xi32>], vector<16xf32>,
        tpu.vector_store_idx %arg35[%broadcast_in_dim3A_309, %and3A_281], %gather3A_310 masked %lt3A_275 : memref<8x4096xf32, #tpu.memory_space<vmem>>[vector<16xi32>, vector<16xi32>], vector<16xf32>, vector<16xi1>
        %while3A_311 = arith.constant 0 : i32
        scf.yield %while3A_311 : i32
      }
      %while3A_244 = arith.constant 1 : i32
      %while3A_245 = scf.for %while3A_265 = %while3A_241 to %while3A_237 step %while3A_244 iter_args(%while3A_266 = %while3A_243) -> (i32)  : i32 {
        %mul3A_267 = arith.constant 16 : i32
        %mul3A_268 = arith.muli %while3A_265, %mul3A_267 : i32
        %add3A_269 = arith.addi %get3A_220, %mul3A_268 : i32
        %add3A_270 = vector.broadcast %add3A_269 : i32 to vector<16xi32>
        %add3A_271 = arith.addi %add3A_270, %iota3A : vector<16xi32>
        %gather3A = tpu.vector_load_idx %arg31[%add3A_271] : memref<4112xi32, #tpu.memory_space<vmem>>[vector<16xi32>], vector<16xi32>,
        %add3A_272 = vector.broadcast %add3A_269 : i32 to vector<16xi32>
        %add3A_273 = arith.addi %add3A_272, %iota3A : vector<16xi32>
        %lt3A_274 = vector.broadcast %get3A_223 : i32 to vector<16xi32>
        %lt3A_275 = arith.cmpi slt, %add3A_273, %lt3A_274 : vector<16xi32>
        %shift_right_arithmetic3A_276 = arith.constant 12 : i32
        %shift_right_arithmetic3A_277 = vector.broadcast %shift_right_arithmetic3A_276 : i32 to vector<16xi32>
        %shift_right_arithmetic3A_278 = arith.shrsi %gather3A, %shift_right_arithmetic3A_277 : vector<16xi32>
        %and3A_279 = arith.constant 4095 : i32
        %and3A_280 = vector.broadcast %and3A_279 : i32 to vector<16xi32>
        %and3A_281 = arith.andi %gather3A, %and3A_280 : vector<16xi32>
        %sub3A_282 = vector.broadcast %multiple_of3A_233 : i32 to vector<16xi32>
        %sub3A_283 = arith.subi %shift_right_arithmetic3A_278, %sub3A_282 : vector<16xi32>
        %jit3A_284 = arith.constant 0 : i32
        %jit3A_285 = arith.constant 2047 : i32
        %max3A = vector.broadcast %jit3A_284 : i32 to vector<16xi32>
        %max3A_286 = arith.maxsi %max3A, %sub3A_283 : vector<16xi32>
        %min3A = vector.broadcast %jit3A_285 : i32 to vector<16xi32>
        %min3A_287 = arith.minsi %min3A, %max3A_286 : vector<16xi32>
        %broadcast_in_dim3A = arith.constant 0 : i32
        %broadcast_in_dim3A_288 = vector.broadcast %broadcast_in_dim3A : i32 to vector<16xi32>
        %gather3A_289 = tpu.vector_load_idx %arg32[%broadcast_in_dim3A_288, %min3A_287] : memref<8x2048xf32, #tpu.memory_space<vmem>>[vector<16xi32>, vector<16xi32>], vector<16xf32>,
        tpu.vector_store_idx %arg35[%broadcast_in_dim3A_288, %and3A_281], %gather3A_289 masked %lt3A_275 : memref<8x4096xf32, #tpu.memory_space<vmem>>[vector<16xi32>, vector<16xi32>], vector<16xf32>, vector<16xi1>
        %broadcast_in_dim3A_290 = arith.constant 1 : i32
        %broadcast_in_dim3A_291 = vector.broadcast %broadcast_in_dim3A_290 : i32 to vector<16xi32>
        %gather3A_292 = tpu.vector_load_idx %arg32[%broadcast_in_dim3A_291, %min3A_287] : memref<8x2048xf32, #tpu.memory_space<vmem>>[vector<16xi32>, vector<16xi32>], vector<16xf32>,
        tpu.vector_store_idx %arg35[%broadcast_in_dim3A_291, %and3A_281], %gather3A_292 masked %lt3A_275 : memref<8x4096xf32, #tpu.memory_space<vmem>>[vector<16xi32>, vector<16xi32>], vector<16xf32>, vector<16xi1>
        %broadcast_in_dim3A_293 = arith.constant 2 : i32
        %broadcast_in_dim3A_294 = vector.broadcast %broadcast_in_dim3A_293 : i32 to vector<16xi32>
        %gather3A_295 = tpu.vector_load_idx %arg32[%broadcast_in_dim3A_294, %min3A_287] : memref<8x2048xf32, #tpu.memory_space<vmem>>[vector<16xi32>, vector<16xi32>], vector<16xf32>,
        tpu.vector_store_idx %arg35[%broadcast_in_dim3A_294, %and3A_281], %gather3A_295 masked %lt3A_275 : memref<8x4096xf32, #tpu.memory_space<vmem>>[vector<16xi32>, vector<16xi32>], vector<16xf32>, vector<16xi1>
        %broadcast_in_dim3A_296 = arith.constant 3 : i32
        %broadcast_in_dim3A_297 = vector.broadcast %broadcast_in_dim3A_296 : i32 to vector<16xi32>
        %gather3A_298 = tpu.vector_load_idx %arg32[%broadcast_in_dim3A_297, %min3A_287] : memref<8x2048xf32, #tpu.memory_space<vmem>>[vector<16xi32>, vector<16xi32>], vector<16xf32>,
        tpu.vector_store_idx %arg35[%broadcast_in_dim3A_297, %and3A_281], %gather3A_298 masked %lt3A_275 : memref<8x4096xf32, #tpu.memory_space<vmem>>[vector<16xi32>, vector<16xi32>], vector<16xf32>, vector<16xi1>
        %broadcast_in_dim3A_299 = arith.constant 4 : i32
        %broadcast_in_dim3A_300 = vector.broadcast %broadcast_in_dim3A_299 : i32 to vector<16xi32>
        %gather3A_301 = tpu.vector_load_idx %arg32[%broadcast_in_dim3A_300, %min3A_287] : memref<8x2048xf32, #tpu.memory_space<vmem>>[vector<16xi32>, vector<16xi32>], vector<16xf32>,
        tpu.vector_store_idx %arg35[%broadcast_in_dim3A_300, %and3A_281], %gather3A_301 masked %lt3A_275 : memref<8x4096xf32, #tpu.memory_space<vmem>>[vector<16xi32>, vector<16xi32>], vector<16xf32>, vector<16xi1>
        %broadcast_in_dim3A_302 = arith.constant 5 : i32
        %broadcast_in_dim3A_303 = vector.broadcast %broadcast_in_dim3A_302 : i32 to vector<16xi32>
        %gather3A_304 = tpu.vector_load_idx %arg32[%broadcast_in_dim3A_303, %min3A_287] : memref<8x2048xf32, #tpu.memory_space<vmem>>[vector<16xi32>, vector<16xi32>], vector<16xf32>,
        tpu.vector_store_idx %arg35[%broadcast_in_dim3A_303, %and3A_281], %gather3A_304 masked %lt3A_275 : memref<8x4096xf32, #tpu.memory_space<vmem>>[vector<16xi32>, vector<16xi32>], vector<16xf32>, vector<16xi1>
        %broadcast_in_dim3A_305 = arith.constant 6 : i32
        %broadcast_in_dim3A_306 = vector.broadcast %broadcast_in_dim3A_305 : i32 to vector<16xi32>
        %gather3A_307 = tpu.vector_load_idx %arg32[%broadcast_in_dim3A_306, %min3A_287] : memref<8x2048xf32, #tpu.memory_space<vmem>>[vector<16xi32>, vector<16xi32>], vector<16xf32>,
        tpu.vector_store_idx %arg35[%broadcast_in_dim3A_306, %and3A_281], %gather3A_307 masked %lt3A_275 : memref<8x4096xf32, #tpu.memory_space<vmem>>[vector<16xi32>, vector<16xi32>], vector<16xf32>, vector<16xi1>
        %broadcast_in_dim3A_308 = arith.constant 7 : i32
        %broadcast_in_dim3A_309 = vector.broadcast %broadcast_in_dim3A_308 : i32 to vector<16xi32>
        %gather3A_310 = tpu.vector_load_idx %arg32[%broadcast_in_dim3A_309, %min3A_287] : memref<8x2048xf32, #tpu.memory_space<vmem>>[vector<16xi32>, vector<16xi32>], vector<16xf32>,
        tpu.vector_store_idx %arg35[%broadcast_in_dim3A_309, %and3A_281], %gather3A_310 masked %lt3A_275 : memref<8x4096xf32, #tpu.memory_space<vmem>>[vector<16xi32>, vector<16xi32>], vector<16xf32>, vector<16xi1>
        %while3A_311 = arith.constant 0 : i32
        scf.yield %while3A_311 : i32
      }
      %mul3A_246 = arith.constant 8 : i32
      %mul3A_247 = arith.muli %add3A_54, %mul3A_246 : i32
      %multiple_of3A_248 = tpu.assume_multiple %mul3A_247, 8 : i32
      %dma_start3A = arith.constant 0 : i32
      %dma_start3A_249 = tpu.memref_slice %arg24[%multiple_of3A_248, %dma_start3A] : memref<768x4096xf32, #tpu.memory_space<hbm>> -> memref<8x4096xf32, #tpu.memory_space<hbm>>
      %dma_start3A_250 = arith.constant 0 : i32
      %dma_start3A_251 = tpu.memref_slice %arg24[%multiple_of3A_248, %dma_start3A_250] : memref<768x4096xf32, #tpu.memory_space<hbm>> -> memref<8x4096xf32, #tpu.memory_space<hbm>>
      tpu.enqueue_dma source(%arg34 : memref<8x4096xf32, #tpu.memory_space<vmem>>) target(%dma_start3A_251 : memref<8x4096xf32, #tpu.memory_space<hbm>>) target_semaphore(%arg40 : memref<!tpu.dma_semaphore, #tpu.memory_space<semaphore_mem>>)
      %dma_start3A_252 = arith.constant 0 : i32
      %dma_start3A_253 = tpu.memref_slice %arg25[%multiple_of3A_248, %dma_start3A_252] : memref<768x4096xf32, #tpu.memory_space<hbm>> -> memref<8x4096xf32, #tpu.memory_space<hbm>>
      %dma_start3A_254 = arith.constant 0 : i32
      %dma_start3A_255 = tpu.memref_slice %arg25[%multiple_of3A_248, %dma_start3A_254] : memref<768x4096xf32, #tpu.memory_space<hbm>> -> memref<8x4096xf32, #tpu.memory_space<hbm>>
      tpu.enqueue_dma source(%arg35 : memref<8x4096xf32, #tpu.memory_space<vmem>>) target(%dma_start3A_255 : memref<8x4096xf32, #tpu.memory_space<hbm>>) target_semaphore(%arg41 : memref<!tpu.dma_semaphore, #tpu.memory_space<semaphore_mem>>)
      %dma_wait3A_256 = arith.constant 0 : i32
      %dma_wait3A_257 = tpu.memref_slice %arg24[%multiple_of3A_248, %dma_wait3A_256] : memref<768x4096xf32, #tpu.memory_space<hbm>> -> memref<8x4096xf32, #tpu.memory_space<hbm>>
      %dma_wait3A_258 = arith.constant 0 : i32
      %dma_wait3A_259 = tpu.memref_slice %arg24[%multiple_of3A_248, %dma_wait3A_258] : memref<768x4096xf32, #tpu.memory_space<hbm>> -> memref<8x4096xf32, #tpu.memory_space<hbm>>
      tpu.wait_dma2 semaphore(%arg40 : memref<!tpu.dma_semaphore, #tpu.memory_space<semaphore_mem>>) src(%arg34 : memref<8x4096xf32, #tpu.memory_space<vmem>>) dst(%dma_wait3A_259 : memref<8x4096xf32, #tpu.memory_space<hbm>>)
      %dma_wait3A_260 = arith.constant 0 : i32
      %dma_wait3A_261 = tpu.memref_slice %arg25[%multiple_of3A_248, %dma_wait3A_260] : memref<768x4096xf32, #tpu.memory_space<hbm>> -> memref<8x4096xf32, #tpu.memory_space<hbm>>
      %dma_wait3A_262 = arith.constant 0 : i32
      %dma_wait3A_263 = tpu.memref_slice %arg25[%multiple_of3A_248, %dma_wait3A_262] : memref<768x4096xf32, #tpu.memory_space<hbm>> -> memref<8x4096xf32, #tpu.memory_space<hbm>>
      tpu.wait_dma2 semaphore(%arg41 : memref<!tpu.dma_semaphore, #tpu.memory_space<semaphore_mem>>) src(%arg35 : memref<8x4096xf32, #tpu.memory_space<vmem>>) dst(%dma_wait3A_263 : memref<8x4096xf32, #tpu.memory_space<hbm>>)
      %scan3A_264 = arith.constant 0 : i32
      scf.yield %scan3A_264 : i32
    }
    %scan3A_49 = arith.constant 3 : i32
    return
  }
}

module attributes {stable_mosaic.version = 14 : i64} {
  func.func @_tc_body(%arg0: i32, %arg1: memref<1x512xf32, #tpu.memory_space<vmem>>, %arg2: memref<1x512xf32, #tpu.memory_space<vmem>>, %arg3: memref<1x512xf32, #tpu.memory_space<vmem>>, %arg4: memref<1x512xi32, #tpu.memory_space<vmem>>, %arg5: memref<1x512xi32, #tpu.memory_space<vmem>>, %arg6: memref<1x512xi32, #tpu.memory_space<vmem>>, %arg7: memref<500x128xf32, #tpu.memory_space<vmem>>, %arg8: memref<500x128xf32, #tpu.memory_space<vmem>>, %arg9: memref<768x512xf32, #tpu.memory_space<vmem>>, %arg10: memref<768x512xf32, #tpu.memory_space<vmem>>, %arg11: memref<96x128xf32, #tpu.memory_space<vmem>>, %arg12: memref<96x128xf32, #tpu.memory_space<vmem>>, %arg13: memref<32x128xf32, #tpu.memory_space<vmem>>, %arg14: memref<32x128xf32, #tpu.memory_space<vmem>>, %arg15: memref<32x128xf32, #tpu.memory_space<vmem>>, %arg16: memref<32x128xf32, #tpu.memory_space<vmem>>, %arg17: memref<32x128xf32, #tpu.memory_space<vmem>>, %arg18: memref<32x128xf32, #tpu.memory_space<vmem>>, %arg19: memref<32x128xf32, #tpu.memory_space<vmem>>, %arg20: memref<32x128xf32, #tpu.memory_space<vmem>>, %arg21: memref<32x128xf32, #tpu.memory_space<vmem>>, %arg22: memref<32x128xf32, #tpu.memory_space<vmem>>, %arg23: memref<32x128xf32, #tpu.memory_space<vmem>>, %arg24: memref<32x128xf32, #tpu.memory_space<vmem>>, %arg25: memref<32x128xf32, #tpu.memory_space<vmem>>, %arg26: memref<32x128xf32, #tpu.memory_space<vmem>>, %arg27: memref<32x128xf32, #tpu.memory_space<vmem>>, %arg28: memref<32x128xf32, #tpu.memory_space<vmem>>, %arg29: memref<32x128xf32, #tpu.memory_space<vmem>>, %arg30: memref<32x128xf32, #tpu.memory_space<vmem>>, %arg31: memref<512xf32, #tpu.memory_space<vmem>>) attributes {dimension_semantics = [#tpu.dimension_semantics<arbitrary>], iteration_bounds = array<i64: 8>, scalar_prefetch = 0 : i64, scratch_operands = 0 : i64, tpu.core_type = #tpu.core_type<tc>, window_params = [{transform_indices = @transform_0, window_bounds = array<i64: 1, 512>}, {transform_indices = @transform_1, window_bounds = array<i64: 1, 512>}, {transform_indices = @transform_2, window_bounds = array<i64: 1, 512>}, {transform_indices = @transform_3, window_bounds = array<i64: 1, 512>}, {transform_indices = @transform_4, window_bounds = array<i64: 1, 512>}, {transform_indices = @transform_5, window_bounds = array<i64: 1, 512>}, {pipeline_mode = #tpu.pipeline_mode<synchronous>, transform_indices = @transform_6, window_bounds = array<i64: 500, 128>}, {pipeline_mode = #tpu.pipeline_mode<synchronous>, transform_indices = @transform_7, window_bounds = array<i64: 500, 128>}, {transform_indices = @transform_8, window_bounds = array<i64: 768, 512>}, {transform_indices = @transform_9, window_bounds = array<i64: 768, 512>}, {transform_indices = @transform_10, window_bounds = array<i64: 96, 128>}, {transform_indices = @transform_11, window_bounds = array<i64: 96, 128>}, {transform_indices = @transform_12, window_bounds = array<i64: 32, 128>}, {transform_indices = @transform_13, window_bounds = array<i64: 32, 128>}, {transform_indices = @transform_14, window_bounds = array<i64: 32, 128>}, {transform_indices = @transform_15, window_bounds = array<i64: 32, 128>}, {transform_indices = @transform_16, window_bounds = array<i64: 32, 128>}, {transform_indices = @transform_17, window_bounds = array<i64: 32, 128>}, {transform_indices = @transform_18, window_bounds = array<i64: 32, 128>}, {transform_indices = @transform_19, window_bounds = array<i64: 32, 128>}, {transform_indices = @transform_20, window_bounds = array<i64: 32, 128>}, {transform_indices = @transform_21, window_bounds = array<i64: 32, 128>}, {transform_indices = @transform_22, window_bounds = array<i64: 32, 128>}, {transform_indices = @transform_23, window_bounds = array<i64: 32, 128>}, {transform_indices = @transform_24, window_bounds = array<i64: 32, 128>}, {transform_indices = @transform_25, window_bounds = array<i64: 32, 128>}, {transform_indices = @transform_26, window_bounds = array<i64: 32, 128>}, {transform_indices = @transform_27, window_bounds = array<i64: 32, 128>}, {transform_indices = @transform_28, window_bounds = array<i64: 32, 128>}, {transform_indices = @transform_29, window_bounds = array<i64: 32, 128>}, {transform_indices = @transform_30, window_bounds = array<i64: 512>}]} {
    %get3A = arith.constant 0 : index
    %get3A_0 = arith.constant 0 : index
    %get3A_1 = vector.load %arg1[%get3A, %get3A_0] : memref<1x512xf32, #tpu.memory_space<vmem>>, vector<1x512xf32>
    %get3A_2 = arith.constant 0 : index
    %get3A_3 = arith.constant 0 : index
    %get3A_4 = vector.load %arg2[%get3A_2, %get3A_3] : memref<1x512xf32, #tpu.memory_space<vmem>>, vector<1x512xf32>
    %get3A_5 = arith.constant 0 : index
    %get3A_6 = arith.constant 0 : index
    %get3A_7 = vector.load %arg3[%get3A_5, %get3A_6] : memref<1x512xf32, #tpu.memory_space<vmem>>, vector<1x512xf32>
    %get3A_8 = arith.constant 0 : index
    %get3A_9 = arith.constant 0 : index
    %get3A_10 = vector.load %arg4[%get3A_8, %get3A_9] : memref<1x512xi32, #tpu.memory_space<vmem>>, vector<1x512xi32>
    %iota3A = tpu.iota {dimensions = array<i32: 0>} : vector<500x512xi32>
    %eq3A = vector.broadcast %get3A_10 : vector<1x512xi32> to vector<500x512xi32>
    %eq3A_11 = arith.cmpi eq, %iota3A, %eq3A : vector<500x512xi32>
    %convert_element_type3A = arith.extui %eq3A_11 : vector<500x512xi1> to vector<500x512xi32>
    %convert_element_type3A_12 = arith.sitofp %convert_element_type3A : vector<500x512xi32> to vector<500x512xf32>
    %get3A_13 = arith.constant 0 : index
    %get3A_14 = arith.constant 0 : index
    %get3A_15 = vector.load %arg7[%get3A_13, %get3A_14] : memref<500x128xf32, #tpu.memory_space<vmem>>, vector<500x128xf32>
    %dot_general3A = arith.constant dense<0.000000e+00> : vector<128x512xf32>
    %dot_general3A_16 = tpu.matmul %get3A_15, %convert_element_type3A_12, %dot_general3A {dimension_numbers = #tpu.dot_dimension_numbers<[0], [0], [1], [1], [0, 1, 1, 1], [], []>, transpose_lhs_hint = false} : vector<500x128xf32>, vector<500x512xf32>, vector<128x512xf32> -> vector<128x512xf32>
    %get3A_17 = arith.constant 0 : index
    %get3A_18 = arith.constant 0 : index
    %get3A_19 = vector.load %arg8[%get3A_17, %get3A_18] : memref<500x128xf32, #tpu.memory_space<vmem>>, vector<500x128xf32>
    %dot_general3A_20 = arith.constant dense<0.000000e+00> : vector<128x512xf32>
    %dot_general3A_21 = tpu.matmul %get3A_19, %convert_element_type3A_12, %dot_general3A_20 {dimension_numbers = #tpu.dot_dimension_numbers<[0], [0], [1], [1], [0, 1, 1, 1], [], []>, transpose_lhs_hint = false} : vector<500x128xf32>, vector<500x512xf32>, vector<128x512xf32> -> vector<128x512xf32>
    %iota3A_22 = tpu.iota {dimensions = array<i32: 1>} : vector<1x128xi32>
    %lt3A = arith.constant 32 : i32
    %lt3A_23 = vector.broadcast %lt3A : i32 to vector<1x128xi32>
    %lt3A_24 = arith.cmpi slt, %iota3A_22, %lt3A_23 : vector<1x128xi32>
    %get3A_25 = arith.constant 0 : index
    %get3A_26 = arith.constant 0 : index
    %get3A_27 = vector.load %arg11[%get3A_25, %get3A_26] : memref<96x128xf32, #tpu.memory_space<vmem>>, vector<96x128xf32>
    %jit3A = arith.constant 0.000000e+00 : f32
    %broadcast_in_dim3A = vector.shape_cast %lt3A_24 : vector<1x128xi1> to vector<1x128xi1>
    %broadcast_in_dim3A_28 = vector.broadcast %broadcast_in_dim3A : vector<1x128xi1> to vector<96x128xi1>
    %broadcast_in_dim3A_29 = vector.broadcast %jit3A : f32 to vector<96x128xf32>
    %select_n3A = arith.select %broadcast_in_dim3A_28, %get3A_27, %broadcast_in_dim3A_29 : vector<96x128xi1>, vector<96x128xf32>
    %get3A_30 = arith.constant 0 : index
    %get3A_31 = arith.constant 0 : index
    %get3A_32 = vector.load %arg12[%get3A_30, %get3A_31] : memref<96x128xf32, #tpu.memory_space<vmem>>, vector<96x128xf32>
    %jit3A_33 = arith.constant 0.000000e+00 : f32
    %broadcast_in_dim3A_34 = vector.shape_cast %lt3A_24 : vector<1x128xi1> to vector<1x128xi1>
    %broadcast_in_dim3A_35 = vector.broadcast %broadcast_in_dim3A_34 : vector<1x128xi1> to vector<96x128xi1>
    %broadcast_in_dim3A_36 = vector.broadcast %jit3A_33 : f32 to vector<96x128xf32>
    %select_n3A_37 = arith.select %broadcast_in_dim3A_35, %get3A_32, %broadcast_in_dim3A_36 : vector<96x128xi1>, vector<96x128xf32>
    %get3A_38 = arith.constant 0 : index
    %get3A_39 = arith.constant 0 : index
    %get3A_40 = vector.load %arg13[%get3A_38, %get3A_39] : memref<32x128xf32, #tpu.memory_space<vmem>>, vector<32x128xf32>
    %jit3A_41 = arith.constant 0.000000e+00 : f32
    %broadcast_in_dim3A_42 = vector.shape_cast %lt3A_24 : vector<1x128xi1> to vector<1x128xi1>
    %broadcast_in_dim3A_43 = vector.broadcast %broadcast_in_dim3A_42 : vector<1x128xi1> to vector<32x128xi1>
    %broadcast_in_dim3A_44 = vector.broadcast %jit3A_41 : f32 to vector<32x128xf32>
    %select_n3A_45 = arith.select %broadcast_in_dim3A_43, %get3A_40, %broadcast_in_dim3A_44 : vector<32x128xi1>, vector<32x128xf32>
    %get3A_46 = arith.constant 0 : index
    %get3A_47 = arith.constant 0 : index
    %get3A_48 = vector.load %arg14[%get3A_46, %get3A_47] : memref<32x128xf32, #tpu.memory_space<vmem>>, vector<32x128xf32>
    %jit3A_49 = arith.constant 0.000000e+00 : f32
    %broadcast_in_dim3A_50 = vector.shape_cast %lt3A_24 : vector<1x128xi1> to vector<1x128xi1>
    %broadcast_in_dim3A_51 = vector.broadcast %broadcast_in_dim3A_50 : vector<1x128xi1> to vector<32x128xi1>
    %broadcast_in_dim3A_52 = vector.broadcast %jit3A_49 : f32 to vector<32x128xf32>
    %select_n3A_53 = arith.select %broadcast_in_dim3A_51, %get3A_48, %broadcast_in_dim3A_52 : vector<32x128xi1>, vector<32x128xf32>
    %get3A_54 = arith.constant 0 : index
    %get3A_55 = arith.constant 0 : index
    %get3A_56 = vector.load %arg15[%get3A_54, %get3A_55] : memref<32x128xf32, #tpu.memory_space<vmem>>, vector<32x128xf32>
    %jit3A_57 = arith.constant 0.000000e+00 : f32
    %broadcast_in_dim3A_58 = vector.shape_cast %lt3A_24 : vector<1x128xi1> to vector<1x128xi1>
    %broadcast_in_dim3A_59 = vector.broadcast %broadcast_in_dim3A_58 : vector<1x128xi1> to vector<32x128xi1>
    %broadcast_in_dim3A_60 = vector.broadcast %jit3A_57 : f32 to vector<32x128xf32>
    %select_n3A_61 = arith.select %broadcast_in_dim3A_59, %get3A_56, %broadcast_in_dim3A_60 : vector<32x128xi1>, vector<32x128xf32>
    %get3A_62 = arith.constant 0 : index
    %get3A_63 = arith.constant 0 : index
    %get3A_64 = vector.load %arg16[%get3A_62, %get3A_63] : memref<32x128xf32, #tpu.memory_space<vmem>>, vector<32x128xf32>
    %jit3A_65 = arith.constant 0.000000e+00 : f32
    %broadcast_in_dim3A_66 = vector.shape_cast %lt3A_24 : vector<1x128xi1> to vector<1x128xi1>
    %broadcast_in_dim3A_67 = vector.broadcast %broadcast_in_dim3A_66 : vector<1x128xi1> to vector<32x128xi1>
    %broadcast_in_dim3A_68 = vector.broadcast %jit3A_65 : f32 to vector<32x128xf32>
    %select_n3A_69 = arith.select %broadcast_in_dim3A_67, %get3A_64, %broadcast_in_dim3A_68 : vector<32x128xi1>, vector<32x128xf32>
    %get3A_70 = arith.constant 0 : index
    %get3A_71 = arith.constant 0 : index
    %get3A_72 = vector.load %arg17[%get3A_70, %get3A_71] : memref<32x128xf32, #tpu.memory_space<vmem>>, vector<32x128xf32>
    %jit3A_73 = arith.constant 0.000000e+00 : f32
    %broadcast_in_dim3A_74 = vector.shape_cast %lt3A_24 : vector<1x128xi1> to vector<1x128xi1>
    %broadcast_in_dim3A_75 = vector.broadcast %broadcast_in_dim3A_74 : vector<1x128xi1> to vector<32x128xi1>
    %broadcast_in_dim3A_76 = vector.broadcast %jit3A_73 : f32 to vector<32x128xf32>
    %select_n3A_77 = arith.select %broadcast_in_dim3A_75, %get3A_72, %broadcast_in_dim3A_76 : vector<32x128xi1>, vector<32x128xf32>
    %get3A_78 = arith.constant 0 : index
    %get3A_79 = arith.constant 0 : index
    %get3A_80 = vector.load %arg18[%get3A_78, %get3A_79] : memref<32x128xf32, #tpu.memory_space<vmem>>, vector<32x128xf32>
    %jit3A_81 = arith.constant 0.000000e+00 : f32
    %broadcast_in_dim3A_82 = vector.shape_cast %lt3A_24 : vector<1x128xi1> to vector<1x128xi1>
    %broadcast_in_dim3A_83 = vector.broadcast %broadcast_in_dim3A_82 : vector<1x128xi1> to vector<32x128xi1>
    %broadcast_in_dim3A_84 = vector.broadcast %jit3A_81 : f32 to vector<32x128xf32>
    %select_n3A_85 = arith.select %broadcast_in_dim3A_83, %get3A_80, %broadcast_in_dim3A_84 : vector<32x128xi1>, vector<32x128xf32>
    %get3A_86 = arith.constant 0 : index
    %get3A_87 = arith.constant 0 : index
    %get3A_88 = vector.load %arg19[%get3A_86, %get3A_87] : memref<32x128xf32, #tpu.memory_space<vmem>>, vector<32x128xf32>
    %jit3A_89 = arith.constant 0.000000e+00 : f32
    %broadcast_in_dim3A_90 = vector.shape_cast %lt3A_24 : vector<1x128xi1> to vector<1x128xi1>
    %broadcast_in_dim3A_91 = vector.broadcast %broadcast_in_dim3A_90 : vector<1x128xi1> to vector<32x128xi1>
    %broadcast_in_dim3A_92 = vector.broadcast %jit3A_89 : f32 to vector<32x128xf32>
    %select_n3A_93 = arith.select %broadcast_in_dim3A_91, %get3A_88, %broadcast_in_dim3A_92 : vector<32x128xi1>, vector<32x128xf32>
    %get3A_94 = arith.constant 0 : index
    %get3A_95 = arith.constant 0 : index
    %get3A_96 = vector.load %arg20[%get3A_94, %get3A_95] : memref<32x128xf32, #tpu.memory_space<vmem>>, vector<32x128xf32>
    %jit3A_97 = arith.constant 0.000000e+00 : f32
    %broadcast_in_dim3A_98 = vector.shape_cast %lt3A_24 : vector<1x128xi1> to vector<1x128xi1>
    %broadcast_in_dim3A_99 = vector.broadcast %broadcast_in_dim3A_98 : vector<1x128xi1> to vector<32x128xi1>
    %broadcast_in_dim3A_100 = vector.broadcast %jit3A_97 : f32 to vector<32x128xf32>
    %select_n3A_101 = arith.select %broadcast_in_dim3A_99, %get3A_96, %broadcast_in_dim3A_100 : vector<32x128xi1>, vector<32x128xf32>
    %get3A_102 = arith.constant 0 : index
    %get3A_103 = arith.constant 0 : index
    %get3A_104 = vector.load %arg21[%get3A_102, %get3A_103] : memref<32x128xf32, #tpu.memory_space<vmem>>, vector<32x128xf32>
    %jit3A_105 = arith.constant 0.000000e+00 : f32
    %broadcast_in_dim3A_106 = vector.shape_cast %lt3A_24 : vector<1x128xi1> to vector<1x128xi1>
    %broadcast_in_dim3A_107 = vector.broadcast %broadcast_in_dim3A_106 : vector<1x128xi1> to vector<32x128xi1>
    %broadcast_in_dim3A_108 = vector.broadcast %jit3A_105 : f32 to vector<32x128xf32>
    %select_n3A_109 = arith.select %broadcast_in_dim3A_107, %get3A_104, %broadcast_in_dim3A_108 : vector<32x128xi1>, vector<32x128xf32>
    %get3A_110 = arith.constant 0 : index
    %get3A_111 = arith.constant 0 : index
    %get3A_112 = vector.load %arg22[%get3A_110, %get3A_111] : memref<32x128xf32, #tpu.memory_space<vmem>>, vector<32x128xf32>
    %jit3A_113 = arith.constant 0.000000e+00 : f32
    %broadcast_in_dim3A_114 = vector.shape_cast %lt3A_24 : vector<1x128xi1> to vector<1x128xi1>
    %broadcast_in_dim3A_115 = vector.broadcast %broadcast_in_dim3A_114 : vector<1x128xi1> to vector<32x128xi1>
    %broadcast_in_dim3A_116 = vector.broadcast %jit3A_113 : f32 to vector<32x128xf32>
    %select_n3A_117 = arith.select %broadcast_in_dim3A_115, %get3A_112, %broadcast_in_dim3A_116 : vector<32x128xi1>, vector<32x128xf32>
    %get3A_118 = arith.constant 0 : index
    %get3A_119 = arith.constant 0 : index
    %get3A_120 = vector.load %arg23[%get3A_118, %get3A_119] : memref<32x128xf32, #tpu.memory_space<vmem>>, vector<32x128xf32>
    %jit3A_121 = arith.constant 0.000000e+00 : f32
    %broadcast_in_dim3A_122 = vector.shape_cast %lt3A_24 : vector<1x128xi1> to vector<1x128xi1>
    %broadcast_in_dim3A_123 = vector.broadcast %broadcast_in_dim3A_122 : vector<1x128xi1> to vector<32x128xi1>
    %broadcast_in_dim3A_124 = vector.broadcast %jit3A_121 : f32 to vector<32x128xf32>
    %select_n3A_125 = arith.select %broadcast_in_dim3A_123, %get3A_120, %broadcast_in_dim3A_124 : vector<32x128xi1>, vector<32x128xf32>
    %get3A_126 = arith.constant 0 : index
    %get3A_127 = arith.constant 0 : index
    %get3A_128 = vector.load %arg24[%get3A_126, %get3A_127] : memref<32x128xf32, #tpu.memory_space<vmem>>, vector<32x128xf32>
    %jit3A_129 = arith.constant 0.000000e+00 : f32
    %broadcast_in_dim3A_130 = vector.shape_cast %lt3A_24 : vector<1x128xi1> to vector<1x128xi1>
    %broadcast_in_dim3A_131 = vector.broadcast %broadcast_in_dim3A_130 : vector<1x128xi1> to vector<32x128xi1>
    %broadcast_in_dim3A_132 = vector.broadcast %jit3A_129 : f32 to vector<32x128xf32>
    %select_n3A_133 = arith.select %broadcast_in_dim3A_131, %get3A_128, %broadcast_in_dim3A_132 : vector<32x128xi1>, vector<32x128xf32>
    %get3A_134 = arith.constant 0 : index
    %get3A_135 = arith.constant 0 : index
    %get3A_136 = vector.load %arg25[%get3A_134, %get3A_135] : memref<32x128xf32, #tpu.memory_space<vmem>>, vector<32x128xf32>
    %jit3A_137 = arith.constant 0.000000e+00 : f32
    %broadcast_in_dim3A_138 = vector.shape_cast %lt3A_24 : vector<1x128xi1> to vector<1x128xi1>
    %broadcast_in_dim3A_139 = vector.broadcast %broadcast_in_dim3A_138 : vector<1x128xi1> to vector<32x128xi1>
    %broadcast_in_dim3A_140 = vector.broadcast %jit3A_137 : f32 to vector<32x128xf32>
    %select_n3A_141 = arith.select %broadcast_in_dim3A_139, %get3A_136, %broadcast_in_dim3A_140 : vector<32x128xi1>, vector<32x128xf32>
    %get3A_142 = arith.constant 0 : index
    %get3A_143 = arith.constant 0 : index
    %get3A_144 = vector.load %arg26[%get3A_142, %get3A_143] : memref<32x128xf32, #tpu.memory_space<vmem>>, vector<32x128xf32>
    %jit3A_145 = arith.constant 0.000000e+00 : f32
    %broadcast_in_dim3A_146 = vector.shape_cast %lt3A_24 : vector<1x128xi1> to vector<1x128xi1>
    %broadcast_in_dim3A_147 = vector.broadcast %broadcast_in_dim3A_146 : vector<1x128xi1> to vector<32x128xi1>
    %broadcast_in_dim3A_148 = vector.broadcast %jit3A_145 : f32 to vector<32x128xf32>
    %select_n3A_149 = arith.select %broadcast_in_dim3A_147, %get3A_144, %broadcast_in_dim3A_148 : vector<32x128xi1>, vector<32x128xf32>
    %get3A_150 = arith.constant 0 : index
    %get3A_151 = arith.constant 0 : index
    %get3A_152 = vector.load %arg27[%get3A_150, %get3A_151] : memref<32x128xf32, #tpu.memory_space<vmem>>, vector<32x128xf32>
    %jit3A_153 = arith.constant 0.000000e+00 : f32
    %broadcast_in_dim3A_154 = vector.shape_cast %lt3A_24 : vector<1x128xi1> to vector<1x128xi1>
    %broadcast_in_dim3A_155 = vector.broadcast %broadcast_in_dim3A_154 : vector<1x128xi1> to vector<32x128xi1>
    %broadcast_in_dim3A_156 = vector.broadcast %jit3A_153 : f32 to vector<32x128xf32>
    %select_n3A_157 = arith.select %broadcast_in_dim3A_155, %get3A_152, %broadcast_in_dim3A_156 : vector<32x128xi1>, vector<32x128xf32>
    %get3A_158 = arith.constant 0 : index
    %get3A_159 = arith.constant 0 : index
    %get3A_160 = vector.load %arg28[%get3A_158, %get3A_159] : memref<32x128xf32, #tpu.memory_space<vmem>>, vector<32x128xf32>
    %jit3A_161 = arith.constant 0.000000e+00 : f32
    %broadcast_in_dim3A_162 = vector.shape_cast %lt3A_24 : vector<1x128xi1> to vector<1x128xi1>
    %broadcast_in_dim3A_163 = vector.broadcast %broadcast_in_dim3A_162 : vector<1x128xi1> to vector<32x128xi1>
    %broadcast_in_dim3A_164 = vector.broadcast %jit3A_161 : f32 to vector<32x128xf32>
    %select_n3A_165 = arith.select %broadcast_in_dim3A_163, %get3A_160, %broadcast_in_dim3A_164 : vector<32x128xi1>, vector<32x128xf32>
    %get3A_166 = arith.constant 0 : index
    %get3A_167 = arith.constant 0 : index
    %get3A_168 = vector.load %arg29[%get3A_166, %get3A_167] : memref<32x128xf32, #tpu.memory_space<vmem>>, vector<32x128xf32>
    %jit3A_169 = arith.constant 0.000000e+00 : f32
    %broadcast_in_dim3A_170 = vector.shape_cast %lt3A_24 : vector<1x128xi1> to vector<1x128xi1>
    %broadcast_in_dim3A_171 = vector.broadcast %broadcast_in_dim3A_170 : vector<1x128xi1> to vector<32x128xi1>
    %broadcast_in_dim3A_172 = vector.broadcast %jit3A_169 : f32 to vector<32x128xf32>
    %select_n3A_173 = arith.select %broadcast_in_dim3A_171, %get3A_168, %broadcast_in_dim3A_172 : vector<32x128xi1>, vector<32x128xf32>
    %get3A_174 = arith.constant 0 : index
    %get3A_175 = arith.constant 0 : index
    %get3A_176 = vector.load %arg30[%get3A_174, %get3A_175] : memref<32x128xf32, #tpu.memory_space<vmem>>, vector<32x128xf32>
    %jit3A_177 = arith.constant 0.000000e+00 : f32
    %broadcast_in_dim3A_178 = vector.shape_cast %lt3A_24 : vector<1x128xi1> to vector<1x128xi1>
    %broadcast_in_dim3A_179 = vector.broadcast %broadcast_in_dim3A_178 : vector<1x128xi1> to vector<32x128xi1>
    %broadcast_in_dim3A_180 = vector.broadcast %jit3A_177 : f32 to vector<32x128xf32>
    %select_n3A_181 = arith.select %broadcast_in_dim3A_179, %get3A_176, %broadcast_in_dim3A_180 : vector<32x128xi1>, vector<32x128xf32>
    %concatenate3A = tpu.concatenate %select_n3A, %select_n3A_37, %select_n3A_45, %select_n3A_53, %select_n3A_61, %select_n3A_69, %select_n3A_77, %select_n3A_85, %select_n3A_93, %select_n3A_101, %select_n3A_109, %select_n3A_117, %select_n3A_125, %select_n3A_133, %select_n3A_141, %select_n3A_149, %select_n3A_157, %select_n3A_165, %select_n3A_173, %select_n3A_181 in 0 : vector<96x128xf32>, vector<96x128xf32>, vector<32x128xf32>, vector<32x128xf32>, vector<32x128xf32>, vector<32x128xf32>, vector<32x128xf32>, vector<32x128xf32>, vector<32x128xf32>, vector<32x128xf32>, vector<32x128xf32>, vector<32x128xf32>, vector<32x128xf32>, vector<32x128xf32>, vector<32x128xf32>, vector<32x128xf32>, vector<32x128xf32>, vector<32x128xf32>, vector<32x128xf32>, vector<32x128xf32> -> vector<768x128xf32>
    %get3A_182 = arith.constant 0 : index
    %get3A_183 = arith.constant 0 : index
    %get3A_184 = vector.load %arg5[%get3A_182, %get3A_183] : memref<1x512xi32, #tpu.memory_space<vmem>>, vector<1x512xi32>
    %ge3A = arith.constant 99968 : i32
    %ge3A_185 = vector.broadcast %ge3A : i32 to vector<1x512xi32>
    %ge3A_186 = arith.cmpi sge, %get3A_184, %ge3A_185 : vector<1x512xi32>
    %iota3A_187 = tpu.iota {dimensions = array<i32: 0>} : vector<128x512xi32>
    %sub3A = arith.constant 99968 : i32
    %sub3A_188 = vector.broadcast %sub3A : i32 to vector<1x512xi32>
    %sub3A_189 = arith.subi %get3A_184, %sub3A_188 : vector<1x512xi32>
    %eq3A_190 = vector.broadcast %sub3A_189 : vector<1x512xi32> to vector<128x512xi32>
    %eq3A_191 = arith.cmpi eq, %iota3A_187, %eq3A_190 : vector<128x512xi32>
    %and3A = vector.broadcast %ge3A_186 : vector<1x512xi1> to vector<128x512xi1>
    %and3A_192 = arith.andi %eq3A_191, %and3A : vector<128x512xi1>
    %convert_element_type3A_193 = arith.extui %and3A_192 : vector<128x512xi1> to vector<128x512xi32>
    %convert_element_type3A_194 = arith.sitofp %convert_element_type3A_193 : vector<128x512xi32> to vector<128x512xf32>
    %dot_general3A_195 = arith.constant dense<0.000000e+00> : vector<768x512xf32>
    %dot_general3A_196 = tpu.matmul %concatenate3A, %convert_element_type3A_194, %dot_general3A_195 {dimension_numbers = #tpu.dot_dimension_numbers<[1], [0], [0], [1], [0, 0, 1, 1], [], []>, transpose_lhs_hint = false} : vector<768x128xf32>, vector<128x512xf32>, vector<768x512xf32> -> vector<768x512xf32>
    %get3A_197 = arith.constant 0 : index
    %get3A_198 = arith.constant 0 : index
    %get3A_199 = vector.load %arg9[%get3A_197, %get3A_198] : memref<768x512xf32, #tpu.memory_space<vmem>>, vector<768x512xf32>
    %broadcast_in_dim3A_200 = vector.shape_cast %ge3A_186 : vector<1x512xi1> to vector<1x512xi1>
    %broadcast_in_dim3A_201 = vector.broadcast %broadcast_in_dim3A_200 : vector<1x512xi1> to vector<768x512xi1>
    %select_n3A_202 = arith.select %broadcast_in_dim3A_201, %dot_general3A_196, %get3A_199 : vector<768x512xi1>, vector<768x512xf32>
    %get3A_203 = arith.constant 0 : index
    %get3A_204 = arith.constant 0 : index
    %get3A_205 = vector.load %arg6[%get3A_203, %get3A_204] : memref<1x512xi32, #tpu.memory_space<vmem>>, vector<1x512xi32>
    %ge3A_206 = arith.constant 99968 : i32
    %ge3A_207 = vector.broadcast %ge3A_206 : i32 to vector<1x512xi32>
    %ge3A_208 = arith.cmpi sge, %get3A_205, %ge3A_207 : vector<1x512xi32>
    %iota3A_209 = tpu.iota {dimensions = array<i32: 0>} : vector<128x512xi32>
    %sub3A_210 = arith.constant 99968 : i32
    %sub3A_211 = vector.broadcast %sub3A_210 : i32 to vector<1x512xi32>
    %sub3A_212 = arith.subi %get3A_205, %sub3A_211 : vector<1x512xi32>
    %eq3A_213 = vector.broadcast %sub3A_212 : vector<1x512xi32> to vector<128x512xi32>
    %eq3A_214 = arith.cmpi eq, %iota3A_209, %eq3A_213 : vector<128x512xi32>
    %and3A_215 = vector.broadcast %ge3A_208 : vector<1x512xi1> to vector<128x512xi1>
    %and3A_216 = arith.andi %eq3A_214, %and3A_215 : vector<128x512xi1>
    %convert_element_type3A_217 = arith.extui %and3A_216 : vector<128x512xi1> to vector<128x512xi32>
    %convert_element_type3A_218 = arith.sitofp %convert_element_type3A_217 : vector<128x512xi32> to vector<128x512xf32>
    %dot_general3A_219 = arith.constant dense<0.000000e+00> : vector<768x512xf32>
    %dot_general3A_220 = tpu.matmul %concatenate3A, %convert_element_type3A_218, %dot_general3A_219 {dimension_numbers = #tpu.dot_dimension_numbers<[1], [0], [0], [1], [0, 0, 1, 1], [], []>, transpose_lhs_hint = false} : vector<768x128xf32>, vector<128x512xf32>, vector<768x512xf32> -> vector<768x512xf32>
    %get3A_221 = arith.constant 0 : index
    %get3A_222 = arith.constant 0 : index
    %get3A_223 = vector.load %arg10[%get3A_221, %get3A_222] : memref<768x512xf32, #tpu.memory_space<vmem>>, vector<768x512xf32>
    %broadcast_in_dim3A_224 = vector.shape_cast %ge3A_208 : vector<1x512xi1> to vector<1x512xi1>
    %broadcast_in_dim3A_225 = vector.broadcast %broadcast_in_dim3A_224 : vector<1x512xi1> to vector<768x512xi1>
    %select_n3A_226 = arith.select %broadcast_in_dim3A_225, %dot_general3A_220, %get3A_223 : vector<768x512xi1>, vector<768x512xf32>
    %slice3A = vector.extract_strided_slice %select_n3A_202 {offsets = [192, 0], sizes = [32, 512], strides = [1, 1]} : vector<768x512xf32> to vector<32x512xf32>
    %slice3A_227 = vector.extract_strided_slice %select_n3A_202 {offsets = [224, 0], sizes = [32, 512], strides = [1, 1]} : vector<768x512xf32> to vector<32x512xf32>
    %slice3A_228 = vector.extract_strided_slice %select_n3A_202 {offsets = [256, 0], sizes = [32, 512], strides = [1, 1]} : vector<768x512xf32> to vector<32x512xf32>
    %slice3A_229 = vector.extract_strided_slice %select_n3A_202 {offsets = [288, 0], sizes = [32, 512], strides = [1, 1]} : vector<768x512xf32> to vector<32x512xf32>
    %slice3A_230 = vector.extract_strided_slice %select_n3A_202 {offsets = [320, 0], sizes = [32, 512], strides = [1, 1]} : vector<768x512xf32> to vector<32x512xf32>
    %slice3A_231 = vector.extract_strided_slice %select_n3A_202 {offsets = [352, 0], sizes = [32, 512], strides = [1, 1]} : vector<768x512xf32> to vector<32x512xf32>
    %slice3A_232 = vector.extract_strided_slice %select_n3A_202 {offsets = [384, 0], sizes = [32, 512], strides = [1, 1]} : vector<768x512xf32> to vector<32x512xf32>
    %slice3A_233 = vector.extract_strided_slice %select_n3A_202 {offsets = [416, 0], sizes = [32, 512], strides = [1, 1]} : vector<768x512xf32> to vector<32x512xf32>
    %slice3A_234 = vector.extract_strided_slice %select_n3A_202 {offsets = [448, 0], sizes = [32, 512], strides = [1, 1]} : vector<768x512xf32> to vector<32x512xf32>
    %mul3A = vector.broadcast %get3A_1 : vector<1x512xf32> to vector<32x512xf32>
    %mul3A_235 = arith.mulf %slice3A, %mul3A : vector<32x512xf32>
    %add3A = arith.addf %mul3A_235, %slice3A_227 : vector<32x512xf32>
    %mul3A_236 = arith.mulf %add3A, %add3A : vector<32x512xf32>
    %mul3A_237 = arith.constant -1.98412701E-4 : f32
    %mul3A_238 = vector.broadcast %mul3A_237 : f32 to vector<32x512xf32>
    %mul3A_239 = arith.mulf %mul3A_236, %mul3A_238 : vector<32x512xf32>
    %add3A_240 = arith.constant 0.00833333377 : f32
    %add3A_241 = vector.broadcast %add3A_240 : f32 to vector<32x512xf32>
    %add3A_242 = arith.addf %add3A_241, %mul3A_239 : vector<32x512xf32>
    %mul3A_243 = arith.mulf %mul3A_236, %add3A_242 : vector<32x512xf32>
    %add3A_244 = arith.constant -0.166666672 : f32
    %add3A_245 = vector.broadcast %add3A_244 : f32 to vector<32x512xf32>
    %add3A_246 = arith.addf %add3A_245, %mul3A_243 : vector<32x512xf32>
    %mul3A_247 = arith.mulf %mul3A_236, %add3A_246 : vector<32x512xf32>
    %add3A_248 = arith.constant 1.000000e+00 : f32
    %add3A_249 = vector.broadcast %add3A_248 : f32 to vector<32x512xf32>
    %add3A_250 = arith.addf %add3A_249, %mul3A_247 : vector<32x512xf32>
    %mul3A_251 = arith.mulf %add3A, %add3A_250 : vector<32x512xf32>
    %mul3A_252 = arith.mulf %slice3A_228, %mul3A_251 : vector<32x512xf32>
    %mul3A_253 = vector.broadcast %get3A_4 : vector<1x512xf32> to vector<32x512xf32>
    %mul3A_254 = arith.mulf %slice3A_229, %mul3A_253 : vector<32x512xf32>
    %add3A_255 = arith.addf %mul3A_254, %slice3A_230 : vector<32x512xf32>
    %mul3A_256 = arith.mulf %add3A_255, %add3A_255 : vector<32x512xf32>
    %mul3A_257 = arith.constant -1.98412701E-4 : f32
    %mul3A_258 = vector.broadcast %mul3A_257 : f32 to vector<32x512xf32>
    %mul3A_259 = arith.mulf %mul3A_256, %mul3A_258 : vector<32x512xf32>
    %add3A_260 = arith.constant 0.00833333377 : f32
    %add3A_261 = vector.broadcast %add3A_260 : f32 to vector<32x512xf32>
    %add3A_262 = arith.addf %add3A_261, %mul3A_259 : vector<32x512xf32>
    %mul3A_263 = arith.mulf %mul3A_256, %add3A_262 : vector<32x512xf32>
    %add3A_264 = arith.constant -0.166666672 : f32
    %add3A_265 = vector.broadcast %add3A_264 : f32 to vector<32x512xf32>
    %add3A_266 = arith.addf %add3A_265, %mul3A_263 : vector<32x512xf32>
    %mul3A_267 = arith.mulf %mul3A_256, %add3A_266 : vector<32x512xf32>
    %add3A_268 = arith.constant 1.000000e+00 : f32
    %add3A_269 = vector.broadcast %add3A_268 : f32 to vector<32x512xf32>
    %add3A_270 = arith.addf %add3A_269, %mul3A_267 : vector<32x512xf32>
    %mul3A_271 = arith.mulf %add3A_255, %add3A_270 : vector<32x512xf32>
    %mul3A_272 = arith.mulf %slice3A_231, %mul3A_271 : vector<32x512xf32>
    %add3A_273 = arith.addf %mul3A_252, %mul3A_272 : vector<32x512xf32>
    %mul3A_274 = vector.broadcast %get3A_7 : vector<1x512xf32> to vector<32x512xf32>
    %mul3A_275 = arith.mulf %slice3A_232, %mul3A_274 : vector<32x512xf32>
    %add3A_276 = arith.addf %mul3A_275, %slice3A_233 : vector<32x512xf32>
    %mul3A_277 = arith.mulf %add3A_276, %add3A_276 : vector<32x512xf32>
    %mul3A_278 = arith.constant -1.98412701E-4 : f32
    %mul3A_279 = vector.broadcast %mul3A_278 : f32 to vector<32x512xf32>
    %mul3A_280 = arith.mulf %mul3A_277, %mul3A_279 : vector<32x512xf32>
    %add3A_281 = arith.constant 0.00833333377 : f32
    %add3A_282 = vector.broadcast %add3A_281 : f32 to vector<32x512xf32>
    %add3A_283 = arith.addf %add3A_282, %mul3A_280 : vector<32x512xf32>
    %mul3A_284 = arith.mulf %mul3A_277, %add3A_283 : vector<32x512xf32>
    %add3A_285 = arith.constant -0.166666672 : f32
    %add3A_286 = vector.broadcast %add3A_285 : f32 to vector<32x512xf32>
    %add3A_287 = arith.addf %add3A_286, %mul3A_284 : vector<32x512xf32>
    %mul3A_288 = arith.mulf %mul3A_277, %add3A_287 : vector<32x512xf32>
    %add3A_289 = arith.constant 1.000000e+00 : f32
    %add3A_290 = vector.broadcast %add3A_289 : f32 to vector<32x512xf32>
    %add3A_291 = arith.addf %add3A_290, %mul3A_288 : vector<32x512xf32>
    %mul3A_292 = arith.mulf %add3A_276, %add3A_291 : vector<32x512xf32>
    %mul3A_293 = arith.mulf %slice3A_234, %mul3A_292 : vector<32x512xf32>
    %add3A_294 = arith.addf %add3A_273, %mul3A_293 : vector<32x512xf32>
    %slice3A_295 = vector.extract_strided_slice %select_n3A_202 {offsets = [480, 0], sizes = [32, 512], strides = [1, 1]} : vector<768x512xf32> to vector<32x512xf32>
    %slice3A_296 = vector.extract_strided_slice %select_n3A_202 {offsets = [512, 0], sizes = [32, 512], strides = [1, 1]} : vector<768x512xf32> to vector<32x512xf32>
    %slice3A_297 = vector.extract_strided_slice %select_n3A_202 {offsets = [544, 0], sizes = [32, 512], strides = [1, 1]} : vector<768x512xf32> to vector<32x512xf32>
    %slice3A_298 = vector.extract_strided_slice %select_n3A_202 {offsets = [576, 0], sizes = [32, 512], strides = [1, 1]} : vector<768x512xf32> to vector<32x512xf32>
    %slice3A_299 = vector.extract_strided_slice %select_n3A_202 {offsets = [608, 0], sizes = [32, 512], strides = [1, 1]} : vector<768x512xf32> to vector<32x512xf32>
    %slice3A_300 = vector.extract_strided_slice %select_n3A_202 {offsets = [640, 0], sizes = [32, 512], strides = [1, 1]} : vector<768x512xf32> to vector<32x512xf32>
    %slice3A_301 = vector.extract_strided_slice %select_n3A_202 {offsets = [672, 0], sizes = [32, 512], strides = [1, 1]} : vector<768x512xf32> to vector<32x512xf32>
    %slice3A_302 = vector.extract_strided_slice %select_n3A_202 {offsets = [704, 0], sizes = [32, 512], strides = [1, 1]} : vector<768x512xf32> to vector<32x512xf32>
    %slice3A_303 = vector.extract_strided_slice %select_n3A_202 {offsets = [736, 0], sizes = [32, 512], strides = [1, 1]} : vector<768x512xf32> to vector<32x512xf32>
    %mul3A_304 = vector.broadcast %get3A_1 : vector<1x512xf32> to vector<32x512xf32>
    %mul3A_305 = arith.mulf %slice3A_295, %mul3A_304 : vector<32x512xf32>
    %add3A_306 = arith.addf %mul3A_305, %slice3A_296 : vector<32x512xf32>
    %mul3A_307 = arith.mulf %add3A_306, %add3A_306 : vector<32x512xf32>
    %mul3A_308 = arith.constant -1.98412701E-4 : f32
    %mul3A_309 = vector.broadcast %mul3A_308 : f32 to vector<32x512xf32>
    %mul3A_310 = arith.mulf %mul3A_307, %mul3A_309 : vector<32x512xf32>
    %add3A_311 = arith.constant 0.00833333377 : f32
    %add3A_312 = vector.broadcast %add3A_311 : f32 to vector<32x512xf32>
    %add3A_313 = arith.addf %add3A_312, %mul3A_310 : vector<32x512xf32>
    %mul3A_314 = arith.mulf %mul3A_307, %add3A_313 : vector<32x512xf32>
    %add3A_315 = arith.constant -0.166666672 : f32
    %add3A_316 = vector.broadcast %add3A_315 : f32 to vector<32x512xf32>
    %add3A_317 = arith.addf %add3A_316, %mul3A_314 : vector<32x512xf32>
    %mul3A_318 = arith.mulf %mul3A_307, %add3A_317 : vector<32x512xf32>
    %add3A_319 = arith.constant 1.000000e+00 : f32
    %add3A_320 = vector.broadcast %add3A_319 : f32 to vector<32x512xf32>
    %add3A_321 = arith.addf %add3A_320, %mul3A_318 : vector<32x512xf32>
    %mul3A_322 = arith.mulf %add3A_306, %add3A_321 : vector<32x512xf32>
    %mul3A_323 = arith.mulf %slice3A_297, %mul3A_322 : vector<32x512xf32>
    %mul3A_324 = vector.broadcast %get3A_4 : vector<1x512xf32> to vector<32x512xf32>
    %mul3A_325 = arith.mulf %slice3A_298, %mul3A_324 : vector<32x512xf32>
    %add3A_326 = arith.addf %mul3A_325, %slice3A_299 : vector<32x512xf32>
    %mul3A_327 = arith.mulf %add3A_326, %add3A_326 : vector<32x512xf32>
    %mul3A_328 = arith.constant -1.98412701E-4 : f32
    %mul3A_329 = vector.broadcast %mul3A_328 : f32 to vector<32x512xf32>
    %mul3A_330 = arith.mulf %mul3A_327, %mul3A_329 : vector<32x512xf32>
    %add3A_331 = arith.constant 0.00833333377 : f32
    %add3A_332 = vector.broadcast %add3A_331 : f32 to vector<32x512xf32>
    %add3A_333 = arith.addf %add3A_332, %mul3A_330 : vector<32x512xf32>
    %mul3A_334 = arith.mulf %mul3A_327, %add3A_333 : vector<32x512xf32>
    %add3A_335 = arith.constant -0.166666672 : f32
    %add3A_336 = vector.broadcast %add3A_335 : f32 to vector<32x512xf32>
    %add3A_337 = arith.addf %add3A_336, %mul3A_334 : vector<32x512xf32>
    %mul3A_338 = arith.mulf %mul3A_327, %add3A_337 : vector<32x512xf32>
    %add3A_339 = arith.constant 1.000000e+00 : f32
    %add3A_340 = vector.broadcast %add3A_339 : f32 to vector<32x512xf32>
    %add3A_341 = arith.addf %add3A_340, %mul3A_338 : vector<32x512xf32>
    %mul3A_342 = arith.mulf %add3A_326, %add3A_341 : vector<32x512xf32>
    %mul3A_343 = arith.mulf %slice3A_300, %mul3A_342 : vector<32x512xf32>
    %add3A_344 = arith.addf %mul3A_323, %mul3A_343 : vector<32x512xf32>
    %mul3A_345 = vector.broadcast %get3A_7 : vector<1x512xf32> to vector<32x512xf32>
    %mul3A_346 = arith.mulf %slice3A_301, %mul3A_345 : vector<32x512xf32>
    %add3A_347 = arith.addf %mul3A_346, %slice3A_302 : vector<32x512xf32>
    %mul3A_348 = arith.mulf %add3A_347, %add3A_347 : vector<32x512xf32>
    %mul3A_349 = arith.constant -1.98412701E-4 : f32
    %mul3A_350 = vector.broadcast %mul3A_349 : f32 to vector<32x512xf32>
    %mul3A_351 = arith.mulf %mul3A_348, %mul3A_350 : vector<32x512xf32>
    %add3A_352 = arith.constant 0.00833333377 : f32
    %add3A_353 = vector.broadcast %add3A_352 : f32 to vector<32x512xf32>
    %add3A_354 = arith.addf %add3A_353, %mul3A_351 : vector<32x512xf32>
    %mul3A_355 = arith.mulf %mul3A_348, %add3A_354 : vector<32x512xf32>
    %add3A_356 = arith.constant -0.166666672 : f32
    %add3A_357 = vector.broadcast %add3A_356 : f32 to vector<32x512xf32>
    %add3A_358 = arith.addf %add3A_357, %mul3A_355 : vector<32x512xf32>
    %mul3A_359 = arith.mulf %mul3A_348, %add3A_358 : vector<32x512xf32>
    %add3A_360 = arith.constant 1.000000e+00 : f32
    %add3A_361 = vector.broadcast %add3A_360 : f32 to vector<32x512xf32>
    %add3A_362 = arith.addf %add3A_361, %mul3A_359 : vector<32x512xf32>
    %mul3A_363 = arith.mulf %add3A_347, %add3A_362 : vector<32x512xf32>
    %mul3A_364 = arith.mulf %slice3A_303, %mul3A_363 : vector<32x512xf32>
    %add3A_365 = arith.addf %add3A_344, %mul3A_364 : vector<32x512xf32>
    %slice3A_366 = vector.extract_strided_slice %select_n3A_226 {offsets = [192, 0], sizes = [32, 512], strides = [1, 1]} : vector<768x512xf32> to vector<32x512xf32>
    %slice3A_367 = vector.extract_strided_slice %select_n3A_226 {offsets = [224, 0], sizes = [32, 512], strides = [1, 1]} : vector<768x512xf32> to vector<32x512xf32>
    %slice3A_368 = vector.extract_strided_slice %select_n3A_226 {offsets = [256, 0], sizes = [32, 512], strides = [1, 1]} : vector<768x512xf32> to vector<32x512xf32>
    %slice3A_369 = vector.extract_strided_slice %select_n3A_226 {offsets = [288, 0], sizes = [32, 512], strides = [1, 1]} : vector<768x512xf32> to vector<32x512xf32>
    %slice3A_370 = vector.extract_strided_slice %select_n3A_226 {offsets = [320, 0], sizes = [32, 512], strides = [1, 1]} : vector<768x512xf32> to vector<32x512xf32>
    %slice3A_371 = vector.extract_strided_slice %select_n3A_226 {offsets = [352, 0], sizes = [32, 512], strides = [1, 1]} : vector<768x512xf32> to vector<32x512xf32>
    %slice3A_372 = vector.extract_strided_slice %select_n3A_226 {offsets = [384, 0], sizes = [32, 512], strides = [1, 1]} : vector<768x512xf32> to vector<32x512xf32>
    %slice3A_373 = vector.extract_strided_slice %select_n3A_226 {offsets = [416, 0], sizes = [32, 512], strides = [1, 1]} : vector<768x512xf32> to vector<32x512xf32>
    %slice3A_374 = vector.extract_strided_slice %select_n3A_226 {offsets = [448, 0], sizes = [32, 512], strides = [1, 1]} : vector<768x512xf32> to vector<32x512xf32>
    %mul3A_375 = vector.broadcast %get3A_1 : vector<1x512xf32> to vector<32x512xf32>
    %mul3A_376 = arith.mulf %slice3A_366, %mul3A_375 : vector<32x512xf32>
    %add3A_377 = arith.addf %mul3A_376, %slice3A_367 : vector<32x512xf32>
    %mul3A_378 = arith.mulf %add3A_377, %add3A_377 : vector<32x512xf32>
    %mul3A_379 = arith.constant -1.98412701E-4 : f32
    %mul3A_380 = vector.broadcast %mul3A_379 : f32 to vector<32x512xf32>
    %mul3A_381 = arith.mulf %mul3A_378, %mul3A_380 : vector<32x512xf32>
    %add3A_382 = arith.constant 0.00833333377 : f32
    %add3A_383 = vector.broadcast %add3A_382 : f32 to vector<32x512xf32>
    %add3A_384 = arith.addf %add3A_383, %mul3A_381 : vector<32x512xf32>
    %mul3A_385 = arith.mulf %mul3A_378, %add3A_384 : vector<32x512xf32>
    %add3A_386 = arith.constant -0.166666672 : f32
    %add3A_387 = vector.broadcast %add3A_386 : f32 to vector<32x512xf32>
    %add3A_388 = arith.addf %add3A_387, %mul3A_385 : vector<32x512xf32>
    %mul3A_389 = arith.mulf %mul3A_378, %add3A_388 : vector<32x512xf32>
    %add3A_390 = arith.constant 1.000000e+00 : f32
    %add3A_391 = vector.broadcast %add3A_390 : f32 to vector<32x512xf32>
    %add3A_392 = arith.addf %add3A_391, %mul3A_389 : vector<32x512xf32>
    %mul3A_393 = arith.mulf %add3A_377, %add3A_392 : vector<32x512xf32>
    %mul3A_394 = arith.mulf %slice3A_368, %mul3A_393 : vector<32x512xf32>
    %mul3A_395 = vector.broadcast %get3A_4 : vector<1x512xf32> to vector<32x512xf32>
    %mul3A_396 = arith.mulf %slice3A_369, %mul3A_395 : vector<32x512xf32>
    %add3A_397 = arith.addf %mul3A_396, %slice3A_370 : vector<32x512xf32>
    %mul3A_398 = arith.mulf %add3A_397, %add3A_397 : vector<32x512xf32>
    %mul3A_399 = arith.constant -1.98412701E-4 : f32
    %mul3A_400 = vector.broadcast %mul3A_399 : f32 to vector<32x512xf32>
    %mul3A_401 = arith.mulf %mul3A_398, %mul3A_400 : vector<32x512xf32>
    %add3A_402 = arith.constant 0.00833333377 : f32
    %add3A_403 = vector.broadcast %add3A_402 : f32 to vector<32x512xf32>
    %add3A_404 = arith.addf %add3A_403, %mul3A_401 : vector<32x512xf32>
    %mul3A_405 = arith.mulf %mul3A_398, %add3A_404 : vector<32x512xf32>
    %add3A_406 = arith.constant -0.166666672 : f32
    %add3A_407 = vector.broadcast %add3A_406 : f32 to vector<32x512xf32>
    %add3A_408 = arith.addf %add3A_407, %mul3A_405 : vector<32x512xf32>
    %mul3A_409 = arith.mulf %mul3A_398, %add3A_408 : vector<32x512xf32>
    %add3A_410 = arith.constant 1.000000e+00 : f32
    %add3A_411 = vector.broadcast %add3A_410 : f32 to vector<32x512xf32>
    %add3A_412 = arith.addf %add3A_411, %mul3A_409 : vector<32x512xf32>
    %mul3A_413 = arith.mulf %add3A_397, %add3A_412 : vector<32x512xf32>
    %mul3A_414 = arith.mulf %slice3A_371, %mul3A_413 : vector<32x512xf32>
    %add3A_415 = arith.addf %mul3A_394, %mul3A_414 : vector<32x512xf32>
    %mul3A_416 = vector.broadcast %get3A_7 : vector<1x512xf32> to vector<32x512xf32>
    %mul3A_417 = arith.mulf %slice3A_372, %mul3A_416 : vector<32x512xf32>
    %add3A_418 = arith.addf %mul3A_417, %slice3A_373 : vector<32x512xf32>
    %mul3A_419 = arith.mulf %add3A_418, %add3A_418 : vector<32x512xf32>
    %mul3A_420 = arith.constant -1.98412701E-4 : f32
    %mul3A_421 = vector.broadcast %mul3A_420 : f32 to vector<32x512xf32>
    %mul3A_422 = arith.mulf %mul3A_419, %mul3A_421 : vector<32x512xf32>
    %add3A_423 = arith.constant 0.00833333377 : f32
    %add3A_424 = vector.broadcast %add3A_423 : f32 to vector<32x512xf32>
    %add3A_425 = arith.addf %add3A_424, %mul3A_422 : vector<32x512xf32>
    %mul3A_426 = arith.mulf %mul3A_419, %add3A_425 : vector<32x512xf32>
    %add3A_427 = arith.constant -0.166666672 : f32
    %add3A_428 = vector.broadcast %add3A_427 : f32 to vector<32x512xf32>
    %add3A_429 = arith.addf %add3A_428, %mul3A_426 : vector<32x512xf32>
    %mul3A_430 = arith.mulf %mul3A_419, %add3A_429 : vector<32x512xf32>
    %add3A_431 = arith.constant 1.000000e+00 : f32
    %add3A_432 = vector.broadcast %add3A_431 : f32 to vector<32x512xf32>
    %add3A_433 = arith.addf %add3A_432, %mul3A_430 : vector<32x512xf32>
    %mul3A_434 = arith.mulf %add3A_418, %add3A_433 : vector<32x512xf32>
    %mul3A_435 = arith.mulf %slice3A_374, %mul3A_434 : vector<32x512xf32>
    %add3A_436 = arith.addf %add3A_415, %mul3A_435 : vector<32x512xf32>
    %slice3A_437 = vector.extract_strided_slice %select_n3A_226 {offsets = [480, 0], sizes = [32, 512], strides = [1, 1]} : vector<768x512xf32> to vector<32x512xf32>
    %slice3A_438 = vector.extract_strided_slice %select_n3A_226 {offsets = [512, 0], sizes = [32, 512], strides = [1, 1]} : vector<768x512xf32> to vector<32x512xf32>
    %slice3A_439 = vector.extract_strided_slice %select_n3A_226 {offsets = [544, 0], sizes = [32, 512], strides = [1, 1]} : vector<768x512xf32> to vector<32x512xf32>
    %slice3A_440 = vector.extract_strided_slice %select_n3A_226 {offsets = [576, 0], sizes = [32, 512], strides = [1, 1]} : vector<768x512xf32> to vector<32x512xf32>
    %slice3A_441 = vector.extract_strided_slice %select_n3A_226 {offsets = [608, 0], sizes = [32, 512], strides = [1, 1]} : vector<768x512xf32> to vector<32x512xf32>
    %slice3A_442 = vector.extract_strided_slice %select_n3A_226 {offsets = [640, 0], sizes = [32, 512], strides = [1, 1]} : vector<768x512xf32> to vector<32x512xf32>
    %slice3A_443 = vector.extract_strided_slice %select_n3A_226 {offsets = [672, 0], sizes = [32, 512], strides = [1, 1]} : vector<768x512xf32> to vector<32x512xf32>
    %slice3A_444 = vector.extract_strided_slice %select_n3A_226 {offsets = [704, 0], sizes = [32, 512], strides = [1, 1]} : vector<768x512xf32> to vector<32x512xf32>
    %slice3A_445 = vector.extract_strided_slice %select_n3A_226 {offsets = [736, 0], sizes = [32, 512], strides = [1, 1]} : vector<768x512xf32> to vector<32x512xf32>
    %mul3A_446 = vector.broadcast %get3A_1 : vector<1x512xf32> to vector<32x512xf32>
    %mul3A_447 = arith.mulf %slice3A_437, %mul3A_446 : vector<32x512xf32>
    %add3A_448 = arith.addf %mul3A_447, %slice3A_438 : vector<32x512xf32>
    %mul3A_449 = arith.mulf %add3A_448, %add3A_448 : vector<32x512xf32>
    %mul3A_450 = arith.constant -1.98412701E-4 : f32
    %mul3A_451 = vector.broadcast %mul3A_450 : f32 to vector<32x512xf32>
    %mul3A_452 = arith.mulf %mul3A_449, %mul3A_451 : vector<32x512xf32>
    %add3A_453 = arith.constant 0.00833333377 : f32
    %add3A_454 = vector.broadcast %add3A_453 : f32 to vector<32x512xf32>
    %add3A_455 = arith.addf %add3A_454, %mul3A_452 : vector<32x512xf32>
    %mul3A_456 = arith.mulf %mul3A_449, %add3A_455 : vector<32x512xf32>
    %add3A_457 = arith.constant -0.166666672 : f32
    %add3A_458 = vector.broadcast %add3A_457 : f32 to vector<32x512xf32>
    %add3A_459 = arith.addf %add3A_458, %mul3A_456 : vector<32x512xf32>
    %mul3A_460 = arith.mulf %mul3A_449, %add3A_459 : vector<32x512xf32>
    %add3A_461 = arith.constant 1.000000e+00 : f32
    %add3A_462 = vector.broadcast %add3A_461 : f32 to vector<32x512xf32>
    %add3A_463 = arith.addf %add3A_462, %mul3A_460 : vector<32x512xf32>
    %mul3A_464 = arith.mulf %add3A_448, %add3A_463 : vector<32x512xf32>
    %mul3A_465 = arith.mulf %slice3A_439, %mul3A_464 : vector<32x512xf32>
    %mul3A_466 = vector.broadcast %get3A_4 : vector<1x512xf32> to vector<32x512xf32>
    %mul3A_467 = arith.mulf %slice3A_440, %mul3A_466 : vector<32x512xf32>
    %add3A_468 = arith.addf %mul3A_467, %slice3A_441 : vector<32x512xf32>
    %mul3A_469 = arith.mulf %add3A_468, %add3A_468 : vector<32x512xf32>
    %mul3A_470 = arith.constant -1.98412701E-4 : f32
    %mul3A_471 = vector.broadcast %mul3A_470 : f32 to vector<32x512xf32>
    %mul3A_472 = arith.mulf %mul3A_469, %mul3A_471 : vector<32x512xf32>
    %add3A_473 = arith.constant 0.00833333377 : f32
    %add3A_474 = vector.broadcast %add3A_473 : f32 to vector<32x512xf32>
    %add3A_475 = arith.addf %add3A_474, %mul3A_472 : vector<32x512xf32>
    %mul3A_476 = arith.mulf %mul3A_469, %add3A_475 : vector<32x512xf32>
    %add3A_477 = arith.constant -0.166666672 : f32
    %add3A_478 = vector.broadcast %add3A_477 : f32 to vector<32x512xf32>
    %add3A_479 = arith.addf %add3A_478, %mul3A_476 : vector<32x512xf32>
    %mul3A_480 = arith.mulf %mul3A_469, %add3A_479 : vector<32x512xf32>
    %add3A_481 = arith.constant 1.000000e+00 : f32
    %add3A_482 = vector.broadcast %add3A_481 : f32 to vector<32x512xf32>
    %add3A_483 = arith.addf %add3A_482, %mul3A_480 : vector<32x512xf32>
    %mul3A_484 = arith.mulf %add3A_468, %add3A_483 : vector<32x512xf32>
    %mul3A_485 = arith.mulf %slice3A_442, %mul3A_484 : vector<32x512xf32>
    %add3A_486 = arith.addf %mul3A_465, %mul3A_485 : vector<32x512xf32>
    %mul3A_487 = vector.broadcast %get3A_7 : vector<1x512xf32> to vector<32x512xf32>
    %mul3A_488 = arith.mulf %slice3A_443, %mul3A_487 : vector<32x512xf32>
    %add3A_489 = arith.addf %mul3A_488, %slice3A_444 : vector<32x512xf32>
    %mul3A_490 = arith.mulf %add3A_489, %add3A_489 : vector<32x512xf32>
    %mul3A_491 = arith.constant -1.98412701E-4 : f32
    %mul3A_492 = vector.broadcast %mul3A_491 : f32 to vector<32x512xf32>
    %mul3A_493 = arith.mulf %mul3A_490, %mul3A_492 : vector<32x512xf32>
    %add3A_494 = arith.constant 0.00833333377 : f32
    %add3A_495 = vector.broadcast %add3A_494 : f32 to vector<32x512xf32>
    %add3A_496 = arith.addf %add3A_495, %mul3A_493 : vector<32x512xf32>
    %mul3A_497 = arith.mulf %mul3A_490, %add3A_496 : vector<32x512xf32>
    %add3A_498 = arith.constant -0.166666672 : f32
    %add3A_499 = vector.broadcast %add3A_498 : f32 to vector<32x512xf32>
    %add3A_500 = arith.addf %add3A_499, %mul3A_497 : vector<32x512xf32>
    %mul3A_501 = arith.mulf %mul3A_490, %add3A_500 : vector<32x512xf32>
    %add3A_502 = arith.constant 1.000000e+00 : f32
    %add3A_503 = vector.broadcast %add3A_502 : f32 to vector<32x512xf32>
    %add3A_504 = arith.addf %add3A_503, %mul3A_501 : vector<32x512xf32>
    %mul3A_505 = arith.mulf %add3A_489, %add3A_504 : vector<32x512xf32>
    %mul3A_506 = arith.mulf %slice3A_445, %mul3A_505 : vector<32x512xf32>
    %add3A_507 = arith.addf %add3A_486, %mul3A_506 : vector<32x512xf32>
    %slice3A_508 = vector.extract_strided_slice %select_n3A_202 {offsets = [0, 0], sizes = [96, 512], strides = [1, 1]} : vector<768x512xf32> to vector<96x512xf32>
    %slice3A_509 = vector.extract_strided_slice %select_n3A_226 {offsets = [0, 0], sizes = [96, 512], strides = [1, 1]} : vector<768x512xf32> to vector<96x512xf32>
    %slice3A_510 = vector.extract_strided_slice %select_n3A_202 {offsets = [96, 0], sizes = [96, 512], strides = [1, 1]} : vector<768x512xf32> to vector<96x512xf32>
    %slice3A_511 = vector.extract_strided_slice %select_n3A_226 {offsets = [96, 0], sizes = [96, 512], strides = [1, 1]} : vector<768x512xf32> to vector<96x512xf32>
    %slice3A_512 = vector.extract_strided_slice %dot_general3A_16 {offsets = [0, 0], sizes = [96, 512], strides = [1, 1]} : vector<128x512xf32> to vector<96x512xf32>
    %mul3A_513 = arith.mulf %slice3A_508, %slice3A_512 : vector<96x512xf32>
    %mul3A_514 = arith.mulf %mul3A_513, %slice3A_511 : vector<96x512xf32>
    %slice3A_515 = vector.extract_strided_slice %dot_general3A_21 {offsets = [0, 0], sizes = [96, 512], strides = [1, 1]} : vector<128x512xf32> to vector<96x512xf32>
    %mul3A_516 = arith.mulf %slice3A_509, %slice3A_515 : vector<96x512xf32>
    %mul3A_517 = arith.mulf %mul3A_516, %slice3A_510 : vector<96x512xf32>
    %add3A_518 = arith.addf %mul3A_514, %mul3A_517 : vector<96x512xf32>
    %slice3A_519 = vector.extract_strided_slice %dot_general3A_16 {offsets = [96, 0], sizes = [32, 512], strides = [1, 1]} : vector<128x512xf32> to vector<32x512xf32>
    %mul3A_520 = arith.mulf %add3A_294, %slice3A_519 : vector<32x512xf32>
    %mul3A_521 = arith.mulf %mul3A_520, %add3A_507 : vector<32x512xf32>
    %slice3A_522 = vector.extract_strided_slice %dot_general3A_21 {offsets = [96, 0], sizes = [32, 512], strides = [1, 1]} : vector<128x512xf32> to vector<32x512xf32>
    %mul3A_523 = arith.mulf %add3A_436, %slice3A_522 : vector<32x512xf32>
    %mul3A_524 = arith.mulf %mul3A_523, %add3A_365 : vector<32x512xf32>
    %add3A_525 = arith.addf %mul3A_521, %mul3A_524 : vector<32x512xf32>
    %reduce_sum3A = arith.constant dense<0.000000e+00> : vector<512xf32>
    %reduce_sum3A_526 = vector.multi_reduction <add>, %add3A_518, %reduce_sum3A [0] : vector<96x512xf32> to vector<512xf32>
    %reduce_sum3A_527 = arith.constant dense<0.000000e+00> : vector<512xf32>
    %reduce_sum3A_528 = vector.multi_reduction <add>, %add3A_525, %reduce_sum3A_527 [0] : vector<32x512xf32> to vector<512xf32>
    %add3A_529 = arith.addf %reduce_sum3A_526, %reduce_sum3A_528 : vector<512xf32>
    %mul3A_530 = arith.constant 5.000000e-01 : f32
    %mul3A_531 = vector.broadcast %mul3A_530 : f32 to vector<512xf32>
    %mul3A_532 = arith.mulf %mul3A_531, %add3A_529 : vector<512xf32>
    %swap3A = arith.constant 0 : index
    %swap3A_533 = vector.load %arg31[%swap3A] : memref<512xf32, #tpu.memory_space<vmem>>, vector<512xf32>
    tpu.vector_store %arg31[%swap3A], %mul3A_532 {strides = array<i32>} : memref<512xf32, #tpu.memory_space<vmem>>, vector<512xf32>,
    return
  }
  func.func @transform_0(%arg0: i32) -> (i32, i32) {
    %c0_i32 = arith.constant 0 : i32
    %c0_i32_0 = arith.constant 0 : i32
    return %c0_i32, %arg0 : i32, i32
  }
  func.func @transform_1(%arg0: i32) -> (i32, i32) {
    %c0_i32 = arith.constant 0 : i32
    %c0_i32_0 = arith.constant 0 : i32
    return %c0_i32, %arg0 : i32, i32
  }
  func.func @transform_2(%arg0: i32) -> (i32, i32) {
    %c0_i32 = arith.constant 0 : i32
    %c0_i32_0 = arith.constant 0 : i32
    return %c0_i32, %arg0 : i32, i32
  }
  func.func @transform_3(%arg0: i32) -> (i32, i32) {
    %c0_i32 = arith.constant 0 : i32
    %c0_i32_0 = arith.constant 0 : i32
    return %c0_i32, %arg0 : i32, i32
  }
  func.func @transform_4(%arg0: i32) -> (i32, i32) {
    %c0_i32 = arith.constant 0 : i32
    %c0_i32_0 = arith.constant 0 : i32
    return %c0_i32, %arg0 : i32, i32
  }
  func.func @transform_5(%arg0: i32) -> (i32, i32) {
    %c0_i32 = arith.constant 0 : i32
    %c0_i32_0 = arith.constant 0 : i32
    return %c0_i32, %arg0 : i32, i32
  }
  func.func @transform_6(%arg0: i32) -> (i32, i32) {
    %c0_i32 = arith.constant 0 : i32
    %c0_i32_0 = arith.constant 0 : i32
    %c0_i32_1 = arith.constant 0 : i32
    return %c0_i32, %c0_i32_0 : i32, i32
  }
  func.func @transform_7(%arg0: i32) -> (i32, i32) {
    %c0_i32 = arith.constant 0 : i32
    %c0_i32_0 = arith.constant 0 : i32
    %c0_i32_1 = arith.constant 0 : i32
    return %c0_i32, %c0_i32_0 : i32, i32
  }
  func.func @transform_8(%arg0: i32) -> (i32, i32) {
    %c0_i32 = arith.constant 0 : i32
    %c0_i32_0 = arith.constant 0 : i32
    return %c0_i32, %arg0 : i32, i32
  }
  func.func @transform_9(%arg0: i32) -> (i32, i32) {
    %c0_i32 = arith.constant 0 : i32
    %c0_i32_0 = arith.constant 0 : i32
    return %c0_i32, %arg0 : i32, i32
  }
  func.func @transform_10(%arg0: i32) -> (i32, i32) {
    %c0_i32 = arith.constant 0 : i32
    %c781_i32 = arith.constant 781 : i32
    %c0_i32_0 = arith.constant 0 : i32
    return %c0_i32, %c781_i32 : i32, i32
  }
  func.func @transform_11(%arg0: i32) -> (i32, i32) {
    %c0_i32 = arith.constant 0 : i32
    %c781_i32 = arith.constant 781 : i32
    %c0_i32_0 = arith.constant 0 : i32
    return %c0_i32, %c781_i32 : i32, i32
  }
  func.func @transform_12(%arg0: i32) -> (i32, i32) {
    %c0_i32 = arith.constant 0 : i32
    %c781_i32 = arith.constant 781 : i32
    %c0_i32_0 = arith.constant 0 : i32
    return %c0_i32, %c781_i32 : i32, i32
  }
  func.func @transform_13(%arg0: i32) -> (i32, i32) {
    %c0_i32 = arith.constant 0 : i32
    %c781_i32 = arith.constant 781 : i32
    %c0_i32_0 = arith.constant 0 : i32
    return %c0_i32, %c781_i32 : i32, i32
  }
  func.func @transform_14(%arg0: i32) -> (i32, i32) {
    %c0_i32 = arith.constant 0 : i32
    %c781_i32 = arith.constant 781 : i32
    %c0_i32_0 = arith.constant 0 : i32
    return %c0_i32, %c781_i32 : i32, i32
  }
  func.func @transform_15(%arg0: i32) -> (i32, i32) {
    %c0_i32 = arith.constant 0 : i32
    %c781_i32 = arith.constant 781 : i32
    %c0_i32_0 = arith.constant 0 : i32
    return %c0_i32, %c781_i32 : i32, i32
  }
  func.func @transform_16(%arg0: i32) -> (i32, i32) {
    %c0_i32 = arith.constant 0 : i32
    %c781_i32 = arith.constant 781 : i32
    %c0_i32_0 = arith.constant 0 : i32
    return %c0_i32, %c781_i32 : i32, i32
  }
  func.func @transform_17(%arg0: i32) -> (i32, i32) {
    %c0_i32 = arith.constant 0 : i32
    %c781_i32 = arith.constant 781 : i32
    %c0_i32_0 = arith.constant 0 : i32
    return %c0_i32, %c781_i32 : i32, i32
  }
  func.func @transform_18(%arg0: i32) -> (i32, i32) {
    %c0_i32 = arith.constant 0 : i32
    %c781_i32 = arith.constant 781 : i32
    %c0_i32_0 = arith.constant 0 : i32
    return %c0_i32, %c781_i32 : i32, i32
  }
  func.func @transform_19(%arg0: i32) -> (i32, i32) {
    %c0_i32 = arith.constant 0 : i32
    %c781_i32 = arith.constant 781 : i32
    %c0_i32_0 = arith.constant 0 : i32
    return %c0_i32, %c781_i32 : i32, i32
  }
  func.func @transform_20(%arg0: i32) -> (i32, i32) {
    %c0_i32 = arith.constant 0 : i32
    %c781_i32 = arith.constant 781 : i32
    %c0_i32_0 = arith.constant 0 : i32
    return %c0_i32, %c781_i32 : i32, i32
  }
  func.func @transform_21(%arg0: i32) -> (i32, i32) {
    %c0_i32 = arith.constant 0 : i32
    %c781_i32 = arith.constant 781 : i32
    %c0_i32_0 = arith.constant 0 : i32
    return %c0_i32, %c781_i32 : i32, i32
  }
  func.func @transform_22(%arg0: i32) -> (i32, i32) {
    %c0_i32 = arith.constant 0 : i32
    %c781_i32 = arith.constant 781 : i32
    %c0_i32_0 = arith.constant 0 : i32
    return %c0_i32, %c781_i32 : i32, i32
  }
  func.func @transform_23(%arg0: i32) -> (i32, i32) {
    %c0_i32 = arith.constant 0 : i32
    %c781_i32 = arith.constant 781 : i32
    %c0_i32_0 = arith.constant 0 : i32
    return %c0_i32, %c781_i32 : i32, i32
  }
  func.func @transform_24(%arg0: i32) -> (i32, i32) {
    %c0_i32 = arith.constant 0 : i32
    %c781_i32 = arith.constant 781 : i32
    %c0_i32_0 = arith.constant 0 : i32
    return %c0_i32, %c781_i32 : i32, i32
  }
  func.func @transform_25(%arg0: i32) -> (i32, i32) {
    %c0_i32 = arith.constant 0 : i32
    %c781_i32 = arith.constant 781 : i32
    %c0_i32_0 = arith.constant 0 : i32
    return %c0_i32, %c781_i32 : i32, i32
  }
  func.func @transform_26(%arg0: i32) -> (i32, i32) {
    %c0_i32 = arith.constant 0 : i32
    %c781_i32 = arith.constant 781 : i32
    %c0_i32_0 = arith.constant 0 : i32
    return %c0_i32, %c781_i32 : i32, i32
  }
  func.func @transform_27(%arg0: i32) -> (i32, i32) {
    %c0_i32 = arith.constant 0 : i32
    %c781_i32 = arith.constant 781 : i32
    %c0_i32_0 = arith.constant 0 : i32
    return %c0_i32, %c781_i32 : i32, i32
  }
  func.func @transform_28(%arg0: i32) -> (i32, i32) {
    %c0_i32 = arith.constant 0 : i32
    %c781_i32 = arith.constant 781 : i32
    %c0_i32_0 = arith.constant 0 : i32
    return %c0_i32, %c781_i32 : i32, i32
  }
  func.func @transform_29(%arg0: i32) -> (i32, i32) {
    %c0_i32 = arith.constant 0 : i32
    %c781_i32 = arith.constant 781 : i32
    %c0_i32_0 = arith.constant 0 : i32
    return %c0_i32, %c781_i32 : i32, i32
  }
  func.func @transform_30(%arg0: i32) -> i32 {
    %c0_i32 = arith.constant 0 : i32
    return %arg0 : i32
  }
}

</mosaic_0001>

<sc_bundles>
// kernel: kernel.4.cloned.1.call-start
scs
__scs_entry_jumppad:
0x0: {  	(pc) =	sbr.rel $0x88, $3  }
0x1: {  	(tag) =	ssettag $0x0;
	lr =	simm.s32 $0x1  }
0x2: {  	[smem:$0x3F85] =	sst lr;
	_ =	strace $0xD0000000  }
0x3: {  	_ = 	snop  }
0x4: {  	_ = 	snop  }
0x5: {  	_ = 	snop  }
0x6: {  	_ = 	snop  }
0x7: {  	_ = 	snop  }
__scs_overlays_trampoline_lowered:
0x8: {  	[smem:$0x3F94] =	sst s0  }
0x9: {  	[smem:$0x3F95] =	sst s1  }
0xa: {  	[smem:$0x3F96] =	sst s2  }
0xb: {  	[smem:$0x3F97] =	sst s3  }
0xc: {  	[smem:$0x3F98] =	sst s4  }
0xd: {  	[smem:$0x3F99] =	sst s5  }
0xe: {  	[smem:$0x3F9A] =	sst s6  }
0xf: {  	[smem:$0x3F9B] =	sst s7  }
0x10: {  	[smem:$0x3F9C] =	sst s8  }
0x11: {  	[smem:$0x3F9D] =	sst s9;
	s0 =	simm.s32 @!p0 $0x0  }
0x12: {  	s1 =	sld [smem:$0x3F83];
	s0 =	simm.s32 @p0 $0x1  }
0x13: {  	[smem:$0x3F9E] =	sst s0;
	s0 =	simm.s32 @!p1 $0x0  }
0x14: {  	s2 =	sld [smem:$0x3F82];
	s0 =	simm.s32 @p1 $0x1  }
0x15: {  	[smem:$0x3F9F] =	sst s0;
	s0 =	simm.s32 @!p2 $0x0  }
0x16: {  	s3 =	sld [smem:$0x3FDB];
	s0 =	simm.s32 @p2 $0x1  }
0x17: {  	s4 =	simm.s32 $0x1BF5;
	[smem:$0x3FA1] =	sst s0  }
0x18: {  	s0 =	sld [smem:$0x3F84];
	_ =	swait.ge [sflag:s4], $0x0  }
0x19: {  	s7 =	sld [smem:$0x3F85]  }
0x1a: {  	s8 =	sadd.s32 $0xFFFFE003, lr  }
0x1b: {  	s9 =	sadd.s32 $0xFFFFFEF7, lr;
	s5 =	simm.s32 $0xFFFFFFFF;
	p2 =	slt.u32 s8, $0xFFFFF086  }
0x1c: {  	p1 =	slt.u32 s9, $0xF7A;
	s5 =	simm.s32 @!p2 $0x0  }
0x1d: {  	s5 =	simm.s32 @p1 $0x1;
	p0 =	seq.s32 s7, s2  }
0x1e: {  	s7 =	smul.u32 @!p0 $0xF7A, s2;
	p2 =	seq.s32 @!p0 s5, $0x0  }
0x1f: {  	s9 =	smul.u32 $0xF7A, s1;
	s8 =	simm.s32 @!p0 $0x1BF5;
	p2 =	por !p2, p0  }
0x20: {  	[sflag:s8] =	ssyncset.s32 @!p0 $0xFFFFF086;
	s6 =	sadd.s32 @!p0 s3, s7;
	s7 =	simm.s32 @!p0 $0x108  }
0x21: {  	s3 =	sadd.s32 s3, s9;
	s6 =	sadd.s32 @!p0 $0x88, s6;
	s7 =	simm.s32 @p2 $0x1082  }
0x22: {  	[simem:s7], [sflag:s8] =	dma.local @!p0 [hbm:s6], $0xF7A  }
0x23: {  	s9 =	sor.u32 $0xD0000000, s2;
	s6 =	simm.s32 $0x108;
	_ =	swait.ge @!p0 [sflag:s8], $0x0  }
0x24: {  	s3 =	sadd.s32 $0x88, s3;
	s6 =	simm.s32 @!p1 $0x1082;
	[sflag:s4] =	ssyncset.s32 $0xFFFFF086  }
0x25: {  	[simem:s6], [sflag:s4] =	dma.local [hbm:s3], $0xF7A  }
0x26: {  	[smem:$0x3F85] =	sst s1;
	(tag) =	ssettag s2;
	_ =	strace s9  }
0x27: {  	s1 =	sld [smem:$0x3F95]  }
0x28: {  	s2 =	sld [smem:$0x3F96]  }
0x29: {  	s4 =	sld [smem:$0x3F98]  }
0x2a: {  	p0 =	seq.s32 s5, $0x0;
	s5 =	sld [smem:$0x3F99]  }
0x2b: {  	s6 =	sld [smem:$0x3F9A]  }
0x2c: {  	s7 =	sld [smem:$0x3F9B]  }
0x2d: {  	s3 =	simm.s32 $0x108;
	s8 =	sld [smem:$0x3F9C]  }
0x2e: {  	s3 =	simm.s32 @!p0 $0x1082;
	s9 =	sld [smem:$0x3F9D]  }
0x2f: {  	lr =	sadd.s32 s0, s3;
	s0 =	sld [smem:$0x3F94]  }
0x30: {  	s3 =	sld [smem:$0x3F97]  }
0x31: {  	[smem:$0x3FA0] =	sst s10  }
0x32: {  	s10 =	sld [smem:$0x3F9E];
	_ =	sdelay $0x3  }
0x33: {  	p0 =	seq.s32 s10, $0x1;
	s10 =	sld [smem:$0x3FA0];
	_ =	sdelay $0x3  }
0x34: {  	[smem:$0x3FA0] =	sst s10  }
0x35: {  	s10 =	sld [smem:$0x3F9F];
	_ =	sdelay $0x3  }
0x36: {  	p1 =	seq.s32 s10, $0x1;
	s10 =	sld [smem:$0x3FA0];
	_ =	sdelay $0x3  }
0x37: {  	[smem:$0x3FA0] =	sst s10  }
0x38: {  	s10 =	sld [smem:$0x3FA1]  }
0x39: {  	_ = 	snop;
	(pc) =	sbr.ind lr, $3  }
0x3a: {  	_ = 	snop  }
0x3b: {  	_ = 	snop  }
0x3c: {  	p2 =	seq.s32 s10, $0x1;
	s10 =	sld [smem:$0x3FA0]  }
0x3d: {  	_ =	shalt  }
0x3e: {  	_ =	shalt  }
0x3f: {  	_ =	shalt  }
0x40: {  	_ =	shalt  }
0x41: {  	_ =	shalt  }
0x42: {  	_ =	shalt  }
0x43: {  	_ =	shalt  }
0x44: {  	_ =	shalt  }
0x45: {  	_ =	shalt  }
0x46: {  	_ =	shalt  }
0x47: {  	_ =	shalt  }
0x48: {  	_ =	shalt  }
0x49: {  	_ =	shalt  }
0x4a: {  	_ =	shalt  }
0x4b: {  	_ =	shalt  }
0x4c: {  	_ =	shalt  }
0x4d: {  	_ =	shalt  }
0x4e: {  	_ =	shalt  }
0x4f: {  	_ =	shalt  }
0x50: {  	_ =	shalt  }
0x51: {  	_ =	shalt  }
0x52: {  	_ =	shalt  }
0x53: {  	_ =	shalt  }
0x54: {  	_ =	shalt  }
0x55: {  	_ =	shalt  }
0x56: {  	_ =	shalt  }
0x57: {  	_ =	shalt  }
0x58: {  	_ =	shalt  }
0x59: {  	_ =	shalt  }
0x5a: {  	_ =	shalt  }
0x5b: {  	_ =	shalt  }
0x5c: {  	_ =	shalt  }
0x5d: {  	_ =	shalt  }
0x5e: {  	_ =	shalt  }
0x5f: {  	_ =	shalt  }
0x60: {  	_ =	shalt  }
0x61: {  	_ =	shalt  }
0x62: {  	_ =	shalt  }
0x63: {  	_ =	shalt  }
0x64: {  	_ =	shalt  }
0x65: {  	_ =	shalt  }
0x66: {  	_ =	shalt  }
0x67: {  	_ =	shalt  }
0x68: {  	_ =	shalt  }
0x69: {  	_ =	shalt  }
0x6a: {  	_ =	shalt  }
0x6b: {  	_ =	shalt  }
0x6c: {  	_ =	shalt  }
0x6d: {  	_ =	shalt  }
0x6e: {  	_ =	shalt  }
0x6f: {  	_ =	shalt  }
0x70: {  	_ =	shalt  }
0x71: {  	_ =	shalt  }
0x72: {  	_ =	shalt  }
0x73: {  	_ =	shalt  }
0x74: {  	_ =	shalt  }
0x75: {  	_ =	shalt  }
0x76: {  	_ =	shalt  }
0x77: {  	_ =	shalt  }
0x78: {  	_ =	shalt  }
0x79: {  	_ =	shalt  }
0x7a: {  	_ =	shalt  }
0x7b: {  	_ =	shalt  }
0x7c: {  	_ =	shalt  }
0x7d: {  	_ =	shalt  }
0x7e: {  	_ =	shalt  }
0x7f: {  	_ =	shalt  }
0x80: {  	_ =	shalt  }
0x81: {  	_ =	shalt  }
0x82: {  	_ =	shalt  }
0x83: {  	_ =	shalt  }
0x84: {  	_ =	shalt  }
0x85: {  	_ =	shalt  }
0x86: {  	_ =	shalt  }
0x87: {  	_ =	shalt  }
.Lfunc_end0:
.L_simem_size_0:
called_computation_lowered:
.L_overlay_start_0:
0x88: {  	s2 =	sld [smem:$0x3FD9]  }
0x89: {  	s3 =	sld [smem:$0x3FFE];
	_ =	sdelay $0x1  }
0x8a: {  	s1 =	srdreg.scid  }
0x8b: {  	s0 =	sand.u32 $0x1, s1  }
0x8c: {  	s29 =	sshll.u32 s0, $0xA;
	s2 =	sadd.s32 s3, s2  }
0x8d: {  	s2 =	sadd.s32 s2, s29  }
0x8e: {  	[smem:$0x3FAC] =	sst s2  }
0x8f: {  	_ = 	snop  }
0x90: {  	s2 =	sld [smem:$0x3FC9]  }
0x91: {  	s3 =	sld [smem:$0x3FC7]  }
0x92: {  	s4 =	sld [smem:$0x3FC3]  }
0x93: {  	s5 =	sld [smem:$0x3FC2]  }
0x94: {  	s6 =	sld [smem:$0x3FBF]  }
0x95: {  	s7 =	sld [smem:$0x3FBE]  }
0x96: {  	s8 =	sld [smem:$0x3FBD]  }
0x97: {  	s9 =	sld [smem:$0x3FBC]  }
0x98: {  	s10 =	sld [smem:$0x3FBB]  }
0x99: {  	s11 =	sld [smem:$0x3FBA]  }
0x9a: {  	s12 =	sld [smem:$0x3FB9]  }
0x9b: {  	s13 =	sld [smem:$0x3FB8]  }
0x9c: {  	s14 =	sld [smem:$0x3FB7]  }
0x9d: {  	s15 =	sld [smem:$0x3FB6]  }
0x9e: {  	s17 =	sld [smem:$0x3FB5]  }
0x9f: {  	s18 =	sld [smem:$0x3FB4]  }
0xa0: {  	s19 =	sld [smem:$0x3FB3]  }
0xa1: {  	s20 =	sld [smem:$0x3FB2]  }
0xa2: {  	s21 =	sld [smem:$0x3FB1]  }
0xa3: {  	s22 =	sld [smem:$0x3FB0]  }
0xa4: {  	s23 =	sld [smem:$0x3FAF]  }
0xa5: {  	s24 =	sld [smem:$0x3FAE];
	(tm) =	ssettm $0x1  }
0xa6: {  	s16 =	sld [smem:$0x3FFB];
	_ =	sdelay $0x3  }
0xa7: {  	_ =	strace s16  }
0xa8: {  	s16 =	sld [smem:$0x3FFC];
	_ =	sdelay $0x3  }
0xa9: {  	_ =	strace s16  }
0xaa: {  	s16 =	sld [smem:$0x3FFD];
	_ =	sdelay $0x3  }
0xab: {  	_ =	strace s16  }
0xac: {  	_ =	strace $0x8FFFFFFF  }
0xad: {  	s30 =	sld [smem:$0x3FDB];
	_ =	sdelay $0x1  }
0xae: {  	s25 =	simm.s32 $_scs_section_size  }
0xaf: {  	s26 =	simm.s32 $_size__tile_task_arg_handler_lowered;
	s28 =	simm.s32 $_tile_task_arg_handler_lowered  }
0xb0: {  	s31 =	sshll.u32 s26, $0x1;
	s29 =	sshll.u32 s28, $0x1;
	s25 =	sadd.s32 s25, s30  }
0xb1: {  	s28 =	simm.s32 $0x1BFF;
	s26 =	sadd.s32 s29, s25;
	s29 =	simm.s32 $0x60  }
0xb2: {  	[timem:s29], [sflag:s28] =	dma.local [hbm:s26], s31  }
0xb3: {  	_ =	swait.ge [sflag:s28], s31  }
0xb4: {  	s16 =	ssub.s32 $0x0, s31;
	s30 =	simm.s32 $_tile_overlayer_lowered;
	[sflag:s28] =	ssyncset.done $0x0  }
0xb5: {  	s29 =	simm.s32 $_size__tile_overlayer_lowered;
	s31 =	sshll.u32 s30, $0x1;
	[sflag:s28] =	ssyncadd.s32 s16  }
0xb6: {  	s26 =	sshll.u32 s29, $0x1;
	s30 =	sadd.s32 s31, s25;
	s16 =	simm.s32 $0x0  }
0xb7: {  	[timem:s16], [sflag:s28] =	dma.local [hbm:s30], s26  }
0xb8: {  	_ =	swait.ge [sflag:s28], s26  }
0xb9: {  	s26 =	ssub.s32 $0x0, s26;
	[sflag:s28] =	ssyncset.done $0x0  }
0xba: {  	[sflag:s28] =	ssyncadd.s32 s26;
	_ =	sdelay $0x1  }
0xbb: {  	s31 =	simm.s32 $0x1B8B  }
0xbc: {  	_ =	swait.ge [sflag:s31], $0x1  }
0xbd: {  	[sflag:s31] =	ssyncset.done $0x0  }
0xbe: {  	s28 =	simm.s32 $0x1B8E;
	s26 =	sld [smem:$0x3FFE];
	[sflag:s31] =	ssyncadd.s32 $0xFFFFFFFF  }
0xbf: {  	s29 =	simm.s32 $execute0_lowered;
	[smem:$0x3FD2] =	sst s28  }
0xc0: {  	s28 =	sshll.u32 s29, $0x1;
	_ =	strace $0x80000046;
	[dreg:$0x1] =	wrdreg $0xFFFFFFFF  }
0xc1: {  	s30 =	simm.s32 $_size_execute0_lowered;
	s25 =	sadd.s32 s25, s28;
	[dreg:$0x0] =	wrdreg $0x0  }
0xc2: {  	s31 =	sshll.u32 s30, $0x1;
	[dreg:$0x2] =	wrdreg s25  }
0xc3: {  	[dreg:$0x3] =	wrdreg s31  }
0xc4: {  	[dreg:$0x4] =	wrdreg $0xC0  }
0xc5: {  	_ =	task [dreg:s16], $0x5FFFF  }
0xc6: {  	[dreg:$0x1] =	wrdreg $0xFFFFFFFF  }
0xc7: {  	[dreg:$0x0] =	wrdreg $0x30  }
0xc8: {  	[dreg:$0x2] =	wrdreg $0x100  }
0xc9: {  	[dreg:$0x3] =	wrdreg s17  }
0xca: {  	[dreg:$0x4] =	wrdreg s18  }
0xcb: {  	[dreg:$0x5] =	wrdreg s19  }
0xcc: {  	[dreg:$0x6] =	wrdreg s20  }
0xcd: {  	[dreg:$0x7] =	wrdreg s21  }
0xce: {  	[dreg:$0x8] =	wrdreg s22  }
0xcf: {  	[dreg:$0x9] =	wrdreg s23  }
0xd0: {  	[dreg:$0xa] =	wrdreg s24  }
0xd1: {  	[dreg:$0xb] =	wrdreg s26  }
0xd2: {  	[dreg:$0xc] =	wrdreg $0x9  }
0xd3: {  	_ =	task [dreg:s16], $0xDFFFF  }
0xd4: {  	[dreg:$0x1] =	wrdreg $0xFFFFFFFF  }
0xd5: {  	[dreg:$0x0] =	wrdreg $0x60  }
0xd6: {  	[dreg:$0x2] =	wrdreg s2  }
0xd7: {  	[dreg:$0x3] =	wrdreg s3  }
0xd8: {  	[dreg:$0x4] =	wrdreg s4  }
0xd9: {  	[dreg:$0x5] =	wrdreg s5  }
0xda: {  	[dreg:$0x6] =	wrdreg s6  }
0xdb: {  	[dreg:$0x7] =	wrdreg s7  }
0xdc: {  	[dreg:$0x8] =	wrdreg s8  }
0xdd: {  	[dreg:$0x9] =	wrdreg s9  }
0xde: {  	[dreg:$0xa] =	wrdreg s10  }
0xdf: {  	[dreg:$0xb] =	wrdreg s11  }
0xe0: {  	[dreg:$0xc] =	wrdreg s12  }
0xe1: {  	[dreg:$0xd] =	wrdreg s13  }
0xe2: {  	[dreg:$0xe] =	wrdreg s14  }
0xe3: {  	[dreg:$0xf] =	wrdreg s15  }
0xe4: {  	_ =	task.clear_ibuf [dreg:s16], $0x10FFFF;
	_ =	strace $0x90000046  }
0xe5: {  	s28 =	simm.s32 $0x9;
	_ =	strace $0x80000048  }
0xe6: {  	_ =	swait.ge [sflag:s28], $0x1  }
0xe7: {  	[sflag:s28] =	ssyncadd.s32 $0xFFFFFFFF  }
0xe8: {  	_ =	strace $0x90000048  }
0xe9: {  	_ =	sfence  }
0xea: {  	s29 =	sld [smem:$0x0];
	_ =	sdelay $0x2  }
0xeb: {  	s30 =	sshll.u32 s1, $0xD;
	s1 =	sshrl.u32 s1, $0x2  }
0xec: {  	s31 =	sand.u32 $0x4000, s30;
	s1 =	sadd.s32 s1, s29  }
0xed: {  	s0 =	sor.u32 s31, s0;
	s1 =	sshll.u32 s1, $0x11  }
0xee: {  	s0 =	sor.u32 s1, s0  }
0xef: {  	s0 =	sadd.s32 $0x8F2B, s0  }
0xf0: {  	[sflag:s0] =	ssyncadd.remote.s32 $0x1  }
0xf1: {  	_ =	sfence.sel $0xFFFF  }
0xf2: {  	[dreg:$0x0] =	wrdreg $0xFFFFFFFF;
	(pc) =	sbr.abs _section_cstart, $3  }
0xf3: {  	[dreg:$0x1] =	wrdreg $0xFFFFFFFF  }
0xf4: {  	_ =	task.clear_ibuf [dreg:s16], $0x2FFFF;
	_ =	strace $0x9FFFFFFF  }
0xf5: {  	(tm) =	ssettm $0x7FFFFFFF  }
tec
_tile_task_arg_handler_lowered:
.L_overlay_start_1:
0x0: {  	(tag) =	ssettag $0x1  }
0x1: {  	s0 =	rddreg [dreg:$0x0]  }
0x2: {  	s1 =	rddreg [dreg:$0x1]  }
0x3: {  	s2 =	rddreg [dreg:$0x2]  }
0x4: {  	s3 =	rddreg [dreg:$0x3]  }
0x5: {  	s4 =	rddreg [dreg:$0x4]  }
0x6: {  	s5 =	rddreg [dreg:$0x5]  }
0x7: {  	s6 =	rddreg [dreg:$0x6]  }
0x8: {  	s7 =	rddreg [dreg:$0x7]  }
0x9: {  	s8 =	rddreg [dreg:$0x8]  }
0xa: {  	s9 =	rddreg [dreg:$0x9]  }
0xb: {  	s10 =	rddreg [dreg:$0xa]  }
0xc: {  	s11 =	rddreg [dreg:$0xb]  }
0xd: {  	s12 =	rddreg [dreg:$0xc]  }
0xe: {  	s13 =	rddreg [dreg:$0xd]  }
0xf: {  	[smem:s0] =	sst s1  }
0x10: {  	[smem:s0+$0x1] =	sst s2  }
0x11: {  	[smem:s0+$0x2] =	sst s3  }
0x12: {  	[smem:s0+$0x3] =	sst s4  }
0x13: {  	[smem:s0+$0x4] =	sst s5  }
0x14: {  	[smem:s0+$0x5] =	sst s6  }
0x15: {  	[smem:s0+$0x6] =	sst s7  }
0x16: {  	[smem:s0+$0x7] =	sst s8  }
0x17: {  	[smem:s0+$0x8] =	sst s9  }
0x18: {  	[smem:s0+$0x9] =	sst s10  }
0x19: {  	[smem:s0+$0xA] =	sst s11  }
0x1a: {  	[smem:s0+$0xB] =	sst s12  }
0x1b: {  	[smem:s0+$0xC] =	sst s13;
	_ =	shalt  }
.Lfunc_end2:
execute0_lowered:
.L_overlay_start_2:
0x1c: {  	(tag) =	ssettag $0x2  }
0x1d: {  	s14 =	simm.s32 $0x0  }
0x1e: {  	[smem:$0x7FF] =	sst s14  }
0x1f: {  	s0 =	sld [smem:$0x100]  }
0x20: {  	s17 =	sld [smem:$0x101]  }
0x21: {  	s18 =	sld [smem:$0x102]  }
0x22: {  	s19 =	sld [smem:$0x103]  }
0x23: {  	s20 =	sld [smem:$0x104]  }
0x24: {  	s21 =	sld [smem:$0x105]  }
0x25: {  	s1 =	sld [smem:$0x106]  }
0x26: {  	s23 =	sld [smem:$0x108]  }
0x27: {  	s3 =	sld [smem:$0x107]  }
0x28: {  	s25 =	sld [smem:$0x109]  }
0x29: {  	[dreg:$0xe] =	wrdreg s0  }
0x2a: {  	[dreg:$0xf] =	wrdreg s17  }
0x2b: {  	[dreg:$0x10] =	wrdreg s18  }
0x2c: {  	[dreg:$0x11] =	wrdreg s19  }
0x2d: {  	[dreg:$0x12] =	wrdreg s20  }
0x2e: {  	s22 =	srdreg.scid;
	[dreg:$0x13] =	wrdreg s21  }
0x2f: {  	s4 =	stileid.u32;
	s31 =	simm.s32 $0x1000;
	[dreg:$0x14] =	wrdreg s1  }
0x30: {  	s29 =	simm.s32 $0x6200;
	s26 =	sshll.u32 s4, $0x1;
	[dreg:$0x16] =	wrdreg s3  }
0x31: {  	s4 =	simm.s32 $0x0;
	s0 =	sand.u32 $0x1, s22;
	[dreg:$0x15] =	wrdreg s25  }
0x32: {  	s28 =	sadd.s32 $0x1A00, s23;
	s1 =	sadd.s32 $0x61A00, s23;
	s22 =	simm.s32 $0x2000  }
0x33: {  	s23 =	simm.s32 $0x4100;
	s25 =	simm.s32 $0xE200;
	s2 =	ssub.s32 $0x2, s0  }
.Ltmp0:
0x34: {  	s0 =	sor.u32 s0, s26;
	_ =	strace $0x80000047;
	(pc) =	sbr.rel .LBB3_1-.Ltmp0, $4  }
0x35: {  	[dreg:$0x17] =	wrdreg s28;
	s24 =	sshrl.u32 s2, $0x1;
	s0 =	smul.u32 $0x3, s0  }
0x36: {  	s3 =	simm.s32 $0xA200;
	[dreg:$0x18] =	wrdreg s1;
	s2 =	ssub.s32 s2, s24  }
0x37: {  	s1 =	simm.s32 $0x5180;
	[dreg:$0x19] =	wrdreg s0;
	s30 =	smax.u32 s2, $0x1  }
0x38: {  	v0 =	vlaneseq.u32;
	v1 =	vimm.s32 $0x0;
	s26 =	simm.s32 $0x16200;
	s0 =	simm.s32 $0x3080;
	[dreg:$0x1a] =	wrdreg s30  }
.LBB3_123:
0x39: {  	s4 =	rddreg [dreg:$0x1b]  }
0x3a: {  	s2 =	rddreg [dreg:$0x1a];
	s4 =	sadd.s32 $0x1, s4  }
0x3b: {  	p0 =	sne.s32 s4, s2  }
.Ltmp1:
0x3c: {  	_ = 	snop;
	(pc) =	sbr.rel @!p0 .LBB3_124-.Ltmp1, $1  }
0x3d: {  	_ =	sdelay $0x3  }
.LBB3_1:
0x3e: {  	[dreg:$0x1b] =	wrdreg s4  }
0x3f: {  	s2 =	rddreg [dreg:$0x0];
	s28 =	simm.s32 $0x5  }
0x40: {  	[tilespmem:s14], [sflag:$0x5] =	stream.linear.gather [hbm4b:s2+s14], $0x1000, $0x38;
	[tilespmem:$0x1E200] =	vst v63  }
0x41: {  	_ =	swait.ge [sflag:s28], $0x1000  }
0x42: {  	[sflag:s28] =	ssyncset.done $0x0  }
0x43: {  	[sflag:s28] =	ssyncadd.s32 $0xFFFFF000  }
0x44: {  	s30 =	rddreg [dreg:$0x1]  }
0x45: {  	[tilespmem:s31], [sflag:$0x5] =	stream.linear.gather [hbm4b:s30+s14], $0x1000, $0x38;
	[tilespmem:$0x1E200] =	vst v63  }
0x46: {  	_ =	swait.ge [sflag:s28], $0x1000  }
0x47: {  	[sflag:s28] =	ssyncset.done $0x0  }
0x48: {  	[sflag:s28] =	ssyncadd.s32 $0xFFFFF000  }
0x49: {  	s4 =	simm.s32 $0x0;
	s2 =	simm.s32 $0x0;
	[smem:$0x80] =	sst s14  }
.LBB3_2:
0x4a: {  	s5 =	simm.s32 $0x0  }
0x4b: {  	v3 =	vor.u32 s5, v0;
	_ =	sdelay $0x4  }
0x4c: {  	v4 =	vld.idx.msk [tilespmem:v3+s14+$0x0], $0xffff;
	_ =	sdelay $0x4  }
0x4d: {  	v2 =	vmov s2;
	v5 =	vshra.s32 v4, $0xD  }
0x4e: {  	vm1 =	vlt.s32 v4, $0x18680;
	vm0 =	veq.s32 v5, v2  }
0x4f: {  	vm0 =	vmand vm1, vm0  }
0x50: {  	v5 =	vsel vm0, $0x1, v1  }
0x51: {  	(xrf0) =	vadd.scan.msk.s32 $0xffff, v5;
	_ =	sdelay $0x2  }
0x52: {  	v5 =	vmov s4  }
0x53: {  	v5 =	vadd.s32 $0xFFFFFFFF, v5  }
0x54: {  	v5 =	vbroadcast v5, $0x0  }
0x55: {  	v7, _, _ =	vpop (xrf0)  }
0x56: {  	s30 =	simm.s32 $0x10;
	v6 =	vadd.s32 v7, v5;
	(v2sf) =	vpush v7, $0xF  }
0x57: {  	s5 =	simm.s32 $0x20;
	v4 =	vshll.u32 v4, $0xC;
	v5 =	vor.u32 s30, v0  }
.LBB3_3:
0x58: {  	p0 =	sne.s32 s5, $0xFF0;
	_ =	sdelay $0x1  }
0x59: {  	v4 =	vadd.s32 v3, v4;
	v3 =	vmov v5  }
0x5a: {  	[tilespmem:v6+s22+$0x0] =	vst.idx.msk vm0, v4  }
0x5b: {  	v5 =	vld.idx.msk [tilespmem:v5+s14+$0x0], $0xffff;
	_ =	sdelay $0x5  }
0x5c: {  	v6 =	vshra.s32 v5, $0xD;
	v4 =	vshll.u32 v5, $0xC  }
0x5d: {  	vm1 =	vlt.s32 v5, $0x18680;
	vm0 =	veq.s32 v6, v2  }
0x5e: {  	vm0 =	vmand vm1, vm0  }
0x5f: {  	v5 =	vsel vm0, $0x1, v1;
	s6 =	spop (v2sf)  }
0x60: {  	(xrf0) =	vadd.scan.msk.s32 $0xffff, v5;
	s4 =	sadd.s32 s4, s6  }
0x61: {  	v5 =	vmov s4  }
0x62: {  	v5 =	vadd.s32 $0xFFFFFFFF, v5  }
0x63: {  	v5 =	vbroadcast v5, $0x0  }
.Ltmp2:
0x64: {  	(pc) =	sbr.rel @p0 .LBB3_3-.Ltmp2, $4  }
0x65: {  	_ = 	snop  }
0x66: {  	v7, _, _ =	vpop (xrf0)  }
0x67: {  	v6 =	vadd.s32 v7, v5;
	(v2sf) =	vpush v7, $0xF  }
0x68: {  	v5 =	vor.u32 s5, v0;
	s5 =	sadd.s32 $0x10, s5  }
0x69: {  	_ =	sdelay $0x3  }
0x6a: {  	v3 =	vadd.s32 v3, v4  }
0x6b: {  	[tilespmem:v6+s22+$0x0] =	vst.idx.msk vm0, v3  }
0x6c: {  	v3 =	vld.idx.msk [tilespmem:v5+s14+$0x0], $0xffff;
	_ =	sdelay $0x4  }
0x6d: {  	v62 =	vshra.s32 v3, $0xD  }
0x6e: {  	vm1 =	vlt.s32 v3, $0x18680;
	vm15 =	veq.s32 v62, v2  }
0x6f: {  	vm0 =	vmand vm1, vm15  }
0x70: {  	v2 =	vsel vm0, $0x1, v1  }
0x71: {  	(xrf0) =	vadd.scan.msk.s32 $0xffff, v2;
	_ =	sdelay $0x5  }
0x72: {  	v2, _, _ =	vpop (xrf0)  }
0x73: {  	(v2sf) =	vpush v2, $0xF;
	_ =	sdelay $0x5  }
0x74: {  	s5 =	spop (v2sf)  }
0x75: {  	s4 =	sadd.s32 s4, s5  }
0x76: {  	v63 =	vmov s4  }
0x77: {  	v4 =	vadd.s32 $0xFFFFFFFF, v63  }
0x78: {  	v4 =	vbroadcast v4, $0x0  }
0x79: {  	s2 =	sadd.s32 $0x1, s2  }
0x7a: {  	p0 =	sne.s32 s2, $0xD;
	v2 =	vadd.s32 v2, v4  }
.Ltmp3:
0x7b: {  	_ = 	snop;
	(pc) =	sbr.rel @p0 .LBB3_2-.Ltmp3, $4  }
0x7c: {  	_ = 	snop  }
0x7d: {  	s6 =	sshll.u32 s2, $0x1;
	v3 =	vshll.u32 v3, $0xC;
	s28 =	spop (v2sf)  }
0x7e: {  	s30 =	sand.u32 $0x3FFFFFFE, s6;
	v3 =	vadd.s32 v5, v3;
	s4 =	sadd.s32 s4, s28  }
0x7f: {  	[tilespmem:v2+s22+$0x0] =	vst.idx.msk vm0, v3;
	[smem:s30+$0x80] =	sst s4  }
.Ltmp4:
0x80: {  	(pc) =	sbr.rel .LBB3_6-.Ltmp4, $3  }
0x81: {  	_ =	sdelay $0x1  }
0x82: {  	s2 =	simm.s32 $0x0  }
0x83: {  	s4 =	simm.s32 $0x0;
	[smem:$0x0] =	sst s2  }
.LBB3_8:
0x84: {  	s5 =	smov.u32 s2  }
.LBB3_12:
0x85: {  	_ =	sdelay $0x4  }
0x86: {  	[tilespmem:v6+s23+$0x0] =	vst.idx.msk @p0 vm0, v4  }
0x87: {  	v4 =	vld.idx.msk [tilespmem:v5+s22+$0x0], $0xffff;
	_ =	sdelay $0x4  }
0x88: {  	v63 =	vshra.s32 v4, $0x17  }
0x89: {  	vm1 =	vlt.s32 v5, v3;
	vm15 =	veq.s32 v63, v2  }
0x8a: {  	vm0 =	vmand vm1, vm15  }
0x8b: {  	v2 =	vsel vm0, $0x1, v1  }
0x8c: {  	(xrf0) =	vadd.scan.msk.s32 $0xffff, v2;
	_ =	sdelay $0x5  }
0x8d: {  	v2, _, _ =	vpop (xrf0)  }
0x8e: {  	(v2sf) =	vpush v2, $0xF;
	_ =	sdelay $0x3  }
0x8f: {  	s6 =	spop @p0 (v2sf)  }
0x90: {  	s5 =	sadd.s32 @p0 s5, s6  }
0x91: {  	s2 =	smov.u32 @p0 s5  }
0x92: {  	v3 =	vmov s2  }
0x93: {  	v3 =	vadd.s32 $0xFFFFFFFF, v3  }
0x94: {  	v3 =	vbroadcast v3, $0x0;
	_ =	sdelay $0x1  }
0x95: {  	v2 =	vadd.s32 v2, v3;
	_ =	sdelay $0x3  }
0x96: {  	s30 =	spop (v2sf)  }
0x97: {  	[tilespmem:v2+s23+$0x0] =	vst.idx.msk vm0, v4;
	s2 =	sadd.s32 s2, s30  }
.LBB3_13:
0x98: {  	s4 =	sadd.s32 $0x1, s4  }
0x99: {  	p0 =	sne.s32 s4, $0x31  }
.Ltmp5:
0x9a: {  	_ = 	snop;
	(pc) =	sbr.rel @!p0 .LBB3_14-.Ltmp5, $4  }
0x9b: {  	_ = 	snop  }
0x9c: {  	s5 =	sshll.u32 s4, $0x1  }
0x9d: {  	s5 =	sand.u32 $0x3FFFFFFE, s5  }
0x9e: {  	[smem:s5] =	sst s2  }
.LBB3_6:
0x9f: {  	s5 =	sshrl.u32 s4, $0x1  }
0xa0: {  	s6 =	sand.u32 $0x1E, s5  }
0xa1: {  	s5 =	sor.u32 $0x80, s6;
	s6 =	sld [smem:s6+$0x82]  }
0xa2: {  	s5 =	sld [smem:s5+$0x0];
	_ =	sdelay $0x2  }
0xa3: {  	s7 =	ssub.s32 s6, s5  }
0xa4: {  	s7 =	sadd.s32 $0xF, s7  }
0xa5: {  	p0 =	slt.s32 s7, $0x10  }
.Ltmp6:
0xa6: {  	_ = 	snop;
	(pc) =	sbr.rel @p0 .LBB3_13-.Ltmp6, $1  }
0xa7: {  	_ =	sdelay $0x3  }
0xa8: {  	s8 =	sshra.s32 s7, $0x1F  }
0xa9: {  	s8 =	sshrl.u32 s8, $0x1C  }
0xaa: {  	s30 =	sadd.s32 s8, s7  }
0xab: {  	s7 =	sshra.s32 s30, $0x4  }
0xac: {  	p1 =	sne.s32 s7, $0x1  }
.Ltmp7:
0xad: {  	_ = 	snop;
	(pc) =	sbr.rel @!p1 .LBB3_8-.Ltmp7, $2  }
0xae: {  	_ =	sdelay $0x2  }
0xaf: {  	v2 =	vmov s4;
	v3 =	vmov s6;
	v5 =	vadd.s32 s5, v0;
	p0 =	por $0x0, $0x0;
	s7 =	sadd.s32 $0xFFFFFFFF, s7  }
0xb0: {  	_ =	sdelay $0x3  }
0xb1: {  	v4 =	vld.idx.msk [tilespmem:v5+s22+$0x0], $0xffff;
	_ =	sdelay $0x4  }
0xb2: {  	v6 =	vshra.s32 v4, $0x17  }
0xb3: {  	vm1 =	vlt.s32 v5, v3;
	vm0 =	veq.s32 v6, v2  }
0xb4: {  	vm0 =	vmand vm1, vm0  }
0xb5: {  	v5 =	vsel vm0, $0x1, v1  }
0xb6: {  	(xrf0) =	vadd.scan.msk.s32 $0xffff, v5;
	_ =	sdelay $0x2  }
0xb7: {  	p1 =	sne.s32 s7, $0x1;
	v5 =	vmov s2  }
.Ltmp8:
0xb8: {  	v5 =	vadd.s32 $0xFFFFFFFF, v5;
	(pc) =	sbr.rel @!p1 .LBB3_10-.Ltmp8, $4  }
0xb9: {  	v5 =	vbroadcast v5, $0x0  }
0xba: {  	v7, _, _ =	vpop (xrf0)  }
0xbb: {  	s6 =	sadd.s32 $0x10, s5;
	v6 =	vadd.s32 v7, v5;
	(v2sf) =	vpush v7, $0xF  }
0xbc: {  	s7 =	sadd.s32 $0xFFFFFFFF, s7;
	p0 =	por $0x1, $0x1;
	s5 =	smov.u32 s2;
	v5 =	vadd.s32 s6, v0  }
.LBB3_11:
0xbd: {  	p1 =	sne.s32 s7, $0x1;
	_ =	sdelay $0x2  }
0xbe: {  	[tilespmem:v6+s23+$0x0] =	vst.idx.msk vm0, v4  }
0xbf: {  	v4 =	vld.idx.msk [tilespmem:v5+s22+$0x0], $0xffff;
	_ =	sdelay $0x5  }
0xc0: {  	v6 =	vshra.s32 v4, $0x17  }
0xc1: {  	vm1 =	vlt.s32 v5, v3;
	vm0 =	veq.s32 v6, v2  }
0xc2: {  	vm0 =	vmand vm1, vm0  }
0xc3: {  	v5 =	vsel vm0, $0x1, v1;
	s8 =	spop (v2sf)  }
0xc4: {  	(xrf0) =	vadd.scan.msk.s32 $0xffff, v5;
	s5 =	sadd.s32 s5, s8  }
0xc5: {  	v5 =	vmov s5  }
0xc6: {  	v5 =	vadd.s32 $0xFFFFFFFF, v5  }
0xc7: {  	v5 =	vbroadcast v5, $0x0  }
.Ltmp9:
0xc8: {  	(pc) =	sbr.rel @p1 .LBB3_11-.Ltmp9, $4  }
0xc9: {  	_ = 	snop  }
0xca: {  	v7, _, _ =	vpop (xrf0)  }
0xcb: {  	s6 =	sadd.s32 $0x10, s6;
	v6 =	vadd.s32 v7, v5;
	(v2sf) =	vpush v7, $0xF  }
0xcc: {  	s7 =	sadd.s32 $0xFFFFFFFF, s7;
	v5 =	vadd.s32 s6, v0  }
.Ltmp10:
0xcd: {  	_ = 	snop;
	(pc) =	sbr.rel .LBB3_12-.Ltmp10, $1  }
0xce: {  	_ =	sdelay $0x3  }
.LBB3_10:
.Ltmp11:
0xcf: {  	(pc) =	sbr.rel .LBB3_12-.Ltmp11, $2  }
0xd0: {  	_ =	sdelay $0x2  }
0xd1: {  	s5 =	smov.u32 s2  }
.LBB3_14:
0xd2: {  	s2 =	simm.s32 $0x0  }
0xd3: {  	s5 =	simm.s32 $0x0;
	s4 =	simm.s32 $0x0;
	[smem:$0x81] =	sst s2  }
.LBB3_15:
0xd4: {  	v3 =	vor.u32 s2, v0;
	_ =	sdelay $0x4  }
0xd5: {  	v4 =	vld.idx.msk [tilespmem:v3+s31+$0x0], $0xffff;
	_ =	sdelay $0x4  }
0xd6: {  	v2 =	vmov s4;
	v5 =	vshra.s32 v4, $0xD  }
0xd7: {  	vm1 =	vlt.s32 v4, $0x18680;
	vm0 =	veq.s32 v5, v2  }
0xd8: {  	vm0 =	vmand vm1, vm0  }
0xd9: {  	v5 =	vsel vm0, $0x1, v1  }
0xda: {  	(xrf0) =	vadd.scan.msk.s32 $0xffff, v5;
	_ =	sdelay $0x2  }
0xdb: {  	v5 =	vmov s5  }
0xdc: {  	v5 =	vadd.s32 $0xFFFFFFFF, v5  }
0xdd: {  	v5 =	vbroadcast v5, $0x0  }
0xde: {  	v7, _, _ =	vpop (xrf0)  }
0xdf: {  	s6 =	simm.s32 $0x10;
	v6 =	vadd.s32 v7, v5;
	(v2sf) =	vpush v7, $0xF  }
0xe0: {  	v4 =	vshll.u32 v4, $0xC;
	v5 =	vor.u32 s6, v0;
	s6 =	simm.s32 $0x20  }
.LBB3_16:
0xe1: {  	p0 =	sne.s32 s6, $0xFF0;
	_ =	sdelay $0x1  }
0xe2: {  	v4 =	vadd.s32 v3, v4;
	v3 =	vmov v5  }
0xe3: {  	[tilespmem:v6+s0+$0x0] =	vst.idx.msk vm0, v4  }
0xe4: {  	v5 =	vld.idx.msk [tilespmem:v5+s31+$0x0], $0xffff;
	_ =	sdelay $0x5  }
0xe5: {  	v6 =	vshra.s32 v5, $0xD;
	v4 =	vshll.u32 v5, $0xC  }
0xe6: {  	vm1 =	vlt.s32 v5, $0x18680;
	vm0 =	veq.s32 v6, v2  }
0xe7: {  	vm0 =	vmand vm1, vm0  }
0xe8: {  	v5 =	vsel vm0, $0x1, v1;
	s7 =	spop (v2sf)  }
0xe9: {  	(xrf0) =	vadd.scan.msk.s32 $0xffff, v5;
	s5 =	sadd.s32 s5, s7  }
0xea: {  	v5 =	vmov s5  }
0xeb: {  	v5 =	vadd.s32 $0xFFFFFFFF, v5  }
0xec: {  	v5 =	vbroadcast v5, $0x0  }
.Ltmp12:
0xed: {  	(pc) =	sbr.rel @p0 .LBB3_16-.Ltmp12, $4  }
0xee: {  	_ = 	snop  }
0xef: {  	v7, _, _ =	vpop (xrf0)  }
0xf0: {  	v6 =	vadd.s32 v7, v5;
	(v2sf) =	vpush v7, $0xF  }
0xf1: {  	v5 =	vor.u32 s6, v0;
	s6 =	sadd.s32 $0x10, s6  }
0xf2: {  	_ =	sdelay $0x3  }
0xf3: {  	v3 =	vadd.s32 v3, v4  }
0xf4: {  	[tilespmem:v6+s0+$0x0] =	vst.idx.msk vm0, v3  }
0xf5: {  	v3 =	vld.idx.msk [tilespmem:v5+s31+$0x0], $0xffff;
	_ =	sdelay $0x4  }
0xf6: {  	v62 =	vshra.s32 v3, $0xD  }
0xf7: {  	vm1 =	vlt.s32 v3, $0x18680;
	vm15 =	veq.s32 v62, v2  }
0xf8: {  	vm0 =	vmand vm1, vm15  }
0xf9: {  	v2 =	vsel vm0, $0x1, v1  }
0xfa: {  	(xrf0) =	vadd.scan.msk.s32 $0xffff, v2;
	_ =	sdelay $0x5  }
0xfb: {  	v2, _, _ =	vpop (xrf0)  }
0xfc: {  	(v2sf) =	vpush v2, $0xF;
	_ =	sdelay $0x5  }
0xfd: {  	s6 =	spop (v2sf)  }
0xfe: {  	s5 =	sadd.s32 s5, s6  }
0xff: {  	v63 =	vmov s5  }
0x100: {  	v4 =	vadd.s32 $0xFFFFFFFF, v63  }
0x101: {  	v4 =	vbroadcast v4, $0x0  }
0x102: {  	s4 =	sadd.s32 $0x1, s4  }
0x103: {  	p0 =	sne.s32 s4, $0xD;
	v2 =	vadd.s32 v2, v4  }
.Ltmp13:
0x104: {  	_ = 	snop;
	(pc) =	sbr.rel @p0 .LBB3_15-.Ltmp13, $4  }
0x105: {  	_ = 	snop  }
0x106: {  	s7 =	sshll.u32 s4, $0x1;
	v3 =	vshll.u32 v3, $0xC;
	s28 =	spop (v2sf)  }
0x107: {  	s30 =	sand.u32 $0x3FFFFFFE, s7;
	v3 =	vadd.s32 v5, v3;
	s5 =	sadd.s32 s5, s28  }
0x108: {  	[tilespmem:v2+s0+$0x0] =	vst.idx.msk vm0, v3;
	[smem:s30+$0x81] =	sst s5  }
.Ltmp14:
0x109: {  	(pc) =	sbr.rel .LBB3_19-.Ltmp14, $3  }
0x10a: {  	_ =	sdelay $0x1  }
0x10b: {  	s2 =	simm.s32 $0x0  }
0x10c: {  	s4 =	simm.s32 $0x0;
	[smem:$0x1] =	sst s2  }
.LBB3_21:
0x10d: {  	s5 =	smov.u32 s2  }
.LBB3_25:
0x10e: {  	_ =	sdelay $0x4  }
0x10f: {  	[tilespmem:v6+s1+$0x0] =	vst.idx.msk @p0 vm0, v4  }
0x110: {  	v4 =	vld.idx.msk [tilespmem:v5+s0+$0x0], $0xffff;
	_ =	sdelay $0x4  }
0x111: {  	v63 =	vshra.s32 v4, $0x17  }
0x112: {  	vm1 =	vlt.s32 v5, v3;
	vm15 =	veq.s32 v63, v2  }
0x113: {  	vm0 =	vmand vm1, vm15  }
0x114: {  	v2 =	vsel vm0, $0x1, v1  }
0x115: {  	(xrf0) =	vadd.scan.msk.s32 $0xffff, v2;
	_ =	sdelay $0x5  }
0x116: {  	v2, _, _ =	vpop (xrf0)  }
0x117: {  	(v2sf) =	vpush v2, $0xF;
	_ =	sdelay $0x3  }
0x118: {  	s6 =	spop @p0 (v2sf)  }
0x119: {  	s5 =	sadd.s32 @p0 s5, s6  }
0x11a: {  	s2 =	smov.u32 @p0 s5  }
0x11b: {  	v3 =	vmov s2  }
0x11c: {  	v3 =	vadd.s32 $0xFFFFFFFF, v3  }
0x11d: {  	v3 =	vbroadcast v3, $0x0;
	_ =	sdelay $0x1  }
0x11e: {  	v2 =	vadd.s32 v2, v3;
	_ =	sdelay $0x3  }
0x11f: {  	s30 =	spop (v2sf)  }
0x120: {  	[tilespmem:v2+s1+$0x0] =	vst.idx.msk vm0, v4;
	s2 =	sadd.s32 s2, s30  }
.LBB3_26:
0x121: {  	s4 =	sadd.s32 $0x1, s4  }
0x122: {  	p0 =	sne.s32 s4, $0x31  }
.Ltmp15:
0x123: {  	_ = 	snop;
	(pc) =	sbr.rel @!p0 .LBB3_27-.Ltmp15, $4  }
0x124: {  	_ = 	snop  }
0x125: {  	s5 =	sshll.u32 s4, $0x1  }
0x126: {  	s5 =	sand.u32 $0x3FFFFFFE, s5  }
0x127: {  	[smem:s5+$0x1] =	sst s2  }
.LBB3_19:
0x128: {  	s5 =	sshrl.u32 s4, $0x1  }
0x129: {  	s6 =	sand.u32 $0x1E, s5  }
0x12a: {  	s5 =	sor.u32 $0x81, s6;
	s6 =	sld [smem:s6+$0x83]  }
0x12b: {  	s5 =	sld [smem:s5+$0x0];
	_ =	sdelay $0x2  }
0x12c: {  	s7 =	ssub.s32 s6, s5  }
0x12d: {  	s7 =	sadd.s32 $0xF, s7  }
0x12e: {  	p0 =	slt.s32 s7, $0x10  }
.Ltmp16:
0x12f: {  	_ = 	snop;
	(pc) =	sbr.rel @p0 .LBB3_26-.Ltmp16, $1  }
0x130: {  	_ =	sdelay $0x3  }
0x131: {  	s8 =	sshra.s32 s7, $0x1F  }
0x132: {  	s8 =	sshrl.u32 s8, $0x1C  }
0x133: {  	s30 =	sadd.s32 s8, s7  }
0x134: {  	s7 =	sshra.s32 s30, $0x4  }
0x135: {  	p1 =	sne.s32 s7, $0x1  }
.Ltmp17:
0x136: {  	_ = 	snop;
	(pc) =	sbr.rel @!p1 .LBB3_21-.Ltmp17, $2  }
0x137: {  	_ =	sdelay $0x2  }
0x138: {  	v2 =	vmov s4;
	v3 =	vmov s6;
	v5 =	vadd.s32 s5, v0;
	p0 =	por $0x0, $0x0;
	s7 =	sadd.s32 $0xFFFFFFFF, s7  }
0x139: {  	_ =	sdelay $0x3  }
0x13a: {  	v4 =	vld.idx.msk [tilespmem:v5+s0+$0x0], $0xffff;
	_ =	sdelay $0x4  }
0x13b: {  	v6 =	vshra.s32 v4, $0x17  }
0x13c: {  	vm1 =	vlt.s32 v5, v3;
	vm0 =	veq.s32 v6, v2  }
0x13d: {  	vm0 =	vmand vm1, vm0  }
0x13e: {  	v5 =	vsel vm0, $0x1, v1  }
0x13f: {  	(xrf0) =	vadd.scan.msk.s32 $0xffff, v5;
	_ =	sdelay $0x2  }
0x140: {  	p1 =	sne.s32 s7, $0x1;
	v5 =	vmov s2  }
.Ltmp18:
0x141: {  	v5 =	vadd.s32 $0xFFFFFFFF, v5;
	(pc) =	sbr.rel @!p1 .LBB3_23-.Ltmp18, $4  }
0x142: {  	v5 =	vbroadcast v5, $0x0  }
0x143: {  	v7, _, _ =	vpop (xrf0)  }
0x144: {  	s6 =	sadd.s32 $0x10, s5;
	v6 =	vadd.s32 v7, v5;
	(v2sf) =	vpush v7, $0xF  }
0x145: {  	s7 =	sadd.s32 $0xFFFFFFFF, s7;
	p0 =	por $0x1, $0x1;
	s5 =	smov.u32 s2;
	v5 =	vadd.s32 s6, v0  }
.LBB3_24:
0x146: {  	p1 =	sne.s32 s7, $0x1;
	_ =	sdelay $0x2  }
0x147: {  	[tilespmem:v6+s1+$0x0] =	vst.idx.msk vm0, v4  }
0x148: {  	v4 =	vld.idx.msk [tilespmem:v5+s0+$0x0], $0xffff;
	_ =	sdelay $0x5  }
0x149: {  	v6 =	vshra.s32 v4, $0x17  }
0x14a: {  	vm1 =	vlt.s32 v5, v3;
	vm0 =	veq.s32 v6, v2  }
0x14b: {  	vm0 =	vmand vm1, vm0  }
0x14c: {  	v5 =	vsel vm0, $0x1, v1;
	s8 =	spop (v2sf)  }
0x14d: {  	(xrf0) =	vadd.scan.msk.s32 $0xffff, v5;
	s5 =	sadd.s32 s5, s8  }
0x14e: {  	v5 =	vmov s5  }
0x14f: {  	v5 =	vadd.s32 $0xFFFFFFFF, v5  }
0x150: {  	v5 =	vbroadcast v5, $0x0  }
.Ltmp19:
0x151: {  	(pc) =	sbr.rel @p1 .LBB3_24-.Ltmp19, $4  }
0x152: {  	_ = 	snop  }
0x153: {  	v7, _, _ =	vpop (xrf0)  }
0x154: {  	s6 =	sadd.s32 $0x10, s6;
	v6 =	vadd.s32 v7, v5;
	(v2sf) =	vpush v7, $0xF  }
0x155: {  	s7 =	sadd.s32 $0xFFFFFFFF, s7;
	v5 =	vadd.s32 s6, v0  }
.Ltmp20:
0x156: {  	_ = 	snop;
	(pc) =	sbr.rel .LBB3_25-.Ltmp20, $1  }
0x157: {  	_ =	sdelay $0x3  }
.LBB3_23:
.Ltmp21:
0x158: {  	(pc) =	sbr.rel .LBB3_25-.Ltmp21, $2  }
0x159: {  	_ =	sdelay $0x2  }
0x15a: {  	s5 =	smov.u32 s2  }
.LBB3_27:
.Ltmp22:
0x15b: {  	(pc) =	sbr.rel .LBB3_28-.Ltmp22, $2  }
0x15c: {  	_ =	sdelay $0x2  }
0x15d: {  	s7 =	simm.s32 $0x0  }
.LBB3_118:
0x15e: {  	_ = 	snop  }
.LBB3_121:
0x15f: {  	_ =	sdelay $0x4  }
0x160: {  	[tilespmem:v5+s26+$0x0] =	vst.idx.msk @p0 vm0, v4  }
0x161: {  	v4 =	vld.idx.msk [tilespmem:v3+s1+$0x0], $0xffff;
	_ =	sdelay $0x4  }
0x162: {  	v51 =	vshra.s32 v4, $0xC  }
0x163: {  	vm14 =	vgt.s32 v51, $0x17E80  }
0x164: {  	v5 =	vnsel vm14, $0x17E80, v51  }
0x165: {  	v5 =	vmin.u32 v5, $0x1867F  }
0x166: {  	v6 =	vshll.u32 v5, $0x3  }
0x167: {  	v5 =	vand.u32 $0x7F, v5;
	v6 =	vand.u32 $0xFFC00, v6  }
0x168: {  	v5 =	vor.u32 v5, v6  }
0x169: {  	v6 =	vadd.s32 $0xFFF40C00, v5;
	_ =	sdelay $0x2  }
0x16a: {  	v7 =	vshll.u32 v4, $0x3  }
0x16b: {  	vm15 =	vlt.s32 v3, v2;
	v2 =	vand.u32 $0x7F, v4;
	v7 =	vand.u32 $0x7C00, v7  }
0x16c: {  	v2 =	vor.u32 v2, v7;
	v3 =	vld.idx.msk [tilespmem:v6+s29+$0x0], $0xffff  }
0x16d: {  	v52 =	vadd.s32 $0xFFF40C80, v5;
	_ =	sdelay $0x3  }
0x16e: {  	[tilespmem:v2+s26+$0x0] =	vst.idx.msk vm15, v3  }
0x16f: {  	v53 =	vor.u32 $0x80, v2;
	v3 =	vld.idx.msk [tilespmem:v52+s29+$0x0], $0xffff  }
0x170: {  	v54 =	vadd.s32 $0xFFF40D00, v5;
	_ =	sdelay $0x3  }
0x171: {  	[tilespmem:v53+s26+$0x0] =	vst.idx.msk vm15, v3  }
0x172: {  	v55 =	vor.u32 $0x100, v2;
	v3 =	vld.idx.msk [tilespmem:v54+s29+$0x0], $0xffff  }
0x173: {  	v56 =	vadd.s32 $0xFFF40D80, v5;
	_ =	sdelay $0x3  }
0x174: {  	[tilespmem:v55+s26+$0x0] =	vst.idx.msk vm15, v3  }
0x175: {  	v57 =	vor.u32 $0x180, v2;
	v3 =	vld.idx.msk [tilespmem:v56+s29+$0x0], $0xffff  }
0x176: {  	v58 =	vadd.s32 $0xFFF40E00, v5;
	_ =	sdelay $0x3  }
0x177: {  	[tilespmem:v57+s26+$0x0] =	vst.idx.msk vm15, v3  }
0x178: {  	v59 =	vor.u32 $0x200, v2;
	v3 =	vld.idx.msk [tilespmem:v58+s29+$0x0], $0xffff  }
0x179: {  	v60 =	vadd.s32 $0xFFF40E80, v5;
	_ =	sdelay $0x3  }
0x17a: {  	[tilespmem:v59+s26+$0x0] =	vst.idx.msk vm15, v3  }
0x17b: {  	v61 =	vor.u32 $0x280, v2;
	v3 =	vld.idx.msk [tilespmem:v60+s29+$0x0], $0xffff  }
0x17c: {  	v62 =	vadd.s32 $0xFFF40F00, v5;
	_ =	sdelay $0x3  }
0x17d: {  	[tilespmem:v61+s26+$0x0] =	vst.idx.msk vm15, v3  }
0x17e: {  	v63 =	vor.u32 $0x300, v2;
	v3 =	vld.idx.msk [tilespmem:v62+s29+$0x0], $0xffff  }
0x17f: {  	v5 =	vadd.s32 $0xFFF40F80, v5;
	_ =	sdelay $0x3  }
0x180: {  	[tilespmem:v63+s26+$0x0] =	vst.idx.msk vm15, v3  }
0x181: {  	v2 =	vor.u32 $0x380, v2;
	v3 =	vld.idx.msk [tilespmem:v5+s29+$0x0], $0xffff;
	_ =	sdelay $0x4  }
0x182: {  	[tilespmem:v2+s26+$0x0] =	vst.idx.msk vm15, v3  }
.LBB3_122:
0x183: {  	s2 =	sshll.u32 s8, $0xC;
	s4 =	rddreg [dreg:$0x17]  }
0x184: {  	s24 =	rddreg [dreg:$0x18];
	s4 =	sadd.s32 s4, s2  }
0x185: {  	[hbm4b:s4+s14] =	stream.linear.scatter [tilespmem:s25], [sflag:$0x3], $0x8000, $0x38;
	[tilespmem:$0x1E200] =	vst v63  }
0x186: {  	s28 =	simm.s32 $0x3;
	s7 =	sadd.s32 $0x1, s7;
	s2 =	sadd.s32 s24, s2  }
0x187: {  	[hbm4b:s2+s14] =	stream.linear.scatter [tilespmem:s26], [sflag:$0x4], $0x8000, $0x38;
	[tilespmem:$0x1E200] =	vst v63  }
0x188: {  	p0 =	sne.s32 s7, $0x3;
	_ =	swait.ge [sflag:s28], $0x8000  }
.Ltmp23:
0x189: {  	[sflag:s28] =	ssyncset.done $0x0;
	(pc) =	sbr.rel @!p0 .LBB3_123-.Ltmp23, $4  }
0x18a: {  	s30 =	simm.s32 $0x4;
	[sflag:s28] =	ssyncadd.s32 $0xFFFF8000  }
0x18b: {  	_ =	swait.ge [sflag:s30], $0x8000  }
0x18c: {  	[sflag:s30] =	ssyncset.done $0x0  }
0x18d: {  	[sflag:s30] =	ssyncadd.s32 $0xFFFF8000  }
.LBB3_28:
0x18e: {  	s2 =	rddreg [dreg:$0x19]  }
0x18f: {  	s6 =	sadd.s32 s2, s7  }
0x190: {  	s2 =	sadd.s32 $0xFFFFFFF4, s6;
	s4 =	sshra.s32 s6, $0x2  }
0x191: {  	p1 =	slt.u32 s2, $0xC;
	s4 =	sadd.s32 $0xFFFFFFFC, s4  }
0x192: {  	p0 =	slt.u32 s6, $0xC;
	s30 =	sshll.u32 s6, $0x3;
	s4 =	simm.s32 @p1 $0x1  }
0x193: {  	s5 =	sadd.s32 $0xFFFFFFA0, s30;
	s2 =	sand.u32 $0x18, s30;
	p2 =	seq.s32 s4, $0x0  }
0x194: {  	s2 =	smov.u32 @p1 s5;
	p1 =	por p0, p2  }
.Ltmp24:
0x195: {  	_ = 	snop;
	(pc) =	sbr.rel @!p1 .LBB3_30-.Ltmp24, $4  }
0x196: {  	_ = 	snop  }
0x197: {  	[dreg:$0x1c] =	wrdreg s7;
	s5 =	simm.s32 @!p1 $0x0  }
0x198: {  	[dreg:$0x1d] =	wrdreg s6;
	s5 =	simm.s32 @p1 $0x1  }
0x199: {  	s2 =	sshrl.u32 s2, $0x3;
	[smem:$0x7FD] =	sst s5  }
0x19a: {  	s2 =	smov.u32 @p0 s6;
	p0 =	por $0x0, $0x0  }
0x19b: {  	s6 =	simm.s32 @!p0 $0x0  }
0x19c: {  	s6 =	simm.s32 @p0 $0x1;
	p0 =	por $0x0, $0x0  }
0x19d: {  	[smem:$0x7EF] =	sst s6;
	s6 =	simm.s32 @!p0 $0x0  }
0x19e: {  	s6 =	simm.s32 @p0 $0x1;
	p0 =	por $0x0, $0x0  }
0x19f: {  	[smem:$0x7F0] =	sst s6;
	s6 =	simm.s32 @!p0 $0x0  }
0x1a0: {  	s6 =	simm.s32 @p0 $0x1;
	p0 =	por $0x0, $0x0  }
0x1a1: {  	[smem:$0x7F1] =	sst s6;
	s6 =	simm.s32 @!p0 $0x0  }
0x1a2: {  	s6 =	simm.s32 @p0 $0x1;
	p0 =	por $0x0, $0x0  }
0x1a3: {  	[smem:$0x7F2] =	sst s6;
	s6 =	simm.s32 @!p0 $0x0  }
0x1a4: {  	s6 =	simm.s32 @p0 $0x1;
	p0 =	por $0x0, $0x0  }
0x1a5: {  	[smem:$0x7F3] =	sst s6;
	s6 =	simm.s32 @!p0 $0x0  }
0x1a6: {  	s6 =	simm.s32 @p0 $0x1;
	p0 =	por $0x0, $0x0  }
0x1a7: {  	[smem:$0x7F4] =	sst s6;
	s6 =	simm.s32 @!p0 $0x0  }
0x1a8: {  	s6 =	simm.s32 @p0 $0x1;
	p0 =	por $0x0, $0x0  }
0x1a9: {  	[smem:$0x7F5] =	sst s6;
	s6 =	simm.s32 @!p0 $0x0  }
0x1aa: {  	s6 =	simm.s32 @p0 $0x1;
	p0 =	por $0x0, $0x0  }
0x1ab: {  	[smem:$0x7F6] =	sst s6;
	s6 =	simm.s32 @!p0 $0x0  }
0x1ac: {  	s6 =	simm.s32 @p0 $0x1;
	p0 =	por $0x0, $0x0  }
0x1ad: {  	[smem:$0x7F7] =	sst s6;
	s6 =	simm.s32 @!p0 $0x0  }
0x1ae: {  	s6 =	simm.s32 @p0 $0x1;
	p0 =	por $0x0, $0x0  }
0x1af: {  	[smem:$0x7F8] =	sst s6;
	s6 =	simm.s32 @!p0 $0x0  }
0x1b0: {  	s6 =	simm.s32 @p0 $0x1;
	p0 =	por $0x0, $0x0  }
0x1b1: {  	[smem:$0x7F9] =	sst s6;
	s6 =	simm.s32 @!p0 $0x0  }
0x1b2: {  	s4 =	rddreg [dreg:$0x2];
	s6 =	simm.s32 @p0 $0x1;
	p0 =	por $0x0, $0x0  }
0x1b3: {  	p1 =	por $0x0, $0x0;
	[smem:$0x7FA] =	sst s6;
	s6 =	simm.s32 @!p0 $0x0  }
0x1b4: {  	p2 =	por $0x0, $0x0;
	s6 =	simm.s32 @p0 $0x1;
	p0 =	por $0x0, $0x0  }
0x1b5: {  	s5 =	smul.u32 $0x18700, s2;
	[smem:$0x7FB] =	sst s6;
	s6 =	simm.s32 @!p0 $0x0  }
0x1b6: {  	p3 =	por $0x0, $0x0;
	p4 =	por $0x0, $0x0;
	s6 =	simm.s32 @p0 $0x1  }
0x1b7: {  	p5 =	por $0x0, $0x0;
	s4 =	sadd.s32 s4, s5;
	[smem:$0x7FC] =	sst s6  }
.LBB3_83:
0x1b8: {  	[tilespmem:s29], [sflag:$0x1] =	stream.linear.gather [hbm4b:s4+s14], $0x4000, $0x38;
	[tilespmem:$0x1E200] =	vst v63  }
.LBB3_84:
0x1b9: {  	s10 =	rddreg [dreg:$0x2]  }
0x1ba: {  	s11 =	rddreg [dreg:$0x3]  }
0x1bb: {  	s12 =	rddreg [dreg:$0x4]  }
0x1bc: {  	s13 =	rddreg [dreg:$0x5]  }
0x1bd: {  	s15 =	rddreg [dreg:$0x6]  }
0x1be: {  	s16 =	rddreg [dreg:$0x7]  }
0x1bf: {  	s17 =	rddreg [dreg:$0x8]  }
0x1c0: {  	s18 =	rddreg [dreg:$0x9]  }
0x1c1: {  	s19 =	rddreg [dreg:$0xa]  }
0x1c2: {  	s20 =	rddreg [dreg:$0xb]  }
0x1c3: {  	s6 =	rddreg [dreg:$0xc]  }
0x1c4: {  	s21 =	rddreg [dreg:$0xd]  }
0x1c5: {  	s24 =	rddreg [dreg:$0xe]  }
0x1c6: {  	s7 =	rddreg [dreg:$0xf]  }
0x1c7: {  	s8 =	rddreg [dreg:$0x10]  }
0x1c8: {  	s9 =	rddreg [dreg:$0x11]  }
0x1c9: {  	s4 =	smul.u32 $0xC3800, s2;
	s2 =	sadd.s32 s10, s5;
	s10 =	rddreg [dreg:$0x12]  }
0x1ca: {  	[dreg:$0x1e] =	wrdreg s2  }
0x1cb: {  	s2 =	sadd.s32 s11, s5;
	s11 =	rddreg [dreg:$0x13]  }
0x1cc: {  	[dreg:$0x1f] =	wrdreg s2  }
0x1cd: {  	s2 =	sadd.s32 s12, s5;
	s12 =	rddreg [dreg:$0x14]  }
0x1ce: {  	[smem:$0x7E8] =	sst s2  }
0x1cf: {  	s2 =	sadd.s32 s13, s5;
	s13 =	rddreg [dreg:$0x16]  }
0x1d0: {  	s28 =	sadd.s32 s12, s5;
	[smem:$0x7E9] =	sst s2;
	s2 =	sadd.s32 s15, s5  }
0x1d1: {  	s15 =	sadd.s32 s6, s5;
	s30 =	sadd.s32 s13, s5;
	[smem:$0x7EA] =	sst s2  }
0x1d2: {  	s2 =	sadd.s32 s16, s5;
	s16 =	sadd.s32 s21, s5;
	s21 =	sadd.s32 s10, s5  }
.Ltmp25:
0x1d3: {  	[smem:$0x7EB] =	sst s2;
	s2 =	sadd.s32 s17, s5;
	(pc) =	sbr.rel .LBB3_85-.Ltmp25, $4  }
0x1d4: {  	s17 =	sadd.s32 s24, s5;
	[smem:$0x7EC] =	sst s2;
	s2 =	sadd.s32 s18, s5  }
0x1d5: {  	s24 =	sadd.s32 s11, s5;
	[smem:$0x7ED] =	sst s2;
	s2 =	sadd.s32 s19, s5  }
0x1d6: {  	s18 =	sadd.s32 s7, s5;
	s19 =	sadd.s32 s8, s5;
	[smem:$0x7EE] =	sst s2  }
0x1d7: {  	s2 =	sadd.s32 s20, s5;
	s20 =	sadd.s32 s9, s5;
	s5 =	simm.s32 $0x0  }
.LBB3_30:
0x1d8: {  	p0 =	sgt.s32 s4, $0x9  }
.Ltmp26:
0x1d9: {  	_ = 	snop;
	(pc) =	sbr.rel @!p0 .LBB3_31-.Ltmp26, $4  }
0x1da: {  	p1 =	por $0x0, $0x0  }
0x1db: {  	s6 =	simm.s32 @!p1 $0x0  }
0x1dc: {  	s6 =	simm.s32 @p1 $0x1  }
0x1dd: {  	s5 =	smul.u32 $0x18700, s2;
	[smem:$0x7EF] =	sst s6  }
0x1de: {  	p0 =	sgt.s32 s4, $0xE  }
.Ltmp27:
0x1df: {  	_ = 	snop;
	(pc) =	sbr.rel @p0 .LBB3_56-.Ltmp27, $1  }
0x1e0: {  	_ =	sdelay $0x3  }
0x1e1: {  	p0 =	sgt.s32 s4, $0xB  }
.Ltmp28:
0x1e2: {  	_ = 	snop;
	(pc) =	sbr.rel @!p0 .LBB3_49-.Ltmp28, $1  }
0x1e3: {  	_ =	sdelay $0x3  }
0x1e4: {  	p0 =	seq.s32 s4, $0xC  }
.Ltmp29:
0x1e5: {  	_ = 	snop;
	(pc) =	sbr.rel @p0 .LBB3_75-.Ltmp29, $1  }
0x1e6: {  	_ =	sdelay $0x3  }
0x1e7: {  	p0 =	seq.s32 s4, $0xD  }
.Ltmp30:
0x1e8: {  	_ = 	snop;
	(pc) =	sbr.rel @p0 .LBB3_76-.Ltmp30, $1  }
0x1e9: {  	_ =	sdelay $0x3  }
0x1ea: {  	p0 =	seq.s32 s4, $0xE  }
.Ltmp31:
0x1eb: {  	_ = 	snop;
	(pc) =	sbr.rel @!p0 .LBB3_55-.Ltmp31, $1  }
0x1ec: {  	_ =	sdelay $0x3  }
0x1ed: {  	p0 =	por $0x0, $0x0  }
0x1ee: {  	s6 =	simm.s32 @!p0 $0x0  }
0x1ef: {  	s6 =	simm.s32 @p0 $0x1;
	p0 =	por $0x0, $0x0  }
0x1f0: {  	[smem:$0x7EF] =	sst s6;
	s6 =	simm.s32 @!p0 $0x0  }
0x1f1: {  	s6 =	simm.s32 @p0 $0x1;
	p0 =	por $0x0, $0x0  }
0x1f2: {  	[smem:$0x7F0] =	sst s6;
	s6 =	simm.s32 @!p0 $0x0  }
0x1f3: {  	s6 =	simm.s32 @p0 $0x1;
	p0 =	por $0x0, $0x0  }
0x1f4: {  	[smem:$0x7F1] =	sst s6;
	s6 =	simm.s32 @!p0 $0x0  }
0x1f5: {  	s6 =	simm.s32 @p0 $0x1;
	p0 =	por $0x0, $0x0  }
0x1f6: {  	[smem:$0x7F2] =	sst s6;
	s6 =	simm.s32 @!p0 $0x0  }
0x1f7: {  	s6 =	simm.s32 @p0 $0x1;
	p0 =	por $0x0, $0x0  }
0x1f8: {  	[smem:$0x7F3] =	sst s6;
	s6 =	simm.s32 @!p0 $0x0  }
0x1f9: {  	s6 =	simm.s32 @p0 $0x1;
	p0 =	por $0x0, $0x0  }
0x1fa: {  	[smem:$0x7F4] =	sst s6;
	s6 =	simm.s32 @!p0 $0x0  }
0x1fb: {  	s6 =	simm.s32 @p0 $0x1;
	p0 =	por $0x0, $0x0  }
0x1fc: {  	[smem:$0x7F5] =	sst s6;
	s6 =	simm.s32 @!p0 $0x0  }
0x1fd: {  	s6 =	simm.s32 @p0 $0x1;
	p0 =	por $0x0, $0x0  }
0x1fe: {  	[smem:$0x7F6] =	sst s6;
	s6 =	simm.s32 @!p0 $0x0  }
0x1ff: {  	s6 =	simm.s32 @p0 $0x1;
	p0 =	por $0x0, $0x0  }
0x200: {  	[smem:$0x7F7] =	sst s6;
	s6 =	simm.s32 @!p0 $0x0  }
0x201: {  	s6 =	simm.s32 @p0 $0x1;
	p0 =	por $0x0, $0x0  }
0x202: {  	[smem:$0x7F8] =	sst s6;
	s6 =	simm.s32 @!p0 $0x0  }
0x203: {  	s6 =	simm.s32 @p0 $0x1;
	p0 =	por $0x0, $0x0  }
0x204: {  	[smem:$0x7F9] =	sst s6;
	s6 =	simm.s32 @!p0 $0x0  }
0x205: {  	s4 =	rddreg [dreg:$0x10];
	s6 =	simm.s32 @p0 $0x1;
	p0 =	por $0x0, $0x0  }
.Ltmp32:
0x206: {  	[smem:$0x7FA] =	sst s6;
	s6 =	simm.s32 @!p0 $0x0;
	(pc) =	sbr.rel .LBB3_83-.Ltmp32, $4  }
0x207: {  	p3 =	por $0x1, $0x1;
	s6 =	simm.s32 @p0 $0x1;
	p0 =	por $0x0, $0x0  }
0x208: {  	p1 =	por $0x0, $0x0;
	[smem:$0x7FB] =	sst s6;
	s6 =	simm.s32 @!p0 $0x0  }
0x209: {  	p2 =	por $0x0, $0x0;
	p4 =	por $0x0, $0x0;
	s6 =	simm.s32 @p0 $0x1  }
0x20a: {  	p5 =	por $0x0, $0x0;
	s4 =	sadd.s32 s4, s5;
	[smem:$0x7FC] =	sst s6  }
.LBB3_31:
0x20b: {  	p0 =	sgt.s32 s4, $0x4  }
.Ltmp33:
0x20c: {  	_ = 	snop;
	(pc) =	sbr.rel @!p0 .LBB3_32-.Ltmp33, $1  }
0x20d: {  	_ =	sdelay $0x3  }
0x20e: {  	p0 =	sgt.s32 s4, $0x6  }
.Ltmp34:
0x20f: {  	_ = 	snop;
	(pc) =	sbr.rel @!p0 .LBB3_40-.Ltmp34, $1  }
0x210: {  	_ =	sdelay $0x3  }
0x211: {  	p0 =	seq.s32 s4, $0x7  }
.Ltmp35:
0x212: {  	_ = 	snop;
	(pc) =	sbr.rel @p0 .LBB3_70-.Ltmp35, $1  }
0x213: {  	_ =	sdelay $0x3  }
0x214: {  	p0 =	seq.s32 s4, $0x8  }
.Ltmp36:
0x215: {  	_ = 	snop;
	(pc) =	sbr.rel @p0 .LBB3_71-.Ltmp36, $1  }
0x216: {  	_ =	sdelay $0x3  }
0x217: {  	p0 =	seq.s32 s4, $0x9  }
.Ltmp37:
0x218: {  	_ = 	snop;
	(pc) =	sbr.rel @!p0 .LBB3_46-.Ltmp37, $1  }
0x219: {  	_ =	sdelay $0x3  }
0x21a: {  	p0 =	por $0x1, $0x1  }
0x21b: {  	s6 =	simm.s32 @!p0 $0x0  }
0x21c: {  	s6 =	simm.s32 @p0 $0x1;
	p0 =	por $0x0, $0x0  }
0x21d: {  	[smem:$0x7F4] =	sst s6;
	s6 =	simm.s32 @!p0 $0x0  }
0x21e: {  	s6 =	simm.s32 @p0 $0x1;
	p0 =	por $0x0, $0x0  }
0x21f: {  	[smem:$0x7EF] =	sst s6;
	s6 =	simm.s32 @!p0 $0x0  }
0x220: {  	s6 =	simm.s32 @p0 $0x1;
	p0 =	por $0x0, $0x0  }
0x221: {  	[smem:$0x7F0] =	sst s6;
	s6 =	simm.s32 @!p0 $0x0  }
0x222: {  	s6 =	simm.s32 @p0 $0x1;
	p0 =	por $0x0, $0x0  }
0x223: {  	[smem:$0x7F1] =	sst s6;
	s6 =	simm.s32 @!p0 $0x0  }
0x224: {  	s6 =	simm.s32 @p0 $0x1;
	p0 =	por $0x0, $0x0  }
0x225: {  	[smem:$0x7F2] =	sst s6;
	s6 =	simm.s32 @!p0 $0x0  }
0x226: {  	s6 =	simm.s32 @p0 $0x1;
	p0 =	por $0x0, $0x0  }
0x227: {  	[smem:$0x7F3] =	sst s6;
	s6 =	simm.s32 @!p0 $0x0  }
0x228: {  	s6 =	simm.s32 @p0 $0x1;
	p0 =	por $0x0, $0x0  }
0x229: {  	[smem:$0x7F5] =	sst s6;
	s6 =	simm.s32 @!p0 $0x0  }
0x22a: {  	s6 =	simm.s32 @p0 $0x1;
	p0 =	por $0x0, $0x0  }
0x22b: {  	[smem:$0x7F6] =	sst s6;
	s6 =	simm.s32 @!p0 $0x0  }
0x22c: {  	s6 =	simm.s32 @p0 $0x1;
	p0 =	por $0x0, $0x0  }
0x22d: {  	[smem:$0x7F7] =	sst s6;
	s6 =	simm.s32 @!p0 $0x0  }
0x22e: {  	s6 =	simm.s32 @p0 $0x1;
	p0 =	por $0x0, $0x0  }
0x22f: {  	[smem:$0x7F8] =	sst s6;
	s6 =	simm.s32 @!p0 $0x0  }
0x230: {  	s6 =	simm.s32 @p0 $0x1;
	p0 =	por $0x0, $0x0  }
0x231: {  	[smem:$0x7F9] =	sst s6;
	s6 =	simm.s32 @!p0 $0x0  }
0x232: {  	s4 =	rddreg [dreg:$0xb];
	s6 =	simm.s32 @p0 $0x1;
	p0 =	por $0x0, $0x0  }
.Ltmp38:
0x233: {  	[smem:$0x7FA] =	sst s6;
	s6 =	simm.s32 @!p0 $0x0;
	(pc) =	sbr.rel .LBB3_83-.Ltmp38, $4  }
0x234: {  	p1 =	por $0x0, $0x0;
	s6 =	simm.s32 @p0 $0x1;
	p0 =	por $0x0, $0x0  }
0x235: {  	p2 =	por $0x0, $0x0;
	[smem:$0x7FB] =	sst s6;
	s6 =	simm.s32 @!p0 $0x0  }
0x236: {  	p3 =	por $0x0, $0x0;
	p4 =	por $0x0, $0x0;
	s6 =	simm.s32 @p0 $0x1  }
0x237: {  	p5 =	por $0x0, $0x0;
	s4 =	sadd.s32 s4, s5;
	[smem:$0x7FC] =	sst s6  }
.LBB3_56:
0x238: {  	p0 =	sgt.s32 s4, $0x10  }
.Ltmp39:
0x239: {  	_ = 	snop;
	(pc) =	sbr.rel @!p0 .LBB3_57-.Ltmp39, $1  }
0x23a: {  	_ =	sdelay $0x3  }
0x23b: {  	p0 =	seq.s32 s4, $0x11  }
.Ltmp40:
0x23c: {  	_ = 	snop;
	(pc) =	sbr.rel @p0 .LBB3_80-.Ltmp40, $1  }
0x23d: {  	_ =	sdelay $0x3  }
0x23e: {  	p0 =	seq.s32 s4, $0x12  }
.Ltmp41:
0x23f: {  	_ = 	snop;
	(pc) =	sbr.rel @p0 .LBB3_81-.Ltmp41, $1  }
0x240: {  	_ =	sdelay $0x3  }
0x241: {  	p0 =	seq.s32 s4, $0x13  }
.Ltmp42:
0x242: {  	_ = 	snop;
	(pc) =	sbr.rel @!p0 .LBB3_63-.Ltmp42, $1  }
0x243: {  	_ =	sdelay $0x3  }
0x244: {  	p0 =	por $0x0, $0x0  }
0x245: {  	s6 =	simm.s32 @!p0 $0x0  }
0x246: {  	s6 =	simm.s32 @p0 $0x1;
	p0 =	por $0x1, $0x1  }
0x247: {  	[smem:$0x7F0] =	sst s6;
	s6 =	simm.s32 @!p0 $0x0  }
0x248: {  	s6 =	simm.s32 @p0 $0x1;
	p0 =	por $0x0, $0x0  }
0x249: {  	[smem:$0x7EF] =	sst s6;
	s6 =	simm.s32 @!p0 $0x0  }
0x24a: {  	s6 =	simm.s32 @p0 $0x1;
	p0 =	por $0x0, $0x0  }
0x24b: {  	[smem:$0x7F1] =	sst s6;
	s6 =	simm.s32 @!p0 $0x0  }
0x24c: {  	s6 =	simm.s32 @p0 $0x1;
	p0 =	por $0x0, $0x0  }
0x24d: {  	[smem:$0x7F2] =	sst s6;
	s6 =	simm.s32 @!p0 $0x0  }
0x24e: {  	s6 =	simm.s32 @p0 $0x1;
	p0 =	por $0x0, $0x0  }
0x24f: {  	[smem:$0x7F3] =	sst s6;
	s6 =	simm.s32 @!p0 $0x0  }
0x250: {  	s6 =	simm.s32 @p0 $0x1;
	p0 =	por $0x0, $0x0  }
0x251: {  	[smem:$0x7F4] =	sst s6;
	s6 =	simm.s32 @!p0 $0x0  }
0x252: {  	s6 =	simm.s32 @p0 $0x1;
	p0 =	por $0x0, $0x0  }
0x253: {  	[smem:$0x7F5] =	sst s6;
	s6 =	simm.s32 @!p0 $0x0  }
0x254: {  	s6 =	simm.s32 @p0 $0x1;
	p0 =	por $0x0, $0x0  }
0x255: {  	[smem:$0x7F6] =	sst s6;
	s6 =	simm.s32 @!p0 $0x0  }
0x256: {  	s6 =	simm.s32 @p0 $0x1;
	p0 =	por $0x0, $0x0  }
0x257: {  	[smem:$0x7F7] =	sst s6;
	s6 =	simm.s32 @!p0 $0x0  }
0x258: {  	s6 =	simm.s32 @p0 $0x1;
	p0 =	por $0x0, $0x0  }
0x259: {  	[smem:$0x7F8] =	sst s6;
	s6 =	simm.s32 @!p0 $0x0  }
0x25a: {  	s6 =	simm.s32 @p0 $0x1;
	p0 =	por $0x0, $0x0  }
0x25b: {  	[smem:$0x7F9] =	sst s6;
	s6 =	simm.s32 @!p0 $0x0  }
0x25c: {  	s4 =	rddreg [dreg:$0x16];
	s6 =	simm.s32 @p0 $0x1;
	p0 =	por $0x0, $0x0  }
.Ltmp43:
0x25d: {  	[smem:$0x7FA] =	sst s6;
	s6 =	simm.s32 @!p0 $0x0;
	(pc) =	sbr.rel .LBB3_83-.Ltmp43, $4  }
0x25e: {  	p1 =	por $0x0, $0x0;
	s6 =	simm.s32 @p0 $0x1;
	p0 =	por $0x0, $0x0  }
0x25f: {  	p2 =	por $0x0, $0x0;
	[smem:$0x7FB] =	sst s6;
	s6 =	simm.s32 @!p0 $0x0  }
0x260: {  	p3 =	por $0x0, $0x0;
	p4 =	por $0x0, $0x0;
	s6 =	simm.s32 @p0 $0x1  }
0x261: {  	p5 =	por $0x0, $0x0;
	s4 =	sadd.s32 s4, s5;
	[smem:$0x7FC] =	sst s6  }
.LBB3_32:
0x262: {  	p0 =	sgt.s32 s4, $0x2  }
.Ltmp44:
0x263: {  	_ = 	snop;
	(pc) =	sbr.rel @p0 .LBB3_36-.Ltmp44, $1  }
0x264: {  	_ =	sdelay $0x3  }
0x265: {  	p0 =	seq.s32 s4, $0x1  }
.Ltmp45:
0x266: {  	_ = 	snop;
	(pc) =	sbr.rel @p0 .LBB3_64-.Ltmp45, $1  }
0x267: {  	_ =	sdelay $0x3  }
0x268: {  	p0 =	seq.s32 s4, $0x2  }
.Ltmp46:
0x269: {  	_ = 	snop;
	(pc) =	sbr.rel @!p0 .LBB3_35-.Ltmp46, $1  }
0x26a: {  	_ =	sdelay $0x3  }
0x26b: {  	p0 =	por $0x1, $0x1  }
0x26c: {  	s6 =	simm.s32 @!p0 $0x0  }
0x26d: {  	s6 =	simm.s32 @p0 $0x1;
	p0 =	por $0x0, $0x0  }
0x26e: {  	[smem:$0x7F9] =	sst s6;
	s6 =	simm.s32 @!p0 $0x0  }
0x26f: {  	s6 =	simm.s32 @p0 $0x1;
	p0 =	por $0x0, $0x0  }
0x270: {  	[smem:$0x7EF] =	sst s6;
	s6 =	simm.s32 @!p0 $0x0  }
0x271: {  	s6 =	simm.s32 @p0 $0x1;
	p0 =	por $0x0, $0x0  }
0x272: {  	[smem:$0x7F0] =	sst s6;
	s6 =	simm.s32 @!p0 $0x0  }
0x273: {  	s6 =	simm.s32 @p0 $0x1;
	p0 =	por $0x0, $0x0  }
0x274: {  	[smem:$0x7F1] =	sst s6;
	s6 =	simm.s32 @!p0 $0x0  }
0x275: {  	s6 =	simm.s32 @p0 $0x1;
	p0 =	por $0x0, $0x0  }
0x276: {  	[smem:$0x7F2] =	sst s6;
	s6 =	simm.s32 @!p0 $0x0  }
0x277: {  	s6 =	simm.s32 @p0 $0x1;
	p0 =	por $0x0, $0x0  }
0x278: {  	[smem:$0x7F3] =	sst s6;
	s6 =	simm.s32 @!p0 $0x0  }
0x279: {  	s6 =	simm.s32 @p0 $0x1;
	p0 =	por $0x0, $0x0  }
0x27a: {  	[smem:$0x7F4] =	sst s6;
	s6 =	simm.s32 @!p0 $0x0  }
0x27b: {  	s6 =	simm.s32 @p0 $0x1;
	p0 =	por $0x0, $0x0  }
0x27c: {  	[smem:$0x7F5] =	sst s6;
	s6 =	simm.s32 @!p0 $0x0  }
0x27d: {  	s6 =	simm.s32 @p0 $0x1;
	p0 =	por $0x0, $0x0  }
0x27e: {  	[smem:$0x7F6] =	sst s6;
	s6 =	simm.s32 @!p0 $0x0  }
0x27f: {  	s6 =	simm.s32 @p0 $0x1;
	p0 =	por $0x0, $0x0  }
0x280: {  	[smem:$0x7F7] =	sst s6;
	s6 =	simm.s32 @!p0 $0x0  }
0x281: {  	s6 =	simm.s32 @p0 $0x1;
	p0 =	por $0x0, $0x0  }
0x282: {  	[smem:$0x7F8] =	sst s6;
	s6 =	simm.s32 @!p0 $0x0  }
0x283: {  	s4 =	rddreg [dreg:$0x4];
	s6 =	simm.s32 @p0 $0x1;
	p0 =	por $0x0, $0x0  }
.Ltmp47:
0x284: {  	[smem:$0x7FA] =	sst s6;
	s6 =	simm.s32 @!p0 $0x0;
	(pc) =	sbr.rel .LBB3_83-.Ltmp47, $4  }
0x285: {  	p1 =	por $0x0, $0x0;
	s6 =	simm.s32 @p0 $0x1;
	p0 =	por $0x0, $0x0  }
0x286: {  	p2 =	por $0x0, $0x0;
	[smem:$0x7FB] =	sst s6;
	s6 =	simm.s32 @!p0 $0x0  }
0x287: {  	p3 =	por $0x0, $0x0;
	p4 =	por $0x0, $0x0;
	s6 =	simm.s32 @p0 $0x1  }
0x288: {  	p5 =	por $0x0, $0x0;
	s4 =	sadd.s32 s4, s5;
	[smem:$0x7FC] =	sst s6  }
.LBB3_36:
0x289: {  	p0 =	seq.s32 s4, $0x3  }
.Ltmp48:
0x28a: {  	_ = 	snop;
	(pc) =	sbr.rel @p0 .LBB3_66-.Ltmp48, $1  }
0x28b: {  	_ =	sdelay $0x3  }
0x28c: {  	p0 =	seq.s32 s4, $0x4  }
.Ltmp49:
0x28d: {  	_ = 	snop;
	(pc) =	sbr.rel @!p0 .LBB3_38-.Ltmp49, $1  }
0x28e: {  	_ =	sdelay $0x3  }
0x28f: {  	p0 =	por $0x1, $0x1  }
0x290: {  	s6 =	simm.s32 @!p0 $0x0  }
0x291: {  	s6 =	simm.s32 @p0 $0x1;
	p0 =	por $0x0, $0x0  }
0x292: {  	[smem:$0x7FA] =	sst s6;
	s6 =	simm.s32 @!p0 $0x0  }
0x293: {  	s6 =	simm.s32 @p0 $0x1;
	p0 =	por $0x0, $0x0  }
0x294: {  	[smem:$0x7EF] =	sst s6;
	s6 =	simm.s32 @!p0 $0x0  }
0x295: {  	s6 =	simm.s32 @p0 $0x1;
	p0 =	por $0x0, $0x0  }
0x296: {  	[smem:$0x7F0] =	sst s6;
	s6 =	simm.s32 @!p0 $0x0  }
0x297: {  	s6 =	simm.s32 @p0 $0x1;
	p0 =	por $0x0, $0x0  }
0x298: {  	[smem:$0x7F1] =	sst s6;
	s6 =	simm.s32 @!p0 $0x0  }
0x299: {  	s6 =	simm.s32 @p0 $0x1;
	p0 =	por $0x0, $0x0  }
0x29a: {  	[smem:$0x7F2] =	sst s6;
	s6 =	simm.s32 @!p0 $0x0  }
0x29b: {  	s6 =	simm.s32 @p0 $0x1;
	p0 =	por $0x0, $0x0  }
0x29c: {  	[smem:$0x7F3] =	sst s6;
	s6 =	simm.s32 @!p0 $0x0  }
0x29d: {  	s6 =	simm.s32 @p0 $0x1;
	p0 =	por $0x0, $0x0  }
0x29e: {  	[smem:$0x7F4] =	sst s6;
	s6 =	simm.s32 @!p0 $0x0  }
0x29f: {  	s6 =	simm.s32 @p0 $0x1;
	p0 =	por $0x0, $0x0  }
0x2a0: {  	[smem:$0x7F5] =	sst s6;
	s6 =	simm.s32 @!p0 $0x0  }
0x2a1: {  	s6 =	simm.s32 @p0 $0x1;
	p0 =	por $0x0, $0x0  }
0x2a2: {  	[smem:$0x7F6] =	sst s6;
	s6 =	simm.s32 @!p0 $0x0  }
0x2a3: {  	s6 =	simm.s32 @p0 $0x1;
	p0 =	por $0x0, $0x0  }
0x2a4: {  	[smem:$0x7F7] =	sst s6;
	s6 =	simm.s32 @!p0 $0x0  }
0x2a5: {  	s6 =	simm.s32 @p0 $0x1;
	p0 =	por $0x0, $0x0  }
0x2a6: {  	[smem:$0x7F8] =	sst s6;
	s6 =	simm.s32 @!p0 $0x0  }
0x2a7: {  	s4 =	rddreg [dreg:$0x6];
	s6 =	simm.s32 @p0 $0x1;
	p0 =	por $0x0, $0x0  }
.Ltmp50:
0x2a8: {  	[smem:$0x7F9] =	sst s6;
	s6 =	simm.s32 @!p0 $0x0;
	(pc) =	sbr.rel .LBB3_83-.Ltmp50, $4  }
0x2a9: {  	p1 =	por $0x0, $0x0;
	s6 =	simm.s32 @p0 $0x1;
	p0 =	por $0x0, $0x0  }
0x2aa: {  	p2 =	por $0x0, $0x0;
	[smem:$0x7FB] =	sst s6;
	s6 =	simm.s32 @!p0 $0x0  }
0x2ab: {  	p3 =	por $0x0, $0x0;
	p4 =	por $0x0, $0x0;
	s6 =	simm.s32 @p0 $0x1  }
0x2ac: {  	p5 =	por $0x0, $0x0;
	s4 =	sadd.s32 s4, s5;
	[smem:$0x7FC] =	sst s6  }
.LBB3_40:
0x2ad: {  	p0 =	seq.s32 s4, $0x5  }
.Ltmp51:
0x2ae: {  	_ = 	snop;
	(pc) =	sbr.rel @p0 .LBB3_68-.Ltmp51, $1  }
0x2af: {  	_ =	sdelay $0x3  }
0x2b0: {  	p0 =	seq.s32 s4, $0x6  }
.Ltmp52:
0x2b1: {  	_ = 	snop;
	(pc) =	sbr.rel @!p0 .LBB3_42-.Ltmp52, $1  }
0x2b2: {  	_ =	sdelay $0x3  }
0x2b3: {  	p0 =	por $0x1, $0x1  }
0x2b4: {  	s6 =	simm.s32 @!p0 $0x0  }
0x2b5: {  	s6 =	simm.s32 @p0 $0x1;
	p0 =	por $0x0, $0x0  }
0x2b6: {  	[smem:$0x7FB] =	sst s6;
	s6 =	simm.s32 @!p0 $0x0  }
0x2b7: {  	s6 =	simm.s32 @p0 $0x1;
	p0 =	por $0x0, $0x0  }
0x2b8: {  	[smem:$0x7EF] =	sst s6;
	s6 =	simm.s32 @!p0 $0x0  }
0x2b9: {  	s6 =	simm.s32 @p0 $0x1;
	p0 =	por $0x0, $0x0  }
0x2ba: {  	[smem:$0x7F0] =	sst s6;
	s6 =	simm.s32 @!p0 $0x0  }
0x2bb: {  	s6 =	simm.s32 @p0 $0x1;
	p0 =	por $0x0, $0x0  }
0x2bc: {  	[smem:$0x7F1] =	sst s6;
	s6 =	simm.s32 @!p0 $0x0  }
0x2bd: {  	s6 =	simm.s32 @p0 $0x1;
	p0 =	por $0x0, $0x0  }
0x2be: {  	[smem:$0x7F2] =	sst s6;
	s6 =	simm.s32 @!p0 $0x0  }
0x2bf: {  	s6 =	simm.s32 @p0 $0x1;
	p0 =	por $0x0, $0x0  }
0x2c0: {  	[smem:$0x7F3] =	sst s6;
	s6 =	simm.s32 @!p0 $0x0  }
0x2c1: {  	s6 =	simm.s32 @p0 $0x1;
	p0 =	por $0x0, $0x0  }
0x2c2: {  	[smem:$0x7F4] =	sst s6;
	s6 =	simm.s32 @!p0 $0x0  }
0x2c3: {  	s6 =	simm.s32 @p0 $0x1;
	p0 =	por $0x0, $0x0  }
0x2c4: {  	[smem:$0x7F5] =	sst s6;
	s6 =	simm.s32 @!p0 $0x0  }
0x2c5: {  	s6 =	simm.s32 @p0 $0x1;
	p0 =	por $0x0, $0x0  }
0x2c6: {  	[smem:$0x7F6] =	sst s6;
	s6 =	simm.s32 @!p0 $0x0  }
0x2c7: {  	s6 =	simm.s32 @p0 $0x1;
	p0 =	por $0x0, $0x0  }
0x2c8: {  	[smem:$0x7F7] =	sst s6;
	s6 =	simm.s32 @!p0 $0x0  }
0x2c9: {  	s6 =	simm.s32 @p0 $0x1;
	p0 =	por $0x0, $0x0  }
0x2ca: {  	[smem:$0x7F8] =	sst s6;
	s6 =	simm.s32 @!p0 $0x0  }
0x2cb: {  	s4 =	rddreg [dreg:$0x8];
	s6 =	simm.s32 @p0 $0x1;
	p0 =	por $0x0, $0x0  }
.Ltmp53:
0x2cc: {  	[smem:$0x7F9] =	sst s6;
	s6 =	simm.s32 @!p0 $0x0;
	(pc) =	sbr.rel .LBB3_83-.Ltmp53, $4  }
0x2cd: {  	p1 =	por $0x0, $0x0;
	s6 =	simm.s32 @p0 $0x1;
	p0 =	por $0x0, $0x0  }
0x2ce: {  	p2 =	por $0x0, $0x0;
	[smem:$0x7FA] =	sst s6;
	s6 =	simm.s32 @!p0 $0x0  }
0x2cf: {  	p3 =	por $0x0, $0x0;
	p4 =	por $0x0, $0x0;
	s6 =	simm.s32 @p0 $0x1  }
0x2d0: {  	p5 =	por $0x0, $0x0;
	s4 =	sadd.s32 s4, s5;
	[smem:$0x7FC] =	sst s6  }
.LBB3_49:
0x2d1: {  	p0 =	seq.s32 s4, $0xA  }
.Ltmp54:
0x2d2: {  	_ = 	snop;
	(pc) =	sbr.rel @p0 .LBB3_73-.Ltmp54, $1  }
0x2d3: {  	_ =	sdelay $0x3  }
0x2d4: {  	p0 =	seq.s32 s4, $0xB  }
.Ltmp55:
0x2d5: {  	_ = 	snop;
	(pc) =	sbr.rel @!p0 .LBB3_51-.Ltmp55, $1  }
0x2d6: {  	_ =	sdelay $0x3  }
0x2d7: {  	p0 =	por $0x1, $0x1  }
0x2d8: {  	s6 =	simm.s32 @!p0 $0x0  }
0x2d9: {  	s6 =	simm.s32 @p0 $0x1;
	p0 =	por $0x0, $0x0  }
0x2da: {  	[smem:$0x7F3] =	sst s6;
	s6 =	simm.s32 @!p0 $0x0  }
0x2db: {  	s6 =	simm.s32 @p0 $0x1;
	p0 =	por $0x0, $0x0  }
0x2dc: {  	[smem:$0x7EF] =	sst s6;
	s6 =	simm.s32 @!p0 $0x0  }
0x2dd: {  	s6 =	simm.s32 @p0 $0x1;
	p0 =	por $0x0, $0x0  }
0x2de: {  	[smem:$0x7F0] =	sst s6;
	s6 =	simm.s32 @!p0 $0x0  }
0x2df: {  	s6 =	simm.s32 @p0 $0x1;
	p0 =	por $0x0, $0x0  }
0x2e0: {  	[smem:$0x7F1] =	sst s6;
	s6 =	simm.s32 @!p0 $0x0  }
0x2e1: {  	s6 =	simm.s32 @p0 $0x1;
	p0 =	por $0x0, $0x0  }
0x2e2: {  	[smem:$0x7F2] =	sst s6;
	s6 =	simm.s32 @!p0 $0x0  }
0x2e3: {  	s6 =	simm.s32 @p0 $0x1;
	p0 =	por $0x0, $0x0  }
0x2e4: {  	[smem:$0x7F4] =	sst s6;
	s6 =	simm.s32 @!p0 $0x0  }
0x2e5: {  	s6 =	simm.s32 @p0 $0x1;
	p0 =	por $0x0, $0x0  }
0x2e6: {  	[smem:$0x7F5] =	sst s6;
	s6 =	simm.s32 @!p0 $0x0  }
0x2e7: {  	s6 =	simm.s32 @p0 $0x1;
	p0 =	por $0x0, $0x0  }
0x2e8: {  	[smem:$0x7F6] =	sst s6;
	s6 =	simm.s32 @!p0 $0x0  }
0x2e9: {  	s6 =	simm.s32 @p0 $0x1;
	p0 =	por $0x0, $0x0  }
0x2ea: {  	[smem:$0x7F7] =	sst s6;
	s6 =	simm.s32 @!p0 $0x0  }
0x2eb: {  	s6 =	simm.s32 @p0 $0x1;
	p0 =	por $0x0, $0x0  }
0x2ec: {  	[smem:$0x7F8] =	sst s6;
	s6 =	simm.s32 @!p0 $0x0  }
0x2ed: {  	s6 =	simm.s32 @p0 $0x1;
	p0 =	por $0x0, $0x0  }
0x2ee: {  	[smem:$0x7F9] =	sst s6;
	s6 =	simm.s32 @!p0 $0x0  }
0x2ef: {  	s4 =	rddreg [dreg:$0xd];
	s6 =	simm.s32 @p0 $0x1;
	p0 =	por $0x0, $0x0  }
.Ltmp56:
0x2f0: {  	[smem:$0x7FA] =	sst s6;
	s6 =	simm.s32 @!p0 $0x0;
	(pc) =	sbr.rel .LBB3_83-.Ltmp56, $4  }
0x2f1: {  	p1 =	por $0x0, $0x0;
	s6 =	simm.s32 @p0 $0x1;
	p0 =	por $0x0, $0x0  }
0x2f2: {  	p2 =	por $0x0, $0x0;
	[smem:$0x7FB] =	sst s6;
	s6 =	simm.s32 @!p0 $0x0  }
0x2f3: {  	p3 =	por $0x0, $0x0;
	p4 =	por $0x0, $0x0;
	s6 =	simm.s32 @p0 $0x1  }
0x2f4: {  	p5 =	por $0x0, $0x0;
	s4 =	sadd.s32 s4, s5;
	[smem:$0x7FC] =	sst s6  }
.LBB3_57:
0x2f5: {  	p0 =	seq.s32 s4, $0xF  }
.Ltmp57:
0x2f6: {  	_ = 	snop;
	(pc) =	sbr.rel @p0 .LBB3_78-.Ltmp57, $1  }
0x2f7: {  	_ =	sdelay $0x3  }
0x2f8: {  	p0 =	seq.s32 s4, $0x10  }
.Ltmp58:
0x2f9: {  	_ = 	snop;
	(pc) =	sbr.rel @!p0 .LBB3_59-.Ltmp58, $1  }
0x2fa: {  	_ =	sdelay $0x3  }
0x2fb: {  	p0 =	por $0x0, $0x0  }
0x2fc: {  	s6 =	simm.s32 @!p0 $0x0  }
0x2fd: {  	s6 =	simm.s32 @p0 $0x1;
	p0 =	por $0x0, $0x0  }
0x2fe: {  	[smem:$0x7EF] =	sst s6;
	s6 =	simm.s32 @!p0 $0x0  }
0x2ff: {  	s6 =	simm.s32 @p0 $0x1;
	p0 =	por $0x0, $0x0  }
0x300: {  	[smem:$0x7F0] =	sst s6;
	s6 =	simm.s32 @!p0 $0x0  }
0x301: {  	s6 =	simm.s32 @p0 $0x1;
	p0 =	por $0x0, $0x0  }
0x302: {  	[smem:$0x7F1] =	sst s6;
	s6 =	simm.s32 @!p0 $0x0  }
0x303: {  	s6 =	simm.s32 @p0 $0x1;
	p0 =	por $0x0, $0x0  }
0x304: {  	[smem:$0x7F2] =	sst s6;
	s6 =	simm.s32 @!p0 $0x0  }
0x305: {  	s6 =	simm.s32 @p0 $0x1;
	p0 =	por $0x0, $0x0  }
0x306: {  	[smem:$0x7F3] =	sst s6;
	s6 =	simm.s32 @!p0 $0x0  }
0x307: {  	s6 =	simm.s32 @p0 $0x1;
	p0 =	por $0x0, $0x0  }
0x308: {  	[smem:$0x7F4] =	sst s6;
	s6 =	simm.s32 @!p0 $0x0  }
0x309: {  	s6 =	simm.s32 @p0 $0x1;
	p0 =	por $0x0, $0x0  }
0x30a: {  	[smem:$0x7F5] =	sst s6;
	s6 =	simm.s32 @!p0 $0x0  }
0x30b: {  	s6 =	simm.s32 @p0 $0x1;
	p0 =	por $0x0, $0x0  }
0x30c: {  	[smem:$0x7F6] =	sst s6;
	s6 =	simm.s32 @!p0 $0x0  }
0x30d: {  	s6 =	simm.s32 @p0 $0x1;
	p0 =	por $0x0, $0x0  }
0x30e: {  	[smem:$0x7F7] =	sst s6;
	s6 =	simm.s32 @!p0 $0x0  }
0x30f: {  	s6 =	simm.s32 @p0 $0x1;
	p0 =	por $0x0, $0x0  }
0x310: {  	[smem:$0x7F8] =	sst s6;
	s6 =	simm.s32 @!p0 $0x0  }
0x311: {  	s6 =	simm.s32 @p0 $0x1;
	p0 =	por $0x0, $0x0  }
0x312: {  	[smem:$0x7F9] =	sst s6;
	s6 =	simm.s32 @!p0 $0x0  }
0x313: {  	s4 =	rddreg [dreg:$0x12];
	s6 =	simm.s32 @p0 $0x1;
	p0 =	por $0x0, $0x0  }
.Ltmp59:
0x314: {  	[smem:$0x7FA] =	sst s6;
	s6 =	simm.s32 @!p0 $0x0;
	(pc) =	sbr.rel .LBB3_83-.Ltmp59, $4  }
0x315: {  	p4 =	por $0x1, $0x1;
	s6 =	simm.s32 @p0 $0x1;
	p0 =	por $0x0, $0x0  }
0x316: {  	p1 =	por $0x0, $0x0;
	[smem:$0x7FB] =	sst s6;
	s6 =	simm.s32 @!p0 $0x0  }
0x317: {  	p2 =	por $0x0, $0x0;
	p3 =	por $0x0, $0x0;
	s6 =	simm.s32 @p0 $0x1  }
0x318: {  	p5 =	por $0x0, $0x0;
	s4 =	sadd.s32 s4, s5;
	[smem:$0x7FC] =	sst s6  }
.LBB3_64:
0x319: {  	p0 =	por $0x1, $0x1  }
0x31a: {  	s6 =	simm.s32 @!p0 $0x0  }
0x31b: {  	s6 =	simm.s32 @p0 $0x1;
	p0 =	por $0x0, $0x0  }
0x31c: {  	[smem:$0x7F8] =	sst s6;
	s6 =	simm.s32 @!p0 $0x0  }
0x31d: {  	s6 =	simm.s32 @p0 $0x1;
	p0 =	por $0x0, $0x0  }
0x31e: {  	[smem:$0x7EF] =	sst s6;
	s6 =	simm.s32 @!p0 $0x0  }
0x31f: {  	s6 =	simm.s32 @p0 $0x1;
	p0 =	por $0x0, $0x0  }
0x320: {  	[smem:$0x7F0] =	sst s6;
	s6 =	simm.s32 @!p0 $0x0  }
0x321: {  	s6 =	simm.s32 @p0 $0x1;
	p0 =	por $0x0, $0x0  }
0x322: {  	[smem:$0x7F1] =	sst s6;
	s6 =	simm.s32 @!p0 $0x0  }
0x323: {  	s6 =	simm.s32 @p0 $0x1;
	p0 =	por $0x0, $0x0  }
0x324: {  	[smem:$0x7F2] =	sst s6;
	s6 =	simm.s32 @!p0 $0x0  }
0x325: {  	s6 =	simm.s32 @p0 $0x1;
	p0 =	por $0x0, $0x0  }
0x326: {  	[smem:$0x7F3] =	sst s6;
	s6 =	simm.s32 @!p0 $0x0  }
0x327: {  	s6 =	simm.s32 @p0 $0x1;
	p0 =	por $0x0, $0x0  }
0x328: {  	[smem:$0x7F4] =	sst s6;
	s6 =	simm.s32 @!p0 $0x0  }
0x329: {  	s6 =	simm.s32 @p0 $0x1;
	p0 =	por $0x0, $0x0  }
0x32a: {  	[smem:$0x7F5] =	sst s6;
	s6 =	simm.s32 @!p0 $0x0  }
0x32b: {  	s6 =	simm.s32 @p0 $0x1;
	p0 =	por $0x0, $0x0  }
0x32c: {  	[smem:$0x7F6] =	sst s6;
	s6 =	simm.s32 @!p0 $0x0  }
0x32d: {  	s6 =	simm.s32 @p0 $0x1;
	p0 =	por $0x0, $0x0  }
0x32e: {  	[smem:$0x7F7] =	sst s6;
	s6 =	simm.s32 @!p0 $0x0  }
0x32f: {  	s6 =	simm.s32 @p0 $0x1;
	p0 =	por $0x0, $0x0  }
0x330: {  	[smem:$0x7F9] =	sst s6;
	s6 =	simm.s32 @!p0 $0x0  }
0x331: {  	s4 =	rddreg [dreg:$0x3];
	s6 =	simm.s32 @p0 $0x1;
	p0 =	por $0x0, $0x0  }
.Ltmp60:
0x332: {  	[smem:$0x7FA] =	sst s6;
	s6 =	simm.s32 @!p0 $0x0;
	(pc) =	sbr.rel .LBB3_83-.Ltmp60, $4  }
0x333: {  	p1 =	por $0x0, $0x0;
	s6 =	simm.s32 @p0 $0x1;
	p0 =	por $0x0, $0x0  }
0x334: {  	p2 =	por $0x0, $0x0;
	[smem:$0x7FB] =	sst s6;
	s6 =	simm.s32 @!p0 $0x0  }
0x335: {  	p3 =	por $0x0, $0x0;
	p4 =	por $0x0, $0x0;
	s6 =	simm.s32 @p0 $0x1  }
0x336: {  	p5 =	por $0x0, $0x0;
	s4 =	sadd.s32 s4, s5;
	[smem:$0x7FC] =	sst s6  }
.LBB3_66:
0x337: {  	p0 =	por $0x1, $0x1  }
0x338: {  	s6 =	simm.s32 @!p0 $0x0  }
0x339: {  	s6 =	simm.s32 @p0 $0x1;
	p0 =	por $0x0, $0x0  }
0x33a: {  	[smem:$0x7F7] =	sst s6;
	s6 =	simm.s32 @!p0 $0x0  }
0x33b: {  	s6 =	simm.s32 @p0 $0x1;
	p0 =	por $0x0, $0x0  }
0x33c: {  	[smem:$0x7EF] =	sst s6;
	s6 =	simm.s32 @!p0 $0x0  }
0x33d: {  	s6 =	simm.s32 @p0 $0x1;
	p0 =	por $0x0, $0x0  }
0x33e: {  	[smem:$0x7F0] =	sst s6;
	s6 =	simm.s32 @!p0 $0x0  }
0x33f: {  	s6 =	simm.s32 @p0 $0x1;
	p0 =	por $0x0, $0x0  }
0x340: {  	[smem:$0x7F1] =	sst s6;
	s6 =	simm.s32 @!p0 $0x0  }
0x341: {  	s6 =	simm.s32 @p0 $0x1;
	p0 =	por $0x0, $0x0  }
0x342: {  	[smem:$0x7F2] =	sst s6;
	s6 =	simm.s32 @!p0 $0x0  }
0x343: {  	s6 =	simm.s32 @p0 $0x1;
	p0 =	por $0x0, $0x0  }
0x344: {  	[smem:$0x7F3] =	sst s6;
	s6 =	simm.s32 @!p0 $0x0  }
0x345: {  	s6 =	simm.s32 @p0 $0x1;
	p0 =	por $0x0, $0x0  }
0x346: {  	[smem:$0x7F4] =	sst s6;
	s6 =	simm.s32 @!p0 $0x0  }
0x347: {  	s6 =	simm.s32 @p0 $0x1;
	p0 =	por $0x0, $0x0  }
0x348: {  	[smem:$0x7F5] =	sst s6;
	s6 =	simm.s32 @!p0 $0x0  }
0x349: {  	s6 =	simm.s32 @p0 $0x1;
	p0 =	por $0x0, $0x0  }
0x34a: {  	[smem:$0x7F6] =	sst s6;
	s6 =	simm.s32 @!p0 $0x0  }
0x34b: {  	s6 =	simm.s32 @p0 $0x1;
	p0 =	por $0x0, $0x0  }
0x34c: {  	[smem:$0x7F8] =	sst s6;
	s6 =	simm.s32 @!p0 $0x0  }
0x34d: {  	s6 =	simm.s32 @p0 $0x1;
	p0 =	por $0x0, $0x0  }
0x34e: {  	[smem:$0x7F9] =	sst s6;
	s6 =	simm.s32 @!p0 $0x0  }
0x34f: {  	s4 =	rddreg [dreg:$0x5];
	s6 =	simm.s32 @p0 $0x1;
	p0 =	por $0x0, $0x0  }
.Ltmp61:
0x350: {  	[smem:$0x7FA] =	sst s6;
	s6 =	simm.s32 @!p0 $0x0;
	(pc) =	sbr.rel .LBB3_83-.Ltmp61, $4  }
0x351: {  	p1 =	por $0x0, $0x0;
	s6 =	simm.s32 @p0 $0x1;
	p0 =	por $0x0, $0x0  }
0x352: {  	p2 =	por $0x0, $0x0;
	[smem:$0x7FB] =	sst s6;
	s6 =	simm.s32 @!p0 $0x0  }
0x353: {  	p3 =	por $0x0, $0x0;
	p4 =	por $0x0, $0x0;
	s6 =	simm.s32 @p0 $0x1  }
0x354: {  	p5 =	por $0x0, $0x0;
	s4 =	sadd.s32 s4, s5;
	[smem:$0x7FC] =	sst s6  }
.LBB3_71:
0x355: {  	p0 =	por $0x1, $0x1  }
0x356: {  	s6 =	simm.s32 @!p0 $0x0  }
0x357: {  	s6 =	simm.s32 @p0 $0x1;
	p0 =	por $0x0, $0x0  }
0x358: {  	[smem:$0x7FC] =	sst s6;
	s6 =	simm.s32 @!p0 $0x0  }
0x359: {  	s6 =	simm.s32 @p0 $0x1;
	p0 =	por $0x0, $0x0  }
0x35a: {  	[smem:$0x7EF] =	sst s6;
	s6 =	simm.s32 @!p0 $0x0  }
0x35b: {  	s6 =	simm.s32 @p0 $0x1;
	p0 =	por $0x0, $0x0  }
0x35c: {  	[smem:$0x7F0] =	sst s6;
	s6 =	simm.s32 @!p0 $0x0  }
0x35d: {  	s6 =	simm.s32 @p0 $0x1;
	p0 =	por $0x0, $0x0  }
0x35e: {  	[smem:$0x7F1] =	sst s6;
	s6 =	simm.s32 @!p0 $0x0  }
0x35f: {  	s6 =	simm.s32 @p0 $0x1;
	p0 =	por $0x0, $0x0  }
0x360: {  	[smem:$0x7F2] =	sst s6;
	s6 =	simm.s32 @!p0 $0x0  }
0x361: {  	s6 =	simm.s32 @p0 $0x1;
	p0 =	por $0x0, $0x0  }
0x362: {  	[smem:$0x7F3] =	sst s6;
	s6 =	simm.s32 @!p0 $0x0  }
0x363: {  	s6 =	simm.s32 @p0 $0x1;
	p0 =	por $0x0, $0x0  }
0x364: {  	[smem:$0x7F4] =	sst s6;
	s6 =	simm.s32 @!p0 $0x0  }
0x365: {  	s6 =	simm.s32 @p0 $0x1;
	p0 =	por $0x0, $0x0  }
0x366: {  	[smem:$0x7F5] =	sst s6;
	s6 =	simm.s32 @!p0 $0x0  }
0x367: {  	s6 =	simm.s32 @p0 $0x1;
	p0 =	por $0x0, $0x0  }
0x368: {  	[smem:$0x7F6] =	sst s6;
	s6 =	simm.s32 @!p0 $0x0  }
0x369: {  	s6 =	simm.s32 @p0 $0x1;
	p0 =	por $0x0, $0x0  }
0x36a: {  	[smem:$0x7F7] =	sst s6;
	s6 =	simm.s32 @!p0 $0x0  }
0x36b: {  	s6 =	simm.s32 @p0 $0x1;
	p0 =	por $0x0, $0x0  }
0x36c: {  	[smem:$0x7F8] =	sst s6;
	s6 =	simm.s32 @!p0 $0x0  }
0x36d: {  	s4 =	rddreg [dreg:$0xa];
	s6 =	simm.s32 @p0 $0x1;
	p0 =	por $0x0, $0x0  }
.Ltmp62:
0x36e: {  	[smem:$0x7F9] =	sst s6;
	s6 =	simm.s32 @!p0 $0x0;
	(pc) =	sbr.rel .LBB3_83-.Ltmp62, $4  }
0x36f: {  	p1 =	por $0x0, $0x0;
	s6 =	simm.s32 @p0 $0x1;
	p0 =	por $0x0, $0x0  }
0x370: {  	p2 =	por $0x0, $0x0;
	[smem:$0x7FA] =	sst s6;
	s6 =	simm.s32 @!p0 $0x0  }
0x371: {  	p3 =	por $0x0, $0x0;
	p4 =	por $0x0, $0x0;
	s6 =	simm.s32 @p0 $0x1  }
0x372: {  	p5 =	por $0x0, $0x0;
	s4 =	sadd.s32 s4, s5;
	[smem:$0x7FB] =	sst s6  }
.LBB3_76:
0x373: {  	p0 =	por $0x1, $0x1  }
0x374: {  	s6 =	simm.s32 @!p0 $0x0  }
0x375: {  	s6 =	simm.s32 @p0 $0x1;
	p0 =	por $0x0, $0x0  }
0x376: {  	[smem:$0x7F2] =	sst s6;
	s6 =	simm.s32 @!p0 $0x0  }
0x377: {  	s6 =	simm.s32 @p0 $0x1;
	p0 =	por $0x0, $0x0  }
0x378: {  	[smem:$0x7EF] =	sst s6;
	s6 =	simm.s32 @!p0 $0x0  }
0x379: {  	s6 =	simm.s32 @p0 $0x1;
	p0 =	por $0x0, $0x0  }
0x37a: {  	[smem:$0x7F0] =	sst s6;
	s6 =	simm.s32 @!p0 $0x0  }
0x37b: {  	s6 =	simm.s32 @p0 $0x1;
	p0 =	por $0x0, $0x0  }
0x37c: {  	[smem:$0x7F1] =	sst s6;
	s6 =	simm.s32 @!p0 $0x0  }
0x37d: {  	s6 =	simm.s32 @p0 $0x1;
	p0 =	por $0x0, $0x0  }
0x37e: {  	[smem:$0x7F3] =	sst s6;
	s6 =	simm.s32 @!p0 $0x0  }
0x37f: {  	s6 =	simm.s32 @p0 $0x1;
	p0 =	por $0x0, $0x0  }
0x380: {  	[smem:$0x7F4] =	sst s6;
	s6 =	simm.s32 @!p0 $0x0  }
0x381: {  	s6 =	simm.s32 @p0 $0x1;
	p0 =	por $0x0, $0x0  }
0x382: {  	[smem:$0x7F5] =	sst s6;
	s6 =	simm.s32 @!p0 $0x0  }
0x383: {  	s6 =	simm.s32 @p0 $0x1;
	p0 =	por $0x0, $0x0  }
0x384: {  	[smem:$0x7F6] =	sst s6;
	s6 =	simm.s32 @!p0 $0x0  }
0x385: {  	s6 =	simm.s32 @p0 $0x1;
	p0 =	por $0x0, $0x0  }
0x386: {  	[smem:$0x7F7] =	sst s6;
	s6 =	simm.s32 @!p0 $0x0  }
0x387: {  	s6 =	simm.s32 @p0 $0x1;
	p0 =	por $0x0, $0x0  }
0x388: {  	[smem:$0x7F8] =	sst s6;
	s6 =	simm.s32 @!p0 $0x0  }
0x389: {  	s6 =	simm.s32 @p0 $0x1;
	p0 =	por $0x0, $0x0  }
0x38a: {  	[smem:$0x7F9] =	sst s6;
	s6 =	simm.s32 @!p0 $0x0  }
0x38b: {  	s4 =	rddreg [dreg:$0xf];
	s6 =	simm.s32 @p0 $0x1;
	p0 =	por $0x0, $0x0  }
.Ltmp63:
0x38c: {  	[smem:$0x7FA] =	sst s6;
	s6 =	simm.s32 @!p0 $0x0;
	(pc) =	sbr.rel .LBB3_83-.Ltmp63, $4  }
0x38d: {  	p1 =	por $0x0, $0x0;
	s6 =	simm.s32 @p0 $0x1;
	p0 =	por $0x0, $0x0  }
0x38e: {  	p2 =	por $0x0, $0x0;
	[smem:$0x7FB] =	sst s6;
	s6 =	simm.s32 @!p0 $0x0  }
0x38f: {  	p3 =	por $0x0, $0x0;
	p4 =	por $0x0, $0x0;
	s6 =	simm.s32 @p0 $0x1  }
0x390: {  	p5 =	por $0x0, $0x0;
	s4 =	sadd.s32 s4, s5;
	[smem:$0x7FC] =	sst s6  }
.LBB3_70:
0x391: {  	p0 =	por $0x1, $0x1  }
0x392: {  	s6 =	simm.s32 @!p0 $0x0  }
0x393: {  	s6 =	simm.s32 @p0 $0x1;
	p0 =	por $0x0, $0x0  }
0x394: {  	[smem:$0x7F5] =	sst s6;
	s6 =	simm.s32 @!p0 $0x0  }
0x395: {  	s6 =	simm.s32 @p0 $0x1;
	p0 =	por $0x0, $0x0  }
0x396: {  	[smem:$0x7EF] =	sst s6;
	s6 =	simm.s32 @!p0 $0x0  }
0x397: {  	s6 =	simm.s32 @p0 $0x1;
	p0 =	por $0x0, $0x0  }
0x398: {  	[smem:$0x7F0] =	sst s6;
	s6 =	simm.s32 @!p0 $0x0  }
0x399: {  	s6 =	simm.s32 @p0 $0x1;
	p0 =	por $0x0, $0x0  }
0x39a: {  	[smem:$0x7F1] =	sst s6;
	s6 =	simm.s32 @!p0 $0x0  }
0x39b: {  	s6 =	simm.s32 @p0 $0x1;
	p0 =	por $0x0, $0x0  }
0x39c: {  	[smem:$0x7F2] =	sst s6;
	s6 =	simm.s32 @!p0 $0x0  }
0x39d: {  	s6 =	simm.s32 @p0 $0x1;
	p0 =	por $0x0, $0x0  }
0x39e: {  	[smem:$0x7F3] =	sst s6;
	s6 =	simm.s32 @!p0 $0x0  }
0x39f: {  	s6 =	simm.s32 @p0 $0x1;
	p0 =	por $0x0, $0x0  }
0x3a0: {  	[smem:$0x7F4] =	sst s6;
	s6 =	simm.s32 @!p0 $0x0  }
0x3a1: {  	s6 =	simm.s32 @p0 $0x1;
	p0 =	por $0x0, $0x0  }
0x3a2: {  	[smem:$0x7F6] =	sst s6;
	s6 =	simm.s32 @!p0 $0x0  }
0x3a3: {  	s6 =	simm.s32 @p0 $0x1;
	p0 =	por $0x0, $0x0  }
0x3a4: {  	[smem:$0x7F7] =	sst s6;
	s6 =	simm.s32 @!p0 $0x0  }
0x3a5: {  	s6 =	simm.s32 @p0 $0x1;
	p0 =	por $0x0, $0x0  }
0x3a6: {  	[smem:$0x7F8] =	sst s6;
	s6 =	simm.s32 @!p0 $0x0  }
0x3a7: {  	s6 =	simm.s32 @p0 $0x1;
	p0 =	por $0x0, $0x0  }
0x3a8: {  	[smem:$0x7F9] =	sst s6;
	s6 =	simm.s32 @!p0 $0x0  }
0x3a9: {  	s4 =	rddreg [dreg:$0x9];
	s6 =	simm.s32 @p0 $0x1;
	p0 =	por $0x0, $0x0  }
.Ltmp64:
0x3aa: {  	[smem:$0x7FA] =	sst s6;
	s6 =	simm.s32 @!p0 $0x0;
	(pc) =	sbr.rel .LBB3_83-.Ltmp64, $4  }
0x3ab: {  	p1 =	por $0x0, $0x0;
	s6 =	simm.s32 @p0 $0x1;
	p0 =	por $0x0, $0x0  }
0x3ac: {  	p2 =	por $0x0, $0x0;
	[smem:$0x7FB] =	sst s6;
	s6 =	simm.s32 @!p0 $0x0  }
0x3ad: {  	p3 =	por $0x0, $0x0;
	p4 =	por $0x0, $0x0;
	s6 =	simm.s32 @p0 $0x1  }
0x3ae: {  	p5 =	por $0x0, $0x0;
	s4 =	sadd.s32 s4, s5;
	[smem:$0x7FC] =	sst s6  }
.LBB3_81:
0x3af: {  	p0 =	por $0x0, $0x0  }
0x3b0: {  	s6 =	simm.s32 @!p0 $0x0  }
0x3b1: {  	s6 =	simm.s32 @p0 $0x1;
	p0 =	por $0x0, $0x0  }
0x3b2: {  	[smem:$0x7EF] =	sst s6;
	s6 =	simm.s32 @!p0 $0x0  }
0x3b3: {  	s6 =	simm.s32 @p0 $0x1;
	p0 =	por $0x0, $0x0  }
0x3b4: {  	[smem:$0x7F0] =	sst s6;
	s6 =	simm.s32 @!p0 $0x0  }
0x3b5: {  	s6 =	simm.s32 @p0 $0x1;
	p0 =	por $0x0, $0x0  }
0x3b6: {  	[smem:$0x7F1] =	sst s6;
	s6 =	simm.s32 @!p0 $0x0  }
0x3b7: {  	s6 =	simm.s32 @p0 $0x1;
	p0 =	por $0x0, $0x0  }
0x3b8: {  	[smem:$0x7F2] =	sst s6;
	s6 =	simm.s32 @!p0 $0x0  }
0x3b9: {  	s6 =	simm.s32 @p0 $0x1;
	p0 =	por $0x0, $0x0  }
0x3ba: {  	[smem:$0x7F3] =	sst s6;
	s6 =	simm.s32 @!p0 $0x0  }
0x3bb: {  	s6 =	simm.s32 @p0 $0x1;
	p0 =	por $0x0, $0x0  }
0x3bc: {  	[smem:$0x7F4] =	sst s6;
	s6 =	simm.s32 @!p0 $0x0  }
0x3bd: {  	s6 =	simm.s32 @p0 $0x1;
	p0 =	por $0x0, $0x0  }
0x3be: {  	[smem:$0x7F5] =	sst s6;
	s6 =	simm.s32 @!p0 $0x0  }
0x3bf: {  	s6 =	simm.s32 @p0 $0x1;
	p0 =	por $0x0, $0x0  }
0x3c0: {  	[smem:$0x7F6] =	sst s6;
	s6 =	simm.s32 @!p0 $0x0  }
0x3c1: {  	s6 =	simm.s32 @p0 $0x1;
	p0 =	por $0x0, $0x0  }
0x3c2: {  	[smem:$0x7F7] =	sst s6;
	s6 =	simm.s32 @!p0 $0x0  }
0x3c3: {  	s6 =	simm.s32 @p0 $0x1;
	p0 =	por $0x0, $0x0  }
0x3c4: {  	[smem:$0x7F8] =	sst s6;
	s6 =	simm.s32 @!p0 $0x0  }
0x3c5: {  	s6 =	simm.s32 @p0 $0x1;
	p0 =	por $0x0, $0x0  }
0x3c6: {  	[smem:$0x7F9] =	sst s6;
	s6 =	simm.s32 @!p0 $0x0  }
0x3c7: {  	s4 =	rddreg [dreg:$0x14];
	s6 =	simm.s32 @p0 $0x1;
	p0 =	por $0x0, $0x0  }
.Ltmp65:
0x3c8: {  	[smem:$0x7FA] =	sst s6;
	s6 =	simm.s32 @!p0 $0x0;
	(pc) =	sbr.rel .LBB3_83-.Ltmp65, $4  }
0x3c9: {  	p5 =	por $0x1, $0x1;
	s6 =	simm.s32 @p0 $0x1;
	p0 =	por $0x0, $0x0  }
0x3ca: {  	p1 =	por $0x0, $0x0;
	[smem:$0x7FB] =	sst s6;
	s6 =	simm.s32 @!p0 $0x0  }
0x3cb: {  	p2 =	por $0x0, $0x0;
	p3 =	por $0x0, $0x0;
	s6 =	simm.s32 @p0 $0x1  }
0x3cc: {  	p4 =	por $0x0, $0x0;
	s4 =	sadd.s32 s4, s5;
	[smem:$0x7FC] =	sst s6  }
.LBB3_75:
0x3cd: {  	p0 =	por $0x0, $0x0  }
0x3ce: {  	s6 =	simm.s32 @!p0 $0x0  }
0x3cf: {  	s6 =	simm.s32 @p0 $0x1;
	p0 =	por $0x0, $0x0  }
0x3d0: {  	[smem:$0x7EF] =	sst s6;
	s6 =	simm.s32 @!p0 $0x0  }
0x3d1: {  	s6 =	simm.s32 @p0 $0x1;
	p0 =	por $0x0, $0x0  }
0x3d2: {  	[smem:$0x7F0] =	sst s6;
	s6 =	simm.s32 @!p0 $0x0  }
0x3d3: {  	s6 =	simm.s32 @p0 $0x1;
	p0 =	por $0x0, $0x0  }
0x3d4: {  	[smem:$0x7F1] =	sst s6;
	s6 =	simm.s32 @!p0 $0x0  }
0x3d5: {  	s6 =	simm.s32 @p0 $0x1;
	p0 =	por $0x0, $0x0  }
0x3d6: {  	[smem:$0x7F2] =	sst s6;
	s6 =	simm.s32 @!p0 $0x0  }
0x3d7: {  	s6 =	simm.s32 @p0 $0x1;
	p0 =	por $0x0, $0x0  }
0x3d8: {  	[smem:$0x7F3] =	sst s6;
	s6 =	simm.s32 @!p0 $0x0  }
0x3d9: {  	s6 =	simm.s32 @p0 $0x1;
	p0 =	por $0x0, $0x0  }
0x3da: {  	[smem:$0x7F4] =	sst s6;
	s6 =	simm.s32 @!p0 $0x0  }
0x3db: {  	s6 =	simm.s32 @p0 $0x1;
	p0 =	por $0x0, $0x0  }
0x3dc: {  	[smem:$0x7F5] =	sst s6;
	s6 =	simm.s32 @!p0 $0x0  }
0x3dd: {  	s6 =	simm.s32 @p0 $0x1;
	p0 =	por $0x0, $0x0  }
0x3de: {  	[smem:$0x7F6] =	sst s6;
	s6 =	simm.s32 @!p0 $0x0  }
0x3df: {  	s6 =	simm.s32 @p0 $0x1;
	p0 =	por $0x0, $0x0  }
0x3e0: {  	[smem:$0x7F7] =	sst s6;
	s6 =	simm.s32 @!p0 $0x0  }
0x3e1: {  	s6 =	simm.s32 @p0 $0x1;
	p0 =	por $0x0, $0x0  }
0x3e2: {  	[smem:$0x7F8] =	sst s6;
	s6 =	simm.s32 @!p0 $0x0  }
0x3e3: {  	s6 =	simm.s32 @p0 $0x1;
	p0 =	por $0x0, $0x0  }
0x3e4: {  	[smem:$0x7F9] =	sst s6;
	s6 =	simm.s32 @!p0 $0x0  }
0x3e5: {  	s4 =	rddreg [dreg:$0xe];
	s6 =	simm.s32 @p0 $0x1;
	p0 =	por $0x0, $0x0  }
.Ltmp66:
0x3e6: {  	[smem:$0x7FA] =	sst s6;
	s6 =	simm.s32 @!p0 $0x0;
	(pc) =	sbr.rel .LBB3_83-.Ltmp66, $4  }
0x3e7: {  	p2 =	por $0x1, $0x1;
	s6 =	simm.s32 @p0 $0x1;
	p0 =	por $0x0, $0x0  }
0x3e8: {  	p1 =	por $0x0, $0x0;
	[smem:$0x7FB] =	sst s6;
	s6 =	simm.s32 @!p0 $0x0  }
0x3e9: {  	p3 =	por $0x0, $0x0;
	p4 =	por $0x0, $0x0;
	s6 =	simm.s32 @p0 $0x1  }
0x3ea: {  	p5 =	por $0x0, $0x0;
	s4 =	sadd.s32 s4, s5;
	[smem:$0x7FC] =	sst s6  }
.LBB3_80:
0x3eb: {  	p0 =	por $0x1, $0x1  }
0x3ec: {  	s6 =	simm.s32 @!p0 $0x0  }
0x3ed: {  	s6 =	simm.s32 @p0 $0x1;
	p0 =	por $0x0, $0x0  }
0x3ee: {  	[smem:$0x7F0] =	sst s6;
	s6 =	simm.s32 @!p0 $0x0  }
0x3ef: {  	s6 =	simm.s32 @p0 $0x1;
	p0 =	por $0x0, $0x0  }
0x3f0: {  	[smem:$0x7EF] =	sst s6;
	s6 =	simm.s32 @!p0 $0x0  }
0x3f1: {  	s6 =	simm.s32 @p0 $0x1;
	p0 =	por $0x0, $0x0  }
0x3f2: {  	[smem:$0x7F1] =	sst s6;
	s6 =	simm.s32 @!p0 $0x0  }
0x3f3: {  	s6 =	simm.s32 @p0 $0x1;
	p0 =	por $0x0, $0x0  }
0x3f4: {  	[smem:$0x7F2] =	sst s6;
	s6 =	simm.s32 @!p0 $0x0  }
0x3f5: {  	s6 =	simm.s32 @p0 $0x1;
	p0 =	por $0x0, $0x0  }
0x3f6: {  	[smem:$0x7F3] =	sst s6;
	s6 =	simm.s32 @!p0 $0x0  }
0x3f7: {  	s6 =	simm.s32 @p0 $0x1;
	p0 =	por $0x0, $0x0  }
0x3f8: {  	[smem:$0x7F4] =	sst s6;
	s6 =	simm.s32 @!p0 $0x0  }
0x3f9: {  	s6 =	simm.s32 @p0 $0x1;
	p0 =	por $0x0, $0x0  }
0x3fa: {  	[smem:$0x7F5] =	sst s6;
	s6 =	simm.s32 @!p0 $0x0  }
0x3fb: {  	s6 =	simm.s32 @p0 $0x1;
	p0 =	por $0x0, $0x0  }
0x3fc: {  	[smem:$0x7F6] =	sst s6;
	s6 =	simm.s32 @!p0 $0x0  }
0x3fd: {  	s6 =	simm.s32 @p0 $0x1;
	p0 =	por $0x0, $0x0  }
0x3fe: {  	[smem:$0x7F7] =	sst s6;
	s6 =	simm.s32 @!p0 $0x0  }
0x3ff: {  	s6 =	simm.s32 @p0 $0x1;
	p0 =	por $0x0, $0x0  }
0x400: {  	[smem:$0x7F8] =	sst s6;
	s6 =	simm.s32 @!p0 $0x0  }
0x401: {  	s6 =	simm.s32 @p0 $0x1;
	p0 =	por $0x0, $0x0  }
0x402: {  	[smem:$0x7F9] =	sst s6;
	s6 =	simm.s32 @!p0 $0x0  }
0x403: {  	s4 =	rddreg [dreg:$0x13];
	s6 =	simm.s32 @p0 $0x1;
	p0 =	por $0x0, $0x0  }
.Ltmp67:
0x404: {  	[smem:$0x7FA] =	sst s6;
	s6 =	simm.s32 @!p0 $0x0;
	(pc) =	sbr.rel .LBB3_83-.Ltmp67, $4  }
0x405: {  	p1 =	por $0x0, $0x0;
	s6 =	simm.s32 @p0 $0x1;
	p0 =	por $0x0, $0x0  }
0x406: {  	p2 =	por $0x0, $0x0;
	[smem:$0x7FB] =	sst s6;
	s6 =	simm.s32 @!p0 $0x0  }
0x407: {  	p3 =	por $0x0, $0x0;
	p4 =	por $0x0, $0x0;
	s6 =	simm.s32 @p0 $0x1  }
0x408: {  	p5 =	por $0x0, $0x0;
	s4 =	sadd.s32 s4, s5;
	[smem:$0x7FC] =	sst s6  }
.LBB3_68:
0x409: {  	p0 =	por $0x1, $0x1  }
0x40a: {  	s6 =	simm.s32 @!p0 $0x0  }
0x40b: {  	s6 =	simm.s32 @p0 $0x1;
	p0 =	por $0x0, $0x0  }
0x40c: {  	[smem:$0x7F6] =	sst s6;
	s6 =	simm.s32 @!p0 $0x0  }
0x40d: {  	s6 =	simm.s32 @p0 $0x1;
	p0 =	por $0x0, $0x0  }
0x40e: {  	[smem:$0x7EF] =	sst s6;
	s6 =	simm.s32 @!p0 $0x0  }
0x40f: {  	s6 =	simm.s32 @p0 $0x1;
	p0 =	por $0x0, $0x0  }
0x410: {  	[smem:$0x7F0] =	sst s6;
	s6 =	simm.s32 @!p0 $0x0  }
0x411: {  	s6 =	simm.s32 @p0 $0x1;
	p0 =	por $0x0, $0x0  }
0x412: {  	[smem:$0x7F1] =	sst s6;
	s6 =	simm.s32 @!p0 $0x0  }
0x413: {  	s6 =	simm.s32 @p0 $0x1;
	p0 =	por $0x0, $0x0  }
0x414: {  	[smem:$0x7F2] =	sst s6;
	s6 =	simm.s32 @!p0 $0x0  }
0x415: {  	s6 =	simm.s32 @p0 $0x1;
	p0 =	por $0x0, $0x0  }
0x416: {  	[smem:$0x7F3] =	sst s6;
	s6 =	simm.s32 @!p0 $0x0  }
0x417: {  	s6 =	simm.s32 @p0 $0x1;
	p0 =	por $0x0, $0x0  }
0x418: {  	[smem:$0x7F4] =	sst s6;
	s6 =	simm.s32 @!p0 $0x0  }
0x419: {  	s6 =	simm.s32 @p0 $0x1;
	p0 =	por $0x0, $0x0  }
0x41a: {  	[smem:$0x7F5] =	sst s6;
	s6 =	simm.s32 @!p0 $0x0  }
0x41b: {  	s6 =	simm.s32 @p0 $0x1;
	p0 =	por $0x0, $0x0  }
0x41c: {  	[smem:$0x7F7] =	sst s6;
	s6 =	simm.s32 @!p0 $0x0  }
0x41d: {  	s6 =	simm.s32 @p0 $0x1;
	p0 =	por $0x0, $0x0  }
0x41e: {  	[smem:$0x7F8] =	sst s6;
	s6 =	simm.s32 @!p0 $0x0  }
0x41f: {  	s6 =	simm.s32 @p0 $0x1;
	p0 =	por $0x0, $0x0  }
0x420: {  	[smem:$0x7F9] =	sst s6;
	s6 =	simm.s32 @!p0 $0x0  }
0x421: {  	s4 =	rddreg [dreg:$0x7];
	s6 =	simm.s32 @p0 $0x1;
	p0 =	por $0x0, $0x0  }
.Ltmp68:
0x422: {  	[smem:$0x7FA] =	sst s6;
	s6 =	simm.s32 @!p0 $0x0;
	(pc) =	sbr.rel .LBB3_83-.Ltmp68, $4  }
0x423: {  	p1 =	por $0x0, $0x0;
	s6 =	simm.s32 @p0 $0x1;
	p0 =	por $0x0, $0x0  }
0x424: {  	p2 =	por $0x0, $0x0;
	[smem:$0x7FB] =	sst s6;
	s6 =	simm.s32 @!p0 $0x0  }
0x425: {  	p3 =	por $0x0, $0x0;
	p4 =	por $0x0, $0x0;
	s6 =	simm.s32 @p0 $0x1  }
0x426: {  	p5 =	por $0x0, $0x0;
	s4 =	sadd.s32 s4, s5;
	[smem:$0x7FC] =	sst s6  }
.LBB3_73:
0x427: {  	p0 =	por $0x0, $0x0  }
0x428: {  	s6 =	simm.s32 @!p0 $0x0  }
0x429: {  	s6 =	simm.s32 @p0 $0x1;
	p0 =	por $0x0, $0x0  }
0x42a: {  	[smem:$0x7EF] =	sst s6;
	s6 =	simm.s32 @!p0 $0x0  }
0x42b: {  	s6 =	simm.s32 @p0 $0x1;
	p0 =	por $0x0, $0x0  }
0x42c: {  	[smem:$0x7F0] =	sst s6;
	s6 =	simm.s32 @!p0 $0x0  }
0x42d: {  	s6 =	simm.s32 @p0 $0x1;
	p0 =	por $0x0, $0x0  }
0x42e: {  	[smem:$0x7F1] =	sst s6;
	s6 =	simm.s32 @!p0 $0x0  }
0x42f: {  	s6 =	simm.s32 @p0 $0x1;
	p0 =	por $0x0, $0x0  }
0x430: {  	[smem:$0x7F2] =	sst s6;
	s6 =	simm.s32 @!p0 $0x0  }
0x431: {  	s6 =	simm.s32 @p0 $0x1;
	p0 =	por $0x0, $0x0  }
0x432: {  	[smem:$0x7F3] =	sst s6;
	s6 =	simm.s32 @!p0 $0x0  }
0x433: {  	s6 =	simm.s32 @p0 $0x1;
	p0 =	por $0x0, $0x0  }
0x434: {  	[smem:$0x7F4] =	sst s6;
	s6 =	simm.s32 @!p0 $0x0  }
0x435: {  	s6 =	simm.s32 @p0 $0x1;
	p0 =	por $0x0, $0x0  }
0x436: {  	[smem:$0x7F5] =	sst s6;
	s6 =	simm.s32 @!p0 $0x0  }
0x437: {  	s6 =	simm.s32 @p0 $0x1;
	p0 =	por $0x0, $0x0  }
0x438: {  	[smem:$0x7F6] =	sst s6;
	s6 =	simm.s32 @!p0 $0x0  }
0x439: {  	s6 =	simm.s32 @p0 $0x1;
	p0 =	por $0x0, $0x0  }
0x43a: {  	[smem:$0x7F7] =	sst s6;
	s6 =	simm.s32 @!p0 $0x0  }
0x43b: {  	s6 =	simm.s32 @p0 $0x1;
	p0 =	por $0x0, $0x0  }
0x43c: {  	[smem:$0x7F8] =	sst s6;
	s6 =	simm.s32 @!p0 $0x0  }
0x43d: {  	s6 =	simm.s32 @p0 $0x1;
	p0 =	por $0x0, $0x0  }
0x43e: {  	[smem:$0x7F9] =	sst s6;
	s6 =	simm.s32 @!p0 $0x0  }
0x43f: {  	s4 =	rddreg [dreg:$0xc];
	s6 =	simm.s32 @p0 $0x1;
	p0 =	por $0x0, $0x0  }
.Ltmp69:
0x440: {  	[smem:$0x7FA] =	sst s6;
	s6 =	simm.s32 @!p0 $0x0;
	(pc) =	sbr.rel .LBB3_83-.Ltmp69, $4  }
0x441: {  	p1 =	por $0x1, $0x1;
	s6 =	simm.s32 @p0 $0x1;
	p0 =	por $0x0, $0x0  }
0x442: {  	p2 =	por $0x0, $0x0;
	[smem:$0x7FB] =	sst s6;
	s6 =	simm.s32 @!p0 $0x0  }
0x443: {  	p3 =	por $0x0, $0x0;
	p4 =	por $0x0, $0x0;
	s6 =	simm.s32 @p0 $0x1  }
0x444: {  	p5 =	por $0x0, $0x0;
	s4 =	sadd.s32 s4, s5;
	[smem:$0x7FC] =	sst s6  }
.LBB3_78:
0x445: {  	p0 =	por $0x1, $0x1  }
0x446: {  	s6 =	simm.s32 @!p0 $0x0  }
0x447: {  	s6 =	simm.s32 @p0 $0x1;
	p0 =	por $0x0, $0x0  }
0x448: {  	[smem:$0x7F1] =	sst s6;
	s6 =	simm.s32 @!p0 $0x0  }
0x449: {  	s6 =	simm.s32 @p0 $0x1;
	p0 =	por $0x0, $0x0  }
0x44a: {  	[smem:$0x7EF] =	sst s6;
	s6 =	simm.s32 @!p0 $0x0  }
0x44b: {  	s6 =	simm.s32 @p0 $0x1;
	p0 =	por $0x0, $0x0  }
0x44c: {  	[smem:$0x7F0] =	sst s6;
	s6 =	simm.s32 @!p0 $0x0  }
0x44d: {  	s6 =	simm.s32 @p0 $0x1;
	p0 =	por $0x0, $0x0  }
0x44e: {  	[smem:$0x7F2] =	sst s6;
	s6 =	simm.s32 @!p0 $0x0  }
0x44f: {  	s6 =	simm.s32 @p0 $0x1;
	p0 =	por $0x0, $0x0  }
0x450: {  	[smem:$0x7F3] =	sst s6;
	s6 =	simm.s32 @!p0 $0x0  }
0x451: {  	s6 =	simm.s32 @p0 $0x1;
	p0 =	por $0x0, $0x0  }
0x452: {  	[smem:$0x7F4] =	sst s6;
	s6 =	simm.s32 @!p0 $0x0  }
0x453: {  	s6 =	simm.s32 @p0 $0x1;
	p0 =	por $0x0, $0x0  }
0x454: {  	[smem:$0x7F5] =	sst s6;
	s6 =	simm.s32 @!p0 $0x0  }
0x455: {  	s6 =	simm.s32 @p0 $0x1;
	p0 =	por $0x0, $0x0  }
0x456: {  	[smem:$0x7F6] =	sst s6;
	s6 =	simm.s32 @!p0 $0x0  }
0x457: {  	s6 =	simm.s32 @p0 $0x1;
	p0 =	por $0x0, $0x0  }
0x458: {  	[smem:$0x7F7] =	sst s6;
	s6 =	simm.s32 @!p0 $0x0  }
0x459: {  	s6 =	simm.s32 @p0 $0x1;
	p0 =	por $0x0, $0x0  }
0x45a: {  	[smem:$0x7F8] =	sst s6;
	s6 =	simm.s32 @!p0 $0x0  }
0x45b: {  	s6 =	simm.s32 @p0 $0x1;
	p0 =	por $0x0, $0x0  }
0x45c: {  	[smem:$0x7F9] =	sst s6;
	s6 =	simm.s32 @!p0 $0x0  }
0x45d: {  	s4 =	rddreg [dreg:$0x11];
	s6 =	simm.s32 @p0 $0x1;
	p0 =	por $0x0, $0x0  }
.Ltmp70:
0x45e: {  	[smem:$0x7FA] =	sst s6;
	s6 =	simm.s32 @!p0 $0x0;
	(pc) =	sbr.rel .LBB3_83-.Ltmp70, $4  }
0x45f: {  	p1 =	por $0x0, $0x0;
	s6 =	simm.s32 @p0 $0x1;
	p0 =	por $0x0, $0x0  }
0x460: {  	p2 =	por $0x0, $0x0;
	[smem:$0x7FB] =	sst s6;
	s6 =	simm.s32 @!p0 $0x0  }
0x461: {  	p3 =	por $0x0, $0x0;
	p4 =	por $0x0, $0x0;
	s6 =	simm.s32 @p0 $0x1  }
0x462: {  	p5 =	por $0x0, $0x0;
	s4 =	sadd.s32 s4, s5;
	[smem:$0x7FC] =	sst s6  }
.LBB3_105:
0x463: {  	_ = 	snop  }
.LBB3_108:
0x464: {  	_ =	sdelay $0x4  }
0x465: {  	[tilespmem:v6+s26+$0x0] =	vst.idx.msk @p6 vm0, v5  }
0x466: {  	v5 =	vld.idx.msk [tilespmem:v4+s1+$0x0], $0xffff;
	_ =	sdelay $0x4  }
0x467: {  	v48 =	vshra.s32 v5, $0xC  }
0x468: {  	v2 =	vsub.s32 v48, v2  }
0x469: {  	vm14 =	vgt.s32 v2, $0x0  }
0x46a: {  	v2 =	vnsel vm14, $0x0, v2  }
0x46b: {  	v2 =	vmin.u32 v2, $0x7FF  }
0x46c: {  	v49 =	vshll.u32 v2, $0x3  }
0x46d: {  	v2 =	vand.u32 $0x7F, v2;
	v6 =	vand.u32 $0x3C00, v49  }
0x46e: {  	v2 =	vor.u32 v2, v6;
	_ =	sdelay $0x2  }
0x46f: {  	v50 =	vshll.u32 v5, $0x3  }
0x470: {  	vm15 =	vlt.s32 v4, v3;
	v3 =	vand.u32 $0x7F, v5;
	v6 =	vand.u32 $0x7C00, v50  }
0x471: {  	v3 =	vor.u32 v3, v6;
	v51 =	vld.idx.msk [tilespmem:v2+s3+$0x0], $0xffff  }
0x472: {  	v52 =	vor.u32 $0x80, v2;
	_ =	sdelay $0x3  }
0x473: {  	[tilespmem:v3+s26+$0x0] =	vst.idx.msk vm15, v51  }
0x474: {  	v53 =	vor.u32 $0x80, v3;
	v4 =	vld.idx.msk [tilespmem:v52+s3+$0x0], $0xffff  }
0x475: {  	v54 =	vor.u32 $0x100, v2;
	_ =	sdelay $0x3  }
0x476: {  	[tilespmem:v53+s26+$0x0] =	vst.idx.msk vm15, v4  }
0x477: {  	v55 =	vor.u32 $0x100, v3;
	v4 =	vld.idx.msk [tilespmem:v54+s3+$0x0], $0xffff  }
0x478: {  	v56 =	vor.u32 $0x180, v2;
	_ =	sdelay $0x3  }
0x479: {  	[tilespmem:v55+s26+$0x0] =	vst.idx.msk vm15, v4  }
0x47a: {  	v57 =	vor.u32 $0x180, v3;
	v4 =	vld.idx.msk [tilespmem:v56+s3+$0x0], $0xffff  }
0x47b: {  	v58 =	vor.u32 $0x200, v2;
	_ =	sdelay $0x3  }
0x47c: {  	[tilespmem:v57+s26+$0x0] =	vst.idx.msk vm15, v4  }
0x47d: {  	v59 =	vor.u32 $0x200, v3;
	v4 =	vld.idx.msk [tilespmem:v58+s3+$0x0], $0xffff  }
0x47e: {  	v60 =	vor.u32 $0x280, v2;
	_ =	sdelay $0x3  }
0x47f: {  	[tilespmem:v59+s26+$0x0] =	vst.idx.msk vm15, v4  }
0x480: {  	v61 =	vor.u32 $0x280, v3;
	v4 =	vld.idx.msk [tilespmem:v60+s3+$0x0], $0xffff  }
0x481: {  	v62 =	vor.u32 $0x300, v2;
	_ =	sdelay $0x3  }
0x482: {  	[tilespmem:v61+s26+$0x0] =	vst.idx.msk vm15, v4  }
0x483: {  	v63 =	vor.u32 $0x300, v3;
	v4 =	vld.idx.msk [tilespmem:v62+s3+$0x0], $0xffff  }
0x484: {  	v2 =	vor.u32 $0x380, v2;
	_ =	sdelay $0x3  }
0x485: {  	[tilespmem:v63+s26+$0x0] =	vst.idx.msk vm15, v4  }
0x486: {  	v3 =	vor.u32 $0x380, v3;
	v2 =	vld.idx.msk [tilespmem:v2+s3+$0x0], $0xffff;
	_ =	sdelay $0x4  }
0x487: {  	[tilespmem:v3+s26+$0x0] =	vst.idx.msk vm15, v2  }
.LBB3_109:
0x488: {  	s5 =	sadd.s32 $0x1, s5  }
0x489: {  	p0 =	sne.s32 s5, $0x18  }
.Ltmp71:
0x48a: {  	_ = 	snop;
	(pc) =	sbr.rel @!p0 .LBB3_110-.Ltmp71, $1  }
0x48b: {  	_ =	sdelay $0x3  }
.LBB3_85:
0x48c: {  	s7 =	sld [smem:$0x7FD];
	_ =	sdelay $0x2  }
0x48d: {  	s6 =	sshllo.u32 s5, $0x1;
	p0 =	seq.s32 s7, $0x1  }
0x48e: {  	s7 =	sshll.u32 @p0 s6, $0xE  }
0x48f: {  	s7 =	sadd.s32 @p0 s4, s7  }
0x490: {  	s8 =	rddreg [dreg:$0x2];
	s7 =	sshrl.u32 @p0 s7, $0x3  }
0x491: {  	s9 =	simm.s32 @p0 $0xA200;
	s7 =	sadd.s32 @p0 s8, s7;
	s8 =	simm.s32 @p0 $0x0  }
0x492: {  	[tilespmem:s9], [sflag:$0x2] =	stream.linear.gather @p0 [hbm4b:s7+s8], $0x4000, $0x38;
	[tilespmem:$0x1E200] =	vst v63  }
0x493: {  	s9 =	sld [smem:$0x7F8];
	_ =	sdelay $0x2  }
0x494: {  	p0 =	seq.s32 s9, $0x1  }
0x495: {  	s7 =	sshll.u32 @p0 s6, $0xE  }
0x496: {  	s10 =	sld [smem:$0x7F9];
	s7 =	sadd.s32 @p0 s4, s7  }
0x497: {  	s8 =	rddreg [dreg:$0x3];
	s7 =	sshrl.u32 @p0 s7, $0x3  }
0x498: {  	s9 =	simm.s32 @p0 $0xA200;
	s7 =	sadd.s32 @p0 s8, s7;
	s8 =	simm.s32 @p0 $0x0  }
0x499: {  	[tilespmem:s9], [sflag:$0x2] =	stream.linear.gather @p0 [hbm4b:s7+s8], $0x4000, $0x38;
	[tilespmem:$0x1E200] =	vst v63  }
0x49a: {  	p0 =	seq.s32 s10, $0x1  }
0x49b: {  	s7 =	sshll.u32 @p0 s6, $0xE  }
0x49c: {  	s11 =	sld [smem:$0x7F7];
	s7 =	sadd.s32 @p0 s4, s7  }
0x49d: {  	s8 =	rddreg [dreg:$0x4];
	s7 =	sshrl.u32 @p0 s7, $0x3  }
0x49e: {  	s9 =	simm.s32 @p0 $0xA200;
	s7 =	sadd.s32 @p0 s8, s7;
	s8 =	simm.s32 @p0 $0x0  }
0x49f: {  	[tilespmem:s9], [sflag:$0x2] =	stream.linear.gather @p0 [hbm4b:s7+s8], $0x4000, $0x38;
	[tilespmem:$0x1E200] =	vst v63  }
0x4a0: {  	p0 =	seq.s32 s11, $0x1  }
0x4a1: {  	s7 =	sshll.u32 @p0 s6, $0xE  }
0x4a2: {  	s12 =	sld [smem:$0x7FA];
	s7 =	sadd.s32 @p0 s4, s7  }
0x4a3: {  	s8 =	rddreg [dreg:$0x5];
	s7 =	sshrl.u32 @p0 s7, $0x3  }
0x4a4: {  	s9 =	simm.s32 @p0 $0xA200;
	s7 =	sadd.s32 @p0 s8, s7;
	s8 =	simm.s32 @p0 $0x0  }
0x4a5: {  	[tilespmem:s9], [sflag:$0x2] =	stream.linear.gather @p0 [hbm4b:s7+s8], $0x4000, $0x38;
	[tilespmem:$0x1E200] =	vst v63  }
0x4a6: {  	p0 =	seq.s32 s12, $0x1  }
0x4a7: {  	s7 =	sshll.u32 @p0 s6, $0xE  }
0x4a8: {  	s13 =	sld [smem:$0x7F6];
	s7 =	sadd.s32 @p0 s4, s7  }
0x4a9: {  	s8 =	rddreg [dreg:$0x6];
	s7 =	sshrl.u32 @p0 s7, $0x3  }
0x4aa: {  	s9 =	simm.s32 @p0 $0xA200;
	s7 =	sadd.s32 @p0 s8, s7;
	s8 =	simm.s32 @p0 $0x0  }
0x4ab: {  	[tilespmem:s9], [sflag:$0x2] =	stream.linear.gather @p0 [hbm4b:s7+s8], $0x4000, $0x38;
	[tilespmem:$0x1E200] =	vst v63  }
0x4ac: {  	p0 =	seq.s32 s13, $0x1  }
0x4ad: {  	s7 =	sshll.u32 @p0 s6, $0xE  }
0x4ae: {  	s7 =	sadd.s32 @p0 s4, s7  }
0x4af: {  	s8 =	rddreg [dreg:$0x7];
	s7 =	sshrl.u32 @p0 s7, $0x3  }
0x4b0: {  	s9 =	simm.s32 @p0 $0xA200;
	s7 =	sadd.s32 @p0 s8, s7;
	s8 =	simm.s32 @p0 $0x0  }
0x4b1: {  	[tilespmem:s9], [sflag:$0x2] =	stream.linear.gather @p0 [hbm4b:s7+s8], $0x4000, $0x38;
	[tilespmem:$0x1E200] =	vst v63  }
0x4b2: {  	s8 =	sld [smem:$0x7FB];
	_ =	sdelay $0x2  }
0x4b3: {  	p0 =	seq.s32 s8, $0x1  }
0x4b4: {  	s7 =	sshll.u32 @p0 s6, $0xE  }
0x4b5: {  	s7 =	sadd.s32 @p0 s4, s7  }
0x4b6: {  	s8 =	rddreg [dreg:$0x8];
	s7 =	sshrl.u32 @p0 s7, $0x3  }
0x4b7: {  	s9 =	simm.s32 @p0 $0xA200;
	s7 =	sadd.s32 @p0 s8, s7;
	s8 =	simm.s32 @p0 $0x0  }
0x4b8: {  	[tilespmem:s9], [sflag:$0x2] =	stream.linear.gather @p0 [hbm4b:s7+s8], $0x4000, $0x38;
	[tilespmem:$0x1E200] =	vst v63  }
0x4b9: {  	s9 =	sld [smem:$0x7F5];
	_ =	sdelay $0x2  }
0x4ba: {  	p0 =	seq.s32 s9, $0x1  }
0x4bb: {  	s7 =	sshll.u32 @p0 s6, $0xE  }
0x4bc: {  	s10 =	sld [smem:$0x7FC];
	s7 =	sadd.s32 @p0 s4, s7  }
0x4bd: {  	s8 =	rddreg [dreg:$0x9];
	s7 =	sshrl.u32 @p0 s7, $0x3  }
0x4be: {  	s9 =	simm.s32 @p0 $0xA200;
	s7 =	sadd.s32 @p0 s8, s7;
	s8 =	simm.s32 @p0 $0x0  }
0x4bf: {  	[tilespmem:s9], [sflag:$0x2] =	stream.linear.gather @p0 [hbm4b:s7+s8], $0x4000, $0x38;
	[tilespmem:$0x1E200] =	vst v63  }
0x4c0: {  	p0 =	seq.s32 s10, $0x1  }
0x4c1: {  	s7 =	sshll.u32 @p0 s6, $0xE  }
0x4c2: {  	s11 =	sld [smem:$0x7F4];
	s7 =	sadd.s32 @p0 s4, s7  }
0x4c3: {  	s8 =	rddreg [dreg:$0xa];
	s7 =	sshrl.u32 @p0 s7, $0x3  }
0x4c4: {  	s9 =	simm.s32 @p0 $0xA200;
	s7 =	sadd.s32 @p0 s8, s7;
	s8 =	simm.s32 @p0 $0x0  }
0x4c5: {  	[tilespmem:s9], [sflag:$0x2] =	stream.linear.gather @p0 [hbm4b:s7+s8], $0x4000, $0x38;
	[tilespmem:$0x1E200] =	vst v63  }
0x4c6: {  	p0 =	seq.s32 s11, $0x1  }
0x4c7: {  	s7 =	sshll.u32 @p0 s6, $0xE  }
0x4c8: {  	s7 =	sadd.s32 @p0 s4, s7  }
0x4c9: {  	s8 =	rddreg [dreg:$0xb];
	s7 =	sshrl.u32 @p0 s7, $0x3  }
0x4ca: {  	s9 =	simm.s32 @p0 $0xA200;
	s7 =	sadd.s32 @p0 s8, s7;
	s8 =	simm.s32 @p0 $0x0  }
0x4cb: {  	[tilespmem:s9], [sflag:$0x2] =	stream.linear.gather @p0 [hbm4b:s7+s8], $0x4000, $0x38;
	[tilespmem:$0x1E200] =	vst v63  }
0x4cc: {  	s12 =	sld [smem:$0x7F3];
	s7 =	sshll.u32 @p1 s6, $0xE  }
0x4cd: {  	s7 =	sadd.s32 @p1 s4, s7  }
0x4ce: {  	s8 =	rddreg [dreg:$0xc];
	s9 =	simm.s32 @p1 $0xA200;
	s7 =	sshrl.u32 @p1 s7, $0x3  }
0x4cf: {  	p0 =	seq.s32 s12, $0x1;
	s7 =	sadd.s32 @p1 s8, s7;
	s8 =	simm.s32 @p1 $0x0  }
0x4d0: {  	[tilespmem:s9], [sflag:$0x2] =	stream.linear.gather @p1 [hbm4b:s7+s8], $0x4000, $0x38;
	[tilespmem:$0x1E200] =	vst v63  }
0x4d1: {  	s7 =	sshll.u32 @p0 s6, $0xE  }
0x4d2: {  	s7 =	sadd.s32 @p0 s4, s7  }
0x4d3: {  	s8 =	rddreg [dreg:$0xd];
	s7 =	sshrl.u32 @p0 s7, $0x3  }
0x4d4: {  	s9 =	simm.s32 @p0 $0xA200;
	s7 =	sadd.s32 @p0 s8, s7;
	s8 =	simm.s32 @p0 $0x0  }
0x4d5: {  	[tilespmem:s9], [sflag:$0x2] =	stream.linear.gather @p0 [hbm4b:s7+s8], $0x4000, $0x38;
	[tilespmem:$0x1E200] =	vst v63  }
0x4d6: {  	s13 =	sld [smem:$0x7F2];
	s7 =	sshll.u32 @p2 s6, $0xE  }
0x4d7: {  	s7 =	sadd.s32 @p2 s4, s7  }
0x4d8: {  	s8 =	rddreg [dreg:$0xe];
	s9 =	simm.s32 @p2 $0xA200;
	s7 =	sshrl.u32 @p2 s7, $0x3  }
0x4d9: {  	p0 =	seq.s32 s13, $0x1;
	s7 =	sadd.s32 @p2 s8, s7;
	s8 =	simm.s32 @p2 $0x0  }
0x4da: {  	[tilespmem:s9], [sflag:$0x2] =	stream.linear.gather @p2 [hbm4b:s7+s8], $0x4000, $0x38;
	[tilespmem:$0x1E200] =	vst v63  }
0x4db: {  	s7 =	sshll.u32 @p0 s6, $0xE  }
0x4dc: {  	s7 =	sadd.s32 @p0 s4, s7  }
0x4dd: {  	s8 =	rddreg [dreg:$0xf];
	s7 =	sshrl.u32 @p0 s7, $0x3  }
0x4de: {  	s9 =	simm.s32 @p0 $0xA200;
	s7 =	sadd.s32 @p0 s8, s7;
	s8 =	simm.s32 @p0 $0x0  }
0x4df: {  	[tilespmem:s9], [sflag:$0x2] =	stream.linear.gather @p0 [hbm4b:s7+s8], $0x4000, $0x38;
	[tilespmem:$0x1E200] =	vst v63  }
0x4e0: {  	s7 =	sshll.u32 @p3 s6, $0xE  }
0x4e1: {  	s7 =	sadd.s32 @p3 s4, s7  }
0x4e2: {  	s8 =	rddreg [dreg:$0x10];
	s7 =	sshrl.u32 @p3 s7, $0x3  }
0x4e3: {  	s9 =	simm.s32 @p3 $0xA200;
	s7 =	sadd.s32 @p3 s8, s7;
	s8 =	simm.s32 @p3 $0x0  }
0x4e4: {  	[tilespmem:s9], [sflag:$0x2] =	stream.linear.gather @p3 [hbm4b:s7+s8], $0x4000, $0x38;
	[tilespmem:$0x1E200] =	vst v63  }
0x4e5: {  	s8 =	sld [smem:$0x7F1];
	_ =	sdelay $0x2  }
0x4e6: {  	p0 =	seq.s32 s8, $0x1  }
0x4e7: {  	s7 =	sshll.u32 @p0 s6, $0xE  }
0x4e8: {  	s7 =	sadd.s32 @p0 s4, s7  }
0x4e9: {  	s8 =	rddreg [dreg:$0x11];
	s7 =	sshrl.u32 @p0 s7, $0x3  }
0x4ea: {  	s9 =	simm.s32 @p0 $0xA200;
	s7 =	sadd.s32 @p0 s8, s7;
	s8 =	simm.s32 @p0 $0x0  }
0x4eb: {  	[tilespmem:s9], [sflag:$0x2] =	stream.linear.gather @p0 [hbm4b:s7+s8], $0x4000, $0x38;
	[tilespmem:$0x1E200] =	vst v63  }
0x4ec: {  	s7 =	sshll.u32 @p4 s6, $0xE  }
0x4ed: {  	s7 =	sadd.s32 @p4 s4, s7  }
0x4ee: {  	s8 =	rddreg [dreg:$0x12];
	s7 =	sshrl.u32 @p4 s7, $0x3  }
0x4ef: {  	s9 =	simm.s32 @p4 $0xA200;
	s7 =	sadd.s32 @p4 s8, s7;
	s8 =	simm.s32 @p4 $0x0  }
0x4f0: {  	[tilespmem:s9], [sflag:$0x2] =	stream.linear.gather @p4 [hbm4b:s7+s8], $0x4000, $0x38;
	[tilespmem:$0x1E200] =	vst v63  }
0x4f1: {  	s9 =	sld [smem:$0x7F0];
	_ =	sdelay $0x2  }
0x4f2: {  	p0 =	seq.s32 s9, $0x1  }
0x4f3: {  	s7 =	sshll.u32 @p0 s6, $0xE  }
0x4f4: {  	s7 =	sadd.s32 @p0 s4, s7  }
0x4f5: {  	s8 =	rddreg [dreg:$0x13];
	s7 =	sshrl.u32 @p0 s7, $0x3  }
0x4f6: {  	s9 =	simm.s32 @p0 $0xA200;
	s7 =	sadd.s32 @p0 s8, s7;
	s8 =	simm.s32 @p0 $0x0  }
0x4f7: {  	[tilespmem:s9], [sflag:$0x2] =	stream.linear.gather @p0 [hbm4b:s7+s8], $0x4000, $0x38;
	[tilespmem:$0x1E200] =	vst v63  }
0x4f8: {  	s10 =	sld [smem:$0x7EF];
	s7 =	sshll.u32 @p5 s6, $0xE  }
0x4f9: {  	s7 =	sadd.s32 @p5 s4, s7  }
0x4fa: {  	s8 =	rddreg [dreg:$0x14];
	s9 =	simm.s32 @p5 $0xA200;
	s7 =	sshrl.u32 @p5 s7, $0x3  }
0x4fb: {  	p0 =	seq.s32 s10, $0x1;
	s7 =	sadd.s32 @p5 s8, s7;
	s8 =	simm.s32 @p5 $0x0  }
0x4fc: {  	[tilespmem:s9], [sflag:$0x2] =	stream.linear.gather @p5 [hbm4b:s7+s8], $0x4000, $0x38;
	[tilespmem:$0x1E200] =	vst v63  }
0x4fd: {  	s7 =	sshll.u32 @p0 s6, $0xE  }
0x4fe: {  	s7 =	sadd.s32 @p0 s4, s7  }
0x4ff: {  	s11 =	simm.s32 $0x1;
	s8 =	rddreg [dreg:$0x16];
	s7 =	sshrl.u32 @p0 s7, $0x3  }
0x500: {  	s9 =	simm.s32 @p0 $0xA200;
	s7 =	sadd.s32 @p0 s8, s7;
	s8 =	simm.s32 @p0 $0x0  }
0x501: {  	[tilespmem:s9], [sflag:$0x2] =	stream.linear.gather @p0 [hbm4b:s7+s8], $0x4000, $0x38;
	[tilespmem:$0x1E200] =	vst v63  }
0x502: {  	_ =	swait.ge [sflag:s11], $0x4000  }
0x503: {  	s12 =	sshll.u32 s5, $0x2;
	[sflag:s11] =	ssyncset.done $0x0  }
0x504: {  	s13 =	sshll.u32 s6, $0x1;
	s8 =	sand.u32 $0x3FFFFFFC, s12;
	[sflag:s11] =	ssyncadd.s32 $0xFFFFC000  }
0x505: {  	s9 =	sand.u32 $0x3FFFFFFE, s13;
	s10 =	sld [smem:s8+$0x0]  }
0x506: {  	s7 =	sld [smem:s9+$0x0];
	_ =	sdelay $0x2  }
0x507: {  	s11 =	ssub.s32 s7, s10  }
0x508: {  	s11 =	sadd.s32 $0xF, s11  }
0x509: {  	p0 =	slt.s32 s11, $0x10  }
.Ltmp72:
0x50a: {  	_ = 	snop;
	(pc) =	sbr.rel @p0 .LBB3_91-.Ltmp72, $3  }
0x50b: {  	_ =	sdelay $0x1  }
0x50c: {  	s12 =	sshll.u32 s5, $0xC  }
0x50d: {  	v2 =	vmov s12  }
0x50e: {  	s12 =	sshra.s32 s11, $0x1F  }
0x50f: {  	s12 =	sshrl.u32 s12, $0x1C  }
0x510: {  	s13 =	sadd.s32 s12, s11  }
0x511: {  	s11 =	sshra.s32 s13, $0x4  }
0x512: {  	p0 =	sne.s32 s11, $0x1  }
.Ltmp73:
0x513: {  	_ = 	snop;
	(pc) =	sbr.rel @!p0 .LBB3_87-.Ltmp73, $2  }
0x514: {  	_ =	sdelay $0x2  }
0x515: {  	v3 =	vmov s7;
	v4 =	vadd.s32 s10, v0;
	p6 =	por $0x0, $0x0;
	s11 =	sadd.s32 $0xFFFFFFFF, s11  }
0x516: {  	_ =	sdelay $0x3  }
0x517: {  	v5 =	vld.idx.msk [tilespmem:v4+s23+$0x0], $0xffff;
	_ =	sdelay $0x4  }
0x518: {  	v6 =	vshra.s32 v5, $0xC  }
0x519: {  	v6 =	vsub.s32 v6, v2  }
0x51a: {  	vm0 =	vgt.s32 v6, $0x0  }
0x51b: {  	v6 =	vnsel vm0, $0x0, v6  }
0x51c: {  	v6 =	vmin.u32 v6, $0x7FF  }
0x51d: {  	v7 =	vshll.u32 v6, $0x3  }
0x51e: {  	v6 =	vand.u32 $0x7F, v6;
	v7 =	vand.u32 $0x3C00, v7  }
0x51f: {  	v6 =	vor.u32 v6, v7;
	_ =	sdelay $0x2  }
0x520: {  	v7 =	vshll.u32 v5, $0x3  }
0x521: {  	vm0 =	vlt.s32 v4, v3;
	v4 =	vand.u32 $0x7F, v5;
	v7 =	vand.u32 $0x7C00, v7  }
0x522: {  	v4 =	vor.u32 v4, v7;
	v5 =	vld.idx.msk [tilespmem:v6+s29+$0x0], $0xffff  }
0x523: {  	v7 =	vor.u32 $0x80, v6;
	_ =	sdelay $0x3  }
0x524: {  	[tilespmem:v4+s25+$0x0] =	vst.idx.msk vm0, v5  }
0x525: {  	v5 =	vld.idx.msk [tilespmem:v7+s29+$0x0], $0xffff;
	v7 =	vor.u32 $0x80, v4  }
0x526: {  	v8 =	vor.u32 $0x100, v6;
	_ =	sdelay $0x3  }
0x527: {  	[tilespmem:v7+s25+$0x0] =	vst.idx.msk vm0, v5  }
0x528: {  	v7 =	vor.u32 $0x100, v4;
	v5 =	vld.idx.msk [tilespmem:v8+s29+$0x0], $0xffff  }
0x529: {  	v8 =	vor.u32 $0x180, v6;
	_ =	sdelay $0x3  }
0x52a: {  	[tilespmem:v7+s25+$0x0] =	vst.idx.msk vm0, v5  }
0x52b: {  	v7 =	vor.u32 $0x180, v4;
	v5 =	vld.idx.msk [tilespmem:v8+s29+$0x0], $0xffff  }
0x52c: {  	v8 =	vor.u32 $0x200, v6;
	_ =	sdelay $0x3  }
0x52d: {  	[tilespmem:v7+s25+$0x0] =	vst.idx.msk vm0, v5  }
0x52e: {  	v7 =	vor.u32 $0x200, v4;
	v5 =	vld.idx.msk [tilespmem:v8+s29+$0x0], $0xffff  }
0x52f: {  	v8 =	vor.u32 $0x280, v6;
	_ =	sdelay $0x3  }
0x530: {  	[tilespmem:v7+s25+$0x0] =	vst.idx.msk vm0, v5  }
0x531: {  	v7 =	vor.u32 $0x280, v4;
	v5 =	vld.idx.msk [tilespmem:v8+s29+$0x0], $0xffff  }
0x532: {  	v8 =	vor.u32 $0x300, v6;
	_ =	sdelay $0x3  }
0x533: {  	[tilespmem:v7+s25+$0x0] =	vst.idx.msk vm0, v5  }
0x534: {  	v7 =	vor.u32 $0x300, v4;
	v5 =	vld.idx.msk [tilespmem:v8+s29+$0x0], $0xffff  }
0x535: {  	v6 =	vor.u32 $0x380, v6  }
0x536: {  	p0 =	sne.s32 s11, $0x1  }
.Ltmp74:
0x537: {  	_ = 	snop;
	(pc) =	sbr.rel @!p0 .LBB3_90-.Ltmp74, $4  }
0x538: {  	_ = 	snop  }
0x539: {  	[tilespmem:v7+s25+$0x0] =	vst.idx.msk vm0, v5  }
0x53a: {  	s10 =	sadd.s32 $0x10, s10;
	v5 =	vld.idx.msk [tilespmem:v6+s29+$0x0], $0xffff;
	v6 =	vor.u32 $0x380, v4  }
0x53b: {  	s11 =	sadd.s32 $0xFFFFFFFF, s11;
	p6 =	por $0x1, $0x1;
	v4 =	vadd.s32 s10, v0  }
.LBB3_89:
0x53c: {  	_ =	sdelay $0x2  }
0x53d: {  	p0 =	sne.s32 s11, $0x1;
	s11 =	sadd.s32 $0xFFFFFFFF, s11;
	[tilespmem:v6+s25+$0x0] =	vst.idx.msk vm0, v5  }
0x53e: {  	v5 =	vld.idx.msk [tilespmem:v4+s23+$0x0], $0xffff;
	_ =	sdelay $0x5  }
0x53f: {  	v6 =	vshra.s32 v5, $0xC;
	v7 =	vshll.u32 v5, $0x3  }
0x540: {  	v6 =	vsub.s32 v6, v2;
	v7 =	vand.u32 $0x7C00, v7  }
0x541: {  	vm0 =	vgt.s32 v6, $0x0  }
0x542: {  	v6 =	vnsel vm0, $0x0, v6  }
0x543: {  	v6 =	vmin.u32 v6, $0x7FF  }
0x544: {  	v8 =	vshll.u32 v6, $0x3  }
0x545: {  	v6 =	vand.u32 $0x7F, v6;
	v8 =	vand.u32 $0x3C00, v8  }
0x546: {  	v6 =	vor.u32 v6, v8;
	_ =	sdelay $0x4  }
0x547: {  	v5 =	vand.u32 $0x7F, v5;
	vm0 =	vlt.s32 v4, v3;
	v4 =	vld.idx.msk [tilespmem:v6+s29+$0x0], $0xffff  }
0x548: {  	v7 =	vor.u32 v5, v7  }
0x549: {  	v5 =	vor.u32 $0x80, v6;
	_ =	sdelay $0x3  }
0x54a: {  	[tilespmem:v7+s25+$0x0] =	vst.idx.msk vm0, v4  }
0x54b: {  	v4 =	vld.idx.msk [tilespmem:v5+s29+$0x0], $0xffff  }
0x54c: {  	v5 =	vor.u32 $0x80, v7  }
0x54d: {  	v8 =	vor.u32 $0x100, v6;
	_ =	sdelay $0x3  }
0x54e: {  	[tilespmem:v5+s25+$0x0] =	vst.idx.msk vm0, v4  }
0x54f: {  	v4 =	vld.idx.msk [tilespmem:v8+s29+$0x0], $0xffff  }
0x550: {  	v5 =	vor.u32 $0x100, v7  }
0x551: {  	v8 =	vor.u32 $0x180, v6;
	_ =	sdelay $0x3  }
0x552: {  	[tilespmem:v5+s25+$0x0] =	vst.idx.msk vm0, v4  }
0x553: {  	v4 =	vld.idx.msk [tilespmem:v8+s29+$0x0], $0xffff  }
0x554: {  	v5 =	vor.u32 $0x180, v7  }
0x555: {  	v8 =	vor.u32 $0x200, v6;
	_ =	sdelay $0x3  }
0x556: {  	[tilespmem:v5+s25+$0x0] =	vst.idx.msk vm0, v4  }
0x557: {  	v4 =	vld.idx.msk [tilespmem:v8+s29+$0x0], $0xffff  }
0x558: {  	v5 =	vor.u32 $0x200, v7  }
0x559: {  	v8 =	vor.u32 $0x280, v6;
	_ =	sdelay $0x3  }
0x55a: {  	[tilespmem:v5+s25+$0x0] =	vst.idx.msk vm0, v4  }
0x55b: {  	v4 =	vld.idx.msk [tilespmem:v8+s29+$0x0], $0xffff  }
0x55c: {  	v5 =	vor.u32 $0x280, v7  }
0x55d: {  	v8 =	vor.u32 $0x300, v6;
	_ =	sdelay $0x3  }
0x55e: {  	[tilespmem:v5+s25+$0x0] =	vst.idx.msk vm0, v4  }
0x55f: {  	v4 =	vld.idx.msk [tilespmem:v8+s29+$0x0], $0xffff  }
0x560: {  	v5 =	vor.u32 $0x300, v7  }
0x561: {  	v6 =	vor.u32 $0x380, v6;
	_ =	sdelay $0x2  }
.Ltmp75:
0x562: {  	(pc) =	sbr.rel @p0 .LBB3_89-.Ltmp75, $4  }
0x563: {  	[tilespmem:v5+s25+$0x0] =	vst.idx.msk vm0, v4  }
0x564: {  	v5 =	vld.idx.msk [tilespmem:v6+s29+$0x0], $0xffff  }
0x565: {  	s10 =	sadd.s32 $0x10, s10;
	v6 =	vor.u32 $0x380, v7  }
0x566: {  	v4 =	vadd.s32 s10, v0  }
.LBB3_90:
0x567: {  	_ =	sdelay $0x4  }
0x568: {  	[tilespmem:v6+s25+$0x0] =	vst.idx.msk @p6 vm0, v5  }
0x569: {  	v5 =	vld.idx.msk [tilespmem:v4+s23+$0x0], $0xffff;
	_ =	sdelay $0x4  }
0x56a: {  	v49 =	vshra.s32 v5, $0xC  }
0x56b: {  	v6 =	vsub.s32 v49, v2  }
0x56c: {  	vm14 =	vgt.s32 v6, $0x0  }
0x56d: {  	v6 =	vnsel vm14, $0x0, v6  }
0x56e: {  	v6 =	vmin.u32 v6, $0x7FF  }
0x56f: {  	v7 =	vshll.u32 v6, $0x3  }
0x570: {  	v6 =	vand.u32 $0x7F, v6;
	v7 =	vand.u32 $0x3C00, v7  }
0x571: {  	v6 =	vor.u32 v6, v7;
	_ =	sdelay $0x2  }
0x572: {  	v50 =	vshll.u32 v5, $0x3  }
0x573: {  	vm15 =	vlt.s32 v4, v3;
	v3 =	vand.u32 $0x7F, v5;
	v7 =	vand.u32 $0x7C00, v50  }
0x574: {  	v3 =	vor.u32 v3, v7;
	v51 =	vld.idx.msk [tilespmem:v6+s29+$0x0], $0xffff  }
0x575: {  	v52 =	vor.u32 $0x80, v6;
	_ =	sdelay $0x3  }
0x576: {  	[tilespmem:v3+s25+$0x0] =	vst.idx.msk vm15, v51  }
0x577: {  	v53 =	vor.u32 $0x80, v3;
	v4 =	vld.idx.msk [tilespmem:v52+s29+$0x0], $0xffff  }
0x578: {  	v54 =	vor.u32 $0x100, v6;
	_ =	sdelay $0x3  }
0x579: {  	[tilespmem:v53+s25+$0x0] =	vst.idx.msk vm15, v4  }
0x57a: {  	v55 =	vor.u32 $0x100, v3;
	v4 =	vld.idx.msk [tilespmem:v54+s29+$0x0], $0xffff  }
0x57b: {  	v56 =	vor.u32 $0x180, v6;
	_ =	sdelay $0x3  }
0x57c: {  	[tilespmem:v55+s25+$0x0] =	vst.idx.msk vm15, v4  }
0x57d: {  	v57 =	vor.u32 $0x180, v3;
	v4 =	vld.idx.msk [tilespmem:v56+s29+$0x0], $0xffff  }
0x57e: {  	v58 =	vor.u32 $0x200, v6;
	_ =	sdelay $0x3  }
0x57f: {  	[tilespmem:v57+s25+$0x0] =	vst.idx.msk vm15, v4  }
0x580: {  	v59 =	vor.u32 $0x200, v3;
	v4 =	vld.idx.msk [tilespmem:v58+s29+$0x0], $0xffff  }
0x581: {  	v60 =	vor.u32 $0x280, v6;
	_ =	sdelay $0x3  }
0x582: {  	[tilespmem:v59+s25+$0x0] =	vst.idx.msk vm15, v4  }
0x583: {  	v61 =	vor.u32 $0x280, v3;
	v4 =	vld.idx.msk [tilespmem:v60+s29+$0x0], $0xffff  }
0x584: {  	v62 =	vor.u32 $0x300, v6;
	_ =	sdelay $0x3  }
0x585: {  	[tilespmem:v61+s25+$0x0] =	vst.idx.msk vm15, v4  }
0x586: {  	v63 =	vor.u32 $0x300, v3;
	v4 =	vld.idx.msk [tilespmem:v62+s29+$0x0], $0xffff  }
0x587: {  	v6 =	vor.u32 $0x380, v6;
	_ =	sdelay $0x3  }
0x588: {  	[tilespmem:v63+s25+$0x0] =	vst.idx.msk vm15, v4  }
0x589: {  	v3 =	vor.u32 $0x380, v3;
	v4 =	vld.idx.msk [tilespmem:v6+s29+$0x0], $0xffff;
	_ =	sdelay $0x4  }
0x58a: {  	[tilespmem:v3+s25+$0x0] =	vst.idx.msk vm15, v4  }
.LBB3_91:
0x58b: {  	s10 =	sld [smem:s8+$0x1]  }
0x58c: {  	s8 =	sld [smem:s9+$0x1];
	_ =	sdelay $0x2  }
0x58d: {  	s9 =	ssub.s32 s8, s10  }
0x58e: {  	s9 =	sadd.s32 $0xF, s9  }
0x58f: {  	p0 =	slt.s32 s9, $0x10  }
.Ltmp76:
0x590: {  	_ = 	snop;
	(pc) =	sbr.rel @p0 .LBB3_97-.Ltmp76, $1  }
0x591: {  	_ =	sdelay $0x3  }
0x592: {  	s11 =	sshra.s32 s9, $0x1F  }
0x593: {  	s11 =	sshrl.u32 s11, $0x1C  }
0x594: {  	s13 =	sadd.s32 s11, s9  }
0x595: {  	s9 =	sshra.s32 s13, $0x4  }
0x596: {  	p0 =	sne.s32 s9, $0x1  }
.Ltmp77:
0x597: {  	_ = 	snop;
	(pc) =	sbr.rel @!p0 .LBB3_93-.Ltmp77, $2  }
0x598: {  	_ =	sdelay $0x2  }
0x599: {  	v3 =	vmov s8;
	v4 =	vadd.s32 s10, v0;
	p6 =	por $0x0, $0x0;
	s11 =	sadd.s32 $0xFFFFFFFF, s9  }
0x59a: {  	_ =	sdelay $0x3  }
0x59b: {  	v5 =	vld.idx.msk [tilespmem:v4+s1+$0x0], $0xffff;
	_ =	sdelay $0x4  }
0x59c: {  	v6 =	vshra.s32 v5, $0xC  }
0x59d: {  	v6 =	vsub.s32 v6, v2  }
0x59e: {  	vm0 =	vgt.s32 v6, $0x0  }
0x59f: {  	v6 =	vnsel vm0, $0x0, v6  }
0x5a0: {  	v6 =	vmin.u32 v6, $0x7FF  }
0x5a1: {  	v7 =	vshll.u32 v6, $0x3  }
0x5a2: {  	v6 =	vand.u32 $0x7F, v6;
	v7 =	vand.u32 $0x3C00, v7  }
0x5a3: {  	v6 =	vor.u32 v6, v7;
	_ =	sdelay $0x2  }
0x5a4: {  	v7 =	vshll.u32 v5, $0x3  }
0x5a5: {  	vm0 =	vlt.s32 v4, v3;
	v4 =	vand.u32 $0x7F, v5;
	v7 =	vand.u32 $0x7C00, v7  }
0x5a6: {  	v4 =	vor.u32 v4, v7;
	v5 =	vld.idx.msk [tilespmem:v6+s29+$0x0], $0xffff  }
0x5a7: {  	v7 =	vor.u32 $0x80, v6;
	_ =	sdelay $0x3  }
0x5a8: {  	[tilespmem:v4+s26+$0x0] =	vst.idx.msk vm0, v5  }
0x5a9: {  	v5 =	vld.idx.msk [tilespmem:v7+s29+$0x0], $0xffff;
	v7 =	vor.u32 $0x80, v4  }
0x5aa: {  	v8 =	vor.u32 $0x100, v6;
	_ =	sdelay $0x3  }
0x5ab: {  	[tilespmem:v7+s26+$0x0] =	vst.idx.msk vm0, v5  }
0x5ac: {  	v7 =	vor.u32 $0x100, v4;
	v5 =	vld.idx.msk [tilespmem:v8+s29+$0x0], $0xffff  }
0x5ad: {  	v8 =	vor.u32 $0x180, v6;
	_ =	sdelay $0x3  }
0x5ae: {  	[tilespmem:v7+s26+$0x0] =	vst.idx.msk vm0, v5  }
0x5af: {  	v7 =	vor.u32 $0x180, v4;
	v5 =	vld.idx.msk [tilespmem:v8+s29+$0x0], $0xffff  }
0x5b0: {  	v8 =	vor.u32 $0x200, v6;
	_ =	sdelay $0x3  }
0x5b1: {  	[tilespmem:v7+s26+$0x0] =	vst.idx.msk vm0, v5  }
0x5b2: {  	v7 =	vor.u32 $0x200, v4;
	v5 =	vld.idx.msk [tilespmem:v8+s29+$0x0], $0xffff  }
0x5b3: {  	v8 =	vor.u32 $0x280, v6;
	_ =	sdelay $0x3  }
0x5b4: {  	[tilespmem:v7+s26+$0x0] =	vst.idx.msk vm0, v5  }
0x5b5: {  	v7 =	vor.u32 $0x280, v4;
	v5 =	vld.idx.msk [tilespmem:v8+s29+$0x0], $0xffff  }
0x5b6: {  	v8 =	vor.u32 $0x300, v6;
	_ =	sdelay $0x3  }
0x5b7: {  	[tilespmem:v7+s26+$0x0] =	vst.idx.msk vm0, v5  }
0x5b8: {  	v7 =	vor.u32 $0x300, v4;
	v5 =	vld.idx.msk [tilespmem:v8+s29+$0x0], $0xffff  }
0x5b9: {  	v6 =	vor.u32 $0x380, v6  }
0x5ba: {  	p0 =	sne.s32 s11, $0x1  }
.Ltmp78:
0x5bb: {  	_ = 	snop;
	(pc) =	sbr.rel @!p0 .LBB3_96-.Ltmp78, $4  }
0x5bc: {  	_ = 	snop  }
0x5bd: {  	[tilespmem:v7+s26+$0x0] =	vst.idx.msk vm0, v5  }
0x5be: {  	s9 =	sadd.s32 $0x10, s10;
	v5 =	vld.idx.msk [tilespmem:v6+s29+$0x0], $0xffff;
	v6 =	vor.u32 $0x380, v4  }
0x5bf: {  	s10 =	sadd.s32 $0xFFFFFFFF, s11;
	p6 =	por $0x1, $0x1;
	v4 =	vadd.s32 s9, v0  }
.LBB3_95:
0x5c0: {  	_ =	sdelay $0x2  }
0x5c1: {  	p0 =	sne.s32 s10, $0x1;
	s10 =	sadd.s32 $0xFFFFFFFF, s10;
	[tilespmem:v6+s26+$0x0] =	vst.idx.msk vm0, v5  }
0x5c2: {  	v5 =	vld.idx.msk [tilespmem:v4+s1+$0x0], $0xffff;
	_ =	sdelay $0x5  }
0x5c3: {  	v6 =	vshra.s32 v5, $0xC;
	v7 =	vshll.u32 v5, $0x3  }
0x5c4: {  	v6 =	vsub.s32 v6, v2;
	v7 =	vand.u32 $0x7C00, v7  }
0x5c5: {  	vm0 =	vgt.s32 v6, $0x0  }
0x5c6: {  	v6 =	vnsel vm0, $0x0, v6  }
0x5c7: {  	v6 =	vmin.u32 v6, $0x7FF  }
0x5c8: {  	v8 =	vshll.u32 v6, $0x3  }
0x5c9: {  	v6 =	vand.u32 $0x7F, v6;
	v8 =	vand.u32 $0x3C00, v8  }
0x5ca: {  	v6 =	vor.u32 v6, v8;
	_ =	sdelay $0x4  }
0x5cb: {  	v5 =	vand.u32 $0x7F, v5;
	vm0 =	vlt.s32 v4, v3;
	v4 =	vld.idx.msk [tilespmem:v6+s29+$0x0], $0xffff  }
0x5cc: {  	v7 =	vor.u32 v5, v7  }
0x5cd: {  	v5 =	vor.u32 $0x80, v6;
	_ =	sdelay $0x3  }
0x5ce: {  	[tilespmem:v7+s26+$0x0] =	vst.idx.msk vm0, v4  }
0x5cf: {  	v4 =	vld.idx.msk [tilespmem:v5+s29+$0x0], $0xffff  }
0x5d0: {  	v5 =	vor.u32 $0x80, v7  }
0x5d1: {  	v8 =	vor.u32 $0x100, v6;
	_ =	sdelay $0x3  }
0x5d2: {  	[tilespmem:v5+s26+$0x0] =	vst.idx.msk vm0, v4  }
0x5d3: {  	v4 =	vld.idx.msk [tilespmem:v8+s29+$0x0], $0xffff  }
0x5d4: {  	v5 =	vor.u32 $0x100, v7  }
0x5d5: {  	v8 =	vor.u32 $0x180, v6;
	_ =	sdelay $0x3  }
0x5d6: {  	[tilespmem:v5+s26+$0x0] =	vst.idx.msk vm0, v4  }
0x5d7: {  	v4 =	vld.idx.msk [tilespmem:v8+s29+$0x0], $0xffff  }
0x5d8: {  	v5 =	vor.u32 $0x180, v7  }
0x5d9: {  	v8 =	vor.u32 $0x200, v6;
	_ =	sdelay $0x3  }
0x5da: {  	[tilespmem:v5+s26+$0x0] =	vst.idx.msk vm0, v4  }
0x5db: {  	v4 =	vld.idx.msk [tilespmem:v8+s29+$0x0], $0xffff  }
0x5dc: {  	v5 =	vor.u32 $0x200, v7  }
0x5dd: {  	v8 =	vor.u32 $0x280, v6;
	_ =	sdelay $0x3  }
0x5de: {  	[tilespmem:v5+s26+$0x0] =	vst.idx.msk vm0, v4  }
0x5df: {  	v4 =	vld.idx.msk [tilespmem:v8+s29+$0x0], $0xffff  }
0x5e0: {  	v5 =	vor.u32 $0x280, v7  }
0x5e1: {  	v8 =	vor.u32 $0x300, v6;
	_ =	sdelay $0x3  }
0x5e2: {  	[tilespmem:v5+s26+$0x0] =	vst.idx.msk vm0, v4  }
0x5e3: {  	v4 =	vld.idx.msk [tilespmem:v8+s29+$0x0], $0xffff  }
0x5e4: {  	v5 =	vor.u32 $0x300, v7  }
0x5e5: {  	v6 =	vor.u32 $0x380, v6;
	_ =	sdelay $0x2  }
.Ltmp79:
0x5e6: {  	(pc) =	sbr.rel @p0 .LBB3_95-.Ltmp79, $4  }
0x5e7: {  	[tilespmem:v5+s26+$0x0] =	vst.idx.msk vm0, v4  }
0x5e8: {  	v5 =	vld.idx.msk [tilespmem:v6+s29+$0x0], $0xffff  }
0x5e9: {  	s9 =	sadd.s32 $0x10, s9;
	v6 =	vor.u32 $0x380, v7  }
0x5ea: {  	v4 =	vadd.s32 s9, v0  }
.LBB3_96:
0x5eb: {  	_ =	sdelay $0x4  }
0x5ec: {  	[tilespmem:v6+s26+$0x0] =	vst.idx.msk @p6 vm0, v5  }
0x5ed: {  	v5 =	vld.idx.msk [tilespmem:v4+s1+$0x0], $0xffff;
	_ =	sdelay $0x4  }
0x5ee: {  	v48 =	vshra.s32 v5, $0xC  }
0x5ef: {  	v2 =	vsub.s32 v48, v2  }
0x5f0: {  	vm14 =	vgt.s32 v2, $0x0  }
0x5f1: {  	v2 =	vnsel vm14, $0x0, v2  }
0x5f2: {  	v2 =	vmin.u32 v2, $0x7FF  }
0x5f3: {  	v49 =	vshll.u32 v2, $0x3  }
0x5f4: {  	v2 =	vand.u32 $0x7F, v2;
	v6 =	vand.u32 $0x3C00, v49  }
0x5f5: {  	v2 =	vor.u32 v2, v6;
	_ =	sdelay $0x2  }
0x5f6: {  	v50 =	vshll.u32 v5, $0x3  }
0x5f7: {  	vm15 =	vlt.s32 v4, v3;
	v3 =	vand.u32 $0x7F, v5;
	v6 =	vand.u32 $0x7C00, v50  }
0x5f8: {  	v3 =	vor.u32 v3, v6;
	v51 =	vld.idx.msk [tilespmem:v2+s29+$0x0], $0xffff  }
0x5f9: {  	v52 =	vor.u32 $0x80, v2;
	_ =	sdelay $0x3  }
0x5fa: {  	[tilespmem:v3+s26+$0x0] =	vst.idx.msk vm15, v51  }
0x5fb: {  	v53 =	vor.u32 $0x80, v3;
	v4 =	vld.idx.msk [tilespmem:v52+s29+$0x0], $0xffff  }
0x5fc: {  	v54 =	vor.u32 $0x100, v2;
	_ =	sdelay $0x3  }
0x5fd: {  	[tilespmem:v53+s26+$0x0] =	vst.idx.msk vm15, v4  }
0x5fe: {  	v55 =	vor.u32 $0x100, v3;
	v4 =	vld.idx.msk [tilespmem:v54+s29+$0x0], $0xffff  }
0x5ff: {  	v56 =	vor.u32 $0x180, v2;
	_ =	sdelay $0x3  }
0x600: {  	[tilespmem:v55+s26+$0x0] =	vst.idx.msk vm15, v4  }
0x601: {  	v57 =	vor.u32 $0x180, v3;
	v4 =	vld.idx.msk [tilespmem:v56+s29+$0x0], $0xffff  }
0x602: {  	v58 =	vor.u32 $0x200, v2;
	_ =	sdelay $0x3  }
0x603: {  	[tilespmem:v57+s26+$0x0] =	vst.idx.msk vm15, v4  }
0x604: {  	v59 =	vor.u32 $0x200, v3;
	v4 =	vld.idx.msk [tilespmem:v58+s29+$0x0], $0xffff  }
0x605: {  	v60 =	vor.u32 $0x280, v2;
	_ =	sdelay $0x3  }
0x606: {  	[tilespmem:v59+s26+$0x0] =	vst.idx.msk vm15, v4  }
0x607: {  	v61 =	vor.u32 $0x280, v3;
	v4 =	vld.idx.msk [tilespmem:v60+s29+$0x0], $0xffff  }
0x608: {  	v62 =	vor.u32 $0x300, v2;
	_ =	sdelay $0x3  }
0x609: {  	[tilespmem:v61+s26+$0x0] =	vst.idx.msk vm15, v4  }
0x60a: {  	v63 =	vor.u32 $0x300, v3;
	v4 =	vld.idx.msk [tilespmem:v62+s29+$0x0], $0xffff  }
0x60b: {  	v2 =	vor.u32 $0x380, v2;
	_ =	sdelay $0x3  }
0x60c: {  	[tilespmem:v63+s26+$0x0] =	vst.idx.msk vm15, v4  }
0x60d: {  	v3 =	vor.u32 $0x380, v3;
	v2 =	vld.idx.msk [tilespmem:v2+s29+$0x0], $0xffff;
	_ =	sdelay $0x4  }
0x60e: {  	[tilespmem:v3+s26+$0x0] =	vst.idx.msk vm15, v2  }
.LBB3_97:
0x60f: {  	s9 =	sshll.u32 s5, $0x1;
	s11 =	sld [smem:$0x7FD]  }
0x610: {  	s9 =	sadd.s32 $0x2, s9  }
0x611: {  	p0 =	seq.s32 s9, $0x30;
	s10 =	sshll.u32 s9, $0xB  }
0x612: {  	s10 =	simm.s32 @p0 $0x17E80;
	p0 =	seq.s32 s11, $0x1;
	s11 =	rddreg [dreg:$0x1e]  }
0x613: {  	s11 =	sadd.s32 @p0 s10, s11;
	s12 =	simm.s32 @p0 $0x0;
	s13 =	simm.s32 @p0 $0x6200  }
0x614: {  	[tilespmem:s13], [sflag:$0x1] =	stream.linear.gather @p0 [hbm4b:s11+s12], $0x4000, $0x38;
	[tilespmem:$0x1E200] =	vst v63  }
0x615: {  	s12 =	sld [smem:$0x7F8];
	_ =	sdelay $0x2  }
0x616: {  	s11 =	rddreg [dreg:$0x1f];
	p0 =	seq.s32 s12, $0x1  }
0x617: {  	s11 =	sadd.s32 @p0 s10, s11;
	s12 =	simm.s32 @p0 $0x0;
	s13 =	simm.s32 @p0 $0x6200  }
0x618: {  	[tilespmem:s13], [sflag:$0x1] =	stream.linear.gather @p0 [hbm4b:s11+s12], $0x4000, $0x38;
	[tilespmem:$0x1E200] =	vst v63  }
0x619: {  	s13 =	sld [smem:$0x7F9]  }
0x61a: {  	s11 =	sld [smem:$0x7E8];
	_ =	sdelay $0x1  }
0x61b: {  	p0 =	seq.s32 s13, $0x1  }
0x61c: {  	s11 =	sadd.s32 @p0 s10, s11;
	s12 =	simm.s32 @p0 $0x0;
	s13 =	simm.s32 @p0 $0x6200  }
0x61d: {  	[tilespmem:s13], [sflag:$0x1] =	stream.linear.gather @p0 [hbm4b:s11+s12], $0x4000, $0x38;
	[tilespmem:$0x1E200] =	vst v63  }
0x61e: {  	s12 =	sld [smem:$0x7F7]  }
0x61f: {  	s11 =	sld [smem:$0x7E9];
	_ =	sdelay $0x1  }
0x620: {  	p0 =	seq.s32 s12, $0x1  }
0x621: {  	s11 =	sadd.s32 @p0 s10, s11;
	s12 =	simm.s32 @p0 $0x0;
	s13 =	simm.s32 @p0 $0x6200  }
0x622: {  	[tilespmem:s13], [sflag:$0x1] =	stream.linear.gather @p0 [hbm4b:s11+s12], $0x4000, $0x38;
	[tilespmem:$0x1E200] =	vst v63  }
0x623: {  	s13 =	sld [smem:$0x7FA]  }
0x624: {  	s11 =	sld [smem:$0x7EA];
	_ =	sdelay $0x1  }
0x625: {  	p0 =	seq.s32 s13, $0x1  }
0x626: {  	s11 =	sadd.s32 @p0 s10, s11;
	s12 =	simm.s32 @p0 $0x0;
	s13 =	simm.s32 @p0 $0x6200  }
0x627: {  	[tilespmem:s13], [sflag:$0x1] =	stream.linear.gather @p0 [hbm4b:s11+s12], $0x4000, $0x38;
	[tilespmem:$0x1E200] =	vst v63  }
0x628: {  	s12 =	sld [smem:$0x7F6]  }
0x629: {  	s11 =	sld [smem:$0x7EB];
	_ =	sdelay $0x1  }
0x62a: {  	p0 =	seq.s32 s12, $0x1  }
0x62b: {  	s11 =	sadd.s32 @p0 s10, s11;
	s12 =	simm.s32 @p0 $0x0;
	s13 =	simm.s32 @p0 $0x6200  }
0x62c: {  	[tilespmem:s13], [sflag:$0x1] =	stream.linear.gather @p0 [hbm4b:s11+s12], $0x4000, $0x38;
	[tilespmem:$0x1E200] =	vst v63  }
0x62d: {  	s13 =	sld [smem:$0x7FB]  }
0x62e: {  	s11 =	sld [smem:$0x7EC];
	_ =	sdelay $0x1  }
0x62f: {  	p0 =	seq.s32 s13, $0x1  }
0x630: {  	s11 =	sadd.s32 @p0 s10, s11;
	s12 =	simm.s32 @p0 $0x0;
	s13 =	simm.s32 @p0 $0x6200  }
0x631: {  	[tilespmem:s13], [sflag:$0x1] =	stream.linear.gather @p0 [hbm4b:s11+s12], $0x4000, $0x38;
	[tilespmem:$0x1E200] =	vst v63  }
0x632: {  	s12 =	sld [smem:$0x7F5]  }
0x633: {  	s11 =	sld [smem:$0x7ED];
	_ =	sdelay $0x1  }
0x634: {  	p0 =	seq.s32 s12, $0x1  }
0x635: {  	s11 =	sadd.s32 @p0 s10, s11;
	s12 =	simm.s32 @p0 $0x0;
	s13 =	simm.s32 @p0 $0x6200  }
0x636: {  	[tilespmem:s13], [sflag:$0x1] =	stream.linear.gather @p0 [hbm4b:s11+s12], $0x4000, $0x38;
	[tilespmem:$0x1E200] =	vst v63  }
0x637: {  	s13 =	sld [smem:$0x7FC]  }
0x638: {  	s11 =	sld [smem:$0x7EE];
	_ =	sdelay $0x1  }
0x639: {  	p0 =	seq.s32 s13, $0x1  }
0x63a: {  	s11 =	sadd.s32 @p0 s10, s11;
	s12 =	simm.s32 @p0 $0x0;
	s13 =	simm.s32 @p0 $0x6200  }
0x63b: {  	[tilespmem:s13], [sflag:$0x1] =	stream.linear.gather @p0 [hbm4b:s11+s12], $0x4000, $0x38;
	[tilespmem:$0x1E200] =	vst v63  }
0x63c: {  	s12 =	sld [smem:$0x7F4];
	_ =	sdelay $0x2  }
0x63d: {  	p0 =	seq.s32 s12, $0x1  }
0x63e: {  	s11 =	sadd.s32 @p0 s10, s2;
	s12 =	simm.s32 @p0 $0x0;
	s13 =	simm.s32 @p0 $0x6200  }
0x63f: {  	[tilespmem:s13], [sflag:$0x1] =	stream.linear.gather @p0 [hbm4b:s11+s12], $0x4000, $0x38;
	[tilespmem:$0x1E200] =	vst v63  }
0x640: {  	s11 =	sadd.s32 @p1 s10, s15;
	s12 =	simm.s32 @p1 $0x0;
	s13 =	simm.s32 @p1 $0x6200  }
0x641: {  	[tilespmem:s13], [sflag:$0x1] =	stream.linear.gather @p1 [hbm4b:s11+s12], $0x4000, $0x38;
	[tilespmem:$0x1E200] =	vst v63  }
0x642: {  	s13 =	sld [smem:$0x7F3];
	_ =	sdelay $0x2  }
0x643: {  	p0 =	seq.s32 s13, $0x1  }
0x644: {  	s11 =	sadd.s32 @p0 s10, s16;
	s12 =	simm.s32 @p0 $0x0;
	s13 =	simm.s32 @p0 $0x6200  }
0x645: {  	[tilespmem:s13], [sflag:$0x1] =	stream.linear.gather @p0 [hbm4b:s11+s12], $0x4000, $0x38;
	[tilespmem:$0x1E200] =	vst v63  }
0x646: {  	s11 =	sadd.s32 @p2 s10, s17;
	s12 =	simm.s32 @p2 $0x0;
	s13 =	simm.s32 @p2 $0x6200  }
0x647: {  	[tilespmem:s13], [sflag:$0x1] =	stream.linear.gather @p2 [hbm4b:s11+s12], $0x4000, $0x38;
	[tilespmem:$0x1E200] =	vst v63  }
0x648: {  	s12 =	sld [smem:$0x7F2];
	_ =	sdelay $0x2  }
0x649: {  	p0 =	seq.s32 s12, $0x1  }
0x64a: {  	s11 =	sadd.s32 @p0 s10, s18;
	s12 =	simm.s32 @p0 $0x0;
	s13 =	simm.s32 @p0 $0x6200  }
0x64b: {  	[tilespmem:s13], [sflag:$0x1] =	stream.linear.gather @p0 [hbm4b:s11+s12], $0x4000, $0x38;
	[tilespmem:$0x1E200] =	vst v63  }
0x64c: {  	s11 =	sadd.s32 @p3 s10, s19;
	s12 =	simm.s32 @p3 $0x0;
	s13 =	simm.s32 @p3 $0x6200  }
0x64d: {  	[tilespmem:s13], [sflag:$0x1] =	stream.linear.gather @p3 [hbm4b:s11+s12], $0x4000, $0x38;
	[tilespmem:$0x1E200] =	vst v63  }
0x64e: {  	s13 =	sld [smem:$0x7F1];
	_ =	sdelay $0x2  }
0x64f: {  	p0 =	seq.s32 s13, $0x1  }
0x650: {  	s11 =	sadd.s32 @p0 s10, s20;
	s12 =	simm.s32 @p0 $0x0;
	s13 =	simm.s32 @p0 $0x6200  }
0x651: {  	[tilespmem:s13], [sflag:$0x1] =	stream.linear.gather @p0 [hbm4b:s11+s12], $0x4000, $0x38;
	[tilespmem:$0x1E200] =	vst v63  }
0x652: {  	s11 =	sadd.s32 @p4 s10, s21;
	s12 =	simm.s32 @p4 $0x0;
	s13 =	simm.s32 @p4 $0x6200  }
0x653: {  	[tilespmem:s13], [sflag:$0x1] =	stream.linear.gather @p4 [hbm4b:s11+s12], $0x4000, $0x38;
	[tilespmem:$0x1E200] =	vst v63  }
0x654: {  	s12 =	sld [smem:$0x7F0];
	_ =	sdelay $0x2  }
0x655: {  	p0 =	seq.s32 s12, $0x1  }
0x656: {  	s11 =	sadd.s32 @p0 s10, s24;
	s12 =	simm.s32 @p0 $0x0;
	s13 =	simm.s32 @p0 $0x6200  }
0x657: {  	[tilespmem:s13], [sflag:$0x1] =	stream.linear.gather @p0 [hbm4b:s11+s12], $0x4000, $0x38;
	[tilespmem:$0x1E200] =	vst v63  }
0x658: {  	s11 =	sadd.s32 @p5 s10, s28;
	s12 =	simm.s32 @p5 $0x0;
	s13 =	simm.s32 @p5 $0x6200  }
0x659: {  	[tilespmem:s13], [sflag:$0x1] =	stream.linear.gather @p5 [hbm4b:s11+s12], $0x4000, $0x38;
	[tilespmem:$0x1E200] =	vst v63  }
0x65a: {  	s13 =	sld [smem:$0x7EF];
	_ =	sdelay $0x2  }
0x65b: {  	p0 =	seq.s32 s13, $0x1  }
0x65c: {  	s10 =	sadd.s32 @p0 s10, s30;
	s11 =	simm.s32 @p0 $0x0;
	s12 =	simm.s32 @p0 $0x6200  }
0x65d: {  	[tilespmem:s12], [sflag:$0x1] =	stream.linear.gather @p0 [hbm4b:s10+s11], $0x4000, $0x38;
	[tilespmem:$0x1E200] =	vst v63  }
0x65e: {  	s12 =	simm.s32 $0x2  }
0x65f: {  	_ =	swait.ge [sflag:s12], $0x4000  }
0x660: {  	s9 =	sshll.u32 s9, $0x1;
	[sflag:s12] =	ssyncset.done $0x0  }
0x661: {  	s9 =	sand.u32 $0x3FFFFFFE, s9;
	[sflag:s12] =	ssyncadd.s32 $0xFFFFC000  }
0x662: {  	s10 =	sld [smem:s9+$0x0];
	_ =	sdelay $0x2  }
0x663: {  	s13 =	ssub.s32 s10, s7  }
0x664: {  	s11 =	sadd.s32 $0xF, s13  }
0x665: {  	p0 =	slt.s32 s11, $0x10  }
.Ltmp80:
0x666: {  	_ = 	snop;
	(pc) =	sbr.rel @p0 .LBB3_103-.Ltmp80, $3  }
0x667: {  	_ =	sdelay $0x1  }
0x668: {  	s6 =	sshll.u32 s6, $0xB  }
0x669: {  	v2 =	vmov s6  }
0x66a: {  	s6 =	sshra.s32 s11, $0x1F  }
0x66b: {  	s6 =	sshrl.u32 s6, $0x1C  }
0x66c: {  	s6 =	sadd.s32 s6, s11  }
0x66d: {  	s6 =	sshra.s32 s6, $0x4  }
0x66e: {  	p0 =	sne.s32 s6, $0x1  }
.Ltmp81:
0x66f: {  	_ = 	snop;
	(pc) =	sbr.rel @!p0 .LBB3_99-.Ltmp81, $2  }
0x670: {  	_ =	sdelay $0x2  }
0x671: {  	v3 =	vmov s10;
	v4 =	vadd.s32 s7, v0;
	p6 =	por $0x0, $0x0;
	s10 =	sadd.s32 $0xFFFFFFFF, s6  }
0x672: {  	_ =	sdelay $0x3  }
0x673: {  	v5 =	vld.idx.msk [tilespmem:v4+s23+$0x0], $0xffff;
	_ =	sdelay $0x4  }
0x674: {  	v6 =	vshra.s32 v5, $0xC  }
0x675: {  	v6 =	vsub.s32 v6, v2  }
0x676: {  	vm0 =	vgt.s32 v6, $0x0  }
0x677: {  	v6 =	vnsel vm0, $0x0, v6  }
0x678: {  	v6 =	vmin.u32 v6, $0x7FF  }
0x679: {  	v7 =	vshll.u32 v6, $0x3  }
0x67a: {  	v6 =	vand.u32 $0x7F, v6;
	v7 =	vand.u32 $0x3C00, v7  }
0x67b: {  	v6 =	vor.u32 v6, v7;
	_ =	sdelay $0x2  }
0x67c: {  	v7 =	vshll.u32 v5, $0x3  }
0x67d: {  	vm0 =	vlt.s32 v4, v3;
	v4 =	vand.u32 $0x7F, v5;
	v7 =	vand.u32 $0x7C00, v7  }
0x67e: {  	v4 =	vor.u32 v4, v7;
	v5 =	vld.idx.msk [tilespmem:v6+s3+$0x0], $0xffff  }
0x67f: {  	v7 =	vor.u32 $0x80, v6;
	_ =	sdelay $0x3  }
0x680: {  	[tilespmem:v4+s25+$0x0] =	vst.idx.msk vm0, v5  }
0x681: {  	v5 =	vld.idx.msk [tilespmem:v7+s3+$0x0], $0xffff;
	v7 =	vor.u32 $0x80, v4  }
0x682: {  	v8 =	vor.u32 $0x100, v6;
	_ =	sdelay $0x3  }
0x683: {  	[tilespmem:v7+s25+$0x0] =	vst.idx.msk vm0, v5  }
0x684: {  	v7 =	vor.u32 $0x100, v4;
	v5 =	vld.idx.msk [tilespmem:v8+s3+$0x0], $0xffff  }
0x685: {  	v8 =	vor.u32 $0x180, v6;
	_ =	sdelay $0x3  }
0x686: {  	[tilespmem:v7+s25+$0x0] =	vst.idx.msk vm0, v5  }
0x687: {  	v7 =	vor.u32 $0x180, v4;
	v5 =	vld.idx.msk [tilespmem:v8+s3+$0x0], $0xffff  }
0x688: {  	v8 =	vor.u32 $0x200, v6;
	_ =	sdelay $0x3  }
0x689: {  	[tilespmem:v7+s25+$0x0] =	vst.idx.msk vm0, v5  }
0x68a: {  	v7 =	vor.u32 $0x200, v4;
	v5 =	vld.idx.msk [tilespmem:v8+s3+$0x0], $0xffff  }
0x68b: {  	v8 =	vor.u32 $0x280, v6;
	_ =	sdelay $0x3  }
0x68c: {  	[tilespmem:v7+s25+$0x0] =	vst.idx.msk vm0, v5  }
0x68d: {  	v7 =	vor.u32 $0x280, v4;
	v5 =	vld.idx.msk [tilespmem:v8+s3+$0x0], $0xffff  }
0x68e: {  	v8 =	vor.u32 $0x300, v6;
	_ =	sdelay $0x3  }
0x68f: {  	[tilespmem:v7+s25+$0x0] =	vst.idx.msk vm0, v5  }
0x690: {  	v7 =	vor.u32 $0x300, v4;
	v5 =	vld.idx.msk [tilespmem:v8+s3+$0x0], $0xffff  }
0x691: {  	v6 =	vor.u32 $0x380, v6  }
0x692: {  	p0 =	sne.s32 s10, $0x1  }
.Ltmp82:
0x693: {  	_ = 	snop;
	(pc) =	sbr.rel @!p0 .LBB3_102-.Ltmp82, $4  }
0x694: {  	_ = 	snop  }
0x695: {  	[tilespmem:v7+s25+$0x0] =	vst.idx.msk vm0, v5  }
0x696: {  	s6 =	sadd.s32 $0x10, s7;
	v5 =	vld.idx.msk [tilespmem:v6+s3+$0x0], $0xffff;
	v6 =	vor.u32 $0x380, v4  }
0x697: {  	s7 =	sadd.s32 $0xFFFFFFFF, s10;
	p6 =	por $0x1, $0x1;
	v4 =	vadd.s32 s6, v0  }
.LBB3_101:
0x698: {  	_ =	sdelay $0x2  }
0x699: {  	p0 =	sne.s32 s7, $0x1;
	s7 =	sadd.s32 $0xFFFFFFFF, s7;
	[tilespmem:v6+s25+$0x0] =	vst.idx.msk vm0, v5  }
0x69a: {  	v5 =	vld.idx.msk [tilespmem:v4+s23+$0x0], $0xffff;
	_ =	sdelay $0x5  }
0x69b: {  	v6 =	vshra.s32 v5, $0xC;
	v7 =	vshll.u32 v5, $0x3  }
0x69c: {  	v6 =	vsub.s32 v6, v2;
	v7 =	vand.u32 $0x7C00, v7  }
0x69d: {  	vm0 =	vgt.s32 v6, $0x0  }
0x69e: {  	v6 =	vnsel vm0, $0x0, v6  }
0x69f: {  	v6 =	vmin.u32 v6, $0x7FF  }
0x6a0: {  	v8 =	vshll.u32 v6, $0x3  }
0x6a1: {  	v6 =	vand.u32 $0x7F, v6;
	v8 =	vand.u32 $0x3C00, v8  }
0x6a2: {  	v6 =	vor.u32 v6, v8;
	_ =	sdelay $0x4  }
0x6a3: {  	v5 =	vand.u32 $0x7F, v5;
	vm0 =	vlt.s32 v4, v3;
	v4 =	vld.idx.msk [tilespmem:v6+s3+$0x0], $0xffff  }
0x6a4: {  	v7 =	vor.u32 v5, v7  }
0x6a5: {  	v5 =	vor.u32 $0x80, v6;
	_ =	sdelay $0x3  }
0x6a6: {  	[tilespmem:v7+s25+$0x0] =	vst.idx.msk vm0, v4  }
0x6a7: {  	v4 =	vld.idx.msk [tilespmem:v5+s3+$0x0], $0xffff  }
0x6a8: {  	v5 =	vor.u32 $0x80, v7  }
0x6a9: {  	v8 =	vor.u32 $0x100, v6;
	_ =	sdelay $0x3  }
0x6aa: {  	[tilespmem:v5+s25+$0x0] =	vst.idx.msk vm0, v4  }
0x6ab: {  	v4 =	vld.idx.msk [tilespmem:v8+s3+$0x0], $0xffff  }
0x6ac: {  	v5 =	vor.u32 $0x100, v7  }
0x6ad: {  	v8 =	vor.u32 $0x180, v6;
	_ =	sdelay $0x3  }
0x6ae: {  	[tilespmem:v5+s25+$0x0] =	vst.idx.msk vm0, v4  }
0x6af: {  	v4 =	vld.idx.msk [tilespmem:v8+s3+$0x0], $0xffff  }
0x6b0: {  	v5 =	vor.u32 $0x180, v7  }
0x6b1: {  	v8 =	vor.u32 $0x200, v6;
	_ =	sdelay $0x3  }
0x6b2: {  	[tilespmem:v5+s25+$0x0] =	vst.idx.msk vm0, v4  }
0x6b3: {  	v4 =	vld.idx.msk [tilespmem:v8+s3+$0x0], $0xffff  }
0x6b4: {  	v5 =	vor.u32 $0x200, v7  }
0x6b5: {  	v8 =	vor.u32 $0x280, v6;
	_ =	sdelay $0x3  }
0x6b6: {  	[tilespmem:v5+s25+$0x0] =	vst.idx.msk vm0, v4  }
0x6b7: {  	v4 =	vld.idx.msk [tilespmem:v8+s3+$0x0], $0xffff  }
0x6b8: {  	v5 =	vor.u32 $0x280, v7  }
0x6b9: {  	v8 =	vor.u32 $0x300, v6;
	_ =	sdelay $0x3  }
0x6ba: {  	[tilespmem:v5+s25+$0x0] =	vst.idx.msk vm0, v4  }
0x6bb: {  	v4 =	vld.idx.msk [tilespmem:v8+s3+$0x0], $0xffff  }
0x6bc: {  	v5 =	vor.u32 $0x300, v7  }
0x6bd: {  	v6 =	vor.u32 $0x380, v6;
	_ =	sdelay $0x2  }
.Ltmp83:
0x6be: {  	(pc) =	sbr.rel @p0 .LBB3_101-.Ltmp83, $4  }
0x6bf: {  	[tilespmem:v5+s25+$0x0] =	vst.idx.msk vm0, v4  }
0x6c0: {  	v5 =	vld.idx.msk [tilespmem:v6+s3+$0x0], $0xffff  }
0x6c1: {  	s6 =	sadd.s32 $0x10, s6;
	v6 =	vor.u32 $0x380, v7  }
0x6c2: {  	v4 =	vadd.s32 s6, v0  }
.LBB3_102:
0x6c3: {  	_ =	sdelay $0x4  }
0x6c4: {  	[tilespmem:v6+s25+$0x0] =	vst.idx.msk @p6 vm0, v5  }
0x6c5: {  	v5 =	vld.idx.msk [tilespmem:v4+s23+$0x0], $0xffff;
	_ =	sdelay $0x4  }
0x6c6: {  	v49 =	vshra.s32 v5, $0xC  }
0x6c7: {  	v6 =	vsub.s32 v49, v2  }
0x6c8: {  	vm14 =	vgt.s32 v6, $0x0  }
0x6c9: {  	v6 =	vnsel vm14, $0x0, v6  }
0x6ca: {  	v6 =	vmin.u32 v6, $0x7FF  }
0x6cb: {  	v7 =	vshll.u32 v6, $0x3  }
0x6cc: {  	v6 =	vand.u32 $0x7F, v6;
	v7 =	vand.u32 $0x3C00, v7  }
0x6cd: {  	v6 =	vor.u32 v6, v7;
	_ =	sdelay $0x2  }
0x6ce: {  	v50 =	vshll.u32 v5, $0x3  }
0x6cf: {  	vm15 =	vlt.s32 v4, v3;
	v3 =	vand.u32 $0x7F, v5;
	v7 =	vand.u32 $0x7C00, v50  }
0x6d0: {  	v3 =	vor.u32 v3, v7;
	v51 =	vld.idx.msk [tilespmem:v6+s3+$0x0], $0xffff  }
0x6d1: {  	v52 =	vor.u32 $0x80, v6;
	_ =	sdelay $0x3  }
0x6d2: {  	[tilespmem:v3+s25+$0x0] =	vst.idx.msk vm15, v51  }
0x6d3: {  	v53 =	vor.u32 $0x80, v3;
	v4 =	vld.idx.msk [tilespmem:v52+s3+$0x0], $0xffff  }
0x6d4: {  	v54 =	vor.u32 $0x100, v6;
	_ =	sdelay $0x3  }
0x6d5: {  	[tilespmem:v53+s25+$0x0] =	vst.idx.msk vm15, v4  }
0x6d6: {  	v55 =	vor.u32 $0x100, v3;
	v4 =	vld.idx.msk [tilespmem:v54+s3+$0x0], $0xffff  }
0x6d7: {  	v56 =	vor.u32 $0x180, v6;
	_ =	sdelay $0x3  }
0x6d8: {  	[tilespmem:v55+s25+$0x0] =	vst.idx.msk vm15, v4  }
0x6d9: {  	v57 =	vor.u32 $0x180, v3;
	v4 =	vld.idx.msk [tilespmem:v56+s3+$0x0], $0xffff  }
0x6da: {  	v58 =	vor.u32 $0x200, v6;
	_ =	sdelay $0x3  }
0x6db: {  	[tilespmem:v57+s25+$0x0] =	vst.idx.msk vm15, v4  }
0x6dc: {  	v59 =	vor.u32 $0x200, v3;
	v4 =	vld.idx.msk [tilespmem:v58+s3+$0x0], $0xffff  }
0x6dd: {  	v60 =	vor.u32 $0x280, v6;
	_ =	sdelay $0x3  }
0x6de: {  	[tilespmem:v59+s25+$0x0] =	vst.idx.msk vm15, v4  }
0x6df: {  	v61 =	vor.u32 $0x280, v3;
	v4 =	vld.idx.msk [tilespmem:v60+s3+$0x0], $0xffff  }
0x6e0: {  	v62 =	vor.u32 $0x300, v6;
	_ =	sdelay $0x3  }
0x6e1: {  	[tilespmem:v61+s25+$0x0] =	vst.idx.msk vm15, v4  }
0x6e2: {  	v63 =	vor.u32 $0x300, v3;
	v4 =	vld.idx.msk [tilespmem:v62+s3+$0x0], $0xffff  }
0x6e3: {  	v6 =	vor.u32 $0x380, v6;
	_ =	sdelay $0x3  }
0x6e4: {  	[tilespmem:v63+s25+$0x0] =	vst.idx.msk vm15, v4  }
0x6e5: {  	v3 =	vor.u32 $0x380, v3;
	v4 =	vld.idx.msk [tilespmem:v6+s3+$0x0], $0xffff;
	_ =	sdelay $0x4  }
0x6e6: {  	[tilespmem:v3+s25+$0x0] =	vst.idx.msk vm15, v4  }
.LBB3_103:
0x6e7: {  	s6 =	sld [smem:s9+$0x1];
	_ =	sdelay $0x2  }
0x6e8: {  	s7 =	ssub.s32 s6, s8  }
0x6e9: {  	s7 =	sadd.s32 $0xF, s7  }
0x6ea: {  	p0 =	slt.s32 s7, $0x10  }
.Ltmp84:
0x6eb: {  	_ = 	snop;
	(pc) =	sbr.rel @p0 .LBB3_109-.Ltmp84, $1  }
0x6ec: {  	_ =	sdelay $0x3  }
0x6ed: {  	s9 =	sshra.s32 s7, $0x1F  }
0x6ee: {  	s9 =	sshrl.u32 s9, $0x1C  }
0x6ef: {  	s13 =	sadd.s32 s9, s7  }
0x6f0: {  	s7 =	sshra.s32 s13, $0x4  }
0x6f1: {  	p0 =	sne.s32 s7, $0x1  }
.Ltmp85:
0x6f2: {  	_ = 	snop;
	(pc) =	sbr.rel @!p0 .LBB3_105-.Ltmp85, $2  }
0x6f3: {  	_ =	sdelay $0x2  }
0x6f4: {  	v3 =	vmov s6;
	v4 =	vadd.s32 s8, v0;
	p6 =	por $0x0, $0x0;
	s7 =	sadd.s32 $0xFFFFFFFF, s7  }
0x6f5: {  	_ =	sdelay $0x3  }
0x6f6: {  	v5 =	vld.idx.msk [tilespmem:v4+s1+$0x0], $0xffff;
	_ =	sdelay $0x4  }
0x6f7: {  	v6 =	vshra.s32 v5, $0xC  }
0x6f8: {  	v6 =	vsub.s32 v6, v2  }
0x6f9: {  	vm0 =	vgt.s32 v6, $0x0  }
0x6fa: {  	v6 =	vnsel vm0, $0x0, v6  }
0x6fb: {  	v6 =	vmin.u32 v6, $0x7FF  }
0x6fc: {  	v7 =	vshll.u32 v6, $0x3  }
0x6fd: {  	v6 =	vand.u32 $0x7F, v6;
	v7 =	vand.u32 $0x3C00, v7  }
0x6fe: {  	v6 =	vor.u32 v6, v7;
	_ =	sdelay $0x2  }
0x6ff: {  	v7 =	vshll.u32 v5, $0x3  }
0x700: {  	vm0 =	vlt.s32 v4, v3;
	v4 =	vand.u32 $0x7F, v5;
	v7 =	vand.u32 $0x7C00, v7  }
0x701: {  	v4 =	vor.u32 v4, v7;
	v5 =	vld.idx.msk [tilespmem:v6+s3+$0x0], $0xffff  }
0x702: {  	v7 =	vor.u32 $0x80, v6;
	_ =	sdelay $0x3  }
0x703: {  	[tilespmem:v4+s26+$0x0] =	vst.idx.msk vm0, v5  }
0x704: {  	v5 =	vld.idx.msk [tilespmem:v7+s3+$0x0], $0xffff;
	v7 =	vor.u32 $0x80, v4  }
0x705: {  	v8 =	vor.u32 $0x100, v6;
	_ =	sdelay $0x3  }
0x706: {  	[tilespmem:v7+s26+$0x0] =	vst.idx.msk vm0, v5  }
0x707: {  	v7 =	vor.u32 $0x100, v4;
	v5 =	vld.idx.msk [tilespmem:v8+s3+$0x0], $0xffff  }
0x708: {  	v8 =	vor.u32 $0x180, v6;
	_ =	sdelay $0x3  }
0x709: {  	[tilespmem:v7+s26+$0x0] =	vst.idx.msk vm0, v5  }
0x70a: {  	v7 =	vor.u32 $0x180, v4;
	v5 =	vld.idx.msk [tilespmem:v8+s3+$0x0], $0xffff  }
0x70b: {  	v8 =	vor.u32 $0x200, v6;
	_ =	sdelay $0x3  }
0x70c: {  	[tilespmem:v7+s26+$0x0] =	vst.idx.msk vm0, v5  }
0x70d: {  	v7 =	vor.u32 $0x200, v4;
	v5 =	vld.idx.msk [tilespmem:v8+s3+$0x0], $0xffff  }
0x70e: {  	v8 =	vor.u32 $0x280, v6;
	_ =	sdelay $0x3  }
0x70f: {  	[tilespmem:v7+s26+$0x0] =	vst.idx.msk vm0, v5  }
0x710: {  	v7 =	vor.u32 $0x280, v4;
	v5 =	vld.idx.msk [tilespmem:v8+s3+$0x0], $0xffff  }
0x711: {  	v8 =	vor.u32 $0x300, v6;
	_ =	sdelay $0x3  }
0x712: {  	[tilespmem:v7+s26+$0x0] =	vst.idx.msk vm0, v5  }
0x713: {  	v7 =	vor.u32 $0x300, v4;
	v5 =	vld.idx.msk [tilespmem:v8+s3+$0x0], $0xffff  }
0x714: {  	v6 =	vor.u32 $0x380, v6;
	_ =	sdelay $0x3  }
0x715: {  	p0 =	sne.s32 s7, $0x1;
	[tilespmem:v7+s26+$0x0] =	vst.idx.msk vm0, v5  }
.Ltmp86:
0x716: {  	s6 =	sadd.s32 $0x10, s8;
	v5 =	vld.idx.msk [tilespmem:v6+s3+$0x0], $0xffff;
	v6 =	vor.u32 $0x380, v4;
	(pc) =	sbr.rel @!p0 .LBB3_108-.Ltmp86, $2  }
0x717: {  	v4 =	vadd.s32 s6, v0;
	_ =	sdelay $0x2  }
0x718: {  	s7 =	sadd.s32 $0xFFFFFFFF, s7;
	p6 =	por $0x1, $0x1  }
.LBB3_107:
0x719: {  	p0 =	sne.s32 s7, $0x1;
	s7 =	sadd.s32 $0xFFFFFFFF, s7;
	[tilespmem:v6+s26+$0x0] =	vst.idx.msk vm0, v5  }
0x71a: {  	v5 =	vld.idx.msk [tilespmem:v4+s1+$0x0], $0xffff;
	_ =	sdelay $0x5  }
0x71b: {  	v6 =	vshra.s32 v5, $0xC;
	v7 =	vshll.u32 v5, $0x3  }
0x71c: {  	v6 =	vsub.s32 v6, v2;
	v7 =	vand.u32 $0x7C00, v7  }
0x71d: {  	vm0 =	vgt.s32 v6, $0x0  }
0x71e: {  	v6 =	vnsel vm0, $0x0, v6  }
0x71f: {  	v6 =	vmin.u32 v6, $0x7FF  }
0x720: {  	v8 =	vshll.u32 v6, $0x3  }
0x721: {  	v6 =	vand.u32 $0x7F, v6;
	v8 =	vand.u32 $0x3C00, v8  }
0x722: {  	v6 =	vor.u32 v6, v8;
	_ =	sdelay $0x4  }
0x723: {  	v5 =	vand.u32 $0x7F, v5;
	vm0 =	vlt.s32 v4, v3;
	v4 =	vld.idx.msk [tilespmem:v6+s3+$0x0], $0xffff  }
0x724: {  	v7 =	vor.u32 v5, v7  }
0x725: {  	v5 =	vor.u32 $0x80, v6;
	_ =	sdelay $0x3  }
0x726: {  	[tilespmem:v7+s26+$0x0] =	vst.idx.msk vm0, v4  }
0x727: {  	v4 =	vld.idx.msk [tilespmem:v5+s3+$0x0], $0xffff  }
0x728: {  	v5 =	vor.u32 $0x80, v7  }
0x729: {  	v8 =	vor.u32 $0x100, v6;
	_ =	sdelay $0x3  }
0x72a: {  	[tilespmem:v5+s26+$0x0] =	vst.idx.msk vm0, v4  }
0x72b: {  	v4 =	vld.idx.msk [tilespmem:v8+s3+$0x0], $0xffff  }
0x72c: {  	v5 =	vor.u32 $0x100, v7  }
0x72d: {  	v8 =	vor.u32 $0x180, v6;
	_ =	sdelay $0x3  }
0x72e: {  	[tilespmem:v5+s26+$0x0] =	vst.idx.msk vm0, v4  }
0x72f: {  	v4 =	vld.idx.msk [tilespmem:v8+s3+$0x0], $0xffff  }
0x730: {  	v5 =	vor.u32 $0x180, v7  }
0x731: {  	v8 =	vor.u32 $0x200, v6;
	_ =	sdelay $0x3  }
0x732: {  	[tilespmem:v5+s26+$0x0] =	vst.idx.msk vm0, v4  }
0x733: {  	v4 =	vld.idx.msk [tilespmem:v8+s3+$0x0], $0xffff  }
0x734: {  	v5 =	vor.u32 $0x200, v7  }
0x735: {  	v8 =	vor.u32 $0x280, v6;
	_ =	sdelay $0x3  }
0x736: {  	[tilespmem:v5+s26+$0x0] =	vst.idx.msk vm0, v4  }
0x737: {  	v4 =	vld.idx.msk [tilespmem:v8+s3+$0x0], $0xffff  }
0x738: {  	v5 =	vor.u32 $0x280, v7  }
0x739: {  	v8 =	vor.u32 $0x300, v6;
	_ =	sdelay $0x3  }
0x73a: {  	[tilespmem:v5+s26+$0x0] =	vst.idx.msk vm0, v4  }
0x73b: {  	v4 =	vld.idx.msk [tilespmem:v8+s3+$0x0], $0xffff  }
0x73c: {  	v5 =	vor.u32 $0x300, v7  }
0x73d: {  	v6 =	vor.u32 $0x380, v6;
	_ =	sdelay $0x2  }
.Ltmp87:
0x73e: {  	(pc) =	sbr.rel @p0 .LBB3_107-.Ltmp87, $4  }
0x73f: {  	[tilespmem:v5+s26+$0x0] =	vst.idx.msk vm0, v4  }
0x740: {  	v5 =	vld.idx.msk [tilespmem:v6+s3+$0x0], $0xffff  }
0x741: {  	s6 =	sadd.s32 $0x10, s6;
	v6 =	vor.u32 $0x380, v7  }
0x742: {  	v4 =	vadd.s32 s6, v0  }
.Ltmp88:
0x743: {  	_ = 	snop;
	(pc) =	sbr.rel .LBB3_108-.Ltmp88, $1  }
0x744: {  	_ =	sdelay $0x3  }
.LBB3_87:
.Ltmp89:
0x745: {  	(pc) =	sbr.rel .LBB3_90-.Ltmp89, $2  }
0x746: {  	_ =	sdelay $0x2  }
0x747: {  	_ = 	snop  }
.LBB3_93:
.Ltmp90:
0x748: {  	(pc) =	sbr.rel .LBB3_96-.Ltmp90, $2  }
0x749: {  	_ =	sdelay $0x2  }
0x74a: {  	_ = 	snop  }
.LBB3_99:
.Ltmp91:
0x74b: {  	(pc) =	sbr.rel .LBB3_102-.Ltmp91, $2  }
0x74c: {  	_ =	sdelay $0x2  }
0x74d: {  	_ = 	snop  }
.LBB3_110:
0x74e: {  	s2 =	simm.s32 $0x1  }
0x74f: {  	_ =	swait.ge [sflag:s2], $0x4000  }
0x750: {  	[sflag:s2] =	ssyncset.done $0x0  }
0x751: {  	[sflag:s2] =	ssyncadd.s32 $0xFFFFC000  }
0x752: {  	s2 =	sld [smem:$0x60]  }
0x753: {  	s4 =	sld [smem:$0x62];
	_ =	sdelay $0x2  }
0x754: {  	s5 =	ssub.s32 s4, s2  }
0x755: {  	s5 =	sadd.s32 $0xF, s5  }
0x756: {  	p0 =	slt.s32 s5, $0x10  }
.Ltmp92:
0x757: {  	_ = 	snop;
	(pc) =	sbr.rel @p0 .LBB3_116-.Ltmp92, $3  }
0x758: {  	_ =	sdelay $0x1  }
0x759: {  	s7 =	rddreg [dreg:$0x1c]  }
0x75a: {  	s8 =	rddreg [dreg:$0x1d]  }
0x75b: {  	s6 =	sshra.s32 s5, $0x1F  }
0x75c: {  	s6 =	sshrl.u32 s6, $0x1C  }
0x75d: {  	s30 =	sadd.s32 s6, s5  }
0x75e: {  	s5 =	sshra.s32 s30, $0x4  }
0x75f: {  	p1 =	sne.s32 s5, $0x1  }
.Ltmp93:
0x760: {  	_ = 	snop;
	(pc) =	sbr.rel @!p1 .LBB3_112-.Ltmp93, $2  }
0x761: {  	_ =	sdelay $0x2  }
0x762: {  	v2 =	vmov s4;
	v3 =	vadd.s32 s2, v0;
	p0 =	por $0x0, $0x0;
	s4 =	sadd.s32 $0xFFFFFFFF, s5  }
0x763: {  	_ =	sdelay $0x3  }
0x764: {  	v4 =	vld.idx.msk [tilespmem:v3+s23+$0x0], $0xffff;
	_ =	sdelay $0x4  }
0x765: {  	v5 =	vshra.s32 v4, $0xC  }
0x766: {  	vm0 =	vgt.s32 v5, $0x17E80  }
0x767: {  	v5 =	vnsel vm0, $0x17E80, v5  }
0x768: {  	v5 =	vmin.u32 v5, $0x1867F  }
0x769: {  	v6 =	vshll.u32 v5, $0x3  }
0x76a: {  	v5 =	vand.u32 $0x7F, v5;
	v6 =	vand.u32 $0xFFC00, v6  }
0x76b: {  	v5 =	vor.u32 v5, v6  }
0x76c: {  	v6 =	vadd.s32 $0xFFF40C00, v5;
	_ =	sdelay $0x2  }
0x76d: {  	v7 =	vshll.u32 v4, $0x3  }
0x76e: {  	v7 =	vand.u32 $0x7C00, v7;
	vm0 =	vlt.s32 v3, v2;
	v3 =	vand.u32 $0x7F, v4  }
0x76f: {  	v3 =	vor.u32 v3, v7;
	v4 =	vld.idx.msk [tilespmem:v6+s29+$0x0], $0xffff  }
0x770: {  	v6 =	vadd.s32 $0xFFF40C80, v5;
	_ =	sdelay $0x3  }
0x771: {  	[tilespmem:v3+s25+$0x0] =	vst.idx.msk vm0, v4  }
0x772: {  	v4 =	vld.idx.msk [tilespmem:v6+s29+$0x0], $0xffff;
	v6 =	vor.u32 $0x80, v3  }
0x773: {  	v7 =	vadd.s32 $0xFFF40D00, v5;
	_ =	sdelay $0x3  }
0x774: {  	[tilespmem:v6+s25+$0x0] =	vst.idx.msk vm0, v4  }
0x775: {  	v6 =	vor.u32 $0x100, v3;
	v4 =	vld.idx.msk [tilespmem:v7+s29+$0x0], $0xffff  }
0x776: {  	v7 =	vadd.s32 $0xFFF40D80, v5;
	_ =	sdelay $0x3  }
0x777: {  	[tilespmem:v6+s25+$0x0] =	vst.idx.msk vm0, v4  }
0x778: {  	v6 =	vor.u32 $0x180, v3;
	v4 =	vld.idx.msk [tilespmem:v7+s29+$0x0], $0xffff  }
0x779: {  	v7 =	vadd.s32 $0xFFF40E00, v5;
	_ =	sdelay $0x3  }
0x77a: {  	[tilespmem:v6+s25+$0x0] =	vst.idx.msk vm0, v4  }
0x77b: {  	v6 =	vor.u32 $0x200, v3;
	v4 =	vld.idx.msk [tilespmem:v7+s29+$0x0], $0xffff  }
0x77c: {  	v7 =	vadd.s32 $0xFFF40E80, v5;
	_ =	sdelay $0x3  }
0x77d: {  	[tilespmem:v6+s25+$0x0] =	vst.idx.msk vm0, v4  }
0x77e: {  	v6 =	vor.u32 $0x280, v3;
	v4 =	vld.idx.msk [tilespmem:v7+s29+$0x0], $0xffff  }
0x77f: {  	v7 =	vadd.s32 $0xFFF40F00, v5;
	_ =	sdelay $0x3  }
0x780: {  	[tilespmem:v6+s25+$0x0] =	vst.idx.msk vm0, v4  }
0x781: {  	v6 =	vor.u32 $0x300, v3;
	v4 =	vld.idx.msk [tilespmem:v7+s29+$0x0], $0xffff  }
0x782: {  	v5 =	vadd.s32 $0xFFF40F80, v5  }
0x783: {  	p1 =	sne.s32 s4, $0x1  }
.Ltmp94:
0x784: {  	_ = 	snop;
	(pc) =	sbr.rel @!p1 .LBB3_115-.Ltmp94, $4  }
0x785: {  	_ = 	snop  }
0x786: {  	[tilespmem:v6+s25+$0x0] =	vst.idx.msk vm0, v4  }
0x787: {  	s2 =	sadd.s32 $0x10, s2;
	v4 =	vld.idx.msk [tilespmem:v5+s29+$0x0], $0xffff;
	v5 =	vor.u32 $0x380, v3  }
0x788: {  	s4 =	sadd.s32 $0xFFFFFFFF, s4;
	p0 =	por $0x1, $0x1;
	v3 =	vadd.s32 s2, v0  }
.LBB3_114:
0x789: {  	_ =	sdelay $0x2  }
0x78a: {  	p1 =	sne.s32 s4, $0x1;
	s4 =	sadd.s32 $0xFFFFFFFF, s4;
	[tilespmem:v5+s25+$0x0] =	vst.idx.msk vm0, v4  }
0x78b: {  	v4 =	vld.idx.msk [tilespmem:v3+s23+$0x0], $0xffff;
	_ =	sdelay $0x5  }
0x78c: {  	v5 =	vshra.s32 v4, $0xC;
	v6 =	vshll.u32 v4, $0x3  }
0x78d: {  	vm0 =	vgt.s32 v5, $0x17E80;
	v6 =	vand.u32 $0x7C00, v6  }
0x78e: {  	v5 =	vnsel vm0, $0x17E80, v5  }
0x78f: {  	v5 =	vmin.u32 v5, $0x1867F  }
0x790: {  	v7 =	vshll.u32 v5, $0x3  }
0x791: {  	v5 =	vand.u32 $0x7F, v5;
	v7 =	vand.u32 $0xFFC00, v7  }
0x792: {  	v5 =	vor.u32 v5, v7  }
0x793: {  	v7 =	vadd.s32 $0xFFF40C00, v5;
	_ =	sdelay $0x4  }
0x794: {  	v4 =	vand.u32 $0x7F, v4;
	vm0 =	vlt.s32 v3, v2;
	v3 =	vld.idx.msk [tilespmem:v7+s29+$0x0], $0xffff  }
0x795: {  	v6 =	vor.u32 v4, v6  }
0x796: {  	v4 =	vadd.s32 $0xFFF40C80, v5;
	_ =	sdelay $0x3  }
0x797: {  	[tilespmem:v6+s25+$0x0] =	vst.idx.msk vm0, v3  }
0x798: {  	v3 =	vld.idx.msk [tilespmem:v4+s29+$0x0], $0xffff  }
0x799: {  	v4 =	vor.u32 $0x80, v6  }
0x79a: {  	v7 =	vadd.s32 $0xFFF40D00, v5;
	_ =	sdelay $0x3  }
0x79b: {  	[tilespmem:v4+s25+$0x0] =	vst.idx.msk vm0, v3  }
0x79c: {  	v3 =	vld.idx.msk [tilespmem:v7+s29+$0x0], $0xffff  }
0x79d: {  	v4 =	vor.u32 $0x100, v6  }
0x79e: {  	v7 =	vadd.s32 $0xFFF40D80, v5;
	_ =	sdelay $0x3  }
0x79f: {  	[tilespmem:v4+s25+$0x0] =	vst.idx.msk vm0, v3  }
0x7a0: {  	v3 =	vld.idx.msk [tilespmem:v7+s29+$0x0], $0xffff  }
0x7a1: {  	v4 =	vor.u32 $0x180, v6  }
0x7a2: {  	v7 =	vadd.s32 $0xFFF40E00, v5;
	_ =	sdelay $0x3  }
0x7a3: {  	[tilespmem:v4+s25+$0x0] =	vst.idx.msk vm0, v3  }
0x7a4: {  	v3 =	vld.idx.msk [tilespmem:v7+s29+$0x0], $0xffff  }
0x7a5: {  	v4 =	vor.u32 $0x200, v6  }
0x7a6: {  	v7 =	vadd.s32 $0xFFF40E80, v5;
	_ =	sdelay $0x3  }
0x7a7: {  	[tilespmem:v4+s25+$0x0] =	vst.idx.msk vm0, v3  }
0x7a8: {  	v3 =	vld.idx.msk [tilespmem:v7+s29+$0x0], $0xffff  }
0x7a9: {  	v4 =	vor.u32 $0x280, v6  }
0x7aa: {  	v7 =	vadd.s32 $0xFFF40F00, v5;
	_ =	sdelay $0x3  }
0x7ab: {  	[tilespmem:v4+s25+$0x0] =	vst.idx.msk vm0, v3  }
0x7ac: {  	v3 =	vld.idx.msk [tilespmem:v7+s29+$0x0], $0xffff  }
0x7ad: {  	v4 =	vor.u32 $0x300, v6  }
0x7ae: {  	v5 =	vadd.s32 $0xFFF40F80, v5;
	_ =	sdelay $0x2  }
.Ltmp95:
0x7af: {  	(pc) =	sbr.rel @p1 .LBB3_114-.Ltmp95, $4  }
0x7b0: {  	[tilespmem:v4+s25+$0x0] =	vst.idx.msk vm0, v3  }
0x7b1: {  	v4 =	vld.idx.msk [tilespmem:v5+s29+$0x0], $0xffff  }
0x7b2: {  	s2 =	sadd.s32 $0x10, s2;
	v5 =	vor.u32 $0x380, v6  }
0x7b3: {  	v3 =	vadd.s32 s2, v0  }
.LBB3_115:
0x7b4: {  	_ =	sdelay $0x4  }
0x7b5: {  	[tilespmem:v5+s25+$0x0] =	vst.idx.msk @p0 vm0, v4  }
0x7b6: {  	v4 =	vld.idx.msk [tilespmem:v3+s23+$0x0], $0xffff;
	_ =	sdelay $0x4  }
0x7b7: {  	v51 =	vshra.s32 v4, $0xC  }
0x7b8: {  	vm14 =	vgt.s32 v51, $0x17E80  }
0x7b9: {  	v5 =	vnsel vm14, $0x17E80, v51  }
0x7ba: {  	v5 =	vmin.u32 v5, $0x1867F  }
0x7bb: {  	v6 =	vshll.u32 v5, $0x3  }
0x7bc: {  	v5 =	vand.u32 $0x7F, v5;
	v6 =	vand.u32 $0xFFC00, v6  }
0x7bd: {  	v5 =	vor.u32 v5, v6  }
0x7be: {  	v6 =	vadd.s32 $0xFFF40C00, v5;
	_ =	sdelay $0x2  }
0x7bf: {  	v7 =	vshll.u32 v4, $0x3  }
0x7c0: {  	vm15 =	vlt.s32 v3, v2;
	v2 =	vand.u32 $0x7F, v4;
	v7 =	vand.u32 $0x7C00, v7  }
0x7c1: {  	v2 =	vor.u32 v2, v7;
	v3 =	vld.idx.msk [tilespmem:v6+s29+$0x0], $0xffff  }
0x7c2: {  	v52 =	vadd.s32 $0xFFF40C80, v5;
	_ =	sdelay $0x3  }
0x7c3: {  	[tilespmem:v2+s25+$0x0] =	vst.idx.msk vm15, v3  }
0x7c4: {  	v53 =	vor.u32 $0x80, v2;
	v3 =	vld.idx.msk [tilespmem:v52+s29+$0x0], $0xffff  }
0x7c5: {  	v54 =	vadd.s32 $0xFFF40D00, v5;
	_ =	sdelay $0x3  }
0x7c6: {  	[tilespmem:v53+s25+$0x0] =	vst.idx.msk vm15, v3  }
0x7c7: {  	v55 =	vor.u32 $0x100, v2;
	v3 =	vld.idx.msk [tilespmem:v54+s29+$0x0], $0xffff  }
0x7c8: {  	v56 =	vadd.s32 $0xFFF40D80, v5;
	_ =	sdelay $0x3  }
0x7c9: {  	[tilespmem:v55+s25+$0x0] =	vst.idx.msk vm15, v3  }
0x7ca: {  	v57 =	vor.u32 $0x180, v2;
	v3 =	vld.idx.msk [tilespmem:v56+s29+$0x0], $0xffff  }
0x7cb: {  	v58 =	vadd.s32 $0xFFF40E00, v5;
	_ =	sdelay $0x3  }
0x7cc: {  	[tilespmem:v57+s25+$0x0] =	vst.idx.msk vm15, v3  }
0x7cd: {  	v59 =	vor.u32 $0x200, v2;
	v3 =	vld.idx.msk [tilespmem:v58+s29+$0x0], $0xffff  }
0x7ce: {  	v60 =	vadd.s32 $0xFFF40E80, v5;
	_ =	sdelay $0x3  }
0x7cf: {  	[tilespmem:v59+s25+$0x0] =	vst.idx.msk vm15, v3  }
0x7d0: {  	v61 =	vor.u32 $0x280, v2;
	v3 =	vld.idx.msk [tilespmem:v60+s29+$0x0], $0xffff  }
0x7d1: {  	v62 =	vadd.s32 $0xFFF40F00, v5;
	_ =	sdelay $0x3  }
0x7d2: {  	[tilespmem:v61+s25+$0x0] =	vst.idx.msk vm15, v3  }
0x7d3: {  	v63 =	vor.u32 $0x300, v2;
	v3 =	vld.idx.msk [tilespmem:v62+s29+$0x0], $0xffff  }
0x7d4: {  	v5 =	vadd.s32 $0xFFF40F80, v5;
	_ =	sdelay $0x3  }
0x7d5: {  	[tilespmem:v63+s25+$0x0] =	vst.idx.msk vm15, v3  }
0x7d6: {  	v2 =	vor.u32 $0x380, v2;
	v3 =	vld.idx.msk [tilespmem:v5+s29+$0x0], $0xffff;
	_ =	sdelay $0x4  }
0x7d7: {  	[tilespmem:v2+s25+$0x0] =	vst.idx.msk vm15, v3  }
.LBB3_116:
0x7d8: {  	s2 =	sld [smem:$0x61]  }
0x7d9: {  	s4 =	sld [smem:$0x63];
	_ =	sdelay $0x2  }
0x7da: {  	s5 =	ssub.s32 s4, s2  }
0x7db: {  	s5 =	sadd.s32 $0xF, s5  }
0x7dc: {  	p0 =	slt.s32 s5, $0x10  }
.Ltmp96:
0x7dd: {  	_ = 	snop;
	(pc) =	sbr.rel @p0 .LBB3_122-.Ltmp96, $1  }
0x7de: {  	_ =	sdelay $0x3  }
0x7df: {  	s6 =	sshra.s32 s5, $0x1F  }
0x7e0: {  	s6 =	sshrl.u32 s6, $0x1C  }
0x7e1: {  	s30 =	sadd.s32 s6, s5  }
0x7e2: {  	s5 =	sshra.s32 s30, $0x4  }
0x7e3: {  	p1 =	sne.s32 s5, $0x1  }
.Ltmp97:
0x7e4: {  	_ = 	snop;
	(pc) =	sbr.rel @!p1 .LBB3_118-.Ltmp97, $2  }
0x7e5: {  	_ =	sdelay $0x2  }
0x7e6: {  	v2 =	vmov s4;
	v3 =	vadd.s32 s2, v0;
	p0 =	por $0x0, $0x0;
	s4 =	sadd.s32 $0xFFFFFFFF, s5  }
0x7e7: {  	_ =	sdelay $0x3  }
0x7e8: {  	v4 =	vld.idx.msk [tilespmem:v3+s1+$0x0], $0xffff;
	_ =	sdelay $0x4  }
0x7e9: {  	v5 =	vshra.s32 v4, $0xC  }
0x7ea: {  	vm0 =	vgt.s32 v5, $0x17E80  }
0x7eb: {  	v5 =	vnsel vm0, $0x17E80, v5  }
0x7ec: {  	v5 =	vmin.u32 v5, $0x1867F  }
0x7ed: {  	v6 =	vshll.u32 v5, $0x3  }
0x7ee: {  	v5 =	vand.u32 $0x7F, v5;
	v6 =	vand.u32 $0xFFC00, v6  }
0x7ef: {  	v5 =	vor.u32 v5, v6  }
0x7f0: {  	v6 =	vadd.s32 $0xFFF40C00, v5;
	_ =	sdelay $0x2  }
0x7f1: {  	v7 =	vshll.u32 v4, $0x3  }
0x7f2: {  	v7 =	vand.u32 $0x7C00, v7;
	vm0 =	vlt.s32 v3, v2;
	v3 =	vand.u32 $0x7F, v4  }
0x7f3: {  	v3 =	vor.u32 v3, v7;
	v4 =	vld.idx.msk [tilespmem:v6+s29+$0x0], $0xffff  }
0x7f4: {  	v6 =	vadd.s32 $0xFFF40C80, v5;
	_ =	sdelay $0x3  }
0x7f5: {  	[tilespmem:v3+s26+$0x0] =	vst.idx.msk vm0, v4  }
0x7f6: {  	v4 =	vld.idx.msk [tilespmem:v6+s29+$0x0], $0xffff;
	v6 =	vor.u32 $0x80, v3  }
0x7f7: {  	v7 =	vadd.s32 $0xFFF40D00, v5;
	_ =	sdelay $0x3  }
0x7f8: {  	[tilespmem:v6+s26+$0x0] =	vst.idx.msk vm0, v4  }
0x7f9: {  	v6 =	vor.u32 $0x100, v3;
	v4 =	vld.idx.msk [tilespmem:v7+s29+$0x0], $0xffff  }
0x7fa: {  	v7 =	vadd.s32 $0xFFF40D80, v5;
	_ =	sdelay $0x3  }
0x7fb: {  	[tilespmem:v6+s26+$0x0] =	vst.idx.msk vm0, v4  }
0x7fc: {  	v6 =	vor.u32 $0x180, v3;
	v4 =	vld.idx.msk [tilespmem:v7+s29+$0x0], $0xffff  }
0x7fd: {  	v7 =	vadd.s32 $0xFFF40E00, v5;
	_ =	sdelay $0x3  }
0x7fe: {  	[tilespmem:v6+s26+$0x0] =	vst.idx.msk vm0, v4  }
0x7ff: {  	v6 =	vor.u32 $0x200, v3;
	v4 =	vld.idx.msk [tilespmem:v7+s29+$0x0], $0xffff  }
0x800: {  	v7 =	vadd.s32 $0xFFF40E80, v5;
	_ =	sdelay $0x3  }
0x801: {  	[tilespmem:v6+s26+$0x0] =	vst.idx.msk vm0, v4  }
0x802: {  	v6 =	vor.u32 $0x280, v3;
	v4 =	vld.idx.msk [tilespmem:v7+s29+$0x0], $0xffff  }
0x803: {  	v7 =	vadd.s32 $0xFFF40F00, v5;
	_ =	sdelay $0x3  }
0x804: {  	[tilespmem:v6+s26+$0x0] =	vst.idx.msk vm0, v4  }
0x805: {  	v6 =	vor.u32 $0x300, v3;
	v4 =	vld.idx.msk [tilespmem:v7+s29+$0x0], $0xffff  }
0x806: {  	v5 =	vadd.s32 $0xFFF40F80, v5;
	_ =	sdelay $0x3  }
0x807: {  	p1 =	sne.s32 s4, $0x1;
	[tilespmem:v6+s26+$0x0] =	vst.idx.msk vm0, v4  }
.Ltmp98:
0x808: {  	s2 =	sadd.s32 $0x10, s2;
	v4 =	vld.idx.msk [tilespmem:v5+s29+$0x0], $0xffff;
	v5 =	vor.u32 $0x380, v3;
	(pc) =	sbr.rel @!p1 .LBB3_121-.Ltmp98, $2  }
0x809: {  	v3 =	vadd.s32 s2, v0;
	_ =	sdelay $0x2  }
0x80a: {  	s4 =	sadd.s32 $0xFFFFFFFF, s4;
	p0 =	por $0x1, $0x1  }
.LBB3_120:
0x80b: {  	p1 =	sne.s32 s4, $0x1;
	s4 =	sadd.s32 $0xFFFFFFFF, s4;
	[tilespmem:v5+s26+$0x0] =	vst.idx.msk vm0, v4  }
0x80c: {  	v4 =	vld.idx.msk [tilespmem:v3+s1+$0x0], $0xffff;
	_ =	sdelay $0x5  }
0x80d: {  	v5 =	vshra.s32 v4, $0xC;
	v6 =	vshll.u32 v4, $0x3  }
0x80e: {  	vm0 =	vgt.s32 v5, $0x17E80;
	v6 =	vand.u32 $0x7C00, v6  }
0x80f: {  	v5 =	vnsel vm0, $0x17E80, v5  }
0x810: {  	v5 =	vmin.u32 v5, $0x1867F  }
0x811: {  	v7 =	vshll.u32 v5, $0x3  }
0x812: {  	v5 =	vand.u32 $0x7F, v5;
	v7 =	vand.u32 $0xFFC00, v7  }
0x813: {  	v5 =	vor.u32 v5, v7  }
0x814: {  	v7 =	vadd.s32 $0xFFF40C00, v5;
	_ =	sdelay $0x4  }
0x815: {  	v4 =	vand.u32 $0x7F, v4;
	vm0 =	vlt.s32 v3, v2;
	v3 =	vld.idx.msk [tilespmem:v7+s29+$0x0], $0xffff  }
0x816: {  	v6 =	vor.u32 v4, v6  }
0x817: {  	v4 =	vadd.s32 $0xFFF40C80, v5;
	_ =	sdelay $0x3  }
0x818: {  	[tilespmem:v6+s26+$0x0] =	vst.idx.msk vm0, v3  }
0x819: {  	v3 =	vld.idx.msk [tilespmem:v4+s29+$0x0], $0xffff  }
0x81a: {  	v4 =	vor.u32 $0x80, v6  }
0x81b: {  	v7 =	vadd.s32 $0xFFF40D00, v5;
	_ =	sdelay $0x3  }
0x81c: {  	[tilespmem:v4+s26+$0x0] =	vst.idx.msk vm0, v3  }
0x81d: {  	v3 =	vld.idx.msk [tilespmem:v7+s29+$0x0], $0xffff  }
0x81e: {  	v4 =	vor.u32 $0x100, v6  }
0x81f: {  	v7 =	vadd.s32 $0xFFF40D80, v5;
	_ =	sdelay $0x3  }
0x820: {  	[tilespmem:v4+s26+$0x0] =	vst.idx.msk vm0, v3  }
0x821: {  	v3 =	vld.idx.msk [tilespmem:v7+s29+$0x0], $0xffff  }
0x822: {  	v4 =	vor.u32 $0x180, v6  }
0x823: {  	v7 =	vadd.s32 $0xFFF40E00, v5;
	_ =	sdelay $0x3  }
0x824: {  	[tilespmem:v4+s26+$0x0] =	vst.idx.msk vm0, v3  }
0x825: {  	v3 =	vld.idx.msk [tilespmem:v7+s29+$0x0], $0xffff  }
0x826: {  	v4 =	vor.u32 $0x200, v6  }
0x827: {  	v7 =	vadd.s32 $0xFFF40E80, v5;
	_ =	sdelay $0x3  }
0x828: {  	[tilespmem:v4+s26+$0x0] =	vst.idx.msk vm0, v3  }
0x829: {  	v3 =	vld.idx.msk [tilespmem:v7+s29+$0x0], $0xffff  }
0x82a: {  	v4 =	vor.u32 $0x280, v6  }
0x82b: {  	v7 =	vadd.s32 $0xFFF40F00, v5;
	_ =	sdelay $0x3  }
0x82c: {  	[tilespmem:v4+s26+$0x0] =	vst.idx.msk vm0, v3  }
0x82d: {  	v3 =	vld.idx.msk [tilespmem:v7+s29+$0x0], $0xffff  }
0x82e: {  	v4 =	vor.u32 $0x300, v6  }
0x82f: {  	v5 =	vadd.s32 $0xFFF40F80, v5;
	_ =	sdelay $0x2  }
.Ltmp99:
0x830: {  	(pc) =	sbr.rel @p1 .LBB3_120-.Ltmp99, $4  }
0x831: {  	[tilespmem:v4+s26+$0x0] =	vst.idx.msk vm0, v3  }
0x832: {  	v4 =	vld.idx.msk [tilespmem:v5+s29+$0x0], $0xffff  }
0x833: {  	s2 =	sadd.s32 $0x10, s2;
	v5 =	vor.u32 $0x380, v6  }
0x834: {  	v3 =	vadd.s32 s2, v0  }
.Ltmp100:
0x835: {  	_ = 	snop;
	(pc) =	sbr.rel .LBB3_121-.Ltmp100, $1  }
0x836: {  	_ =	sdelay $0x3  }
.LBB3_35:
0x837: {  	p0 =	por $0x0, $0x0  }
0x838: {  	s4 =	simm.s32 @!p0 $0x0  }
0x839: {  	s4 =	simm.s32 @p0 $0x1;
	p0 =	por $0x0, $0x0  }
0x83a: {  	[smem:$0x7F0] =	sst s4;
	s4 =	simm.s32 @!p0 $0x0  }
0x83b: {  	s4 =	simm.s32 @p0 $0x1;
	p0 =	por $0x0, $0x0  }
0x83c: {  	[smem:$0x7F1] =	sst s4;
	s4 =	simm.s32 @!p0 $0x0  }
0x83d: {  	s4 =	simm.s32 @p0 $0x1;
	p0 =	por $0x0, $0x0  }
0x83e: {  	[smem:$0x7F2] =	sst s4;
	s4 =	simm.s32 @!p0 $0x0  }
0x83f: {  	s4 =	simm.s32 @p0 $0x1;
	p0 =	por $0x0, $0x0  }
0x840: {  	[smem:$0x7F3] =	sst s4;
	s4 =	simm.s32 @!p0 $0x0  }
0x841: {  	s4 =	simm.s32 @p0 $0x1;
	p0 =	por $0x0, $0x0  }
0x842: {  	[smem:$0x7F4] =	sst s4;
	s4 =	simm.s32 @!p0 $0x0  }
0x843: {  	s4 =	simm.s32 @p0 $0x1;
	p0 =	por $0x0, $0x0  }
0x844: {  	[smem:$0x7F5] =	sst s4;
	s4 =	simm.s32 @!p0 $0x0  }
0x845: {  	s4 =	simm.s32 @p0 $0x1;
	p0 =	por $0x0, $0x0  }
0x846: {  	[smem:$0x7F6] =	sst s4;
	s4 =	simm.s32 @!p0 $0x0  }
0x847: {  	s4 =	simm.s32 @p0 $0x1;
	p0 =	por $0x0, $0x0  }
0x848: {  	[smem:$0x7F7] =	sst s4;
	s4 =	simm.s32 @!p0 $0x0  }
0x849: {  	s4 =	simm.s32 @p0 $0x1;
	p0 =	por $0x0, $0x0  }
0x84a: {  	[smem:$0x7F8] =	sst s4;
	s4 =	simm.s32 @!p0 $0x0  }
0x84b: {  	s4 =	simm.s32 @p0 $0x1;
	p0 =	por $0x0, $0x0  }
0x84c: {  	[smem:$0x7F9] =	sst s4;
	s4 =	simm.s32 @!p0 $0x0  }
0x84d: {  	s4 =	simm.s32 @p0 $0x1;
	p0 =	por $0x0, $0x0  }
.Ltmp101:
0x84e: {  	[smem:$0x7FA] =	sst s4;
	s4 =	simm.s32 @!p0 $0x0;
	(pc) =	sbr.rel .LBB3_84-.Ltmp101, $4  }
0x84f: {  	s4 =	simm.s32 @p0 $0x1;
	p0 =	por $0x0, $0x0  }
0x850: {  	p1 =	por $0x0, $0x0;
	[smem:$0x7FB] =	sst s4;
	s4 =	simm.s32 @!p0 $0x0  }
0x851: {  	p2 =	por $0x0, $0x0;
	p3 =	por $0x0, $0x0;
	s4 =	simm.s32 @p0 $0x1  }
0x852: {  	p4 =	por $0x0, $0x0;
	p5 =	por $0x0, $0x0;
	[smem:$0x7FC] =	sst s4  }
.LBB3_38:
0x853: {  	p0 =	por $0x0, $0x0  }
0x854: {  	s4 =	simm.s32 @!p0 $0x0  }
0x855: {  	s4 =	simm.s32 @p0 $0x1;
	p0 =	por $0x0, $0x0  }
0x856: {  	[smem:$0x7F0] =	sst s4;
	s4 =	simm.s32 @!p0 $0x0  }
0x857: {  	s4 =	simm.s32 @p0 $0x1;
	p0 =	por $0x0, $0x0  }
0x858: {  	[smem:$0x7F1] =	sst s4;
	s4 =	simm.s32 @!p0 $0x0  }
0x859: {  	s4 =	simm.s32 @p0 $0x1;
	p0 =	por $0x0, $0x0  }
0x85a: {  	[smem:$0x7F2] =	sst s4;
	s4 =	simm.s32 @!p0 $0x0  }
0x85b: {  	s4 =	simm.s32 @p0 $0x1;
	p0 =	por $0x0, $0x0  }
0x85c: {  	[smem:$0x7F3] =	sst s4;
	s4 =	simm.s32 @!p0 $0x0  }
0x85d: {  	s4 =	simm.s32 @p0 $0x1;
	p0 =	por $0x0, $0x0  }
0x85e: {  	[smem:$0x7F4] =	sst s4;
	s4 =	simm.s32 @!p0 $0x0  }
0x85f: {  	s4 =	simm.s32 @p0 $0x1;
	p0 =	por $0x0, $0x0  }
0x860: {  	[smem:$0x7F5] =	sst s4;
	s4 =	simm.s32 @!p0 $0x0  }
0x861: {  	s4 =	simm.s32 @p0 $0x1;
	p0 =	por $0x0, $0x0  }
0x862: {  	[smem:$0x7F6] =	sst s4;
	s4 =	simm.s32 @!p0 $0x0  }
0x863: {  	s4 =	simm.s32 @p0 $0x1;
	p0 =	por $0x0, $0x0  }
0x864: {  	[smem:$0x7F7] =	sst s4;
	s4 =	simm.s32 @!p0 $0x0  }
0x865: {  	s4 =	simm.s32 @p0 $0x1;
	p0 =	por $0x0, $0x0  }
0x866: {  	[smem:$0x7F8] =	sst s4;
	s4 =	simm.s32 @!p0 $0x0  }
0x867: {  	s4 =	simm.s32 @p0 $0x1;
	p0 =	por $0x0, $0x0  }
0x868: {  	[smem:$0x7F9] =	sst s4;
	s4 =	simm.s32 @!p0 $0x0  }
0x869: {  	s4 =	simm.s32 @p0 $0x1;
	p0 =	por $0x0, $0x0  }
.Ltmp102:
0x86a: {  	[smem:$0x7FA] =	sst s4;
	s4 =	simm.s32 @!p0 $0x0;
	(pc) =	sbr.rel .LBB3_84-.Ltmp102, $4  }
0x86b: {  	s4 =	simm.s32 @p0 $0x1;
	p0 =	por $0x0, $0x0  }
0x86c: {  	p1 =	por $0x0, $0x0;
	[smem:$0x7FB] =	sst s4;
	s4 =	simm.s32 @!p0 $0x0  }
0x86d: {  	p2 =	por $0x0, $0x0;
	p3 =	por $0x0, $0x0;
	s4 =	simm.s32 @p0 $0x1  }
0x86e: {  	p4 =	por $0x0, $0x0;
	p5 =	por $0x0, $0x0;
	[smem:$0x7FC] =	sst s4  }
.LBB3_55:
0x86f: {  	p0 =	por $0x0, $0x0  }
0x870: {  	s4 =	simm.s32 @!p0 $0x0  }
0x871: {  	s4 =	simm.s32 @p0 $0x1;
	p0 =	por $0x0, $0x0  }
0x872: {  	[smem:$0x7F0] =	sst s4;
	s4 =	simm.s32 @!p0 $0x0  }
0x873: {  	s4 =	simm.s32 @p0 $0x1;
	p0 =	por $0x0, $0x0  }
0x874: {  	[smem:$0x7F1] =	sst s4;
	s4 =	simm.s32 @!p0 $0x0  }
0x875: {  	s4 =	simm.s32 @p0 $0x1;
	p0 =	por $0x0, $0x0  }
0x876: {  	[smem:$0x7F2] =	sst s4;
	s4 =	simm.s32 @!p0 $0x0  }
0x877: {  	s4 =	simm.s32 @p0 $0x1;
	p0 =	por $0x0, $0x0  }
0x878: {  	[smem:$0x7F3] =	sst s4;
	s4 =	simm.s32 @!p0 $0x0  }
0x879: {  	s4 =	simm.s32 @p0 $0x1;
	p0 =	por $0x0, $0x0  }
0x87a: {  	[smem:$0x7F4] =	sst s4;
	s4 =	simm.s32 @!p0 $0x0  }
0x87b: {  	s4 =	simm.s32 @p0 $0x1;
	p0 =	por $0x0, $0x0  }
0x87c: {  	[smem:$0x7F5] =	sst s4;
	s4 =	simm.s32 @!p0 $0x0  }
0x87d: {  	s4 =	simm.s32 @p0 $0x1;
	p0 =	por $0x0, $0x0  }
0x87e: {  	[smem:$0x7F6] =	sst s4;
	s4 =	simm.s32 @!p0 $0x0  }
0x87f: {  	s4 =	simm.s32 @p0 $0x1;
	p0 =	por $0x0, $0x0  }
0x880: {  	[smem:$0x7F7] =	sst s4;
	s4 =	simm.s32 @!p0 $0x0  }
0x881: {  	s4 =	simm.s32 @p0 $0x1;
	p0 =	por $0x0, $0x0  }
0x882: {  	[smem:$0x7F8] =	sst s4;
	s4 =	simm.s32 @!p0 $0x0  }
0x883: {  	s4 =	simm.s32 @p0 $0x1;
	p0 =	por $0x0, $0x0  }
0x884: {  	[smem:$0x7F9] =	sst s4;
	s4 =	simm.s32 @!p0 $0x0  }
0x885: {  	s4 =	simm.s32 @p0 $0x1;
	p0 =	por $0x0, $0x0  }
.Ltmp103:
0x886: {  	[smem:$0x7FA] =	sst s4;
	s4 =	simm.s32 @!p0 $0x0;
	(pc) =	sbr.rel .LBB3_84-.Ltmp103, $4  }
0x887: {  	s4 =	simm.s32 @p0 $0x1;
	p0 =	por $0x0, $0x0  }
0x888: {  	p1 =	por $0x0, $0x0;
	[smem:$0x7FB] =	sst s4;
	s4 =	simm.s32 @!p0 $0x0  }
0x889: {  	p2 =	por $0x0, $0x0;
	p3 =	por $0x0, $0x0;
	s4 =	simm.s32 @p0 $0x1  }
0x88a: {  	p4 =	por $0x0, $0x0;
	p5 =	por $0x0, $0x0;
	[smem:$0x7FC] =	sst s4  }
.LBB3_46:
0x88b: {  	p0 =	por $0x0, $0x0  }
0x88c: {  	s4 =	simm.s32 @!p0 $0x0  }
0x88d: {  	s4 =	simm.s32 @p0 $0x1;
	p0 =	por $0x0, $0x0  }
0x88e: {  	[smem:$0x7F0] =	sst s4;
	s4 =	simm.s32 @!p0 $0x0  }
0x88f: {  	s4 =	simm.s32 @p0 $0x1;
	p0 =	por $0x0, $0x0  }
0x890: {  	[smem:$0x7F1] =	sst s4;
	s4 =	simm.s32 @!p0 $0x0  }
0x891: {  	s4 =	simm.s32 @p0 $0x1;
	p0 =	por $0x0, $0x0  }
0x892: {  	[smem:$0x7F2] =	sst s4;
	s4 =	simm.s32 @!p0 $0x0  }
0x893: {  	s4 =	simm.s32 @p0 $0x1;
	p0 =	por $0x0, $0x0  }
0x894: {  	[smem:$0x7F3] =	sst s4;
	s4 =	simm.s32 @!p0 $0x0  }
0x895: {  	s4 =	simm.s32 @p0 $0x1;
	p0 =	por $0x0, $0x0  }
0x896: {  	[smem:$0x7F4] =	sst s4;
	s4 =	simm.s32 @!p0 $0x0  }
0x897: {  	s4 =	simm.s32 @p0 $0x1;
	p0 =	por $0x0, $0x0  }
0x898: {  	[smem:$0x7F5] =	sst s4;
	s4 =	simm.s32 @!p0 $0x0  }
0x899: {  	s4 =	simm.s32 @p0 $0x1;
	p0 =	por $0x0, $0x0  }
0x89a: {  	[smem:$0x7F6] =	sst s4;
	s4 =	simm.s32 @!p0 $0x0  }
0x89b: {  	s4 =	simm.s32 @p0 $0x1;
	p0 =	por $0x0, $0x0  }
0x89c: {  	[smem:$0x7F7] =	sst s4;
	s4 =	simm.s32 @!p0 $0x0  }
0x89d: {  	s4 =	simm.s32 @p0 $0x1;
	p0 =	por $0x0, $0x0  }
0x89e: {  	[smem:$0x7F8] =	sst s4;
	s4 =	simm.s32 @!p0 $0x0  }
0x89f: {  	s4 =	simm.s32 @p0 $0x1;
	p0 =	por $0x0, $0x0  }
0x8a0: {  	[smem:$0x7F9] =	sst s4;
	s4 =	simm.s32 @!p0 $0x0  }
0x8a1: {  	s4 =	simm.s32 @p0 $0x1;
	p0 =	por $0x0, $0x0  }
.Ltmp104:
0x8a2: {  	[smem:$0x7FA] =	sst s4;
	s4 =	simm.s32 @!p0 $0x0;
	(pc) =	sbr.rel .LBB3_84-.Ltmp104, $4  }
0x8a3: {  	s4 =	simm.s32 @p0 $0x1;
	p0 =	por $0x0, $0x0  }
0x8a4: {  	p1 =	por $0x0, $0x0;
	[smem:$0x7FB] =	sst s4;
	s4 =	simm.s32 @!p0 $0x0  }
0x8a5: {  	p2 =	por $0x0, $0x0;
	p3 =	por $0x0, $0x0;
	s4 =	simm.s32 @p0 $0x1  }
0x8a6: {  	p4 =	por $0x0, $0x0;
	p5 =	por $0x0, $0x0;
	[smem:$0x7FC] =	sst s4  }
.LBB3_63:
0x8a7: {  	p0 =	por $0x0, $0x0  }
0x8a8: {  	s4 =	simm.s32 @!p0 $0x0  }
0x8a9: {  	s4 =	simm.s32 @p0 $0x1;
	p0 =	por $0x0, $0x0  }
0x8aa: {  	[smem:$0x7F0] =	sst s4;
	s4 =	simm.s32 @!p0 $0x0  }
0x8ab: {  	s4 =	simm.s32 @p0 $0x1;
	p0 =	por $0x0, $0x0  }
0x8ac: {  	[smem:$0x7F1] =	sst s4;
	s4 =	simm.s32 @!p0 $0x0  }
0x8ad: {  	s4 =	simm.s32 @p0 $0x1;
	p0 =	por $0x0, $0x0  }
0x8ae: {  	[smem:$0x7F2] =	sst s4;
	s4 =	simm.s32 @!p0 $0x0  }
0x8af: {  	s4 =	simm.s32 @p0 $0x1;
	p0 =	por $0x0, $0x0  }
0x8b0: {  	[smem:$0x7F3] =	sst s4;
	s4 =	simm.s32 @!p0 $0x0  }
0x8b1: {  	s4 =	simm.s32 @p0 $0x1;
	p0 =	por $0x0, $0x0  }
0x8b2: {  	[smem:$0x7F4] =	sst s4;
	s4 =	simm.s32 @!p0 $0x0  }
0x8b3: {  	s4 =	simm.s32 @p0 $0x1;
	p0 =	por $0x0, $0x0  }
0x8b4: {  	[smem:$0x7F5] =	sst s4;
	s4 =	simm.s32 @!p0 $0x0  }
0x8b5: {  	s4 =	simm.s32 @p0 $0x1;
	p0 =	por $0x0, $0x0  }
0x8b6: {  	[smem:$0x7F6] =	sst s4;
	s4 =	simm.s32 @!p0 $0x0  }
0x8b7: {  	s4 =	simm.s32 @p0 $0x1;
	p0 =	por $0x0, $0x0  }
0x8b8: {  	[smem:$0x7F7] =	sst s4;
	s4 =	simm.s32 @!p0 $0x0  }
0x8b9: {  	s4 =	simm.s32 @p0 $0x1;
	p0 =	por $0x0, $0x0  }
0x8ba: {  	[smem:$0x7F8] =	sst s4;
	s4 =	simm.s32 @!p0 $0x0  }
0x8bb: {  	s4 =	simm.s32 @p0 $0x1;
	p0 =	por $0x0, $0x0  }
0x8bc: {  	[smem:$0x7F9] =	sst s4;
	s4 =	simm.s32 @!p0 $0x0  }
0x8bd: {  	s4 =	simm.s32 @p0 $0x1;
	p0 =	por $0x0, $0x0  }
.Ltmp105:
0x8be: {  	[smem:$0x7FA] =	sst s4;
	s4 =	simm.s32 @!p0 $0x0;
	(pc) =	sbr.rel .LBB3_84-.Ltmp105, $4  }
0x8bf: {  	s4 =	simm.s32 @p0 $0x1;
	p0 =	por $0x0, $0x0  }
0x8c0: {  	p1 =	por $0x0, $0x0;
	[smem:$0x7FB] =	sst s4;
	s4 =	simm.s32 @!p0 $0x0  }
0x8c1: {  	p2 =	por $0x0, $0x0;
	p3 =	por $0x0, $0x0;
	s4 =	simm.s32 @p0 $0x1  }
0x8c2: {  	p4 =	por $0x0, $0x0;
	p5 =	por $0x0, $0x0;
	[smem:$0x7FC] =	sst s4  }
.LBB3_42:
0x8c3: {  	p0 =	por $0x0, $0x0  }
0x8c4: {  	s4 =	simm.s32 @!p0 $0x0  }
0x8c5: {  	s4 =	simm.s32 @p0 $0x1;
	p0 =	por $0x0, $0x0  }
0x8c6: {  	[smem:$0x7F0] =	sst s4;
	s4 =	simm.s32 @!p0 $0x0  }
0x8c7: {  	s4 =	simm.s32 @p0 $0x1;
	p0 =	por $0x0, $0x0  }
0x8c8: {  	[smem:$0x7F1] =	sst s4;
	s4 =	simm.s32 @!p0 $0x0  }
0x8c9: {  	s4 =	simm.s32 @p0 $0x1;
	p0 =	por $0x0, $0x0  }
0x8ca: {  	[smem:$0x7F2] =	sst s4;
	s4 =	simm.s32 @!p0 $0x0  }
0x8cb: {  	s4 =	simm.s32 @p0 $0x1;
	p0 =	por $0x0, $0x0  }
0x8cc: {  	[smem:$0x7F3] =	sst s4;
	s4 =	simm.s32 @!p0 $0x0  }
0x8cd: {  	s4 =	simm.s32 @p0 $0x1;
	p0 =	por $0x0, $0x0  }
0x8ce: {  	[smem:$0x7F4] =	sst s4;
	s4 =	simm.s32 @!p0 $0x0  }
0x8cf: {  	s4 =	simm.s32 @p0 $0x1;
	p0 =	por $0x0, $0x0  }
0x8d0: {  	[smem:$0x7F5] =	sst s4;
	s4 =	simm.s32 @!p0 $0x0  }
0x8d1: {  	s4 =	simm.s32 @p0 $0x1;
	p0 =	por $0x0, $0x0  }
0x8d2: {  	[smem:$0x7F6] =	sst s4;
	s4 =	simm.s32 @!p0 $0x0  }
0x8d3: {  	s4 =	simm.s32 @p0 $0x1;
	p0 =	por $0x0, $0x0  }
0x8d4: {  	[smem:$0x7F7] =	sst s4;
	s4 =	simm.s32 @!p0 $0x0  }
0x8d5: {  	s4 =	simm.s32 @p0 $0x1;
	p0 =	por $0x0, $0x0  }
0x8d6: {  	[smem:$0x7F8] =	sst s4;
	s4 =	simm.s32 @!p0 $0x0  }
0x8d7: {  	s4 =	simm.s32 @p0 $0x1;
	p0 =	por $0x0, $0x0  }
0x8d8: {  	[smem:$0x7F9] =	sst s4;
	s4 =	simm.s32 @!p0 $0x0  }
0x8d9: {  	s4 =	simm.s32 @p0 $0x1;
	p0 =	por $0x0, $0x0  }
.Ltmp106:
0x8da: {  	[smem:$0x7FA] =	sst s4;
	s4 =	simm.s32 @!p0 $0x0;
	(pc) =	sbr.rel .LBB3_84-.Ltmp106, $4  }
0x8db: {  	s4 =	simm.s32 @p0 $0x1;
	p0 =	por $0x0, $0x0  }
0x8dc: {  	p1 =	por $0x0, $0x0;
	[smem:$0x7FB] =	sst s4;
	s4 =	simm.s32 @!p0 $0x0  }
0x8dd: {  	p2 =	por $0x0, $0x0;
	p3 =	por $0x0, $0x0;
	s4 =	simm.s32 @p0 $0x1  }
0x8de: {  	p4 =	por $0x0, $0x0;
	p5 =	por $0x0, $0x0;
	[smem:$0x7FC] =	sst s4  }
.LBB3_51:
0x8df: {  	p0 =	por $0x0, $0x0  }
0x8e0: {  	s4 =	simm.s32 @!p0 $0x0  }
0x8e1: {  	s4 =	simm.s32 @p0 $0x1;
	p0 =	por $0x0, $0x0  }
0x8e2: {  	[smem:$0x7F0] =	sst s4;
	s4 =	simm.s32 @!p0 $0x0  }
0x8e3: {  	s4 =	simm.s32 @p0 $0x1;
	p0 =	por $0x0, $0x0  }
0x8e4: {  	[smem:$0x7F1] =	sst s4;
	s4 =	simm.s32 @!p0 $0x0  }
0x8e5: {  	s4 =	simm.s32 @p0 $0x1;
	p0 =	por $0x0, $0x0  }
0x8e6: {  	[smem:$0x7F2] =	sst s4;
	s4 =	simm.s32 @!p0 $0x0  }
0x8e7: {  	s4 =	simm.s32 @p0 $0x1;
	p0 =	por $0x0, $0x0  }
0x8e8: {  	[smem:$0x7F3] =	sst s4;
	s4 =	simm.s32 @!p0 $0x0  }
0x8e9: {  	s4 =	simm.s32 @p0 $0x1;
	p0 =	por $0x0, $0x0  }
0x8ea: {  	[smem:$0x7F4] =	sst s4;
	s4 =	simm.s32 @!p0 $0x0  }
0x8eb: {  	s4 =	simm.s32 @p0 $0x1;
	p0 =	por $0x0, $0x0  }
0x8ec: {  	[smem:$0x7F5] =	sst s4;
	s4 =	simm.s32 @!p0 $0x0  }
0x8ed: {  	s4 =	simm.s32 @p0 $0x1;
	p0 =	por $0x0, $0x0  }
0x8ee: {  	[smem:$0x7F6] =	sst s4;
	s4 =	simm.s32 @!p0 $0x0  }
0x8ef: {  	s4 =	simm.s32 @p0 $0x1;
	p0 =	por $0x0, $0x0  }
0x8f0: {  	[smem:$0x7F7] =	sst s4;
	s4 =	simm.s32 @!p0 $0x0  }
0x8f1: {  	s4 =	simm.s32 @p0 $0x1;
	p0 =	por $0x0, $0x0  }
0x8f2: {  	[smem:$0x7F8] =	sst s4;
	s4 =	simm.s32 @!p0 $0x0  }
0x8f3: {  	s4 =	simm.s32 @p0 $0x1;
	p0 =	por $0x0, $0x0  }
0x8f4: {  	[smem:$0x7F9] =	sst s4;
	s4 =	simm.s32 @!p0 $0x0  }
0x8f5: {  	s4 =	simm.s32 @p0 $0x1;
	p0 =	por $0x0, $0x0  }
.Ltmp107:
0x8f6: {  	[smem:$0x7FA] =	sst s4;
	s4 =	simm.s32 @!p0 $0x0;
	(pc) =	sbr.rel .LBB3_84-.Ltmp107, $4  }
0x8f7: {  	s4 =	simm.s32 @p0 $0x1;
	p0 =	por $0x0, $0x0  }
0x8f8: {  	p1 =	por $0x0, $0x0;
	[smem:$0x7FB] =	sst s4;
	s4 =	simm.s32 @!p0 $0x0  }
0x8f9: {  	p2 =	por $0x0, $0x0;
	p3 =	por $0x0, $0x0;
	s4 =	simm.s32 @p0 $0x1  }
0x8fa: {  	p4 =	por $0x0, $0x0;
	p5 =	por $0x0, $0x0;
	[smem:$0x7FC] =	sst s4  }
.LBB3_59:
0x8fb: {  	p0 =	por $0x0, $0x0  }
0x8fc: {  	s4 =	simm.s32 @!p0 $0x0  }
0x8fd: {  	s4 =	simm.s32 @p0 $0x1;
	p0 =	por $0x0, $0x0  }
0x8fe: {  	[smem:$0x7F0] =	sst s4;
	s4 =	simm.s32 @!p0 $0x0  }
0x8ff: {  	s4 =	simm.s32 @p0 $0x1;
	p0 =	por $0x0, $0x0  }
0x900: {  	[smem:$0x7F1] =	sst s4;
	s4 =	simm.s32 @!p0 $0x0  }
0x901: {  	s4 =	simm.s32 @p0 $0x1;
	p0 =	por $0x0, $0x0  }
0x902: {  	[smem:$0x7F2] =	sst s4;
	s4 =	simm.s32 @!p0 $0x0  }
0x903: {  	s4 =	simm.s32 @p0 $0x1;
	p0 =	por $0x0, $0x0  }
0x904: {  	[smem:$0x7F3] =	sst s4;
	s4 =	simm.s32 @!p0 $0x0  }
0x905: {  	s4 =	simm.s32 @p0 $0x1;
	p0 =	por $0x0, $0x0  }
0x906: {  	[smem:$0x7F4] =	sst s4;
	s4 =	simm.s32 @!p0 $0x0  }
0x907: {  	s4 =	simm.s32 @p0 $0x1;
	p0 =	por $0x0, $0x0  }
0x908: {  	[smem:$0x7F5] =	sst s4;
	s4 =	simm.s32 @!p0 $0x0  }
0x909: {  	s4 =	simm.s32 @p0 $0x1;
	p0 =	por $0x0, $0x0  }
0x90a: {  	[smem:$0x7F6] =	sst s4;
	s4 =	simm.s32 @!p0 $0x0  }
0x90b: {  	s4 =	simm.s32 @p0 $0x1;
	p0 =	por $0x0, $0x0  }
0x90c: {  	[smem:$0x7F7] =	sst s4;
	s4 =	simm.s32 @!p0 $0x0  }
0x90d: {  	s4 =	simm.s32 @p0 $0x1;
	p0 =	por $0x0, $0x0  }
0x90e: {  	[smem:$0x7F8] =	sst s4;
	s4 =	simm.s32 @!p0 $0x0  }
0x90f: {  	s4 =	simm.s32 @p0 $0x1;
	p0 =	por $0x0, $0x0  }
0x910: {  	[smem:$0x7F9] =	sst s4;
	s4 =	simm.s32 @!p0 $0x0  }
0x911: {  	s4 =	simm.s32 @p0 $0x1;
	p0 =	por $0x0, $0x0  }
.Ltmp108:
0x912: {  	[smem:$0x7FA] =	sst s4;
	s4 =	simm.s32 @!p0 $0x0;
	(pc) =	sbr.rel .LBB3_84-.Ltmp108, $4  }
0x913: {  	s4 =	simm.s32 @p0 $0x1;
	p0 =	por $0x0, $0x0  }
0x914: {  	p1 =	por $0x0, $0x0;
	[smem:$0x7FB] =	sst s4;
	s4 =	simm.s32 @!p0 $0x0  }
0x915: {  	p2 =	por $0x0, $0x0;
	p3 =	por $0x0, $0x0;
	s4 =	simm.s32 @p0 $0x1  }
0x916: {  	p4 =	por $0x0, $0x0;
	p5 =	por $0x0, $0x0;
	[smem:$0x7FC] =	sst s4  }
.LBB3_112:
.Ltmp109:
0x917: {  	(pc) =	sbr.rel .LBB3_115-.Ltmp109, $2  }
0x918: {  	_ =	sdelay $0x2  }
0x919: {  	_ = 	snop  }
.LBB3_124:
0x91a: {  	_ =	sfence.sel $0x180000  }
0x91b: {  	[bflag:$0x0] =	sbarrier.arrive $0xFFFF  }
0x91c: {  	_ =	strace $0x90000047  }
0x91d: {  	s0 =	stileid.u32;
	[bflag:$0x2] =	sbarrier.arrive $0xFFFF  }
0x91e: {  	p0 =	sne.s32 s0, $0x0;
	s0 =	rddreg [dreg:$0x15]  }
0x91f: {  	s0 =	sadd.s32 @!p0 $0x100000, s0  }
0x920: {  	[sflag:s0] =	ssyncadd.tile.s32 @!p0 $0x1;
	_ =	shalt  }
.Lfunc_end3:
_tile_overlayer_lowered:
.L_overlay_start_3:
0x921: {  	(tag) =	ssettag $0x3  }
0x922: {  	s0 =	rddreg [dreg:$0x0];
	s2 =	stileid.u32  }
0x923: {  	s1 =	rddreg [dreg:$0x1];
	p0 =	sne.s32 s2, $0x0  }
0x924: {  	s3 =	rddreg [dreg:$0x2];
	[bflag:$0x3] =	sbarrier.arrive $0xFFFF;
	s2 =	simm.s32 @!p0 $0x1C05  }
0x925: {  	[timem:s3], [sflag:s2] =	dma.local @!p0 [hbm:s0], s1  }
0x926: {  	s0 =	simm.s32 @!p0 $0x5  }
0x927: {  	_ =	swait.ge @!p0 [sflag:s0], s1  }
0x928: {  	s1 =	ssub.s32 @!p0 $0x0, s1;
	[sflag:s0] =	ssyncset.done @!p0 $0x0  }
0x929: {  	[sflag:s0] =	ssyncadd.s32 @!p0 s1  }
0x92a: {  	[bflag:$0x3] =	sbarrier.arrive $0xFFFF  }
0x92b: {  	_ =	shalt  }

</sc_bundles>
